<compile_context>
chip_gen: v7x
topology: tpu7x:2x2x1
jax: 0.10.2.dev20260603
libtpu: 0.0.44.dev20260713+nightly
codegen_flags: <defaults>
</compile_context>

<pallas_src>
import jax
import jax.numpy as jnp
from jax import lax
from jax.experimental import pallas as pl
from jax.experimental.pallas import tpu as pltpu
from jax.experimental.pallas import tpu_sc as plsc

_F = 26
_V = 100000
_D = 64
_B = 4096
_L = 16

_UNROLL = 8

_NC = 2
_NS = 16
_NW = _NC * _NS
_DPW = _D // _NW

_CHUNKS = ((0, 25088), (25088, 24960), (50048, 24960), (75008, 24960))
_CMAX = 25088
_VMAIN = 99968
_TAIL = _V - _VMAIN


def _sc_body(xt_hbm, tt_hbm, tail_hbm, out_hbm, xbufs, bufa, bufb, tailbuf,
             acc, sema, semb, semt, semx):
    cid = lax.axis_index("c")
    sid = lax.axis_index("s")
    wid = sid * _NC + cid
    d0 = wid * _DPW

    pltpu.async_copy(xt_hbm.at[0], xbufs.at[0], semx)

    zero = jnp.zeros((_L,), jnp.float32)

    def zacc(j, carry):
        p = pl.multiple_of(j * _L, _L)
        acc[0, pl.ds(p, _L)] = zero
        acc[1, pl.ds(p, _L)] = zero
        return carry

    lax.fori_loop(0, _B // _L, zacc, 0)

    bufs = (bufa, bufb, bufa, bufb)
    sems = (sema, semb, sema, semb)
    dvecs = tuple(jnp.full((_L,), dd, jnp.int32) for dd in range(_DPW))

    def issue(f, k):
        c0, csz = _CHUNKS[k]
        row0 = f * _D + d0
        pltpu.async_copy(
            tt_hbm.at[pl.ds(row0, _DPW), pl.ds(c0, csz)],
            bufs[k].at[:, pl.ds(0, csz)], sems[k])
        if k == len(_CHUNKS) - 1:
            pltpu.async_copy(tail_hbm.at[pl.ds(row0, _DPW)], tailbuf, semt)

    issue(0, 0)
    issue(0, 1)

    def field_pair(jf, carry):
        for f2 in range(2):
            f = jf * 2 + f2
            pltpu.make_async_copy(xt_hbm.at[f], xbufs.at[f2], semx).wait()
            if f2 == 0:
                pltpu.async_copy(xt_hbm.at[f + 1], xbufs.at[1], semx)
            else:
                @pl.when(jf < _F // 2 - 1)
                def _():
                    pltpu.async_copy(xt_hbm.at[f + 1], xbufs.at[0], semx)

            row0 = f * _D + d0
            for k, (c0, csz) in enumerate(_CHUNKS):
                buf = bufs[k]
                last = k == len(_CHUNKS) - 1
                pltpu.make_async_copy(
                    tt_hbm.at[pl.ds(row0, _DPW), pl.ds(c0, csz)],
                    buf.at[:, pl.ds(0, csz)], sems[k]).wait()
                span = csz
                if last:
                    pltpu.make_async_copy(
                        tail_hbm.at[pl.ds(row0, _DPW)], tailbuf, semt).wait()
                    for dd in range(_DPW):
                        buf[dd, pl.ds(csz, _L)] = tailbuf[dd, pl.ds(0, _L)]
                        buf[dd, pl.ds(csz + _L, _L)] = (
                            tailbuf[dd, pl.ds(_L, _L)])
                    span = csz + _TAIL

                def bgroup(j, carry2, buf=buf, c0=c0, span=span, f2=f2):
                    base = pl.multiple_of(j * (_L * _UNROLL), _L)
                    for u in range(_UNROLL):
                        p = base + u * _L
                        if c0:
                            idx = xbufs[f2, pl.ds(p, _L)] - c0
                            m = plsc.bitcast(idx, jnp.uint32) < jnp.uint32(
                                span)
                        else:
                            idx = xbufs[f2, pl.ds(p, _L)]
                            m = idx < span
                        for dd in range(_DPW):
                            vals = plsc.load_gather(
                                buf, [dvecs[dd], idx], mask=m)
                            vals = jnp.where(m, vals, 0.0)
                            plsc.addupdate(acc.at[dd, pl.ds(p, _L)], vals)
                    return carry2

                lax.fori_loop(0, _B // (_L * _UNROLL), bgroup, 0)

                if k + 2 < len(_CHUNKS):
                    issue(f, k + 2)
                else:
                    @pl.when(f < _F - 1)
                    def _():
                        issue(f + 1, k + 2 - len(_CHUNKS))
        return carry

    lax.fori_loop(0, _F // 2, field_pair, 0)

    for dd in range(_DPW):
        pltpu.sync_copy(acc.at[dd], out_hbm.at[d0 + dd])


def kernel(x, tables):
    xt = x.T.astype(jnp.int32)
    tt = tables.transpose(0, 2, 1).reshape(_F * _D, _V)
    tail = tables[:, _VMAIN:, :].transpose(0, 2, 1).reshape(_F * _D, _TAIL)
    mesh = plsc.VectorSubcoreMesh(core_axis_name="c", subcore_axis_name="s")
    run = pl.kernel(
        _sc_body,
        mesh=mesh,
        compiler_params=pltpu.CompilerParams(needs_layout_passes=False),
        out_type=jax.ShapeDtypeStruct((_D, _B), jnp.float32),
        scratch_types=[
            pltpu.VMEM((2, _B), jnp.int32),
            pltpu.VMEM((_DPW, _CMAX + _TAIL), jnp.float32),
            pltpu.VMEM((_DPW, _CMAX + _TAIL), jnp.float32),
            pltpu.VMEM((_DPW, _TAIL), jnp.float32),
            pltpu.VMEM((_DPW, _B), jnp.float32),
            pltpu.SemaphoreType.DMA,
            pltpu.SemaphoreType.DMA,
            pltpu.SemaphoreType.DMA,
            pltpu.SemaphoreType.DMA,
        ],
    )
    out = run(xt, tt, tail)
    return out.T

# --- scband reference (transcript-rebuilt; emitter-appended) ---
"""Pipeline reference for scband-embedding-layer-4398046511914 (READ-ONLY COPY).

The authoritative reference and input builder live on the scoring server;
editing this copy changes nothing except your own understanding.
"""

import jax, jax.numpy as jnp
import numpy as np

NUM_FIELDS = 26
VOCAB = 100000
EMB_DIM = 64
BATCH = 4096


def setup_inputs(seed: int = 0) -> dict:
    key = jax.random.key(seed)
    k1, k2 = jax.random.split(key)
    # Indices per field, in-range [0, VOCAB)
    x = jax.random.randint(k1, (BATCH, NUM_FIELDS), 0, VOCAB)
    # 26 embedding tables, all (VOCAB, EMB_DIM); stacked along axis 0.
    # Each slice tables[i] corresponds to nn.Embedding weight of field i.
    tables = jax.random.normal(k2, (NUM_FIELDS, VOCAB, EMB_DIM), dtype=jnp.float32) * 0.01
    return {"x": x, "tables": tables}


def reference(x, tables):
    # Faithful translation of EmbeddingLayer.forward with mode='sum':
    #   x_i = embeddings[i](x[..., i])  -> gather from table i with column-i indices
    #   stacked = stack(x_i, dim=0); out = sum over stacked dim
    field_ids = jnp.arange(NUM_FIELDS)[None, :]            # [1, F]
    gathered = tables[field_ids, x]                        # [B, F, D] per-field gather
    out = jnp.sum(gathered, axis=1)                        # sum over the F stacked embeddings
    return out

if __name__ == "__main__":
    import jax
    _d = setup_inputs()
    print(jax.jit(kernel)(*tuple(_d.values())))

</pallas_src>

<mosaic_0001>
#map = affine_map<(d0, d1) -> (0, 0)>
module attributes {stable_mosaic.version = 14 : i64} {
  func.func @_sc_body(%arg0: i32, %arg1: i32, %arg2: memref<26x4096xi32, #tpu.memory_space<hbm>>, %arg3: memref<1664x100000xf32, #tpu.memory_space<hbm>>, %arg4: memref<1664x32xf32, #tpu.memory_space<hbm>>, %arg5: memref<64x4096xf32, #tpu.memory_space<hbm>>, %arg6: memref<2x4096xi32, #tpu.memory_space<vmem>>, %arg7: memref<2x25120xf32, #tpu.memory_space<vmem>>, %arg8: memref<2x25120xf32, #tpu.memory_space<vmem>>, %arg9: memref<2x32xf32, #tpu.memory_space<vmem>>, %arg10: memref<2x4096xf32, #tpu.memory_space<vmem>>, %arg11: memref<!tpu.dma_semaphore, #tpu.memory_space<semaphore_mem>>, %arg12: memref<!tpu.dma_semaphore, #tpu.memory_space<semaphore_mem>>, %arg13: memref<!tpu.dma_semaphore, #tpu.memory_space<semaphore_mem>>, %arg14: memref<!tpu.dma_semaphore, #tpu.memory_space<semaphore_mem>>) attributes {dimension_semantics = [#tpu.dimension_semantics<core_parallel>, #tpu.dimension_semantics<subcore_parallel>], iteration_bounds = array<i64: 2, 16>, scalar_prefetch = 0 : i64, scratch_operands = 9 : i64, tpu.core_type = #tpu.core_type<sc_vector_subcore>, window_params = [{transform_indices = #map}, {transform_indices = #map}, {transform_indices = #map}, {transform_indices = #map}]} {
    %mul3A = arith.constant 2 : i32
    %mul3A_0 = arith.muli %arg1, %mul3A : i32
    %add3A = arith.addi %mul3A_0, %arg0 : i32
    %mul3A_1 = arith.constant 2 : i32
    %mul3A_2 = arith.muli %add3A, %mul3A_1 : i32
    %dma_start3A = arith.constant 0 : i32
    %dma_start3A_3 = arith.constant 0 : i32
    %dma_start3A_4 = arith.constant 0 : i32
    %dma_start3A_5 = tpu.memref_slice %arg6[%dma_start3A_3, %dma_start3A_4] : memref<2x4096xi32, #tpu.memory_space<vmem>> -> memref<1x4096xi32, #tpu.memory_space<vmem>>
    %dma_start3A_6 = tpu.memref_squeeze %dma_start3A_5 : memref<1x4096xi32, #tpu.memory_space<vmem>> -> memref<4096xi32, #tpu.memory_space<vmem>>
    %dma_start3A_7 = arith.constant 0 : i32
    %dma_start3A_8 = tpu.memref_slice %arg2[%dma_start3A, %dma_start3A_7] : memref<26x4096xi32, #tpu.memory_space<hbm>> -> memref<1x4096xi32, #tpu.memory_space<hbm>>
    %dma_start3A_9 = tpu.memref_squeeze %dma_start3A_8 : memref<1x4096xi32, #tpu.memory_space<hbm>> -> memref<4096xi32, #tpu.memory_space<hbm>>
    %dma_start3A_10 = arith.constant 0 : i32
    %dma_start3A_11 = tpu.memref_slice %arg6[%dma_start3A_3, %dma_start3A_10] : memref<2x4096xi32, #tpu.memory_space<vmem>> -> memref<1x4096xi32, #tpu.memory_space<vmem>>
    %dma_start3A_12 = tpu.memref_squeeze %dma_start3A_11 : memref<1x4096xi32, #tpu.memory_space<vmem>> -> memref<4096xi32, #tpu.memory_space<vmem>>
    %dma_start3A_13 = arith.constant 0 : i32
    %dma_start3A_14 = tpu.memref_slice %arg2[%dma_start3A, %dma_start3A_13] : memref<26x4096xi32, #tpu.memory_space<hbm>> -> memref<1x4096xi32, #tpu.memory_space<hbm>>
    %dma_start3A_15 = tpu.memref_squeeze %dma_start3A_14 : memref<1x4096xi32, #tpu.memory_space<hbm>> -> memref<4096xi32, #tpu.memory_space<hbm>>
    tpu.enqueue_dma source(%dma_start3A_15 : memref<4096xi32, #tpu.memory_space<hbm>>) target(%dma_start3A_12 : memref<4096xi32, #tpu.memory_space<vmem>>) target_semaphore(%arg14 : memref<!tpu.dma_semaphore, #tpu.memory_space<semaphore_mem>>)
    %broadcast_in_dim3A = arith.constant 0.000000e+00 : f32
    %broadcast_in_dim3A_16 = vector.broadcast %broadcast_in_dim3A : f32 to vector<16xf32>
    %scan3A = arith.constant 0 : i32
    %scan3A_17 = arith.constant 0 : i32
    %scan3A_18 = arith.constant 256 : i32
    %scan3A_19 = arith.addi %scan3A_17, %scan3A_18 : i32
    %scan3A_20 = arith.constant 1 : i32
    scf.for %scan3A_61 = %scan3A_17 to %scan3A_19 step %scan3A_20  : i32 {
      %mul3A_62 = arith.constant 16 : i32
      %mul3A_63 = arith.muli %scan3A_61, %mul3A_62 : i32
      %multiple_of3A = tpu.assume_multiple %mul3A_63, 16 : i32
      %swap3A = arith.constant 0 : i32
      %swap3A_64 = arith.index_cast %swap3A : i32 to index
      %swap3A_65 = arith.index_cast %multiple_of3A : i32 to index
      %swap3A_66 = tpu.vector_load %arg10[%swap3A_64, %swap3A_65] {strides = array<i32>} : memref<2x4096xf32, #tpu.memory_space<vmem>>, vector<16xf32>,
      tpu.vector_store %arg10[%swap3A_64, %swap3A_65], %broadcast_in_dim3A_16 {strides = array<i32>} : memref<2x4096xf32, #tpu.memory_space<vmem>>, vector<16xf32>,
      %swap3A_67 = arith.constant 1 : i32
      %swap3A_68 = arith.index_cast %swap3A_67 : i32 to index
      %swap3A_69 = arith.index_cast %multiple_of3A : i32 to index
      %swap3A_70 = tpu.vector_load %arg10[%swap3A_68, %swap3A_69] {strides = array<i32>} : memref<2x4096xf32, #tpu.memory_space<vmem>>, vector<16xf32>,
      tpu.vector_store %arg10[%swap3A_68, %swap3A_69], %broadcast_in_dim3A_16 {strides = array<i32>} : memref<2x4096xf32, #tpu.memory_space<vmem>>, vector<16xf32>,
    }
    %scan3A_21 = arith.constant 256 : i32
    %broadcast_in_dim3A_22 = arith.constant 0 : i32
    %broadcast_in_dim3A_23 = vector.broadcast %broadcast_in_dim3A_22 : i32 to vector<16xi32>
    %broadcast_in_dim3A_24 = arith.constant 1 : i32
    %broadcast_in_dim3A_25 = vector.broadcast %broadcast_in_dim3A_24 : i32 to vector<16xi32>
    %add3A_26 = arith.constant 0 : i32
    %add3A_27 = arith.addi %add3A_26, %mul3A_2 : i32
    %dma_start3A_28 = arith.constant 0 : i32
    %dma_start3A_29 = arith.constant 0 : i32
    %dma_start3A_30 = tpu.memref_slice %arg7[%dma_start3A_28, %dma_start3A_29] : memref<2x25120xf32, #tpu.memory_space<vmem>> -> memref<2x25088xf32, #tpu.memory_space<vmem>>
    %dma_start3A_31 = arith.constant 0 : i32
    %dma_start3A_32 = tpu.memref_slice %arg3[%add3A_27, %dma_start3A_31] : memref<1664x100000xf32, #tpu.memory_space<hbm>> -> memref<2x25088xf32, #tpu.memory_space<hbm>>
    %dma_start3A_33 = arith.constant 0 : i32
    %dma_start3A_34 = arith.constant 0 : i32
    %dma_start3A_35 = tpu.memref_slice %arg7[%dma_start3A_33, %dma_start3A_34] : memref<2x25120xf32, #tpu.memory_space<vmem>> -> memref<2x25088xf32, #tpu.memory_space<vmem>>
    %dma_start3A_36 = arith.constant 0 : i32
    %dma_start3A_37 = tpu.memref_slice %arg3[%add3A_27, %dma_start3A_36] : memref<1664x100000xf32, #tpu.memory_space<hbm>> -> memref<2x25088xf32, #tpu.memory_space<hbm>>
    tpu.enqueue_dma source(%dma_start3A_37 : memref<2x25088xf32, #tpu.memory_space<hbm>>) target(%dma_start3A_35 : memref<2x25088xf32, #tpu.memory_space<vmem>>) target_semaphore(%arg11 : memref<!tpu.dma_semaphore, #tpu.memory_space<semaphore_mem>>)
    %add3A_38 = arith.constant 0 : i32
    %add3A_39 = arith.addi %add3A_38, %mul3A_2 : i32
    %dma_start3A_40 = arith.constant 0 : i32
    %dma_start3A_41 = arith.constant 0 : i32
    %dma_start3A_42 = tpu.memref_slice %arg8[%dma_start3A_40, %dma_start3A_41] : memref<2x25120xf32, #tpu.memory_space<vmem>> -> memref<2x24960xf32, #tpu.memory_space<vmem>>
    %dma_start3A_43 = arith.constant 25088 : i32
    %dma_start3A_44 = tpu.memref_slice %arg3[%add3A_39, %dma_start3A_43] : memref<1664x100000xf32, #tpu.memory_space<hbm>> -> memref<2x24960xf32, #tpu.memory_space<hbm>>
    %dma_start3A_45 = arith.constant 0 : i32
    %dma_start3A_46 = arith.constant 0 : i32
    %dma_start3A_47 = tpu.memref_slice %arg8[%dma_start3A_45, %dma_start3A_46] : memref<2x25120xf32, #tpu.memory_space<vmem>> -> memref<2x24960xf32, #tpu.memory_space<vmem>>
    %dma_start3A_48 = arith.constant 25088 : i32
    %dma_start3A_49 = tpu.memref_slice %arg3[%add3A_39, %dma_start3A_48] : memref<1664x100000xf32, #tpu.memory_space<hbm>> -> memref<2x24960xf32, #tpu.memory_space<hbm>>
    tpu.enqueue_dma source(%dma_start3A_49 : memref<2x24960xf32, #tpu.memory_space<hbm>>) target(%dma_start3A_47 : memref<2x24960xf32, #tpu.memory_space<vmem>>) target_semaphore(%arg12 : memref<!tpu.dma_semaphore, #tpu.memory_space<semaphore_mem>>)
    %scan3A_50 = arith.constant 0 : i32
    %scan3A_51 = arith.constant 0 : i32
    %scan3A_52 = arith.constant 13 : i32
    %scan3A_53 = arith.addi %scan3A_51, %scan3A_52 : i32
    %scan3A_54 = arith.constant 1 : i32
    scf.for %scan3A_61 = %scan3A_51 to %scan3A_53 step %scan3A_54  : i32 {
      %mul3A_62 = arith.constant 2 : i32
      %mul3A_63 = arith.muli %scan3A_61, %mul3A_62 : i32
      %add3A_64 = arith.constant 0 : i32
      %add3A_65 = arith.addi %mul3A_63, %add3A_64 : i32
      %dma_wait3A = arith.constant 0 : i32
      %dma_wait3A_66 = arith.constant 0 : i32
      %dma_wait3A_67 = tpu.memref_slice %arg6[%dma_wait3A, %dma_wait3A_66] : memref<2x4096xi32, #tpu.memory_space<vmem>> -> memref<1x4096xi32, #tpu.memory_space<vmem>>
      %dma_wait3A_68 = tpu.memref_squeeze %dma_wait3A_67 : memref<1x4096xi32, #tpu.memory_space<vmem>> -> memref<4096xi32, #tpu.memory_space<vmem>>
      %dma_wait3A_69 = arith.constant 0 : i32
      %dma_wait3A_70 = tpu.memref_slice %arg2[%add3A_65, %dma_wait3A_69] : memref<26x4096xi32, #tpu.memory_space<hbm>> -> memref<1x4096xi32, #tpu.memory_space<hbm>>
      %dma_wait3A_71 = tpu.memref_squeeze %dma_wait3A_70 : memref<1x4096xi32, #tpu.memory_space<hbm>> -> memref<4096xi32, #tpu.memory_space<hbm>>
      %dma_wait3A_72 = arith.constant 0 : i32
      %dma_wait3A_73 = tpu.memref_slice %arg6[%dma_wait3A, %dma_wait3A_72] : memref<2x4096xi32, #tpu.memory_space<vmem>> -> memref<1x4096xi32, #tpu.memory_space<vmem>>
      %dma_wait3A_74 = tpu.memref_squeeze %dma_wait3A_73 : memref<1x4096xi32, #tpu.memory_space<vmem>> -> memref<4096xi32, #tpu.memory_space<vmem>>
      %dma_wait3A_75 = arith.constant 0 : i32
      %dma_wait3A_76 = tpu.memref_slice %arg2[%add3A_65, %dma_wait3A_75] : memref<26x4096xi32, #tpu.memory_space<hbm>> -> memref<1x4096xi32, #tpu.memory_space<hbm>>
      %dma_wait3A_77 = tpu.memref_squeeze %dma_wait3A_76 : memref<1x4096xi32, #tpu.memory_space<hbm>> -> memref<4096xi32, #tpu.memory_space<hbm>>
      tpu.wait_dma2 semaphore(%arg14 : memref<!tpu.dma_semaphore, #tpu.memory_space<semaphore_mem>>) src(%dma_wait3A_77 : memref<4096xi32, #tpu.memory_space<hbm>>) dst(%dma_wait3A_74 : memref<4096xi32, #tpu.memory_space<vmem>>)
      %add3A_78 = arith.constant 1 : i32
      %add3A_79 = arith.addi %add3A_65, %add3A_78 : i32
      %dma_start3A_80 = arith.constant 1 : i32
      %dma_start3A_81 = arith.constant 0 : i32
      %dma_start3A_82 = tpu.memref_slice %arg6[%dma_start3A_80, %dma_start3A_81] : memref<2x4096xi32, #tpu.memory_space<vmem>> -> memref<1x4096xi32, #tpu.memory_space<vmem>>
      %dma_start3A_83 = tpu.memref_squeeze %dma_start3A_82 : memref<1x4096xi32, #tpu.memory_space<vmem>> -> memref<4096xi32, #tpu.memory_space<vmem>>
      %dma_start3A_84 = arith.constant 0 : i32
      %dma_start3A_85 = tpu.memref_slice %arg2[%add3A_79, %dma_start3A_84] : memref<26x4096xi32, #tpu.memory_space<hbm>> -> memref<1x4096xi32, #tpu.memory_space<hbm>>
      %dma_start3A_86 = tpu.memref_squeeze %dma_start3A_85 : memref<1x4096xi32, #tpu.memory_space<hbm>> -> memref<4096xi32, #tpu.memory_space<hbm>>
      %dma_start3A_87 = arith.constant 0 : i32
      %dma_start3A_88 = tpu.memref_slice %arg6[%dma_start3A_80, %dma_start3A_87] : memref<2x4096xi32, #tpu.memory_space<vmem>> -> memref<1x4096xi32, #tpu.memory_space<vmem>>
      %dma_start3A_89 = tpu.memref_squeeze %dma_start3A_88 : memref<1x4096xi32, #tpu.memory_space<vmem>> -> memref<4096xi32, #tpu.memory_space<vmem>>
      %dma_start3A_90 = arith.constant 0 : i32
      %dma_start3A_91 = tpu.memref_slice %arg2[%add3A_79, %dma_start3A_90] : memref<26x4096xi32, #tpu.memory_space<hbm>> -> memref<1x4096xi32, #tpu.memory_space<hbm>>
      %dma_start3A_92 = tpu.memref_squeeze %dma_start3A_91 : memref<1x4096xi32, #tpu.memory_space<hbm>> -> memref<4096xi32, #tpu.memory_space<hbm>>
      tpu.enqueue_dma source(%dma_start3A_92 : memref<4096xi32, #tpu.memory_space<hbm>>) target(%dma_start3A_89 : memref<4096xi32, #tpu.memory_space<vmem>>) target_semaphore(%arg14 : memref<!tpu.dma_semaphore, #tpu.memory_space<semaphore_mem>>)
      %mul3A_93 = arith.constant 64 : i32
      %mul3A_94 = arith.muli %add3A_65, %mul3A_93 : i32
      %add3A_95 = arith.addi %mul3A_94, %mul3A_2 : i32
      %dma_wait3A_96 = arith.constant 0 : i32
      %dma_wait3A_97 = arith.constant 0 : i32
      %dma_wait3A_98 = tpu.memref_slice %arg7[%dma_wait3A_96, %dma_wait3A_97] : memref<2x25120xf32, #tpu.memory_space<vmem>> -> memref<2x25088xf32, #tpu.memory_space<vmem>>
      %dma_wait3A_99 = arith.constant 0 : i32
      %dma_wait3A_100 = tpu.memref_slice %arg3[%add3A_95, %dma_wait3A_99] : memref<1664x100000xf32, #tpu.memory_space<hbm>> -> memref<2x25088xf32, #tpu.memory_space<hbm>>
      %dma_wait3A_101 = arith.constant 0 : i32
      %dma_wait3A_102 = arith.constant 0 : i32
      %dma_wait3A_103 = tpu.memref_slice %arg7[%dma_wait3A_101, %dma_wait3A_102] : memref<2x25120xf32, #tpu.memory_space<vmem>> -> memref<2x25088xf32, #tpu.memory_space<vmem>>
      %dma_wait3A_104 = arith.constant 0 : i32
      %dma_wait3A_105 = tpu.memref_slice %arg3[%add3A_95, %dma_wait3A_104] : memref<1664x100000xf32, #tpu.memory_space<hbm>> -> memref<2x25088xf32, #tpu.memory_space<hbm>>
      tpu.wait_dma2 semaphore(%arg11 : memref<!tpu.dma_semaphore, #tpu.memory_space<semaphore_mem>>) src(%dma_wait3A_105 : memref<2x25088xf32, #tpu.memory_space<hbm>>) dst(%dma_wait3A_103 : memref<2x25088xf32, #tpu.memory_space<vmem>>)
      %scan3A_106 = arith.constant 0 : i32
      %scan3A_107 = arith.constant 0 : i32
      %scan3A_108 = arith.constant 32 : i32
      %scan3A_109 = arith.addi %scan3A_107, %scan3A_108 : i32
      %scan3A_110 = arith.constant 1 : i32
      scf.for %scan3A_396 = %scan3A_107 to %scan3A_109 step %scan3A_110  : i32 {
        %mul3A_397 = arith.constant 128 : i32
        %mul3A_398 = arith.muli %scan3A_396, %mul3A_397 : i32
        %multiple_of3A = tpu.assume_multiple %mul3A_398, 16 : i32
        %add3A_399 = arith.constant 0 : i32
        %add3A_400 = arith.addi %multiple_of3A, %add3A_399 : i32
        %get3A_401 = arith.constant 0 : i32
        %get3A_402 = arith.index_cast %get3A_401 : i32 to index
        %get3A_403 = arith.index_cast %add3A_400 : i32 to index
        %get3A_404 = tpu.vector_load %arg6[%get3A_402, %get3A_403] {strides = array<i32>} : memref<2x4096xi32, #tpu.memory_space<vmem>>, vector<16xi32>,
        %lt3A_405 = arith.constant 25088 : i32
        %lt3A_406 = vector.broadcast %lt3A_405 : i32 to vector<16xi32>
        %lt3A_407 = arith.cmpi slt, %get3A_404, %lt3A_406 : vector<16xi32>
        %gather3A = tpu.vector_load_idx %arg7[%broadcast_in_dim3A_23, %get3A_404] masked %lt3A_407 : memref<2x25120xf32, #tpu.memory_space<vmem>>[vector<16xi32>, vector<16xi32>], vector<16xf32>, vector<16xi1>
        %jit3A = arith.constant 0.000000e+00 : f32
        %broadcast_in_dim3A_408 = vector.broadcast %jit3A : f32 to vector<16xf32>
        %select_n3A = arith.select %lt3A_407, %gather3A, %broadcast_in_dim3A_408 : vector<16xi1>, vector<16xf32>
        %swap3A_409 = arith.constant 0 : i32
        %swap3A_410 = arith.index_cast %swap3A_409 : i32 to index
        %swap3A_411 = arith.index_cast %add3A_400 : i32 to index
        %swap3A_412 = tpu.vector_load %arg10[%swap3A_410, %swap3A_411] {strides = array<i32>} : memref<2x4096xf32, #tpu.memory_space<vmem>>, vector<16xf32>,
        tpu.vector_store %arg10[%swap3A_410, %swap3A_411], %select_n3A {add = true, strides = array<i32>} : memref<2x4096xf32, #tpu.memory_space<vmem>>, vector<16xf32>,
        %gather3A_413 = tpu.vector_load_idx %arg7[%broadcast_in_dim3A_25, %get3A_404] masked %lt3A_407 : memref<2x25120xf32, #tpu.memory_space<vmem>>[vector<16xi32>, vector<16xi32>], vector<16xf32>, vector<16xi1>
        %jit3A_414 = arith.constant 0.000000e+00 : f32
        %broadcast_in_dim3A_415 = vector.broadcast %jit3A_414 : f32 to vector<16xf32>
        %select_n3A_416 = arith.select %lt3A_407, %gather3A_413, %broadcast_in_dim3A_415 : vector<16xi1>, vector<16xf32>
        %swap3A_417 = arith.constant 1 : i32
        %swap3A_418 = arith.index_cast %swap3A_417 : i32 to index
        %swap3A_419 = arith.index_cast %add3A_400 : i32 to index
        %swap3A_420 = tpu.vector_load %arg10[%swap3A_418, %swap3A_419] {strides = array<i32>} : memref<2x4096xf32, #tpu.memory_space<vmem>>, vector<16xf32>,
        tpu.vector_store %arg10[%swap3A_418, %swap3A_419], %select_n3A_416 {add = true, strides = array<i32>} : memref<2x4096xf32, #tpu.memory_space<vmem>>, vector<16xf32>,
        %add3A_421 = arith.constant 16 : i32
        %add3A_422 = arith.addi %multiple_of3A, %add3A_421 : i32
        %get3A_423 = arith.constant 0 : i32
        %get3A_424 = arith.index_cast %get3A_423 : i32 to index
        %get3A_425 = arith.index_cast %add3A_422 : i32 to index
        %get3A_426 = tpu.vector_load %arg6[%get3A_424, %get3A_425] {strides = array<i32>} : memref<2x4096xi32, #tpu.memory_space<vmem>>, vector<16xi32>,
        %lt3A_427 = arith.constant 25088 : i32
        %lt3A_428 = vector.broadcast %lt3A_427 : i32 to vector<16xi32>
        %lt3A_429 = arith.cmpi slt, %get3A_426, %lt3A_428 : vector<16xi32>
        %gather3A_430 = tpu.vector_load_idx %arg7[%broadcast_in_dim3A_23, %get3A_426] masked %lt3A_429 : memref<2x25120xf32, #tpu.memory_space<vmem>>[vector<16xi32>, vector<16xi32>], vector<16xf32>, vector<16xi1>
        %jit3A_431 = arith.constant 0.000000e+00 : f32
        %broadcast_in_dim3A_432 = vector.broadcast %jit3A_431 : f32 to vector<16xf32>
        %select_n3A_433 = arith.select %lt3A_429, %gather3A_430, %broadcast_in_dim3A_432 : vector<16xi1>, vector<16xf32>
        %swap3A_434 = arith.constant 0 : i32
        %swap3A_435 = arith.index_cast %swap3A_434 : i32 to index
        %swap3A_436 = arith.index_cast %add3A_422 : i32 to index
        %swap3A_437 = tpu.vector_load %arg10[%swap3A_435, %swap3A_436] {strides = array<i32>} : memref<2x4096xf32, #tpu.memory_space<vmem>>, vector<16xf32>,
        tpu.vector_store %arg10[%swap3A_435, %swap3A_436], %select_n3A_433 {add = true, strides = array<i32>} : memref<2x4096xf32, #tpu.memory_space<vmem>>, vector<16xf32>,
        %gather3A_438 = tpu.vector_load_idx %arg7[%broadcast_in_dim3A_25, %get3A_426] masked %lt3A_429 : memref<2x25120xf32, #tpu.memory_space<vmem>>[vector<16xi32>, vector<16xi32>], vector<16xf32>, vector<16xi1>
        %jit3A_439 = arith.constant 0.000000e+00 : f32
        %broadcast_in_dim3A_440 = vector.broadcast %jit3A_439 : f32 to vector<16xf32>
        %select_n3A_441 = arith.select %lt3A_429, %gather3A_438, %broadcast_in_dim3A_440 : vector<16xi1>, vector<16xf32>
        %swap3A_442 = arith.constant 1 : i32
        %swap3A_443 = arith.index_cast %swap3A_442 : i32 to index
        %swap3A_444 = arith.index_cast %add3A_422 : i32 to index
        %swap3A_445 = tpu.vector_load %arg10[%swap3A_443, %swap3A_444] {strides = array<i32>} : memref<2x4096xf32, #tpu.memory_space<vmem>>, vector<16xf32>,
        tpu.vector_store %arg10[%swap3A_443, %swap3A_444], %select_n3A_441 {add = true, strides = array<i32>} : memref<2x4096xf32, #tpu.memory_space<vmem>>, vector<16xf32>,
        %add3A_446 = arith.constant 32 : i32
        %add3A_447 = arith.addi %multiple_of3A, %add3A_446 : i32
        %get3A_448 = arith.constant 0 : i32
        %get3A_449 = arith.index_cast %get3A_448 : i32 to index
        %get3A_450 = arith.index_cast %add3A_447 : i32 to index
        %get3A_451 = tpu.vector_load %arg6[%get3A_449, %get3A_450] {strides = array<i32>} : memref<2x4096xi32, #tpu.memory_space<vmem>>, vector<16xi32>,
        %lt3A_452 = arith.constant 25088 : i32
        %lt3A_453 = vector.broadcast %lt3A_452 : i32 to vector<16xi32>
        %lt3A_454 = arith.cmpi slt, %get3A_451, %lt3A_453 : vector<16xi32>
        %gather3A_455 = tpu.vector_load_idx %arg7[%broadcast_in_dim3A_23, %get3A_451] masked %lt3A_454 : memref<2x25120xf32, #tpu.memory_space<vmem>>[vector<16xi32>, vector<16xi32>], vector<16xf32>, vector<16xi1>
        %jit3A_456 = arith.constant 0.000000e+00 : f32
        %broadcast_in_dim3A_457 = vector.broadcast %jit3A_456 : f32 to vector<16xf32>
        %select_n3A_458 = arith.select %lt3A_454, %gather3A_455, %broadcast_in_dim3A_457 : vector<16xi1>, vector<16xf32>
        %swap3A_459 = arith.constant 0 : i32
        %swap3A_460 = arith.index_cast %swap3A_459 : i32 to index
        %swap3A_461 = arith.index_cast %add3A_447 : i32 to index
        %swap3A_462 = tpu.vector_load %arg10[%swap3A_460, %swap3A_461] {strides = array<i32>} : memref<2x4096xf32, #tpu.memory_space<vmem>>, vector<16xf32>,
        tpu.vector_store %arg10[%swap3A_460, %swap3A_461], %select_n3A_458 {add = true, strides = array<i32>} : memref<2x4096xf32, #tpu.memory_space<vmem>>, vector<16xf32>,
        %gather3A_463 = tpu.vector_load_idx %arg7[%broadcast_in_dim3A_25, %get3A_451] masked %lt3A_454 : memref<2x25120xf32, #tpu.memory_space<vmem>>[vector<16xi32>, vector<16xi32>], vector<16xf32>, vector<16xi1>
        %jit3A_464 = arith.constant 0.000000e+00 : f32
        %broadcast_in_dim3A_465 = vector.broadcast %jit3A_464 : f32 to vector<16xf32>
        %select_n3A_466 = arith.select %lt3A_454, %gather3A_463, %broadcast_in_dim3A_465 : vector<16xi1>, vector<16xf32>
        %swap3A_467 = arith.constant 1 : i32
        %swap3A_468 = arith.index_cast %swap3A_467 : i32 to index
        %swap3A_469 = arith.index_cast %add3A_447 : i32 to index
        %swap3A_470 = tpu.vector_load %arg10[%swap3A_468, %swap3A_469] {strides = array<i32>} : memref<2x4096xf32, #tpu.memory_space<vmem>>, vector<16xf32>,
        tpu.vector_store %arg10[%swap3A_468, %swap3A_469], %select_n3A_466 {add = true, strides = array<i32>} : memref<2x4096xf32, #tpu.memory_space<vmem>>, vector<16xf32>,
        %add3A_471 = arith.constant 48 : i32
        %add3A_472 = arith.addi %multiple_of3A, %add3A_471 : i32
        %get3A_473 = arith.constant 0 : i32
        %get3A_474 = arith.index_cast %get3A_473 : i32 to index
        %get3A_475 = arith.index_cast %add3A_472 : i32 to index
        %get3A_476 = tpu.vector_load %arg6[%get3A_474, %get3A_475] {strides = array<i32>} : memref<2x4096xi32, #tpu.memory_space<vmem>>, vector<16xi32>,
        %lt3A_477 = arith.constant 25088 : i32
        %lt3A_478 = vector.broadcast %lt3A_477 : i32 to vector<16xi32>
        %lt3A_479 = arith.cmpi slt, %get3A_476, %lt3A_478 : vector<16xi32>
        %gather3A_480 = tpu.vector_load_idx %arg7[%broadcast_in_dim3A_23, %get3A_476] masked %lt3A_479 : memref<2x25120xf32, #tpu.memory_space<vmem>>[vector<16xi32>, vector<16xi32>], vector<16xf32>, vector<16xi1>
        %jit3A_481 = arith.constant 0.000000e+00 : f32
        %broadcast_in_dim3A_482 = vector.broadcast %jit3A_481 : f32 to vector<16xf32>
        %select_n3A_483 = arith.select %lt3A_479, %gather3A_480, %broadcast_in_dim3A_482 : vector<16xi1>, vector<16xf32>
        %swap3A_484 = arith.constant 0 : i32
        %swap3A_485 = arith.index_cast %swap3A_484 : i32 to index
        %swap3A_486 = arith.index_cast %add3A_472 : i32 to index
        %swap3A_487 = tpu.vector_load %arg10[%swap3A_485, %swap3A_486] {strides = array<i32>} : memref<2x4096xf32, #tpu.memory_space<vmem>>, vector<16xf32>,
        tpu.vector_store %arg10[%swap3A_485, %swap3A_486], %select_n3A_483 {add = true, strides = array<i32>} : memref<2x4096xf32, #tpu.memory_space<vmem>>, vector<16xf32>,
        %gather3A_488 = tpu.vector_load_idx %arg7[%broadcast_in_dim3A_25, %get3A_476] masked %lt3A_479 : memref<2x25120xf32, #tpu.memory_space<vmem>>[vector<16xi32>, vector<16xi32>], vector<16xf32>, vector<16xi1>
        %jit3A_489 = arith.constant 0.000000e+00 : f32
        %broadcast_in_dim3A_490 = vector.broadcast %jit3A_489 : f32 to vector<16xf32>
        %select_n3A_491 = arith.select %lt3A_479, %gather3A_488, %broadcast_in_dim3A_490 : vector<16xi1>, vector<16xf32>
        %swap3A_492 = arith.constant 1 : i32
        %swap3A_493 = arith.index_cast %swap3A_492 : i32 to index
        %swap3A_494 = arith.index_cast %add3A_472 : i32 to index
        %swap3A_495 = tpu.vector_load %arg10[%swap3A_493, %swap3A_494] {strides = array<i32>} : memref<2x4096xf32, #tpu.memory_space<vmem>>, vector<16xf32>,
        tpu.vector_store %arg10[%swap3A_493, %swap3A_494], %select_n3A_491 {add = true, strides = array<i32>} : memref<2x4096xf32, #tpu.memory_space<vmem>>, vector<16xf32>,
        %add3A_496 = arith.constant 64 : i32
        %add3A_497 = arith.addi %multiple_of3A, %add3A_496 : i32
        %get3A_498 = arith.constant 0 : i32
        %get3A_499 = arith.index_cast %get3A_498 : i32 to index
        %get3A_500 = arith.index_cast %add3A_497 : i32 to index
        %get3A_501 = tpu.vector_load %arg6[%get3A_499, %get3A_500] {strides = array<i32>} : memref<2x4096xi32, #tpu.memory_space<vmem>>, vector<16xi32>,
        %lt3A_502 = arith.constant 25088 : i32
        %lt3A_503 = vector.broadcast %lt3A_502 : i32 to vector<16xi32>
        %lt3A_504 = arith.cmpi slt, %get3A_501, %lt3A_503 : vector<16xi32>
        %gather3A_505 = tpu.vector_load_idx %arg7[%broadcast_in_dim3A_23, %get3A_501] masked %lt3A_504 : memref<2x25120xf32, #tpu.memory_space<vmem>>[vector<16xi32>, vector<16xi32>], vector<16xf32>, vector<16xi1>
        %jit3A_506 = arith.constant 0.000000e+00 : f32
        %broadcast_in_dim3A_507 = vector.broadcast %jit3A_506 : f32 to vector<16xf32>
        %select_n3A_508 = arith.select %lt3A_504, %gather3A_505, %broadcast_in_dim3A_507 : vector<16xi1>, vector<16xf32>
        %swap3A_509 = arith.constant 0 : i32
        %swap3A_510 = arith.index_cast %swap3A_509 : i32 to index
        %swap3A_511 = arith.index_cast %add3A_497 : i32 to index
        %swap3A_512 = tpu.vector_load %arg10[%swap3A_510, %swap3A_511] {strides = array<i32>} : memref<2x4096xf32, #tpu.memory_space<vmem>>, vector<16xf32>,
        tpu.vector_store %arg10[%swap3A_510, %swap3A_511], %select_n3A_508 {add = true, strides = array<i32>} : memref<2x4096xf32, #tpu.memory_space<vmem>>, vector<16xf32>,
        %gather3A_513 = tpu.vector_load_idx %arg7[%broadcast_in_dim3A_25, %get3A_501] masked %lt3A_504 : memref<2x25120xf32, #tpu.memory_space<vmem>>[vector<16xi32>, vector<16xi32>], vector<16xf32>, vector<16xi1>
        %jit3A_514 = arith.constant 0.000000e+00 : f32
        %broadcast_in_dim3A_515 = vector.broadcast %jit3A_514 : f32 to vector<16xf32>
        %select_n3A_516 = arith.select %lt3A_504, %gather3A_513, %broadcast_in_dim3A_515 : vector<16xi1>, vector<16xf32>
        %swap3A_517 = arith.constant 1 : i32
        %swap3A_518 = arith.index_cast %swap3A_517 : i32 to index
        %swap3A_519 = arith.index_cast %add3A_497 : i32 to index
        %swap3A_520 = tpu.vector_load %arg10[%swap3A_518, %swap3A_519] {strides = array<i32>} : memref<2x4096xf32, #tpu.memory_space<vmem>>, vector<16xf32>,
        tpu.vector_store %arg10[%swap3A_518, %swap3A_519], %select_n3A_516 {add = true, strides = array<i32>} : memref<2x4096xf32, #tpu.memory_space<vmem>>, vector<16xf32>,
        %add3A_521 = arith.constant 80 : i32
        %add3A_522 = arith.addi %multiple_of3A, %add3A_521 : i32
        %get3A_523 = arith.constant 0 : i32
        %get3A_524 = arith.index_cast %get3A_523 : i32 to index
        %get3A_525 = arith.index_cast %add3A_522 : i32 to index
        %get3A_526 = tpu.vector_load %arg6[%get3A_524, %get3A_525] {strides = array<i32>} : memref<2x4096xi32, #tpu.memory_space<vmem>>, vector<16xi32>,
        %lt3A_527 = arith.constant 25088 : i32
        %lt3A_528 = vector.broadcast %lt3A_527 : i32 to vector<16xi32>
        %lt3A_529 = arith.cmpi slt, %get3A_526, %lt3A_528 : vector<16xi32>
        %gather3A_530 = tpu.vector_load_idx %arg7[%broadcast_in_dim3A_23, %get3A_526] masked %lt3A_529 : memref<2x25120xf32, #tpu.memory_space<vmem>>[vector<16xi32>, vector<16xi32>], vector<16xf32>, vector<16xi1>
        %jit3A_531 = arith.constant 0.000000e+00 : f32
        %broadcast_in_dim3A_532 = vector.broadcast %jit3A_531 : f32 to vector<16xf32>
        %select_n3A_533 = arith.select %lt3A_529, %gather3A_530, %broadcast_in_dim3A_532 : vector<16xi1>, vector<16xf32>
        %swap3A_534 = arith.constant 0 : i32
        %swap3A_535 = arith.index_cast %swap3A_534 : i32 to index
        %swap3A_536 = arith.index_cast %add3A_522 : i32 to index
        %swap3A_537 = tpu.vector_load %arg10[%swap3A_535, %swap3A_536] {strides = array<i32>} : memref<2x4096xf32, #tpu.memory_space<vmem>>, vector<16xf32>,
        tpu.vector_store %arg10[%swap3A_535, %swap3A_536], %select_n3A_533 {add = true, strides = array<i32>} : memref<2x4096xf32, #tpu.memory_space<vmem>>, vector<16xf32>,
        %gather3A_538 = tpu.vector_load_idx %arg7[%broadcast_in_dim3A_25, %get3A_526] masked %lt3A_529 : memref<2x25120xf32, #tpu.memory_space<vmem>>[vector<16xi32>, vector<16xi32>], vector<16xf32>, vector<16xi1>
        %jit3A_539 = arith.constant 0.000000e+00 : f32
        %broadcast_in_dim3A_540 = vector.broadcast %jit3A_539 : f32 to vector<16xf32>
        %select_n3A_541 = arith.select %lt3A_529, %gather3A_538, %broadcast_in_dim3A_540 : vector<16xi1>, vector<16xf32>
        %swap3A_542 = arith.constant 1 : i32
        %swap3A_543 = arith.index_cast %swap3A_542 : i32 to index
        %swap3A_544 = arith.index_cast %add3A_522 : i32 to index
        %swap3A_545 = tpu.vector_load %arg10[%swap3A_543, %swap3A_544] {strides = array<i32>} : memref<2x4096xf32, #tpu.memory_space<vmem>>, vector<16xf32>,
        tpu.vector_store %arg10[%swap3A_543, %swap3A_544], %select_n3A_541 {add = true, strides = array<i32>} : memref<2x4096xf32, #tpu.memory_space<vmem>>, vector<16xf32>,
        %add3A_546 = arith.constant 96 : i32
        %add3A_547 = arith.addi %multiple_of3A, %add3A_546 : i32
        %get3A_548 = arith.constant 0 : i32
        %get3A_549 = arith.index_cast %get3A_548 : i32 to index
        %get3A_550 = arith.index_cast %add3A_547 : i32 to index
        %get3A_551 = tpu.vector_load %arg6[%get3A_549, %get3A_550] {strides = array<i32>} : memref<2x4096xi32, #tpu.memory_space<vmem>>, vector<16xi32>,
        %lt3A_552 = arith.constant 25088 : i32
        %lt3A_553 = vector.broadcast %lt3A_552 : i32 to vector<16xi32>
        %lt3A_554 = arith.cmpi slt, %get3A_551, %lt3A_553 : vector<16xi32>
        %gather3A_555 = tpu.vector_load_idx %arg7[%broadcast_in_dim3A_23, %get3A_551] masked %lt3A_554 : memref<2x25120xf32, #tpu.memory_space<vmem>>[vector<16xi32>, vector<16xi32>], vector<16xf32>, vector<16xi1>
        %jit3A_556 = arith.constant 0.000000e+00 : f32
        %broadcast_in_dim3A_557 = vector.broadcast %jit3A_556 : f32 to vector<16xf32>
        %select_n3A_558 = arith.select %lt3A_554, %gather3A_555, %broadcast_in_dim3A_557 : vector<16xi1>, vector<16xf32>
        %swap3A_559 = arith.constant 0 : i32
        %swap3A_560 = arith.index_cast %swap3A_559 : i32 to index
        %swap3A_561 = arith.index_cast %add3A_547 : i32 to index
        %swap3A_562 = tpu.vector_load %arg10[%swap3A_560, %swap3A_561] {strides = array<i32>} : memref<2x4096xf32, #tpu.memory_space<vmem>>, vector<16xf32>,
        tpu.vector_store %arg10[%swap3A_560, %swap3A_561], %select_n3A_558 {add = true, strides = array<i32>} : memref<2x4096xf32, #tpu.memory_space<vmem>>, vector<16xf32>,
        %gather3A_563 = tpu.vector_load_idx %arg7[%broadcast_in_dim3A_25, %get3A_551] masked %lt3A_554 : memref<2x25120xf32, #tpu.memory_space<vmem>>[vector<16xi32>, vector<16xi32>], vector<16xf32>, vector<16xi1>
        %jit3A_564 = arith.constant 0.000000e+00 : f32
        %broadcast_in_dim3A_565 = vector.broadcast %jit3A_564 : f32 to vector<16xf32>
        %select_n3A_566 = arith.select %lt3A_554, %gather3A_563, %broadcast_in_dim3A_565 : vector<16xi1>, vector<16xf32>
        %swap3A_567 = arith.constant 1 : i32
        %swap3A_568 = arith.index_cast %swap3A_567 : i32 to index
        %swap3A_569 = arith.index_cast %add3A_547 : i32 to index
        %swap3A_570 = tpu.vector_load %arg10[%swap3A_568, %swap3A_569] {strides = array<i32>} : memref<2x4096xf32, #tpu.memory_space<vmem>>, vector<16xf32>,
        tpu.vector_store %arg10[%swap3A_568, %swap3A_569], %select_n3A_566 {add = true, strides = array<i32>} : memref<2x4096xf32, #tpu.memory_space<vmem>>, vector<16xf32>,
        %add3A_571 = arith.constant 112 : i32
        %add3A_572 = arith.addi %multiple_of3A, %add3A_571 : i32
        %get3A_573 = arith.constant 0 : i32
        %get3A_574 = arith.index_cast %get3A_573 : i32 to index
        %get3A_575 = arith.index_cast %add3A_572 : i32 to index
        %get3A_576 = tpu.vector_load %arg6[%get3A_574, %get3A_575] {strides = array<i32>} : memref<2x4096xi32, #tpu.memory_space<vmem>>, vector<16xi32>,
        %lt3A_577 = arith.constant 25088 : i32
        %lt3A_578 = vector.broadcast %lt3A_577 : i32 to vector<16xi32>
        %lt3A_579 = arith.cmpi slt, %get3A_576, %lt3A_578 : vector<16xi32>
        %gather3A_580 = tpu.vector_load_idx %arg7[%broadcast_in_dim3A_23, %get3A_576] masked %lt3A_579 : memref<2x25120xf32, #tpu.memory_space<vmem>>[vector<16xi32>, vector<16xi32>], vector<16xf32>, vector<16xi1>
        %jit3A_581 = arith.constant 0.000000e+00 : f32
        %broadcast_in_dim3A_582 = vector.broadcast %jit3A_581 : f32 to vector<16xf32>
        %select_n3A_583 = arith.select %lt3A_579, %gather3A_580, %broadcast_in_dim3A_582 : vector<16xi1>, vector<16xf32>
        %swap3A_584 = arith.constant 0 : i32
        %swap3A_585 = arith.index_cast %swap3A_584 : i32 to index
        %swap3A_586 = arith.index_cast %add3A_572 : i32 to index
        %swap3A_587 = tpu.vector_load %arg10[%swap3A_585, %swap3A_586] {strides = array<i32>} : memref<2x4096xf32, #tpu.memory_space<vmem>>, vector<16xf32>,
        tpu.vector_store %arg10[%swap3A_585, %swap3A_586], %select_n3A_583 {add = true, strides = array<i32>} : memref<2x4096xf32, #tpu.memory_space<vmem>>, vector<16xf32>,
        %gather3A_588 = tpu.vector_load_idx %arg7[%broadcast_in_dim3A_25, %get3A_576] masked %lt3A_579 : memref<2x25120xf32, #tpu.memory_space<vmem>>[vector<16xi32>, vector<16xi32>], vector<16xf32>, vector<16xi1>
        %jit3A_589 = arith.constant 0.000000e+00 : f32
        %broadcast_in_dim3A_590 = vector.broadcast %jit3A_589 : f32 to vector<16xf32>
        %select_n3A_591 = arith.select %lt3A_579, %gather3A_588, %broadcast_in_dim3A_590 : vector<16xi1>, vector<16xf32>
        %swap3A_592 = arith.constant 1 : i32
        %swap3A_593 = arith.index_cast %swap3A_592 : i32 to index
        %swap3A_594 = arith.index_cast %add3A_572 : i32 to index
        %swap3A_595 = tpu.vector_load %arg10[%swap3A_593, %swap3A_594] {strides = array<i32>} : memref<2x4096xf32, #tpu.memory_space<vmem>>, vector<16xf32>,
        tpu.vector_store %arg10[%swap3A_593, %swap3A_594], %select_n3A_591 {add = true, strides = array<i32>} : memref<2x4096xf32, #tpu.memory_space<vmem>>, vector<16xf32>,
      }
      %scan3A_111 = arith.constant 32 : i32
      %mul3A_112 = arith.constant 64 : i32
      %mul3A_113 = arith.muli %add3A_65, %mul3A_112 : i32
      %add3A_114 = arith.addi %mul3A_113, %mul3A_2 : i32
      %dma_start3A_115 = arith.constant 0 : i32
      %dma_start3A_116 = arith.constant 0 : i32
      %dma_start3A_117 = tpu.memref_slice %arg7[%dma_start3A_115, %dma_start3A_116] : memref<2x25120xf32, #tpu.memory_space<vmem>> -> memref<2x24960xf32, #tpu.memory_space<vmem>>
      %dma_start3A_118 = arith.constant 50048 : i32
      %dma_start3A_119 = tpu.memref_slice %arg3[%add3A_114, %dma_start3A_118] : memref<1664x100000xf32, #tpu.memory_space<hbm>> -> memref<2x24960xf32, #tpu.memory_space<hbm>>
      %dma_start3A_120 = arith.constant 0 : i32
      %dma_start3A_121 = arith.constant 0 : i32
      %dma_start3A_122 = tpu.memref_slice %arg7[%dma_start3A_120, %dma_start3A_121] : memref<2x25120xf32, #tpu.memory_space<vmem>> -> memref<2x24960xf32, #tpu.memory_space<vmem>>
      %dma_start3A_123 = arith.constant 50048 : i32
      %dma_start3A_124 = tpu.memref_slice %arg3[%add3A_114, %dma_start3A_123] : memref<1664x100000xf32, #tpu.memory_space<hbm>> -> memref<2x24960xf32, #tpu.memory_space<hbm>>
      tpu.enqueue_dma source(%dma_start3A_124 : memref<2x24960xf32, #tpu.memory_space<hbm>>) target(%dma_start3A_122 : memref<2x24960xf32, #tpu.memory_space<vmem>>) target_semaphore(%arg11 : memref<!tpu.dma_semaphore, #tpu.memory_space<semaphore_mem>>)
      %dma_wait3A_125 = arith.constant 0 : i32
      %dma_wait3A_126 = arith.constant 0 : i32
      %dma_wait3A_127 = tpu.memref_slice %arg8[%dma_wait3A_125, %dma_wait3A_126] : memref<2x25120xf32, #tpu.memory_space<vmem>> -> memref<2x24960xf32, #tpu.memory_space<vmem>>
      %dma_wait3A_128 = arith.constant 25088 : i32
      %dma_wait3A_129 = tpu.memref_slice %arg3[%add3A_95, %dma_wait3A_128] : memref<1664x100000xf32, #tpu.memory_space<hbm>> -> memref<2x24960xf32, #tpu.memory_space<hbm>>
      %dma_wait3A_130 = arith.constant 0 : i32
      %dma_wait3A_131 = arith.constant 0 : i32
      %dma_wait3A_132 = tpu.memref_slice %arg8[%dma_wait3A_130, %dma_wait3A_131] : memref<2x25120xf32, #tpu.memory_space<vmem>> -> memref<2x24960xf32, #tpu.memory_space<vmem>>
      %dma_wait3A_133 = arith.constant 25088 : i32
      %dma_wait3A_134 = tpu.memref_slice %arg3[%add3A_95, %dma_wait3A_133] : memref<1664x100000xf32, #tpu.memory_space<hbm>> -> memref<2x24960xf32, #tpu.memory_space<hbm>>
      tpu.wait_dma2 semaphore(%arg12 : memref<!tpu.dma_semaphore, #tpu.memory_space<semaphore_mem>>) src(%dma_wait3A_134 : memref<2x24960xf32, #tpu.memory_space<hbm>>) dst(%dma_wait3A_132 : memref<2x24960xf32, #tpu.memory_space<vmem>>)
      %scan3A_135 = arith.constant 0 : i32
      %scan3A_136 = arith.constant 0 : i32
      %scan3A_137 = arith.constant 32 : i32
      %scan3A_138 = arith.addi %scan3A_136, %scan3A_137 : i32
      %scan3A_139 = arith.constant 1 : i32
      scf.for %scan3A_396 = %scan3A_136 to %scan3A_138 step %scan3A_139  : i32 {
        %mul3A_397 = arith.constant 128 : i32
        %mul3A_398 = arith.muli %scan3A_396, %mul3A_397 : i32
        %multiple_of3A = tpu.assume_multiple %mul3A_398, 16 : i32
        %add3A_399 = arith.constant 0 : i32
        %add3A_400 = arith.addi %multiple_of3A, %add3A_399 : i32
        %get3A_401 = arith.constant 0 : i32
        %get3A_402 = arith.index_cast %get3A_401 : i32 to index
        %get3A_403 = arith.index_cast %add3A_400 : i32 to index
        %get3A_404 = tpu.vector_load %arg6[%get3A_402, %get3A_403] {strides = array<i32>} : memref<2x4096xi32, #tpu.memory_space<vmem>>, vector<16xi32>,
        %sub3A = arith.constant 25088 : i32
        %sub3A_405 = vector.broadcast %sub3A : i32 to vector<16xi32>
        %sub3A_406 = arith.subi %get3A_404, %sub3A_405 : vector<16xi32>
        %bitcast3A = vector.bitcast %sub3A_406 : vector<16xi32> to vector<16xi32>
        %lt3A_407 = arith.constant 24960 : i32
        %lt3A_408 = vector.broadcast %lt3A_407 : i32 to vector<16xi32>
        %lt3A_409 = arith.cmpi ult, %bitcast3A, %lt3A_408 : vector<16xi32>
        %gather3A = tpu.vector_load_idx %arg8[%broadcast_in_dim3A_23, %sub3A_406] masked %lt3A_409 : memref<2x25120xf32, #tpu.memory_space<vmem>>[vector<16xi32>, vector<16xi32>], vector<16xf32>, vector<16xi1>
        %jit3A = arith.constant 0.000000e+00 : f32
        %broadcast_in_dim3A_410 = vector.broadcast %jit3A : f32 to vector<16xf32>
        %select_n3A = arith.select %lt3A_409, %gather3A, %broadcast_in_dim3A_410 : vector<16xi1>, vector<16xf32>
        %swap3A_411 = arith.constant 0 : i32
        %swap3A_412 = arith.index_cast %swap3A_411 : i32 to index
        %swap3A_413 = arith.index_cast %add3A_400 : i32 to index
        %swap3A_414 = tpu.vector_load %arg10[%swap3A_412, %swap3A_413] {strides = array<i32>} : memref<2x4096xf32, #tpu.memory_space<vmem>>, vector<16xf32>,
        tpu.vector_store %arg10[%swap3A_412, %swap3A_413], %select_n3A {add = true, strides = array<i32>} : memref<2x4096xf32, #tpu.memory_space<vmem>>, vector<16xf32>,
        %gather3A_415 = tpu.vector_load_idx %arg8[%broadcast_in_dim3A_25, %sub3A_406] masked %lt3A_409 : memref<2x25120xf32, #tpu.memory_space<vmem>>[vector<16xi32>, vector<16xi32>], vector<16xf32>, vector<16xi1>
        %jit3A_416 = arith.constant 0.000000e+00 : f32
        %broadcast_in_dim3A_417 = vector.broadcast %jit3A_416 : f32 to vector<16xf32>
        %select_n3A_418 = arith.select %lt3A_409, %gather3A_415, %broadcast_in_dim3A_417 : vector<16xi1>, vector<16xf32>
        %swap3A_419 = arith.constant 1 : i32
        %swap3A_420 = arith.index_cast %swap3A_419 : i32 to index
        %swap3A_421 = arith.index_cast %add3A_400 : i32 to index
        %swap3A_422 = tpu.vector_load %arg10[%swap3A_420, %swap3A_421] {strides = array<i32>} : memref<2x4096xf32, #tpu.memory_space<vmem>>, vector<16xf32>,
        tpu.vector_store %arg10[%swap3A_420, %swap3A_421], %select_n3A_418 {add = true, strides = array<i32>} : memref<2x4096xf32, #tpu.memory_space<vmem>>, vector<16xf32>,
        %add3A_423 = arith.constant 16 : i32
        %add3A_424 = arith.addi %multiple_of3A, %add3A_423 : i32
        %get3A_425 = arith.constant 0 : i32
        %get3A_426 = arith.index_cast %get3A_425 : i32 to index
        %get3A_427 = arith.index_cast %add3A_424 : i32 to index
        %get3A_428 = tpu.vector_load %arg6[%get3A_426, %get3A_427] {strides = array<i32>} : memref<2x4096xi32, #tpu.memory_space<vmem>>, vector<16xi32>,
        %sub3A_429 = arith.constant 25088 : i32
        %sub3A_430 = vector.broadcast %sub3A_429 : i32 to vector<16xi32>
        %sub3A_431 = arith.subi %get3A_428, %sub3A_430 : vector<16xi32>
        %bitcast3A_432 = vector.bitcast %sub3A_431 : vector<16xi32> to vector<16xi32>
        %lt3A_433 = arith.constant 24960 : i32
        %lt3A_434 = vector.broadcast %lt3A_433 : i32 to vector<16xi32>
        %lt3A_435 = arith.cmpi ult, %bitcast3A_432, %lt3A_434 : vector<16xi32>
        %gather3A_436 = tpu.vector_load_idx %arg8[%broadcast_in_dim3A_23, %sub3A_431] masked %lt3A_435 : memref<2x25120xf32, #tpu.memory_space<vmem>>[vector<16xi32>, vector<16xi32>], vector<16xf32>, vector<16xi1>
        %jit3A_437 = arith.constant 0.000000e+00 : f32
        %broadcast_in_dim3A_438 = vector.broadcast %jit3A_437 : f32 to vector<16xf32>
        %select_n3A_439 = arith.select %lt3A_435, %gather3A_436, %broadcast_in_dim3A_438 : vector<16xi1>, vector<16xf32>
        %swap3A_440 = arith.constant 0 : i32
        %swap3A_441 = arith.index_cast %swap3A_440 : i32 to index
        %swap3A_442 = arith.index_cast %add3A_424 : i32 to index
        %swap3A_443 = tpu.vector_load %arg10[%swap3A_441, %swap3A_442] {strides = array<i32>} : memref<2x4096xf32, #tpu.memory_space<vmem>>, vector<16xf32>,
        tpu.vector_store %arg10[%swap3A_441, %swap3A_442], %select_n3A_439 {add = true, strides = array<i32>} : memref<2x4096xf32, #tpu.memory_space<vmem>>, vector<16xf32>,
        %gather3A_444 = tpu.vector_load_idx %arg8[%broadcast_in_dim3A_25, %sub3A_431] masked %lt3A_435 : memref<2x25120xf32, #tpu.memory_space<vmem>>[vector<16xi32>, vector<16xi32>], vector<16xf32>, vector<16xi1>
        %jit3A_445 = arith.constant 0.000000e+00 : f32
        %broadcast_in_dim3A_446 = vector.broadcast %jit3A_445 : f32 to vector<16xf32>
        %select_n3A_447 = arith.select %lt3A_435, %gather3A_444, %broadcast_in_dim3A_446 : vector<16xi1>, vector<16xf32>
        %swap3A_448 = arith.constant 1 : i32
        %swap3A_449 = arith.index_cast %swap3A_448 : i32 to index
        %swap3A_450 = arith.index_cast %add3A_424 : i32 to index
        %swap3A_451 = tpu.vector_load %arg10[%swap3A_449, %swap3A_450] {strides = array<i32>} : memref<2x4096xf32, #tpu.memory_space<vmem>>, vector<16xf32>,
        tpu.vector_store %arg10[%swap3A_449, %swap3A_450], %select_n3A_447 {add = true, strides = array<i32>} : memref<2x4096xf32, #tpu.memory_space<vmem>>, vector<16xf32>,
        %add3A_452 = arith.constant 32 : i32
        %add3A_453 = arith.addi %multiple_of3A, %add3A_452 : i32
        %get3A_454 = arith.constant 0 : i32
        %get3A_455 = arith.index_cast %get3A_454 : i32 to index
        %get3A_456 = arith.index_cast %add3A_453 : i32 to index
        %get3A_457 = tpu.vector_load %arg6[%get3A_455, %get3A_456] {strides = array<i32>} : memref<2x4096xi32, #tpu.memory_space<vmem>>, vector<16xi32>,
        %sub3A_458 = arith.constant 25088 : i32
        %sub3A_459 = vector.broadcast %sub3A_458 : i32 to vector<16xi32>
        %sub3A_460 = arith.subi %get3A_457, %sub3A_459 : vector<16xi32>
        %bitcast3A_461 = vector.bitcast %sub3A_460 : vector<16xi32> to vector<16xi32>
        %lt3A_462 = arith.constant 24960 : i32
        %lt3A_463 = vector.broadcast %lt3A_462 : i32 to vector<16xi32>
        %lt3A_464 = arith.cmpi ult, %bitcast3A_461, %lt3A_463 : vector<16xi32>
        %gather3A_465 = tpu.vector_load_idx %arg8[%broadcast_in_dim3A_23, %sub3A_460] masked %lt3A_464 : memref<2x25120xf32, #tpu.memory_space<vmem>>[vector<16xi32>, vector<16xi32>], vector<16xf32>, vector<16xi1>
        %jit3A_466 = arith.constant 0.000000e+00 : f32
        %broadcast_in_dim3A_467 = vector.broadcast %jit3A_466 : f32 to vector<16xf32>
        %select_n3A_468 = arith.select %lt3A_464, %gather3A_465, %broadcast_in_dim3A_467 : vector<16xi1>, vector<16xf32>
        %swap3A_469 = arith.constant 0 : i32
        %swap3A_470 = arith.index_cast %swap3A_469 : i32 to index
        %swap3A_471 = arith.index_cast %add3A_453 : i32 to index
        %swap3A_472 = tpu.vector_load %arg10[%swap3A_470, %swap3A_471] {strides = array<i32>} : memref<2x4096xf32, #tpu.memory_space<vmem>>, vector<16xf32>,
        tpu.vector_store %arg10[%swap3A_470, %swap3A_471], %select_n3A_468 {add = true, strides = array<i32>} : memref<2x4096xf32, #tpu.memory_space<vmem>>, vector<16xf32>,
        %gather3A_473 = tpu.vector_load_idx %arg8[%broadcast_in_dim3A_25, %sub3A_460] masked %lt3A_464 : memref<2x25120xf32, #tpu.memory_space<vmem>>[vector<16xi32>, vector<16xi32>], vector<16xf32>, vector<16xi1>
        %jit3A_474 = arith.constant 0.000000e+00 : f32
        %broadcast_in_dim3A_475 = vector.broadcast %jit3A_474 : f32 to vector<16xf32>
        %select_n3A_476 = arith.select %lt3A_464, %gather3A_473, %broadcast_in_dim3A_475 : vector<16xi1>, vector<16xf32>
        %swap3A_477 = arith.constant 1 : i32
        %swap3A_478 = arith.index_cast %swap3A_477 : i32 to index
        %swap3A_479 = arith.index_cast %add3A_453 : i32 to index
        %swap3A_480 = tpu.vector_load %arg10[%swap3A_478, %swap3A_479] {strides = array<i32>} : memref<2x4096xf32, #tpu.memory_space<vmem>>, vector<16xf32>,
        tpu.vector_store %arg10[%swap3A_478, %swap3A_479], %select_n3A_476 {add = true, strides = array<i32>} : memref<2x4096xf32, #tpu.memory_space<vmem>>, vector<16xf32>,
        %add3A_481 = arith.constant 48 : i32
        %add3A_482 = arith.addi %multiple_of3A, %add3A_481 : i32
        %get3A_483 = arith.constant 0 : i32
        %get3A_484 = arith.index_cast %get3A_483 : i32 to index
        %get3A_485 = arith.index_cast %add3A_482 : i32 to index
        %get3A_486 = tpu.vector_load %arg6[%get3A_484, %get3A_485] {strides = array<i32>} : memref<2x4096xi32, #tpu.memory_space<vmem>>, vector<16xi32>,
        %sub3A_487 = arith.constant 25088 : i32
        %sub3A_488 = vector.broadcast %sub3A_487 : i32 to vector<16xi32>
        %sub3A_489 = arith.subi %get3A_486, %sub3A_488 : vector<16xi32>
        %bitcast3A_490 = vector.bitcast %sub3A_489 : vector<16xi32> to vector<16xi32>
        %lt3A_491 = arith.constant 24960 : i32
        %lt3A_492 = vector.broadcast %lt3A_491 : i32 to vector<16xi32>
        %lt3A_493 = arith.cmpi ult, %bitcast3A_490, %lt3A_492 : vector<16xi32>
        %gather3A_494 = tpu.vector_load_idx %arg8[%broadcast_in_dim3A_23, %sub3A_489] masked %lt3A_493 : memref<2x25120xf32, #tpu.memory_space<vmem>>[vector<16xi32>, vector<16xi32>], vector<16xf32>, vector<16xi1>
        %jit3A_495 = arith.constant 0.000000e+00 : f32
        %broadcast_in_dim3A_496 = vector.broadcast %jit3A_495 : f32 to vector<16xf32>
        %select_n3A_497 = arith.select %lt3A_493, %gather3A_494, %broadcast_in_dim3A_496 : vector<16xi1>, vector<16xf32>
        %swap3A_498 = arith.constant 0 : i32
        %swap3A_499 = arith.index_cast %swap3A_498 : i32 to index
        %swap3A_500 = arith.index_cast %add3A_482 : i32 to index
        %swap3A_501 = tpu.vector_load %arg10[%swap3A_499, %swap3A_500] {strides = array<i32>} : memref<2x4096xf32, #tpu.memory_space<vmem>>, vector<16xf32>,
        tpu.vector_store %arg10[%swap3A_499, %swap3A_500], %select_n3A_497 {add = true, strides = array<i32>} : memref<2x4096xf32, #tpu.memory_space<vmem>>, vector<16xf32>,
        %gather3A_502 = tpu.vector_load_idx %arg8[%broadcast_in_dim3A_25, %sub3A_489] masked %lt3A_493 : memref<2x25120xf32, #tpu.memory_space<vmem>>[vector<16xi32>, vector<16xi32>], vector<16xf32>, vector<16xi1>
        %jit3A_503 = arith.constant 0.000000e+00 : f32
        %broadcast_in_dim3A_504 = vector.broadcast %jit3A_503 : f32 to vector<16xf32>
        %select_n3A_505 = arith.select %lt3A_493, %gather3A_502, %broadcast_in_dim3A_504 : vector<16xi1>, vector<16xf32>
        %swap3A_506 = arith.constant 1 : i32
        %swap3A_507 = arith.index_cast %swap3A_506 : i32 to index
        %swap3A_508 = arith.index_cast %add3A_482 : i32 to index
        %swap3A_509 = tpu.vector_load %arg10[%swap3A_507, %swap3A_508] {strides = array<i32>} : memref<2x4096xf32, #tpu.memory_space<vmem>>, vector<16xf32>,
        tpu.vector_store %arg10[%swap3A_507, %swap3A_508], %select_n3A_505 {add = true, strides = array<i32>} : memref<2x4096xf32, #tpu.memory_space<vmem>>, vector<16xf32>,
        %add3A_510 = arith.constant 64 : i32
        %add3A_511 = arith.addi %multiple_of3A, %add3A_510 : i32
        %get3A_512 = arith.constant 0 : i32
        %get3A_513 = arith.index_cast %get3A_512 : i32 to index
        %get3A_514 = arith.index_cast %add3A_511 : i32 to index
        %get3A_515 = tpu.vector_load %arg6[%get3A_513, %get3A_514] {strides = array<i32>} : memref<2x4096xi32, #tpu.memory_space<vmem>>, vector<16xi32>,
        %sub3A_516 = arith.constant 25088 : i32
        %sub3A_517 = vector.broadcast %sub3A_516 : i32 to vector<16xi32>
        %sub3A_518 = arith.subi %get3A_515, %sub3A_517 : vector<16xi32>
        %bitcast3A_519 = vector.bitcast %sub3A_518 : vector<16xi32> to vector<16xi32>
        %lt3A_520 = arith.constant 24960 : i32
        %lt3A_521 = vector.broadcast %lt3A_520 : i32 to vector<16xi32>
        %lt3A_522 = arith.cmpi ult, %bitcast3A_519, %lt3A_521 : vector<16xi32>
        %gather3A_523 = tpu.vector_load_idx %arg8[%broadcast_in_dim3A_23, %sub3A_518] masked %lt3A_522 : memref<2x25120xf32, #tpu.memory_space<vmem>>[vector<16xi32>, vector<16xi32>], vector<16xf32>, vector<16xi1>
        %jit3A_524 = arith.constant 0.000000e+00 : f32
        %broadcast_in_dim3A_525 = vector.broadcast %jit3A_524 : f32 to vector<16xf32>
        %select_n3A_526 = arith.select %lt3A_522, %gather3A_523, %broadcast_in_dim3A_525 : vector<16xi1>, vector<16xf32>
        %swap3A_527 = arith.constant 0 : i32
        %swap3A_528 = arith.index_cast %swap3A_527 : i32 to index
        %swap3A_529 = arith.index_cast %add3A_511 : i32 to index
        %swap3A_530 = tpu.vector_load %arg10[%swap3A_528, %swap3A_529] {strides = array<i32>} : memref<2x4096xf32, #tpu.memory_space<vmem>>, vector<16xf32>,
        tpu.vector_store %arg10[%swap3A_528, %swap3A_529], %select_n3A_526 {add = true, strides = array<i32>} : memref<2x4096xf32, #tpu.memory_space<vmem>>, vector<16xf32>,
        %gather3A_531 = tpu.vector_load_idx %arg8[%broadcast_in_dim3A_25, %sub3A_518] masked %lt3A_522 : memref<2x25120xf32, #tpu.memory_space<vmem>>[vector<16xi32>, vector<16xi32>], vector<16xf32>, vector<16xi1>
        %jit3A_532 = arith.constant 0.000000e+00 : f32
        %broadcast_in_dim3A_533 = vector.broadcast %jit3A_532 : f32 to vector<16xf32>
        %select_n3A_534 = arith.select %lt3A_522, %gather3A_531, %broadcast_in_dim3A_533 : vector<16xi1>, vector<16xf32>
        %swap3A_535 = arith.constant 1 : i32
        %swap3A_536 = arith.index_cast %swap3A_535 : i32 to index
        %swap3A_537 = arith.index_cast %add3A_511 : i32 to index
        %swap3A_538 = tpu.vector_load %arg10[%swap3A_536, %swap3A_537] {strides = array<i32>} : memref<2x4096xf32, #tpu.memory_space<vmem>>, vector<16xf32>,
        tpu.vector_store %arg10[%swap3A_536, %swap3A_537], %select_n3A_534 {add = true, strides = array<i32>} : memref<2x4096xf32, #tpu.memory_space<vmem>>, vector<16xf32>,
        %add3A_539 = arith.constant 80 : i32
        %add3A_540 = arith.addi %multiple_of3A, %add3A_539 : i32
        %get3A_541 = arith.constant 0 : i32
        %get3A_542 = arith.index_cast %get3A_541 : i32 to index
        %get3A_543 = arith.index_cast %add3A_540 : i32 to index
        %get3A_544 = tpu.vector_load %arg6[%get3A_542, %get3A_543] {strides = array<i32>} : memref<2x4096xi32, #tpu.memory_space<vmem>>, vector<16xi32>,
        %sub3A_545 = arith.constant 25088 : i32
        %sub3A_546 = vector.broadcast %sub3A_545 : i32 to vector<16xi32>
        %sub3A_547 = arith.subi %get3A_544, %sub3A_546 : vector<16xi32>
        %bitcast3A_548 = vector.bitcast %sub3A_547 : vector<16xi32> to vector<16xi32>
        %lt3A_549 = arith.constant 24960 : i32
        %lt3A_550 = vector.broadcast %lt3A_549 : i32 to vector<16xi32>
        %lt3A_551 = arith.cmpi ult, %bitcast3A_548, %lt3A_550 : vector<16xi32>
        %gather3A_552 = tpu.vector_load_idx %arg8[%broadcast_in_dim3A_23, %sub3A_547] masked %lt3A_551 : memref<2x25120xf32, #tpu.memory_space<vmem>>[vector<16xi32>, vector<16xi32>], vector<16xf32>, vector<16xi1>
        %jit3A_553 = arith.constant 0.000000e+00 : f32
        %broadcast_in_dim3A_554 = vector.broadcast %jit3A_553 : f32 to vector<16xf32>
        %select_n3A_555 = arith.select %lt3A_551, %gather3A_552, %broadcast_in_dim3A_554 : vector<16xi1>, vector<16xf32>
        %swap3A_556 = arith.constant 0 : i32
        %swap3A_557 = arith.index_cast %swap3A_556 : i32 to index
        %swap3A_558 = arith.index_cast %add3A_540 : i32 to index
        %swap3A_559 = tpu.vector_load %arg10[%swap3A_557, %swap3A_558] {strides = array<i32>} : memref<2x4096xf32, #tpu.memory_space<vmem>>, vector<16xf32>,
        tpu.vector_store %arg10[%swap3A_557, %swap3A_558], %select_n3A_555 {add = true, strides = array<i32>} : memref<2x4096xf32, #tpu.memory_space<vmem>>, vector<16xf32>,
        %gather3A_560 = tpu.vector_load_idx %arg8[%broadcast_in_dim3A_25, %sub3A_547] masked %lt3A_551 : memref<2x25120xf32, #tpu.memory_space<vmem>>[vector<16xi32>, vector<16xi32>], vector<16xf32>, vector<16xi1>
        %jit3A_561 = arith.constant 0.000000e+00 : f32
        %broadcast_in_dim3A_562 = vector.broadcast %jit3A_561 : f32 to vector<16xf32>
        %select_n3A_563 = arith.select %lt3A_551, %gather3A_560, %broadcast_in_dim3A_562 : vector<16xi1>, vector<16xf32>
        %swap3A_564 = arith.constant 1 : i32
        %swap3A_565 = arith.index_cast %swap3A_564 : i32 to index
        %swap3A_566 = arith.index_cast %add3A_540 : i32 to index
        %swap3A_567 = tpu.vector_load %arg10[%swap3A_565, %swap3A_566] {strides = array<i32>} : memref<2x4096xf32, #tpu.memory_space<vmem>>, vector<16xf32>,
        tpu.vector_store %arg10[%swap3A_565, %swap3A_566], %select_n3A_563 {add = true, strides = array<i32>} : memref<2x4096xf32, #tpu.memory_space<vmem>>, vector<16xf32>,
        %add3A_568 = arith.constant 96 : i32
        %add3A_569 = arith.addi %multiple_of3A, %add3A_568 : i32
        %get3A_570 = arith.constant 0 : i32
        %get3A_571 = arith.index_cast %get3A_570 : i32 to index
        %get3A_572 = arith.index_cast %add3A_569 : i32 to index
        %get3A_573 = tpu.vector_load %arg6[%get3A_571, %get3A_572] {strides = array<i32>} : memref<2x4096xi32, #tpu.memory_space<vmem>>, vector<16xi32>,
        %sub3A_574 = arith.constant 25088 : i32
        %sub3A_575 = vector.broadcast %sub3A_574 : i32 to vector<16xi32>
        %sub3A_576 = arith.subi %get3A_573, %sub3A_575 : vector<16xi32>
        %bitcast3A_577 = vector.bitcast %sub3A_576 : vector<16xi32> to vector<16xi32>
        %lt3A_578 = arith.constant 24960 : i32
        %lt3A_579 = vector.broadcast %lt3A_578 : i32 to vector<16xi32>
        %lt3A_580 = arith.cmpi ult, %bitcast3A_577, %lt3A_579 : vector<16xi32>
        %gather3A_581 = tpu.vector_load_idx %arg8[%broadcast_in_dim3A_23, %sub3A_576] masked %lt3A_580 : memref<2x25120xf32, #tpu.memory_space<vmem>>[vector<16xi32>, vector<16xi32>], vector<16xf32>, vector<16xi1>
        %jit3A_582 = arith.constant 0.000000e+00 : f32
        %broadcast_in_dim3A_583 = vector.broadcast %jit3A_582 : f32 to vector<16xf32>
        %select_n3A_584 = arith.select %lt3A_580, %gather3A_581, %broadcast_in_dim3A_583 : vector<16xi1>, vector<16xf32>
        %swap3A_585 = arith.constant 0 : i32
        %swap3A_586 = arith.index_cast %swap3A_585 : i32 to index
        %swap3A_587 = arith.index_cast %add3A_569 : i32 to index
        %swap3A_588 = tpu.vector_load %arg10[%swap3A_586, %swap3A_587] {strides = array<i32>} : memref<2x4096xf32, #tpu.memory_space<vmem>>, vector<16xf32>,
        tpu.vector_store %arg10[%swap3A_586, %swap3A_587], %select_n3A_584 {add = true, strides = array<i32>} : memref<2x4096xf32, #tpu.memory_space<vmem>>, vector<16xf32>,
        %gather3A_589 = tpu.vector_load_idx %arg8[%broadcast_in_dim3A_25, %sub3A_576] masked %lt3A_580 : memref<2x25120xf32, #tpu.memory_space<vmem>>[vector<16xi32>, vector<16xi32>], vector<16xf32>, vector<16xi1>
        %jit3A_590 = arith.constant 0.000000e+00 : f32
        %broadcast_in_dim3A_591 = vector.broadcast %jit3A_590 : f32 to vector<16xf32>
        %select_n3A_592 = arith.select %lt3A_580, %gather3A_589, %broadcast_in_dim3A_591 : vector<16xi1>, vector<16xf32>
        %swap3A_593 = arith.constant 1 : i32
        %swap3A_594 = arith.index_cast %swap3A_593 : i32 to index
        %swap3A_595 = arith.index_cast %add3A_569 : i32 to index
        %swap3A_596 = tpu.vector_load %arg10[%swap3A_594, %swap3A_595] {strides = array<i32>} : memref<2x4096xf32, #tpu.memory_space<vmem>>, vector<16xf32>,
        tpu.vector_store %arg10[%swap3A_594, %swap3A_595], %select_n3A_592 {add = true, strides = array<i32>} : memref<2x4096xf32, #tpu.memory_space<vmem>>, vector<16xf32>,
        %add3A_597 = arith.constant 112 : i32
        %add3A_598 = arith.addi %multiple_of3A, %add3A_597 : i32
        %get3A_599 = arith.constant 0 : i32
        %get3A_600 = arith.index_cast %get3A_599 : i32 to index
        %get3A_601 = arith.index_cast %add3A_598 : i32 to index
        %get3A_602 = tpu.vector_load %arg6[%get3A_600, %get3A_601] {strides = array<i32>} : memref<2x4096xi32, #tpu.memory_space<vmem>>, vector<16xi32>,
        %sub3A_603 = arith.constant 25088 : i32
        %sub3A_604 = vector.broadcast %sub3A_603 : i32 to vector<16xi32>
        %sub3A_605 = arith.subi %get3A_602, %sub3A_604 : vector<16xi32>
        %bitcast3A_606 = vector.bitcast %sub3A_605 : vector<16xi32> to vector<16xi32>
        %lt3A_607 = arith.constant 24960 : i32
        %lt3A_608 = vector.broadcast %lt3A_607 : i32 to vector<16xi32>
        %lt3A_609 = arith.cmpi ult, %bitcast3A_606, %lt3A_608 : vector<16xi32>
        %gather3A_610 = tpu.vector_load_idx %arg8[%broadcast_in_dim3A_23, %sub3A_605] masked %lt3A_609 : memref<2x25120xf32, #tpu.memory_space<vmem>>[vector<16xi32>, vector<16xi32>], vector<16xf32>, vector<16xi1>
        %jit3A_611 = arith.constant 0.000000e+00 : f32
        %broadcast_in_dim3A_612 = vector.broadcast %jit3A_611 : f32 to vector<16xf32>
        %select_n3A_613 = arith.select %lt3A_609, %gather3A_610, %broadcast_in_dim3A_612 : vector<16xi1>, vector<16xf32>
        %swap3A_614 = arith.constant 0 : i32
        %swap3A_615 = arith.index_cast %swap3A_614 : i32 to index
        %swap3A_616 = arith.index_cast %add3A_598 : i32 to index
        %swap3A_617 = tpu.vector_load %arg10[%swap3A_615, %swap3A_616] {strides = array<i32>} : memref<2x4096xf32, #tpu.memory_space<vmem>>, vector<16xf32>,
        tpu.vector_store %arg10[%swap3A_615, %swap3A_616], %select_n3A_613 {add = true, strides = array<i32>} : memref<2x4096xf32, #tpu.memory_space<vmem>>, vector<16xf32>,
        %gather3A_618 = tpu.vector_load_idx %arg8[%broadcast_in_dim3A_25, %sub3A_605] masked %lt3A_609 : memref<2x25120xf32, #tpu.memory_space<vmem>>[vector<16xi32>, vector<16xi32>], vector<16xf32>, vector<16xi1>
        %jit3A_619 = arith.constant 0.000000e+00 : f32
        %broadcast_in_dim3A_620 = vector.broadcast %jit3A_619 : f32 to vector<16xf32>
        %select_n3A_621 = arith.select %lt3A_609, %gather3A_618, %broadcast_in_dim3A_620 : vector<16xi1>, vector<16xf32>
        %swap3A_622 = arith.constant 1 : i32
        %swap3A_623 = arith.index_cast %swap3A_622 : i32 to index
        %swap3A_624 = arith.index_cast %add3A_598 : i32 to index
        %swap3A_625 = tpu.vector_load %arg10[%swap3A_623, %swap3A_624] {strides = array<i32>} : memref<2x4096xf32, #tpu.memory_space<vmem>>, vector<16xf32>,
        tpu.vector_store %arg10[%swap3A_623, %swap3A_624], %select_n3A_621 {add = true, strides = array<i32>} : memref<2x4096xf32, #tpu.memory_space<vmem>>, vector<16xf32>,
      }
      %scan3A_140 = arith.constant 32 : i32
      %mul3A_141 = arith.constant 64 : i32
      %mul3A_142 = arith.muli %add3A_65, %mul3A_141 : i32
      %add3A_143 = arith.addi %mul3A_142, %mul3A_2 : i32
      %dma_start3A_144 = arith.constant 0 : i32
      %dma_start3A_145 = arith.constant 0 : i32
      %dma_start3A_146 = tpu.memref_slice %arg8[%dma_start3A_144, %dma_start3A_145] : memref<2x25120xf32, #tpu.memory_space<vmem>> -> memref<2x24960xf32, #tpu.memory_space<vmem>>
      %dma_start3A_147 = arith.constant 75008 : i32
      %dma_start3A_148 = tpu.memref_slice %arg3[%add3A_143, %dma_start3A_147] : memref<1664x100000xf32, #tpu.memory_space<hbm>> -> memref<2x24960xf32, #tpu.memory_space<hbm>>
      %dma_start3A_149 = arith.constant 0 : i32
      %dma_start3A_150 = arith.constant 0 : i32
      %dma_start3A_151 = tpu.memref_slice %arg8[%dma_start3A_149, %dma_start3A_150] : memref<2x25120xf32, #tpu.memory_space<vmem>> -> memref<2x24960xf32, #tpu.memory_space<vmem>>
      %dma_start3A_152 = arith.constant 75008 : i32
      %dma_start3A_153 = tpu.memref_slice %arg3[%add3A_143, %dma_start3A_152] : memref<1664x100000xf32, #tpu.memory_space<hbm>> -> memref<2x24960xf32, #tpu.memory_space<hbm>>
      tpu.enqueue_dma source(%dma_start3A_153 : memref<2x24960xf32, #tpu.memory_space<hbm>>) target(%dma_start3A_151 : memref<2x24960xf32, #tpu.memory_space<vmem>>) target_semaphore(%arg12 : memref<!tpu.dma_semaphore, #tpu.memory_space<semaphore_mem>>)
      %dma_start3A_154 = arith.constant 0 : i32
      %dma_start3A_155 = tpu.memref_slice %arg4[%add3A_143, %dma_start3A_154] : memref<1664x32xf32, #tpu.memory_space<hbm>> -> memref<2x32xf32, #tpu.memory_space<hbm>>
      %dma_start3A_156 = arith.constant 0 : i32
      %dma_start3A_157 = tpu.memref_slice %arg4[%add3A_143, %dma_start3A_156] : memref<1664x32xf32, #tpu.memory_space<hbm>> -> memref<2x32xf32, #tpu.memory_space<hbm>>
      tpu.enqueue_dma source(%dma_start3A_157 : memref<2x32xf32, #tpu.memory_space<hbm>>) target(%arg9 : memref<2x32xf32, #tpu.memory_space<vmem>>) target_semaphore(%arg13 : memref<!tpu.dma_semaphore, #tpu.memory_space<semaphore_mem>>)
      %dma_wait3A_158 = arith.constant 0 : i32
      %dma_wait3A_159 = arith.constant 0 : i32
      %dma_wait3A_160 = tpu.memref_slice %arg7[%dma_wait3A_158, %dma_wait3A_159] : memref<2x25120xf32, #tpu.memory_space<vmem>> -> memref<2x24960xf32, #tpu.memory_space<vmem>>
      %dma_wait3A_161 = arith.constant 50048 : i32
      %dma_wait3A_162 = tpu.memref_slice %arg3[%add3A_95, %dma_wait3A_161] : memref<1664x100000xf32, #tpu.memory_space<hbm>> -> memref<2x24960xf32, #tpu.memory_space<hbm>>
      %dma_wait3A_163 = arith.constant 0 : i32
      %dma_wait3A_164 = arith.constant 0 : i32
      %dma_wait3A_165 = tpu.memref_slice %arg7[%dma_wait3A_163, %dma_wait3A_164] : memref<2x25120xf32, #tpu.memory_space<vmem>> -> memref<2x24960xf32, #tpu.memory_space<vmem>>
      %dma_wait3A_166 = arith.constant 50048 : i32
      %dma_wait3A_167 = tpu.memref_slice %arg3[%add3A_95, %dma_wait3A_166] : memref<1664x100000xf32, #tpu.memory_space<hbm>> -> memref<2x24960xf32, #tpu.memory_space<hbm>>
      tpu.wait_dma2 semaphore(%arg11 : memref<!tpu.dma_semaphore, #tpu.memory_space<semaphore_mem>>) src(%dma_wait3A_167 : memref<2x24960xf32, #tpu.memory_space<hbm>>) dst(%dma_wait3A_165 : memref<2x24960xf32, #tpu.memory_space<vmem>>)
      %scan3A_168 = arith.constant 0 : i32
      %scan3A_169 = arith.constant 0 : i32
      %scan3A_170 = arith.constant 32 : i32
      %scan3A_171 = arith.addi %scan3A_169, %scan3A_170 : i32
      %scan3A_172 = arith.constant 1 : i32
      scf.for %scan3A_396 = %scan3A_169 to %scan3A_171 step %scan3A_172  : i32 {
        %mul3A_397 = arith.constant 128 : i32
        %mul3A_398 = arith.muli %scan3A_396, %mul3A_397 : i32
        %multiple_of3A = tpu.assume_multiple %mul3A_398, 16 : i32
        %add3A_399 = arith.constant 0 : i32
        %add3A_400 = arith.addi %multiple_of3A, %add3A_399 : i32
        %get3A_401 = arith.constant 0 : i32
        %get3A_402 = arith.index_cast %get3A_401 : i32 to index
        %get3A_403 = arith.index_cast %add3A_400 : i32 to index
        %get3A_404 = tpu.vector_load %arg6[%get3A_402, %get3A_403] {strides = array<i32>} : memref<2x4096xi32, #tpu.memory_space<vmem>>, vector<16xi32>,
        %sub3A = arith.constant 50048 : i32
        %sub3A_405 = vector.broadcast %sub3A : i32 to vector<16xi32>
        %sub3A_406 = arith.subi %get3A_404, %sub3A_405 : vector<16xi32>
        %bitcast3A = vector.bitcast %sub3A_406 : vector<16xi32> to vector<16xi32>
        %lt3A_407 = arith.constant 24960 : i32
        %lt3A_408 = vector.broadcast %lt3A_407 : i32 to vector<16xi32>
        %lt3A_409 = arith.cmpi ult, %bitcast3A, %lt3A_408 : vector<16xi32>
        %gather3A = tpu.vector_load_idx %arg7[%broadcast_in_dim3A_23, %sub3A_406] masked %lt3A_409 : memref<2x25120xf32, #tpu.memory_space<vmem>>[vector<16xi32>, vector<16xi32>], vector<16xf32>, vector<16xi1>
        %jit3A = arith.constant 0.000000e+00 : f32
        %broadcast_in_dim3A_410 = vector.broadcast %jit3A : f32 to vector<16xf32>
        %select_n3A = arith.select %lt3A_409, %gather3A, %broadcast_in_dim3A_410 : vector<16xi1>, vector<16xf32>
        %swap3A_411 = arith.constant 0 : i32
        %swap3A_412 = arith.index_cast %swap3A_411 : i32 to index
        %swap3A_413 = arith.index_cast %add3A_400 : i32 to index
        %swap3A_414 = tpu.vector_load %arg10[%swap3A_412, %swap3A_413] {strides = array<i32>} : memref<2x4096xf32, #tpu.memory_space<vmem>>, vector<16xf32>,
        tpu.vector_store %arg10[%swap3A_412, %swap3A_413], %select_n3A {add = true, strides = array<i32>} : memref<2x4096xf32, #tpu.memory_space<vmem>>, vector<16xf32>,
        %gather3A_415 = tpu.vector_load_idx %arg7[%broadcast_in_dim3A_25, %sub3A_406] masked %lt3A_409 : memref<2x25120xf32, #tpu.memory_space<vmem>>[vector<16xi32>, vector<16xi32>], vector<16xf32>, vector<16xi1>
        %jit3A_416 = arith.constant 0.000000e+00 : f32
        %broadcast_in_dim3A_417 = vector.broadcast %jit3A_416 : f32 to vector<16xf32>
        %select_n3A_418 = arith.select %lt3A_409, %gather3A_415, %broadcast_in_dim3A_417 : vector<16xi1>, vector<16xf32>
        %swap3A_419 = arith.constant 1 : i32
        %swap3A_420 = arith.index_cast %swap3A_419 : i32 to index
        %swap3A_421 = arith.index_cast %add3A_400 : i32 to index
        %swap3A_422 = tpu.vector_load %arg10[%swap3A_420, %swap3A_421] {strides = array<i32>} : memref<2x4096xf32, #tpu.memory_space<vmem>>, vector<16xf32>,
        tpu.vector_store %arg10[%swap3A_420, %swap3A_421], %select_n3A_418 {add = true, strides = array<i32>} : memref<2x4096xf32, #tpu.memory_space<vmem>>, vector<16xf32>,
        %add3A_423 = arith.constant 16 : i32
        %add3A_424 = arith.addi %multiple_of3A, %add3A_423 : i32
        %get3A_425 = arith.constant 0 : i32
        %get3A_426 = arith.index_cast %get3A_425 : i32 to index
        %get3A_427 = arith.index_cast %add3A_424 : i32 to index
        %get3A_428 = tpu.vector_load %arg6[%get3A_426, %get3A_427] {strides = array<i32>} : memref<2x4096xi32, #tpu.memory_space<vmem>>, vector<16xi32>,
        %sub3A_429 = arith.constant 50048 : i32
        %sub3A_430 = vector.broadcast %sub3A_429 : i32 to vector<16xi32>
        %sub3A_431 = arith.subi %get3A_428, %sub3A_430 : vector<16xi32>
        %bitcast3A_432 = vector.bitcast %sub3A_431 : vector<16xi32> to vector<16xi32>
        %lt3A_433 = arith.constant 24960 : i32
        %lt3A_434 = vector.broadcast %lt3A_433 : i32 to vector<16xi32>
        %lt3A_435 = arith.cmpi ult, %bitcast3A_432, %lt3A_434 : vector<16xi32>
        %gather3A_436 = tpu.vector_load_idx %arg7[%broadcast_in_dim3A_23, %sub3A_431] masked %lt3A_435 : memref<2x25120xf32, #tpu.memory_space<vmem>>[vector<16xi32>, vector<16xi32>], vector<16xf32>, vector<16xi1>
        %jit3A_437 = arith.constant 0.000000e+00 : f32
        %broadcast_in_dim3A_438 = vector.broadcast %jit3A_437 : f32 to vector<16xf32>
        %select_n3A_439 = arith.select %lt3A_435, %gather3A_436, %broadcast_in_dim3A_438 : vector<16xi1>, vector<16xf32>
        %swap3A_440 = arith.constant 0 : i32
        %swap3A_441 = arith.index_cast %swap3A_440 : i32 to index
        %swap3A_442 = arith.index_cast %add3A_424 : i32 to index
        %swap3A_443 = tpu.vector_load %arg10[%swap3A_441, %swap3A_442] {strides = array<i32>} : memref<2x4096xf32, #tpu.memory_space<vmem>>, vector<16xf32>,
        tpu.vector_store %arg10[%swap3A_441, %swap3A_442], %select_n3A_439 {add = true, strides = array<i32>} : memref<2x4096xf32, #tpu.memory_space<vmem>>, vector<16xf32>,
        %gather3A_444 = tpu.vector_load_idx %arg7[%broadcast_in_dim3A_25, %sub3A_431] masked %lt3A_435 : memref<2x25120xf32, #tpu.memory_space<vmem>>[vector<16xi32>, vector<16xi32>], vector<16xf32>, vector<16xi1>
        %jit3A_445 = arith.constant 0.000000e+00 : f32
        %broadcast_in_dim3A_446 = vector.broadcast %jit3A_445 : f32 to vector<16xf32>
        %select_n3A_447 = arith.select %lt3A_435, %gather3A_444, %broadcast_in_dim3A_446 : vector<16xi1>, vector<16xf32>
        %swap3A_448 = arith.constant 1 : i32
        %swap3A_449 = arith.index_cast %swap3A_448 : i32 to index
        %swap3A_450 = arith.index_cast %add3A_424 : i32 to index
        %swap3A_451 = tpu.vector_load %arg10[%swap3A_449, %swap3A_450] {strides = array<i32>} : memref<2x4096xf32, #tpu.memory_space<vmem>>, vector<16xf32>,
        tpu.vector_store %arg10[%swap3A_449, %swap3A_450], %select_n3A_447 {add = true, strides = array<i32>} : memref<2x4096xf32, #tpu.memory_space<vmem>>, vector<16xf32>,
        %add3A_452 = arith.constant 32 : i32
        %add3A_453 = arith.addi %multiple_of3A, %add3A_452 : i32
        %get3A_454 = arith.constant 0 : i32
        %get3A_455 = arith.index_cast %get3A_454 : i32 to index
        %get3A_456 = arith.index_cast %add3A_453 : i32 to index
        %get3A_457 = tpu.vector_load %arg6[%get3A_455, %get3A_456] {strides = array<i32>} : memref<2x4096xi32, #tpu.memory_space<vmem>>, vector<16xi32>,
        %sub3A_458 = arith.constant 50048 : i32
        %sub3A_459 = vector.broadcast %sub3A_458 : i32 to vector<16xi32>
        %sub3A_460 = arith.subi %get3A_457, %sub3A_459 : vector<16xi32>
        %bitcast3A_461 = vector.bitcast %sub3A_460 : vector<16xi32> to vector<16xi32>
        %lt3A_462 = arith.constant 24960 : i32
        %lt3A_463 = vector.broadcast %lt3A_462 : i32 to vector<16xi32>
        %lt3A_464 = arith.cmpi ult, %bitcast3A_461, %lt3A_463 : vector<16xi32>
        %gather3A_465 = tpu.vector_load_idx %arg7[%broadcast_in_dim3A_23, %sub3A_460] masked %lt3A_464 : memref<2x25120xf32, #tpu.memory_space<vmem>>[vector<16xi32>, vector<16xi32>], vector<16xf32>, vector<16xi1>
        %jit3A_466 = arith.constant 0.000000e+00 : f32
        %broadcast_in_dim3A_467 = vector.broadcast %jit3A_466 : f32 to vector<16xf32>
        %select_n3A_468 = arith.select %lt3A_464, %gather3A_465, %broadcast_in_dim3A_467 : vector<16xi1>, vector<16xf32>
        %swap3A_469 = arith.constant 0 : i32
        %swap3A_470 = arith.index_cast %swap3A_469 : i32 to index
        %swap3A_471 = arith.index_cast %add3A_453 : i32 to index
        %swap3A_472 = tpu.vector_load %arg10[%swap3A_470, %swap3A_471] {strides = array<i32>} : memref<2x4096xf32, #tpu.memory_space<vmem>>, vector<16xf32>,
        tpu.vector_store %arg10[%swap3A_470, %swap3A_471], %select_n3A_468 {add = true, strides = array<i32>} : memref<2x4096xf32, #tpu.memory_space<vmem>>, vector<16xf32>,
        %gather3A_473 = tpu.vector_load_idx %arg7[%broadcast_in_dim3A_25, %sub3A_460] masked %lt3A_464 : memref<2x25120xf32, #tpu.memory_space<vmem>>[vector<16xi32>, vector<16xi32>], vector<16xf32>, vector<16xi1>
        %jit3A_474 = arith.constant 0.000000e+00 : f32
        %broadcast_in_dim3A_475 = vector.broadcast %jit3A_474 : f32 to vector<16xf32>
        %select_n3A_476 = arith.select %lt3A_464, %gather3A_473, %broadcast_in_dim3A_475 : vector<16xi1>, vector<16xf32>
        %swap3A_477 = arith.constant 1 : i32
        %swap3A_478 = arith.index_cast %swap3A_477 : i32 to index
        %swap3A_479 = arith.index_cast %add3A_453 : i32 to index
        %swap3A_480 = tpu.vector_load %arg10[%swap3A_478, %swap3A_479] {strides = array<i32>} : memref<2x4096xf32, #tpu.memory_space<vmem>>, vector<16xf32>,
        tpu.vector_store %arg10[%swap3A_478, %swap3A_479], %select_n3A_476 {add = true, strides = array<i32>} : memref<2x4096xf32, #tpu.memory_space<vmem>>, vector<16xf32>,
        %add3A_481 = arith.constant 48 : i32
        %add3A_482 = arith.addi %multiple_of3A, %add3A_481 : i32
        %get3A_483 = arith.constant 0 : i32
        %get3A_484 = arith.index_cast %get3A_483 : i32 to index
        %get3A_485 = arith.index_cast %add3A_482 : i32 to index
        %get3A_486 = tpu.vector_load %arg6[%get3A_484, %get3A_485] {strides = array<i32>} : memref<2x4096xi32, #tpu.memory_space<vmem>>, vector<16xi32>,
        %sub3A_487 = arith.constant 50048 : i32
        %sub3A_488 = vector.broadcast %sub3A_487 : i32 to vector<16xi32>
        %sub3A_489 = arith.subi %get3A_486, %sub3A_488 : vector<16xi32>
        %bitcast3A_490 = vector.bitcast %sub3A_489 : vector<16xi32> to vector<16xi32>
        %lt3A_491 = arith.constant 24960 : i32
        %lt3A_492 = vector.broadcast %lt3A_491 : i32 to vector<16xi32>
        %lt3A_493 = arith.cmpi ult, %bitcast3A_490, %lt3A_492 : vector<16xi32>
        %gather3A_494 = tpu.vector_load_idx %arg7[%broadcast_in_dim3A_23, %sub3A_489] masked %lt3A_493 : memref<2x25120xf32, #tpu.memory_space<vmem>>[vector<16xi32>, vector<16xi32>], vector<16xf32>, vector<16xi1>
        %jit3A_495 = arith.constant 0.000000e+00 : f32
        %broadcast_in_dim3A_496 = vector.broadcast %jit3A_495 : f32 to vector<16xf32>
        %select_n3A_497 = arith.select %lt3A_493, %gather3A_494, %broadcast_in_dim3A_496 : vector<16xi1>, vector<16xf32>
        %swap3A_498 = arith.constant 0 : i32
        %swap3A_499 = arith.index_cast %swap3A_498 : i32 to index
        %swap3A_500 = arith.index_cast %add3A_482 : i32 to index
        %swap3A_501 = tpu.vector_load %arg10[%swap3A_499, %swap3A_500] {strides = array<i32>} : memref<2x4096xf32, #tpu.memory_space<vmem>>, vector<16xf32>,
        tpu.vector_store %arg10[%swap3A_499, %swap3A_500], %select_n3A_497 {add = true, strides = array<i32>} : memref<2x4096xf32, #tpu.memory_space<vmem>>, vector<16xf32>,
        %gather3A_502 = tpu.vector_load_idx %arg7[%broadcast_in_dim3A_25, %sub3A_489] masked %lt3A_493 : memref<2x25120xf32, #tpu.memory_space<vmem>>[vector<16xi32>, vector<16xi32>], vector<16xf32>, vector<16xi1>
        %jit3A_503 = arith.constant 0.000000e+00 : f32
        %broadcast_in_dim3A_504 = vector.broadcast %jit3A_503 : f32 to vector<16xf32>
        %select_n3A_505 = arith.select %lt3A_493, %gather3A_502, %broadcast_in_dim3A_504 : vector<16xi1>, vector<16xf32>
        %swap3A_506 = arith.constant 1 : i32
        %swap3A_507 = arith.index_cast %swap3A_506 : i32 to index
        %swap3A_508 = arith.index_cast %add3A_482 : i32 to index
        %swap3A_509 = tpu.vector_load %arg10[%swap3A_507, %swap3A_508] {strides = array<i32>} : memref<2x4096xf32, #tpu.memory_space<vmem>>, vector<16xf32>,
        tpu.vector_store %arg10[%swap3A_507, %swap3A_508], %select_n3A_505 {add = true, strides = array<i32>} : memref<2x4096xf32, #tpu.memory_space<vmem>>, vector<16xf32>,
        %add3A_510 = arith.constant 64 : i32
        %add3A_511 = arith.addi %multiple_of3A, %add3A_510 : i32
        %get3A_512 = arith.constant 0 : i32
        %get3A_513 = arith.index_cast %get3A_512 : i32 to index
        %get3A_514 = arith.index_cast %add3A_511 : i32 to index
        %get3A_515 = tpu.vector_load %arg6[%get3A_513, %get3A_514] {strides = array<i32>} : memref<2x4096xi32, #tpu.memory_space<vmem>>, vector<16xi32>,
        %sub3A_516 = arith.constant 50048 : i32
        %sub3A_517 = vector.broadcast %sub3A_516 : i32 to vector<16xi32>
        %sub3A_518 = arith.subi %get3A_515, %sub3A_517 : vector<16xi32>
        %bitcast3A_519 = vector.bitcast %sub3A_518 : vector<16xi32> to vector<16xi32>
        %lt3A_520 = arith.constant 24960 : i32
        %lt3A_521 = vector.broadcast %lt3A_520 : i32 to vector<16xi32>
        %lt3A_522 = arith.cmpi ult, %bitcast3A_519, %lt3A_521 : vector<16xi32>
        %gather3A_523 = tpu.vector_load_idx %arg7[%broadcast_in_dim3A_23, %sub3A_518] masked %lt3A_522 : memref<2x25120xf32, #tpu.memory_space<vmem>>[vector<16xi32>, vector<16xi32>], vector<16xf32>, vector<16xi1>
        %jit3A_524 = arith.constant 0.000000e+00 : f32
        %broadcast_in_dim3A_525 = vector.broadcast %jit3A_524 : f32 to vector<16xf32>
        %select_n3A_526 = arith.select %lt3A_522, %gather3A_523, %broadcast_in_dim3A_525 : vector<16xi1>, vector<16xf32>
        %swap3A_527 = arith.constant 0 : i32
        %swap3A_528 = arith.index_cast %swap3A_527 : i32 to index
        %swap3A_529 = arith.index_cast %add3A_511 : i32 to index
        %swap3A_530 = tpu.vector_load %arg10[%swap3A_528, %swap3A_529] {strides = array<i32>} : memref<2x4096xf32, #tpu.memory_space<vmem>>, vector<16xf32>,
        tpu.vector_store %arg10[%swap3A_528, %swap3A_529], %select_n3A_526 {add = true, strides = array<i32>} : memref<2x4096xf32, #tpu.memory_space<vmem>>, vector<16xf32>,
        %gather3A_531 = tpu.vector_load_idx %arg7[%broadcast_in_dim3A_25, %sub3A_518] masked %lt3A_522 : memref<2x25120xf32, #tpu.memory_space<vmem>>[vector<16xi32>, vector<16xi32>], vector<16xf32>, vector<16xi1>
        %jit3A_532 = arith.constant 0.000000e+00 : f32
        %broadcast_in_dim3A_533 = vector.broadcast %jit3A_532 : f32 to vector<16xf32>
        %select_n3A_534 = arith.select %lt3A_522, %gather3A_531, %broadcast_in_dim3A_533 : vector<16xi1>, vector<16xf32>
        %swap3A_535 = arith.constant 1 : i32
        %swap3A_536 = arith.index_cast %swap3A_535 : i32 to index
        %swap3A_537 = arith.index_cast %add3A_511 : i32 to index
        %swap3A_538 = tpu.vector_load %arg10[%swap3A_536, %swap3A_537] {strides = array<i32>} : memref<2x4096xf32, #tpu.memory_space<vmem>>, vector<16xf32>,
        tpu.vector_store %arg10[%swap3A_536, %swap3A_537], %select_n3A_534 {add = true, strides = array<i32>} : memref<2x4096xf32, #tpu.memory_space<vmem>>, vector<16xf32>,
        %add3A_539 = arith.constant 80 : i32
        %add3A_540 = arith.addi %multiple_of3A, %add3A_539 : i32
        %get3A_541 = arith.constant 0 : i32
        %get3A_542 = arith.index_cast %get3A_541 : i32 to index
        %get3A_543 = arith.index_cast %add3A_540 : i32 to index
        %get3A_544 = tpu.vector_load %arg6[%get3A_542, %get3A_543] {strides = array<i32>} : memref<2x4096xi32, #tpu.memory_space<vmem>>, vector<16xi32>,
        %sub3A_545 = arith.constant 50048 : i32
        %sub3A_546 = vector.broadcast %sub3A_545 : i32 to vector<16xi32>
        %sub3A_547 = arith.subi %get3A_544, %sub3A_546 : vector<16xi32>
        %bitcast3A_548 = vector.bitcast %sub3A_547 : vector<16xi32> to vector<16xi32>
        %lt3A_549 = arith.constant 24960 : i32
        %lt3A_550 = vector.broadcast %lt3A_549 : i32 to vector<16xi32>
        %lt3A_551 = arith.cmpi ult, %bitcast3A_548, %lt3A_550 : vector<16xi32>
        %gather3A_552 = tpu.vector_load_idx %arg7[%broadcast_in_dim3A_23, %sub3A_547] masked %lt3A_551 : memref<2x25120xf32, #tpu.memory_space<vmem>>[vector<16xi32>, vector<16xi32>], vector<16xf32>, vector<16xi1>
        %jit3A_553 = arith.constant 0.000000e+00 : f32
        %broadcast_in_dim3A_554 = vector.broadcast %jit3A_553 : f32 to vector<16xf32>
        %select_n3A_555 = arith.select %lt3A_551, %gather3A_552, %broadcast_in_dim3A_554 : vector<16xi1>, vector<16xf32>
        %swap3A_556 = arith.constant 0 : i32
        %swap3A_557 = arith.index_cast %swap3A_556 : i32 to index
        %swap3A_558 = arith.index_cast %add3A_540 : i32 to index
        %swap3A_559 = tpu.vector_load %arg10[%swap3A_557, %swap3A_558] {strides = array<i32>} : memref<2x4096xf32, #tpu.memory_space<vmem>>, vector<16xf32>,
        tpu.vector_store %arg10[%swap3A_557, %swap3A_558], %select_n3A_555 {add = true, strides = array<i32>} : memref<2x4096xf32, #tpu.memory_space<vmem>>, vector<16xf32>,
        %gather3A_560 = tpu.vector_load_idx %arg7[%broadcast_in_dim3A_25, %sub3A_547] masked %lt3A_551 : memref<2x25120xf32, #tpu.memory_space<vmem>>[vector<16xi32>, vector<16xi32>], vector<16xf32>, vector<16xi1>
        %jit3A_561 = arith.constant 0.000000e+00 : f32
        %broadcast_in_dim3A_562 = vector.broadcast %jit3A_561 : f32 to vector<16xf32>
        %select_n3A_563 = arith.select %lt3A_551, %gather3A_560, %broadcast_in_dim3A_562 : vector<16xi1>, vector<16xf32>
        %swap3A_564 = arith.constant 1 : i32
        %swap3A_565 = arith.index_cast %swap3A_564 : i32 to index
        %swap3A_566 = arith.index_cast %add3A_540 : i32 to index
        %swap3A_567 = tpu.vector_load %arg10[%swap3A_565, %swap3A_566] {strides = array<i32>} : memref<2x4096xf32, #tpu.memory_space<vmem>>, vector<16xf32>,
        tpu.vector_store %arg10[%swap3A_565, %swap3A_566], %select_n3A_563 {add = true, strides = array<i32>} : memref<2x4096xf32, #tpu.memory_space<vmem>>, vector<16xf32>,
        %add3A_568 = arith.constant 96 : i32
        %add3A_569 = arith.addi %multiple_of3A, %add3A_568 : i32
        %get3A_570 = arith.constant 0 : i32
        %get3A_571 = arith.index_cast %get3A_570 : i32 to index
        %get3A_572 = arith.index_cast %add3A_569 : i32 to index
        %get3A_573 = tpu.vector_load %arg6[%get3A_571, %get3A_572] {strides = array<i32>} : memref<2x4096xi32, #tpu.memory_space<vmem>>, vector<16xi32>,
        %sub3A_574 = arith.constant 50048 : i32
        %sub3A_575 = vector.broadcast %sub3A_574 : i32 to vector<16xi32>
        %sub3A_576 = arith.subi %get3A_573, %sub3A_575 : vector<16xi32>
        %bitcast3A_577 = vector.bitcast %sub3A_576 : vector<16xi32> to vector<16xi32>
        %lt3A_578 = arith.constant 24960 : i32
        %lt3A_579 = vector.broadcast %lt3A_578 : i32 to vector<16xi32>
        %lt3A_580 = arith.cmpi ult, %bitcast3A_577, %lt3A_579 : vector<16xi32>
        %gather3A_581 = tpu.vector_load_idx %arg7[%broadcast_in_dim3A_23, %sub3A_576] masked %lt3A_580 : memref<2x25120xf32, #tpu.memory_space<vmem>>[vector<16xi32>, vector<16xi32>], vector<16xf32>, vector<16xi1>
        %jit3A_582 = arith.constant 0.000000e+00 : f32
        %broadcast_in_dim3A_583 = vector.broadcast %jit3A_582 : f32 to vector<16xf32>
        %select_n3A_584 = arith.select %lt3A_580, %gather3A_581, %broadcast_in_dim3A_583 : vector<16xi1>, vector<16xf32>
        %swap3A_585 = arith.constant 0 : i32
        %swap3A_586 = arith.index_cast %swap3A_585 : i32 to index
        %swap3A_587 = arith.index_cast %add3A_569 : i32 to index
        %swap3A_588 = tpu.vector_load %arg10[%swap3A_586, %swap3A_587] {strides = array<i32>} : memref<2x4096xf32, #tpu.memory_space<vmem>>, vector<16xf32>,
        tpu.vector_store %arg10[%swap3A_586, %swap3A_587], %select_n3A_584 {add = true, strides = array<i32>} : memref<2x4096xf32, #tpu.memory_space<vmem>>, vector<16xf32>,
        %gather3A_589 = tpu.vector_load_idx %arg7[%broadcast_in_dim3A_25, %sub3A_576] masked %lt3A_580 : memref<2x25120xf32, #tpu.memory_space<vmem>>[vector<16xi32>, vector<16xi32>], vector<16xf32>, vector<16xi1>
        %jit3A_590 = arith.constant 0.000000e+00 : f32
        %broadcast_in_dim3A_591 = vector.broadcast %jit3A_590 : f32 to vector<16xf32>
        %select_n3A_592 = arith.select %lt3A_580, %gather3A_589, %broadcast_in_dim3A_591 : vector<16xi1>, vector<16xf32>
        %swap3A_593 = arith.constant 1 : i32
        %swap3A_594 = arith.index_cast %swap3A_593 : i32 to index
        %swap3A_595 = arith.index_cast %add3A_569 : i32 to index
        %swap3A_596 = tpu.vector_load %arg10[%swap3A_594, %swap3A_595] {strides = array<i32>} : memref<2x4096xf32, #tpu.memory_space<vmem>>, vector<16xf32>,
        tpu.vector_store %arg10[%swap3A_594, %swap3A_595], %select_n3A_592 {add = true, strides = array<i32>} : memref<2x4096xf32, #tpu.memory_space<vmem>>, vector<16xf32>,
        %add3A_597 = arith.constant 112 : i32
        %add3A_598 = arith.addi %multiple_of3A, %add3A_597 : i32
        %get3A_599 = arith.constant 0 : i32
        %get3A_600 = arith.index_cast %get3A_599 : i32 to index
        %get3A_601 = arith.index_cast %add3A_598 : i32 to index
        %get3A_602 = tpu.vector_load %arg6[%get3A_600, %get3A_601] {strides = array<i32>} : memref<2x4096xi32, #tpu.memory_space<vmem>>, vector<16xi32>,
        %sub3A_603 = arith.constant 50048 : i32
        %sub3A_604 = vector.broadcast %sub3A_603 : i32 to vector<16xi32>
        %sub3A_605 = arith.subi %get3A_602, %sub3A_604 : vector<16xi32>
        %bitcast3A_606 = vector.bitcast %sub3A_605 : vector<16xi32> to vector<16xi32>
        %lt3A_607 = arith.constant 24960 : i32
        %lt3A_608 = vector.broadcast %lt3A_607 : i32 to vector<16xi32>
        %lt3A_609 = arith.cmpi ult, %bitcast3A_606, %lt3A_608 : vector<16xi32>
        %gather3A_610 = tpu.vector_load_idx %arg7[%broadcast_in_dim3A_23, %sub3A_605] masked %lt3A_609 : memref<2x25120xf32, #tpu.memory_space<vmem>>[vector<16xi32>, vector<16xi32>], vector<16xf32>, vector<16xi1>
        %jit3A_611 = arith.constant 0.000000e+00 : f32
        %broadcast_in_dim3A_612 = vector.broadcast %jit3A_611 : f32 to vector<16xf32>
        %select_n3A_613 = arith.select %lt3A_609, %gather3A_610, %broadcast_in_dim3A_612 : vector<16xi1>, vector<16xf32>
        %swap3A_614 = arith.constant 0 : i32
        %swap3A_615 = arith.index_cast %swap3A_614 : i32 to index
        %swap3A_616 = arith.index_cast %add3A_598 : i32 to index
        %swap3A_617 = tpu.vector_load %arg10[%swap3A_615, %swap3A_616] {strides = array<i32>} : memref<2x4096xf32, #tpu.memory_space<vmem>>, vector<16xf32>,
        tpu.vector_store %arg10[%swap3A_615, %swap3A_616], %select_n3A_613 {add = true, strides = array<i32>} : memref<2x4096xf32, #tpu.memory_space<vmem>>, vector<16xf32>,
        %gather3A_618 = tpu.vector_load_idx %arg7[%broadcast_in_dim3A_25, %sub3A_605] masked %lt3A_609 : memref<2x25120xf32, #tpu.memory_space<vmem>>[vector<16xi32>, vector<16xi32>], vector<16xf32>, vector<16xi1>
        %jit3A_619 = arith.constant 0.000000e+00 : f32
        %broadcast_in_dim3A_620 = vector.broadcast %jit3A_619 : f32 to vector<16xf32>
        %select_n3A_621 = arith.select %lt3A_609, %gather3A_618, %broadcast_in_dim3A_620 : vector<16xi1>, vector<16xf32>
        %swap3A_622 = arith.constant 1 : i32
        %swap3A_623 = arith.index_cast %swap3A_622 : i32 to index
        %swap3A_624 = arith.index_cast %add3A_598 : i32 to index
        %swap3A_625 = tpu.vector_load %arg10[%swap3A_623, %swap3A_624] {strides = array<i32>} : memref<2x4096xf32, #tpu.memory_space<vmem>>, vector<16xf32>,
        tpu.vector_store %arg10[%swap3A_623, %swap3A_624], %select_n3A_621 {add = true, strides = array<i32>} : memref<2x4096xf32, #tpu.memory_space<vmem>>, vector<16xf32>,
      }
      %scan3A_173 = arith.constant 32 : i32
      %lt3A = arith.constant 25 : i32
      %lt3A_174 = arith.cmpi slt, %add3A_65, %lt3A : i32
      %convert_element_type3A = arith.extui %lt3A_174 : i1 to i32
      %cond3A = arith.constant 0 : i32
      %cond3A_175 = arith.cmpi ne, %convert_element_type3A, %cond3A : i32
      scf.if %cond3A_175 {
        %add3A_396 = arith.constant 1 : i32
        %add3A_397 = arith.addi %add3A_65, %add3A_396 : i32
        %mul3A_398 = arith.constant 64 : i32
        %mul3A_399 = arith.muli %add3A_397, %mul3A_398 : i32
        %add3A_400 = arith.addi %mul3A_399, %mul3A_2 : i32
        %dma_start3A_401 = arith.constant 0 : i32
        %dma_start3A_402 = arith.constant 0 : i32
        %dma_start3A_403 = tpu.memref_slice %arg7[%dma_start3A_401, %dma_start3A_402] : memref<2x25120xf32, #tpu.memory_space<vmem>> -> memref<2x25088xf32, #tpu.memory_space<vmem>>
        %dma_start3A_404 = arith.constant 0 : i32
        %dma_start3A_405 = tpu.memref_slice %arg3[%add3A_400, %dma_start3A_404] : memref<1664x100000xf32, #tpu.memory_space<hbm>> -> memref<2x25088xf32, #tpu.memory_space<hbm>>
        %dma_start3A_406 = arith.constant 0 : i32
        %dma_start3A_407 = arith.constant 0 : i32
        %dma_start3A_408 = tpu.memref_slice %arg7[%dma_start3A_406, %dma_start3A_407] : memref<2x25120xf32, #tpu.memory_space<vmem>> -> memref<2x25088xf32, #tpu.memory_space<vmem>>
        %dma_start3A_409 = arith.constant 0 : i32
        %dma_start3A_410 = tpu.memref_slice %arg3[%add3A_400, %dma_start3A_409] : memref<1664x100000xf32, #tpu.memory_space<hbm>> -> memref<2x25088xf32, #tpu.memory_space<hbm>>
        tpu.enqueue_dma source(%dma_start3A_410 : memref<2x25088xf32, #tpu.memory_space<hbm>>) target(%dma_start3A_408 : memref<2x25088xf32, #tpu.memory_space<vmem>>) target_semaphore(%arg11 : memref<!tpu.dma_semaphore, #tpu.memory_space<semaphore_mem>>)
      } else {
      }
      %dma_wait3A_176 = arith.constant 0 : i32
      %dma_wait3A_177 = arith.constant 0 : i32
      %dma_wait3A_178 = tpu.memref_slice %arg8[%dma_wait3A_176, %dma_wait3A_177] : memref<2x25120xf32, #tpu.memory_space<vmem>> -> memref<2x24960xf32, #tpu.memory_space<vmem>>
      %dma_wait3A_179 = arith.constant 75008 : i32
      %dma_wait3A_180 = tpu.memref_slice %arg3[%add3A_95, %dma_wait3A_179] : memref<1664x100000xf32, #tpu.memory_space<hbm>> -> memref<2x24960xf32, #tpu.memory_space<hbm>>
      %dma_wait3A_181 = arith.constant 0 : i32
      %dma_wait3A_182 = arith.constant 0 : i32
      %dma_wait3A_183 = tpu.memref_slice %arg8[%dma_wait3A_181, %dma_wait3A_182] : memref<2x25120xf32, #tpu.memory_space<vmem>> -> memref<2x24960xf32, #tpu.memory_space<vmem>>
      %dma_wait3A_184 = arith.constant 75008 : i32
      %dma_wait3A_185 = tpu.memref_slice %arg3[%add3A_95, %dma_wait3A_184] : memref<1664x100000xf32, #tpu.memory_space<hbm>> -> memref<2x24960xf32, #tpu.memory_space<hbm>>
      tpu.wait_dma2 semaphore(%arg12 : memref<!tpu.dma_semaphore, #tpu.memory_space<semaphore_mem>>) src(%dma_wait3A_185 : memref<2x24960xf32, #tpu.memory_space<hbm>>) dst(%dma_wait3A_183 : memref<2x24960xf32, #tpu.memory_space<vmem>>)
      %dma_wait3A_186 = arith.constant 0 : i32
      %dma_wait3A_187 = tpu.memref_slice %arg4[%add3A_95, %dma_wait3A_186] : memref<1664x32xf32, #tpu.memory_space<hbm>> -> memref<2x32xf32, #tpu.memory_space<hbm>>
      %dma_wait3A_188 = arith.constant 0 : i32
      %dma_wait3A_189 = tpu.memref_slice %arg4[%add3A_95, %dma_wait3A_188] : memref<1664x32xf32, #tpu.memory_space<hbm>> -> memref<2x32xf32, #tpu.memory_space<hbm>>
      tpu.wait_dma2 semaphore(%arg13 : memref<!tpu.dma_semaphore, #tpu.memory_space<semaphore_mem>>) src(%dma_wait3A_189 : memref<2x32xf32, #tpu.memory_space<hbm>>) dst(%arg9 : memref<2x32xf32, #tpu.memory_space<vmem>>)
      %get3A = arith.constant 0 : i32
      %get3A_190 = arith.index_cast %get3A : i32 to index
      %get3A_191 = arith.constant 0 : index
      %get3A_192 = tpu.vector_load %arg9[%get3A_190, %get3A_191] {strides = array<i32>} : memref<2x32xf32, #tpu.memory_space<vmem>>, vector<16xf32>,
      %swap3A = arith.constant 0 : i32
      %swap3A_193 = arith.index_cast %swap3A : i32 to index
      %swap3A_194 = arith.constant 24960 : index
      %swap3A_195 = tpu.vector_load %arg8[%swap3A_193, %swap3A_194] {strides = array<i32>} : memref<2x25120xf32, #tpu.memory_space<vmem>>, vector<16xf32>,
      tpu.vector_store %arg8[%swap3A_193, %swap3A_194], %get3A_192 {strides = array<i32>} : memref<2x25120xf32, #tpu.memory_space<vmem>>, vector<16xf32>,
      %get3A_196 = arith.constant 0 : i32
      %get3A_197 = arith.index_cast %get3A_196 : i32 to index
      %get3A_198 = arith.constant 16 : index
      %get3A_199 = tpu.vector_load %arg9[%get3A_197, %get3A_198] {strides = array<i32>} : memref<2x32xf32, #tpu.memory_space<vmem>>, vector<16xf32>,
      %swap3A_200 = arith.constant 0 : i32
      %swap3A_201 = arith.index_cast %swap3A_200 : i32 to index
      %swap3A_202 = arith.constant 24976 : index
      %swap3A_203 = tpu.vector_load %arg8[%swap3A_201, %swap3A_202] {strides = array<i32>} : memref<2x25120xf32, #tpu.memory_space<vmem>>, vector<16xf32>,
      tpu.vector_store %arg8[%swap3A_201, %swap3A_202], %get3A_199 {strides = array<i32>} : memref<2x25120xf32, #tpu.memory_space<vmem>>, vector<16xf32>,
      %get3A_204 = arith.constant 1 : i32
      %get3A_205 = arith.index_cast %get3A_204 : i32 to index
      %get3A_206 = arith.constant 0 : index
      %get3A_207 = tpu.vector_load %arg9[%get3A_205, %get3A_206] {strides = array<i32>} : memref<2x32xf32, #tpu.memory_space<vmem>>, vector<16xf32>,
      %swap3A_208 = arith.constant 1 : i32
      %swap3A_209 = arith.index_cast %swap3A_208 : i32 to index
      %swap3A_210 = arith.constant 24960 : index
      %swap3A_211 = tpu.vector_load %arg8[%swap3A_209, %swap3A_210] {strides = array<i32>} : memref<2x25120xf32, #tpu.memory_space<vmem>>, vector<16xf32>,
      tpu.vector_store %arg8[%swap3A_209, %swap3A_210], %get3A_207 {strides = array<i32>} : memref<2x25120xf32, #tpu.memory_space<vmem>>, vector<16xf32>,
      %get3A_212 = arith.constant 1 : i32
      %get3A_213 = arith.index_cast %get3A_212 : i32 to index
      %get3A_214 = arith.constant 16 : index
      %get3A_215 = tpu.vector_load %arg9[%get3A_213, %get3A_214] {strides = array<i32>} : memref<2x32xf32, #tpu.memory_space<vmem>>, vector<16xf32>,
      %swap3A_216 = arith.constant 1 : i32
      %swap3A_217 = arith.index_cast %swap3A_216 : i32 to index
      %swap3A_218 = arith.constant 24976 : index
      %swap3A_219 = tpu.vector_load %arg8[%swap3A_217, %swap3A_218] {strides = array<i32>} : memref<2x25120xf32, #tpu.memory_space<vmem>>, vector<16xf32>,
      tpu.vector_store %arg8[%swap3A_217, %swap3A_218], %get3A_215 {strides = array<i32>} : memref<2x25120xf32, #tpu.memory_space<vmem>>, vector<16xf32>,
      %scan3A_220 = arith.constant 0 : i32
      %scan3A_221 = arith.constant 0 : i32
      %scan3A_222 = arith.constant 32 : i32
      %scan3A_223 = arith.addi %scan3A_221, %scan3A_222 : i32
      %scan3A_224 = arith.constant 1 : i32
      scf.for %scan3A_396 = %scan3A_221 to %scan3A_223 step %scan3A_224  : i32 {
        %mul3A_397 = arith.constant 128 : i32
        %mul3A_398 = arith.muli %scan3A_396, %mul3A_397 : i32
        %multiple_of3A = tpu.assume_multiple %mul3A_398, 16 : i32
        %add3A_399 = arith.constant 0 : i32
        %add3A_400 = arith.addi %multiple_of3A, %add3A_399 : i32
        %get3A_401 = arith.constant 0 : i32
        %get3A_402 = arith.index_cast %get3A_401 : i32 to index
        %get3A_403 = arith.index_cast %add3A_400 : i32 to index
        %get3A_404 = tpu.vector_load %arg6[%get3A_402, %get3A_403] {strides = array<i32>} : memref<2x4096xi32, #tpu.memory_space<vmem>>, vector<16xi32>,
        %sub3A = arith.constant 75008 : i32
        %sub3A_405 = vector.broadcast %sub3A : i32 to vector<16xi32>
        %sub3A_406 = arith.subi %get3A_404, %sub3A_405 : vector<16xi32>
        %bitcast3A = vector.bitcast %sub3A_406 : vector<16xi32> to vector<16xi32>
        %lt3A_407 = arith.constant 24992 : i32
        %lt3A_408 = vector.broadcast %lt3A_407 : i32 to vector<16xi32>
        %lt3A_409 = arith.cmpi ult, %bitcast3A, %lt3A_408 : vector<16xi32>
        %gather3A = tpu.vector_load_idx %arg8[%broadcast_in_dim3A_23, %sub3A_406] masked %lt3A_409 : memref<2x25120xf32, #tpu.memory_space<vmem>>[vector<16xi32>, vector<16xi32>], vector<16xf32>, vector<16xi1>
        %jit3A = arith.constant 0.000000e+00 : f32
        %broadcast_in_dim3A_410 = vector.broadcast %jit3A : f32 to vector<16xf32>
        %select_n3A = arith.select %lt3A_409, %gather3A, %broadcast_in_dim3A_410 : vector<16xi1>, vector<16xf32>
        %swap3A_411 = arith.constant 0 : i32
        %swap3A_412 = arith.index_cast %swap3A_411 : i32 to index
        %swap3A_413 = arith.index_cast %add3A_400 : i32 to index
        %swap3A_414 = tpu.vector_load %arg10[%swap3A_412, %swap3A_413] {strides = array<i32>} : memref<2x4096xf32, #tpu.memory_space<vmem>>, vector<16xf32>,
        tpu.vector_store %arg10[%swap3A_412, %swap3A_413], %select_n3A {add = true, strides = array<i32>} : memref<2x4096xf32, #tpu.memory_space<vmem>>, vector<16xf32>,
        %gather3A_415 = tpu.vector_load_idx %arg8[%broadcast_in_dim3A_25, %sub3A_406] masked %lt3A_409 : memref<2x25120xf32, #tpu.memory_space<vmem>>[vector<16xi32>, vector<16xi32>], vector<16xf32>, vector<16xi1>
        %jit3A_416 = arith.constant 0.000000e+00 : f32
        %broadcast_in_dim3A_417 = vector.broadcast %jit3A_416 : f32 to vector<16xf32>
        %select_n3A_418 = arith.select %lt3A_409, %gather3A_415, %broadcast_in_dim3A_417 : vector<16xi1>, vector<16xf32>
        %swap3A_419 = arith.constant 1 : i32
        %swap3A_420 = arith.index_cast %swap3A_419 : i32 to index
        %swap3A_421 = arith.index_cast %add3A_400 : i32 to index
        %swap3A_422 = tpu.vector_load %arg10[%swap3A_420, %swap3A_421] {strides = array<i32>} : memref<2x4096xf32, #tpu.memory_space<vmem>>, vector<16xf32>,
        tpu.vector_store %arg10[%swap3A_420, %swap3A_421], %select_n3A_418 {add = true, strides = array<i32>} : memref<2x4096xf32, #tpu.memory_space<vmem>>, vector<16xf32>,
        %add3A_423 = arith.constant 16 : i32
        %add3A_424 = arith.addi %multiple_of3A, %add3A_423 : i32
        %get3A_425 = arith.constant 0 : i32
        %get3A_426 = arith.index_cast %get3A_425 : i32 to index
        %get3A_427 = arith.index_cast %add3A_424 : i32 to index
        %get3A_428 = tpu.vector_load %arg6[%get3A_426, %get3A_427] {strides = array<i32>} : memref<2x4096xi32, #tpu.memory_space<vmem>>, vector<16xi32>,
        %sub3A_429 = arith.constant 75008 : i32
        %sub3A_430 = vector.broadcast %sub3A_429 : i32 to vector<16xi32>
        %sub3A_431 = arith.subi %get3A_428, %sub3A_430 : vector<16xi32>
        %bitcast3A_432 = vector.bitcast %sub3A_431 : vector<16xi32> to vector<16xi32>
        %lt3A_433 = arith.constant 24992 : i32
        %lt3A_434 = vector.broadcast %lt3A_433 : i32 to vector<16xi32>
        %lt3A_435 = arith.cmpi ult, %bitcast3A_432, %lt3A_434 : vector<16xi32>
        %gather3A_436 = tpu.vector_load_idx %arg8[%broadcast_in_dim3A_23, %sub3A_431] masked %lt3A_435 : memref<2x25120xf32, #tpu.memory_space<vmem>>[vector<16xi32>, vector<16xi32>], vector<16xf32>, vector<16xi1>
        %jit3A_437 = arith.constant 0.000000e+00 : f32
        %broadcast_in_dim3A_438 = vector.broadcast %jit3A_437 : f32 to vector<16xf32>
        %select_n3A_439 = arith.select %lt3A_435, %gather3A_436, %broadcast_in_dim3A_438 : vector<16xi1>, vector<16xf32>
        %swap3A_440 = arith.constant 0 : i32
        %swap3A_441 = arith.index_cast %swap3A_440 : i32 to index
        %swap3A_442 = arith.index_cast %add3A_424 : i32 to index
        %swap3A_443 = tpu.vector_load %arg10[%swap3A_441, %swap3A_442] {strides = array<i32>} : memref<2x4096xf32, #tpu.memory_space<vmem>>, vector<16xf32>,
        tpu.vector_store %arg10[%swap3A_441, %swap3A_442], %select_n3A_439 {add = true, strides = array<i32>} : memref<2x4096xf32, #tpu.memory_space<vmem>>, vector<16xf32>,
        %gather3A_444 = tpu.vector_load_idx %arg8[%broadcast_in_dim3A_25, %sub3A_431] masked %lt3A_435 : memref<2x25120xf32, #tpu.memory_space<vmem>>[vector<16xi32>, vector<16xi32>], vector<16xf32>, vector<16xi1>
        %jit3A_445 = arith.constant 0.000000e+00 : f32
        %broadcast_in_dim3A_446 = vector.broadcast %jit3A_445 : f32 to vector<16xf32>
        %select_n3A_447 = arith.select %lt3A_435, %gather3A_444, %broadcast_in_dim3A_446 : vector<16xi1>, vector<16xf32>
        %swap3A_448 = arith.constant 1 : i32
        %swap3A_449 = arith.index_cast %swap3A_448 : i32 to index
        %swap3A_450 = arith.index_cast %add3A_424 : i32 to index
        %swap3A_451 = tpu.vector_load %arg10[%swap3A_449, %swap3A_450] {strides = array<i32>} : memref<2x4096xf32, #tpu.memory_space<vmem>>, vector<16xf32>,
        tpu.vector_store %arg10[%swap3A_449, %swap3A_450], %select_n3A_447 {add = true, strides = array<i32>} : memref<2x4096xf32, #tpu.memory_space<vmem>>, vector<16xf32>,
        %add3A_452 = arith.constant 32 : i32
        %add3A_453 = arith.addi %multiple_of3A, %add3A_452 : i32
        %get3A_454 = arith.constant 0 : i32
        %get3A_455 = arith.index_cast %get3A_454 : i32 to index
        %get3A_456 = arith.index_cast %add3A_453 : i32 to index
        %get3A_457 = tpu.vector_load %arg6[%get3A_455, %get3A_456] {strides = array<i32>} : memref<2x4096xi32, #tpu.memory_space<vmem>>, vector<16xi32>,
        %sub3A_458 = arith.constant 75008 : i32
        %sub3A_459 = vector.broadcast %sub3A_458 : i32 to vector<16xi32>
        %sub3A_460 = arith.subi %get3A_457, %sub3A_459 : vector<16xi32>
        %bitcast3A_461 = vector.bitcast %sub3A_460 : vector<16xi32> to vector<16xi32>
        %lt3A_462 = arith.constant 24992 : i32
        %lt3A_463 = vector.broadcast %lt3A_462 : i32 to vector<16xi32>
        %lt3A_464 = arith.cmpi ult, %bitcast3A_461, %lt3A_463 : vector<16xi32>
        %gather3A_465 = tpu.vector_load_idx %arg8[%broadcast_in_dim3A_23, %sub3A_460] masked %lt3A_464 : memref<2x25120xf32, #tpu.memory_space<vmem>>[vector<16xi32>, vector<16xi32>], vector<16xf32>, vector<16xi1>
        %jit3A_466 = arith.constant 0.000000e+00 : f32
        %broadcast_in_dim3A_467 = vector.broadcast %jit3A_466 : f32 to vector<16xf32>
        %select_n3A_468 = arith.select %lt3A_464, %gather3A_465, %broadcast_in_dim3A_467 : vector<16xi1>, vector<16xf32>
        %swap3A_469 = arith.constant 0 : i32
        %swap3A_470 = arith.index_cast %swap3A_469 : i32 to index
        %swap3A_471 = arith.index_cast %add3A_453 : i32 to index
        %swap3A_472 = tpu.vector_load %arg10[%swap3A_470, %swap3A_471] {strides = array<i32>} : memref<2x4096xf32, #tpu.memory_space<vmem>>, vector<16xf32>,
        tpu.vector_store %arg10[%swap3A_470, %swap3A_471], %select_n3A_468 {add = true, strides = array<i32>} : memref<2x4096xf32, #tpu.memory_space<vmem>>, vector<16xf32>,
        %gather3A_473 = tpu.vector_load_idx %arg8[%broadcast_in_dim3A_25, %sub3A_460] masked %lt3A_464 : memref<2x25120xf32, #tpu.memory_space<vmem>>[vector<16xi32>, vector<16xi32>], vector<16xf32>, vector<16xi1>
        %jit3A_474 = arith.constant 0.000000e+00 : f32
        %broadcast_in_dim3A_475 = vector.broadcast %jit3A_474 : f32 to vector<16xf32>
        %select_n3A_476 = arith.select %lt3A_464, %gather3A_473, %broadcast_in_dim3A_475 : vector<16xi1>, vector<16xf32>
        %swap3A_477 = arith.constant 1 : i32
        %swap3A_478 = arith.index_cast %swap3A_477 : i32 to index
        %swap3A_479 = arith.index_cast %add3A_453 : i32 to index
        %swap3A_480 = tpu.vector_load %arg10[%swap3A_478, %swap3A_479] {strides = array<i32>} : memref<2x4096xf32, #tpu.memory_space<vmem>>, vector<16xf32>,
        tpu.vector_store %arg10[%swap3A_478, %swap3A_479], %select_n3A_476 {add = true, strides = array<i32>} : memref<2x4096xf32, #tpu.memory_space<vmem>>, vector<16xf32>,
        %add3A_481 = arith.constant 48 : i32
        %add3A_482 = arith.addi %multiple_of3A, %add3A_481 : i32
        %get3A_483 = arith.constant 0 : i32
        %get3A_484 = arith.index_cast %get3A_483 : i32 to index
        %get3A_485 = arith.index_cast %add3A_482 : i32 to index
        %get3A_486 = tpu.vector_load %arg6[%get3A_484, %get3A_485] {strides = array<i32>} : memref<2x4096xi32, #tpu.memory_space<vmem>>, vector<16xi32>,
        %sub3A_487 = arith.constant 75008 : i32
        %sub3A_488 = vector.broadcast %sub3A_487 : i32 to vector<16xi32>
        %sub3A_489 = arith.subi %get3A_486, %sub3A_488 : vector<16xi32>
        %bitcast3A_490 = vector.bitcast %sub3A_489 : vector<16xi32> to vector<16xi32>
        %lt3A_491 = arith.constant 24992 : i32
        %lt3A_492 = vector.broadcast %lt3A_491 : i32 to vector<16xi32>
        %lt3A_493 = arith.cmpi ult, %bitcast3A_490, %lt3A_492 : vector<16xi32>
        %gather3A_494 = tpu.vector_load_idx %arg8[%broadcast_in_dim3A_23, %sub3A_489] masked %lt3A_493 : memref<2x25120xf32, #tpu.memory_space<vmem>>[vector<16xi32>, vector<16xi32>], vector<16xf32>, vector<16xi1>
        %jit3A_495 = arith.constant 0.000000e+00 : f32
        %broadcast_in_dim3A_496 = vector.broadcast %jit3A_495 : f32 to vector<16xf32>
        %select_n3A_497 = arith.select %lt3A_493, %gather3A_494, %broadcast_in_dim3A_496 : vector<16xi1>, vector<16xf32>
        %swap3A_498 = arith.constant 0 : i32
        %swap3A_499 = arith.index_cast %swap3A_498 : i32 to index
        %swap3A_500 = arith.index_cast %add3A_482 : i32 to index
        %swap3A_501 = tpu.vector_load %arg10[%swap3A_499, %swap3A_500] {strides = array<i32>} : memref<2x4096xf32, #tpu.memory_space<vmem>>, vector<16xf32>,
        tpu.vector_store %arg10[%swap3A_499, %swap3A_500], %select_n3A_497 {add = true, strides = array<i32>} : memref<2x4096xf32, #tpu.memory_space<vmem>>, vector<16xf32>,
        %gather3A_502 = tpu.vector_load_idx %arg8[%broadcast_in_dim3A_25, %sub3A_489] masked %lt3A_493 : memref<2x25120xf32, #tpu.memory_space<vmem>>[vector<16xi32>, vector<16xi32>], vector<16xf32>, vector<16xi1>
        %jit3A_503 = arith.constant 0.000000e+00 : f32
        %broadcast_in_dim3A_504 = vector.broadcast %jit3A_503 : f32 to vector<16xf32>
        %select_n3A_505 = arith.select %lt3A_493, %gather3A_502, %broadcast_in_dim3A_504 : vector<16xi1>, vector<16xf32>
        %swap3A_506 = arith.constant 1 : i32
        %swap3A_507 = arith.index_cast %swap3A_506 : i32 to index
        %swap3A_508 = arith.index_cast %add3A_482 : i32 to index
        %swap3A_509 = tpu.vector_load %arg10[%swap3A_507, %swap3A_508] {strides = array<i32>} : memref<2x4096xf32, #tpu.memory_space<vmem>>, vector<16xf32>,
        tpu.vector_store %arg10[%swap3A_507, %swap3A_508], %select_n3A_505 {add = true, strides = array<i32>} : memref<2x4096xf32, #tpu.memory_space<vmem>>, vector<16xf32>,
        %add3A_510 = arith.constant 64 : i32
        %add3A_511 = arith.addi %multiple_of3A, %add3A_510 : i32
        %get3A_512 = arith.constant 0 : i32
        %get3A_513 = arith.index_cast %get3A_512 : i32 to index
        %get3A_514 = arith.index_cast %add3A_511 : i32 to index
        %get3A_515 = tpu.vector_load %arg6[%get3A_513, %get3A_514] {strides = array<i32>} : memref<2x4096xi32, #tpu.memory_space<vmem>>, vector<16xi32>,
        %sub3A_516 = arith.constant 75008 : i32
        %sub3A_517 = vector.broadcast %sub3A_516 : i32 to vector<16xi32>
        %sub3A_518 = arith.subi %get3A_515, %sub3A_517 : vector<16xi32>
        %bitcast3A_519 = vector.bitcast %sub3A_518 : vector<16xi32> to vector<16xi32>
        %lt3A_520 = arith.constant 24992 : i32
        %lt3A_521 = vector.broadcast %lt3A_520 : i32 to vector<16xi32>
        %lt3A_522 = arith.cmpi ult, %bitcast3A_519, %lt3A_521 : vector<16xi32>
        %gather3A_523 = tpu.vector_load_idx %arg8[%broadcast_in_dim3A_23, %sub3A_518] masked %lt3A_522 : memref<2x25120xf32, #tpu.memory_space<vmem>>[vector<16xi32>, vector<16xi32>], vector<16xf32>, vector<16xi1>
        %jit3A_524 = arith.constant 0.000000e+00 : f32
        %broadcast_in_dim3A_525 = vector.broadcast %jit3A_524 : f32 to vector<16xf32>
        %select_n3A_526 = arith.select %lt3A_522, %gather3A_523, %broadcast_in_dim3A_525 : vector<16xi1>, vector<16xf32>
        %swap3A_527 = arith.constant 0 : i32
        %swap3A_528 = arith.index_cast %swap3A_527 : i32 to index
        %swap3A_529 = arith.index_cast %add3A_511 : i32 to index
        %swap3A_530 = tpu.vector_load %arg10[%swap3A_528, %swap3A_529] {strides = array<i32>} : memref<2x4096xf32, #tpu.memory_space<vmem>>, vector<16xf32>,
        tpu.vector_store %arg10[%swap3A_528, %swap3A_529], %select_n3A_526 {add = true, strides = array<i32>} : memref<2x4096xf32, #tpu.memory_space<vmem>>, vector<16xf32>,
        %gather3A_531 = tpu.vector_load_idx %arg8[%broadcast_in_dim3A_25, %sub3A_518] masked %lt3A_522 : memref<2x25120xf32, #tpu.memory_space<vmem>>[vector<16xi32>, vector<16xi32>], vector<16xf32>, vector<16xi1>
        %jit3A_532 = arith.constant 0.000000e+00 : f32
        %broadcast_in_dim3A_533 = vector.broadcast %jit3A_532 : f32 to vector<16xf32>
        %select_n3A_534 = arith.select %lt3A_522, %gather3A_531, %broadcast_in_dim3A_533 : vector<16xi1>, vector<16xf32>
        %swap3A_535 = arith.constant 1 : i32
        %swap3A_536 = arith.index_cast %swap3A_535 : i32 to index
        %swap3A_537 = arith.index_cast %add3A_511 : i32 to index
        %swap3A_538 = tpu.vector_load %arg10[%swap3A_536, %swap3A_537] {strides = array<i32>} : memref<2x4096xf32, #tpu.memory_space<vmem>>, vector<16xf32>,
        tpu.vector_store %arg10[%swap3A_536, %swap3A_537], %select_n3A_534 {add = true, strides = array<i32>} : memref<2x4096xf32, #tpu.memory_space<vmem>>, vector<16xf32>,
        %add3A_539 = arith.constant 80 : i32
        %add3A_540 = arith.addi %multiple_of3A, %add3A_539 : i32
        %get3A_541 = arith.constant 0 : i32
        %get3A_542 = arith.index_cast %get3A_541 : i32 to index
        %get3A_543 = arith.index_cast %add3A_540 : i32 to index
        %get3A_544 = tpu.vector_load %arg6[%get3A_542, %get3A_543] {strides = array<i32>} : memref<2x4096xi32, #tpu.memory_space<vmem>>, vector<16xi32>,
        %sub3A_545 = arith.constant 75008 : i32
        %sub3A_546 = vector.broadcast %sub3A_545 : i32 to vector<16xi32>
        %sub3A_547 = arith.subi %get3A_544, %sub3A_546 : vector<16xi32>
        %bitcast3A_548 = vector.bitcast %sub3A_547 : vector<16xi32> to vector<16xi32>
        %lt3A_549 = arith.constant 24992 : i32
        %lt3A_550 = vector.broadcast %lt3A_549 : i32 to vector<16xi32>
        %lt3A_551 = arith.cmpi ult, %bitcast3A_548, %lt3A_550 : vector<16xi32>
        %gather3A_552 = tpu.vector_load_idx %arg8[%broadcast_in_dim3A_23, %sub3A_547] masked %lt3A_551 : memref<2x25120xf32, #tpu.memory_space<vmem>>[vector<16xi32>, vector<16xi32>], vector<16xf32>, vector<16xi1>
        %jit3A_553 = arith.constant 0.000000e+00 : f32
        %broadcast_in_dim3A_554 = vector.broadcast %jit3A_553 : f32 to vector<16xf32>
        %select_n3A_555 = arith.select %lt3A_551, %gather3A_552, %broadcast_in_dim3A_554 : vector<16xi1>, vector<16xf32>
        %swap3A_556 = arith.constant 0 : i32
        %swap3A_557 = arith.index_cast %swap3A_556 : i32 to index
        %swap3A_558 = arith.index_cast %add3A_540 : i32 to index
        %swap3A_559 = tpu.vector_load %arg10[%swap3A_557, %swap3A_558] {strides = array<i32>} : memref<2x4096xf32, #tpu.memory_space<vmem>>, vector<16xf32>,
        tpu.vector_store %arg10[%swap3A_557, %swap3A_558], %select_n3A_555 {add = true, strides = array<i32>} : memref<2x4096xf32, #tpu.memory_space<vmem>>, vector<16xf32>,
        %gather3A_560 = tpu.vector_load_idx %arg8[%broadcast_in_dim3A_25, %sub3A_547] masked %lt3A_551 : memref<2x25120xf32, #tpu.memory_space<vmem>>[vector<16xi32>, vector<16xi32>], vector<16xf32>, vector<16xi1>
        %jit3A_561 = arith.constant 0.000000e+00 : f32
        %broadcast_in_dim3A_562 = vector.broadcast %jit3A_561 : f32 to vector<16xf32>
        %select_n3A_563 = arith.select %lt3A_551, %gather3A_560, %broadcast_in_dim3A_562 : vector<16xi1>, vector<16xf32>
        %swap3A_564 = arith.constant 1 : i32
        %swap3A_565 = arith.index_cast %swap3A_564 : i32 to index
        %swap3A_566 = arith.index_cast %add3A_540 : i32 to index
        %swap3A_567 = tpu.vector_load %arg10[%swap3A_565, %swap3A_566] {strides = array<i32>} : memref<2x4096xf32, #tpu.memory_space<vmem>>, vector<16xf32>,
        tpu.vector_store %arg10[%swap3A_565, %swap3A_566], %select_n3A_563 {add = true, strides = array<i32>} : memref<2x4096xf32, #tpu.memory_space<vmem>>, vector<16xf32>,
        %add3A_568 = arith.constant 96 : i32
        %add3A_569 = arith.addi %multiple_of3A, %add3A_568 : i32
        %get3A_570 = arith.constant 0 : i32
        %get3A_571 = arith.index_cast %get3A_570 : i32 to index
        %get3A_572 = arith.index_cast %add3A_569 : i32 to index
        %get3A_573 = tpu.vector_load %arg6[%get3A_571, %get3A_572] {strides = array<i32>} : memref<2x4096xi32, #tpu.memory_space<vmem>>, vector<16xi32>,
        %sub3A_574 = arith.constant 75008 : i32
        %sub3A_575 = vector.broadcast %sub3A_574 : i32 to vector<16xi32>
        %sub3A_576 = arith.subi %get3A_573, %sub3A_575 : vector<16xi32>
        %bitcast3A_577 = vector.bitcast %sub3A_576 : vector<16xi32> to vector<16xi32>
        %lt3A_578 = arith.constant 24992 : i32
        %lt3A_579 = vector.broadcast %lt3A_578 : i32 to vector<16xi32>
        %lt3A_580 = arith.cmpi ult, %bitcast3A_577, %lt3A_579 : vector<16xi32>
        %gather3A_581 = tpu.vector_load_idx %arg8[%broadcast_in_dim3A_23, %sub3A_576] masked %lt3A_580 : memref<2x25120xf32, #tpu.memory_space<vmem>>[vector<16xi32>, vector<16xi32>], vector<16xf32>, vector<16xi1>
        %jit3A_582 = arith.constant 0.000000e+00 : f32
        %broadcast_in_dim3A_583 = vector.broadcast %jit3A_582 : f32 to vector<16xf32>
        %select_n3A_584 = arith.select %lt3A_580, %gather3A_581, %broadcast_in_dim3A_583 : vector<16xi1>, vector<16xf32>
        %swap3A_585 = arith.constant 0 : i32
        %swap3A_586 = arith.index_cast %swap3A_585 : i32 to index
        %swap3A_587 = arith.index_cast %add3A_569 : i32 to index
        %swap3A_588 = tpu.vector_load %arg10[%swap3A_586, %swap3A_587] {strides = array<i32>} : memref<2x4096xf32, #tpu.memory_space<vmem>>, vector<16xf32>,
        tpu.vector_store %arg10[%swap3A_586, %swap3A_587], %select_n3A_584 {add = true, strides = array<i32>} : memref<2x4096xf32, #tpu.memory_space<vmem>>, vector<16xf32>,
        %gather3A_589 = tpu.vector_load_idx %arg8[%broadcast_in_dim3A_25, %sub3A_576] masked %lt3A_580 : memref<2x25120xf32, #tpu.memory_space<vmem>>[vector<16xi32>, vector<16xi32>], vector<16xf32>, vector<16xi1>
        %jit3A_590 = arith.constant 0.000000e+00 : f32
        %broadcast_in_dim3A_591 = vector.broadcast %jit3A_590 : f32 to vector<16xf32>
        %select_n3A_592 = arith.select %lt3A_580, %gather3A_589, %broadcast_in_dim3A_591 : vector<16xi1>, vector<16xf32>
        %swap3A_593 = arith.constant 1 : i32
        %swap3A_594 = arith.index_cast %swap3A_593 : i32 to index
        %swap3A_595 = arith.index_cast %add3A_569 : i32 to index
        %swap3A_596 = tpu.vector_load %arg10[%swap3A_594, %swap3A_595] {strides = array<i32>} : memref<2x4096xf32, #tpu.memory_space<vmem>>, vector<16xf32>,
        tpu.vector_store %arg10[%swap3A_594, %swap3A_595], %select_n3A_592 {add = true, strides = array<i32>} : memref<2x4096xf32, #tpu.memory_space<vmem>>, vector<16xf32>,
        %add3A_597 = arith.constant 112 : i32
        %add3A_598 = arith.addi %multiple_of3A, %add3A_597 : i32
        %get3A_599 = arith.constant 0 : i32
        %get3A_600 = arith.index_cast %get3A_599 : i32 to index
        %get3A_601 = arith.index_cast %add3A_598 : i32 to index
        %get3A_602 = tpu.vector_load %arg6[%get3A_600, %get3A_601] {strides = array<i32>} : memref<2x4096xi32, #tpu.memory_space<vmem>>, vector<16xi32>,
        %sub3A_603 = arith.constant 75008 : i32
        %sub3A_604 = vector.broadcast %sub3A_603 : i32 to vector<16xi32>
        %sub3A_605 = arith.subi %get3A_602, %sub3A_604 : vector<16xi32>
        %bitcast3A_606 = vector.bitcast %sub3A_605 : vector<16xi32> to vector<16xi32>
        %lt3A_607 = arith.constant 24992 : i32
        %lt3A_608 = vector.broadcast %lt3A_607 : i32 to vector<16xi32>
        %lt3A_609 = arith.cmpi ult, %bitcast3A_606, %lt3A_608 : vector<16xi32>
        %gather3A_610 = tpu.vector_load_idx %arg8[%broadcast_in_dim3A_23, %sub3A_605] masked %lt3A_609 : memref<2x25120xf32, #tpu.memory_space<vmem>>[vector<16xi32>, vector<16xi32>], vector<16xf32>, vector<16xi1>
        %jit3A_611 = arith.constant 0.000000e+00 : f32
        %broadcast_in_dim3A_612 = vector.broadcast %jit3A_611 : f32 to vector<16xf32>
        %select_n3A_613 = arith.select %lt3A_609, %gather3A_610, %broadcast_in_dim3A_612 : vector<16xi1>, vector<16xf32>
        %swap3A_614 = arith.constant 0 : i32
        %swap3A_615 = arith.index_cast %swap3A_614 : i32 to index
        %swap3A_616 = arith.index_cast %add3A_598 : i32 to index
        %swap3A_617 = tpu.vector_load %arg10[%swap3A_615, %swap3A_616] {strides = array<i32>} : memref<2x4096xf32, #tpu.memory_space<vmem>>, vector<16xf32>,
        tpu.vector_store %arg10[%swap3A_615, %swap3A_616], %select_n3A_613 {add = true, strides = array<i32>} : memref<2x4096xf32, #tpu.memory_space<vmem>>, vector<16xf32>,
        %gather3A_618 = tpu.vector_load_idx %arg8[%broadcast_in_dim3A_25, %sub3A_605] masked %lt3A_609 : memref<2x25120xf32, #tpu.memory_space<vmem>>[vector<16xi32>, vector<16xi32>], vector<16xf32>, vector<16xi1>
        %jit3A_619 = arith.constant 0.000000e+00 : f32
        %broadcast_in_dim3A_620 = vector.broadcast %jit3A_619 : f32 to vector<16xf32>
        %select_n3A_621 = arith.select %lt3A_609, %gather3A_618, %broadcast_in_dim3A_620 : vector<16xi1>, vector<16xf32>
        %swap3A_622 = arith.constant 1 : i32
        %swap3A_623 = arith.index_cast %swap3A_622 : i32 to index
        %swap3A_624 = arith.index_cast %add3A_598 : i32 to index
        %swap3A_625 = tpu.vector_load %arg10[%swap3A_623, %swap3A_624] {strides = array<i32>} : memref<2x4096xf32, #tpu.memory_space<vmem>>, vector<16xf32>,
        tpu.vector_store %arg10[%swap3A_623, %swap3A_624], %select_n3A_621 {add = true, strides = array<i32>} : memref<2x4096xf32, #tpu.memory_space<vmem>>, vector<16xf32>,
      }
      %scan3A_225 = arith.constant 32 : i32
      %lt3A_226 = arith.constant 25 : i32
      %lt3A_227 = arith.cmpi slt, %add3A_65, %lt3A_226 : i32
      %convert_element_type3A_228 = arith.extui %lt3A_227 : i1 to i32
      %cond3A_229 = arith.constant 0 : i32
      %cond3A_230 = arith.cmpi ne, %convert_element_type3A_228, %cond3A_229 : i32
      scf.if %cond3A_230 {
        %add3A_396 = arith.constant 1 : i32
        %add3A_397 = arith.addi %add3A_65, %add3A_396 : i32
        %mul3A_398 = arith.constant 64 : i32
        %mul3A_399 = arith.muli %add3A_397, %mul3A_398 : i32
        %add3A_400 = arith.addi %mul3A_399, %mul3A_2 : i32
        %dma_start3A_401 = arith.constant 0 : i32
        %dma_start3A_402 = arith.constant 0 : i32
        %dma_start3A_403 = tpu.memref_slice %arg8[%dma_start3A_401, %dma_start3A_402] : memref<2x25120xf32, #tpu.memory_space<vmem>> -> memref<2x24960xf32, #tpu.memory_space<vmem>>
        %dma_start3A_404 = arith.constant 25088 : i32
        %dma_start3A_405 = tpu.memref_slice %arg3[%add3A_400, %dma_start3A_404] : memref<1664x100000xf32, #tpu.memory_space<hbm>> -> memref<2x24960xf32, #tpu.memory_space<hbm>>
        %dma_start3A_406 = arith.constant 0 : i32
        %dma_start3A_407 = arith.constant 0 : i32
        %dma_start3A_408 = tpu.memref_slice %arg8[%dma_start3A_406, %dma_start3A_407] : memref<2x25120xf32, #tpu.memory_space<vmem>> -> memref<2x24960xf32, #tpu.memory_space<vmem>>
        %dma_start3A_409 = arith.constant 25088 : i32
        %dma_start3A_410 = tpu.memref_slice %arg3[%add3A_400, %dma_start3A_409] : memref<1664x100000xf32, #tpu.memory_space<hbm>> -> memref<2x24960xf32, #tpu.memory_space<hbm>>
        tpu.enqueue_dma source(%dma_start3A_410 : memref<2x24960xf32, #tpu.memory_space<hbm>>) target(%dma_start3A_408 : memref<2x24960xf32, #tpu.memory_space<vmem>>) target_semaphore(%arg12 : memref<!tpu.dma_semaphore, #tpu.memory_space<semaphore_mem>>)
      } else {
      }
      %mul3A_231 = arith.constant 2 : i32
      %mul3A_232 = arith.muli %scan3A_61, %mul3A_231 : i32
      %add3A_233 = arith.constant 1 : i32
      %add3A_234 = arith.addi %mul3A_232, %add3A_233 : i32
      %dma_wait3A_235 = arith.constant 1 : i32
      %dma_wait3A_236 = arith.constant 0 : i32
      %dma_wait3A_237 = tpu.memref_slice %arg6[%dma_wait3A_235, %dma_wait3A_236] : memref<2x4096xi32, #tpu.memory_space<vmem>> -> memref<1x4096xi32, #tpu.memory_space<vmem>>
      %dma_wait3A_238 = tpu.memref_squeeze %dma_wait3A_237 : memref<1x4096xi32, #tpu.memory_space<vmem>> -> memref<4096xi32, #tpu.memory_space<vmem>>
      %dma_wait3A_239 = arith.constant 0 : i32
      %dma_wait3A_240 = tpu.memref_slice %arg2[%add3A_234, %dma_wait3A_239] : memref<26x4096xi32, #tpu.memory_space<hbm>> -> memref<1x4096xi32, #tpu.memory_space<hbm>>
      %dma_wait3A_241 = tpu.memref_squeeze %dma_wait3A_240 : memref<1x4096xi32, #tpu.memory_space<hbm>> -> memref<4096xi32, #tpu.memory_space<hbm>>
      %dma_wait3A_242 = arith.constant 0 : i32
      %dma_wait3A_243 = tpu.memref_slice %arg6[%dma_wait3A_235, %dma_wait3A_242] : memref<2x4096xi32, #tpu.memory_space<vmem>> -> memref<1x4096xi32, #tpu.memory_space<vmem>>
      %dma_wait3A_244 = tpu.memref_squeeze %dma_wait3A_243 : memref<1x4096xi32, #tpu.memory_space<vmem>> -> memref<4096xi32, #tpu.memory_space<vmem>>
      %dma_wait3A_245 = arith.constant 0 : i32
      %dma_wait3A_246 = tpu.memref_slice %arg2[%add3A_234, %dma_wait3A_245] : memref<26x4096xi32, #tpu.memory_space<hbm>> -> memref<1x4096xi32, #tpu.memory_space<hbm>>
      %dma_wait3A_247 = tpu.memref_squeeze %dma_wait3A_246 : memref<1x4096xi32, #tpu.memory_space<hbm>> -> memref<4096xi32, #tpu.memory_space<hbm>>
      tpu.wait_dma2 semaphore(%arg14 : memref<!tpu.dma_semaphore, #tpu.memory_space<semaphore_mem>>) src(%dma_wait3A_247 : memref<4096xi32, #tpu.memory_space<hbm>>) dst(%dma_wait3A_244 : memref<4096xi32, #tpu.memory_space<vmem>>)
      %lt3A_248 = arith.constant 12 : i32
      %lt3A_249 = arith.cmpi slt, %scan3A_61, %lt3A_248 : i32
      %convert_element_type3A_250 = arith.extui %lt3A_249 : i1 to i32
      %cond3A_251 = arith.constant 0 : i32
      %cond3A_252 = arith.cmpi ne, %convert_element_type3A_250, %cond3A_251 : i32
      scf.if %cond3A_252 {
        %add3A_396 = arith.constant 1 : i32
        %add3A_397 = arith.addi %add3A_234, %add3A_396 : i32
        %dma_start3A_398 = arith.constant 0 : i32
        %dma_start3A_399 = arith.constant 0 : i32
        %dma_start3A_400 = tpu.memref_slice %arg6[%dma_start3A_398, %dma_start3A_399] : memref<2x4096xi32, #tpu.memory_space<vmem>> -> memref<1x4096xi32, #tpu.memory_space<vmem>>
        %dma_start3A_401 = tpu.memref_squeeze %dma_start3A_400 : memref<1x4096xi32, #tpu.memory_space<vmem>> -> memref<4096xi32, #tpu.memory_space<vmem>>
        %dma_start3A_402 = arith.constant 0 : i32
        %dma_start3A_403 = tpu.memref_slice %arg2[%add3A_397, %dma_start3A_402] : memref<26x4096xi32, #tpu.memory_space<hbm>> -> memref<1x4096xi32, #tpu.memory_space<hbm>>
        %dma_start3A_404 = tpu.memref_squeeze %dma_start3A_403 : memref<1x4096xi32, #tpu.memory_space<hbm>> -> memref<4096xi32, #tpu.memory_space<hbm>>
        %dma_start3A_405 = arith.constant 0 : i32
        %dma_start3A_406 = tpu.memref_slice %arg6[%dma_start3A_398, %dma_start3A_405] : memref<2x4096xi32, #tpu.memory_space<vmem>> -> memref<1x4096xi32, #tpu.memory_space<vmem>>
        %dma_start3A_407 = tpu.memref_squeeze %dma_start3A_406 : memref<1x4096xi32, #tpu.memory_space<vmem>> -> memref<4096xi32, #tpu.memory_space<vmem>>
        %dma_start3A_408 = arith.constant 0 : i32
        %dma_start3A_409 = tpu.memref_slice %arg2[%add3A_397, %dma_start3A_408] : memref<26x4096xi32, #tpu.memory_space<hbm>> -> memref<1x4096xi32, #tpu.memory_space<hbm>>
        %dma_start3A_410 = tpu.memref_squeeze %dma_start3A_409 : memref<1x4096xi32, #tpu.memory_space<hbm>> -> memref<4096xi32, #tpu.memory_space<hbm>>
        tpu.enqueue_dma source(%dma_start3A_410 : memref<4096xi32, #tpu.memory_space<hbm>>) target(%dma_start3A_407 : memref<4096xi32, #tpu.memory_space<vmem>>) target_semaphore(%arg14 : memref<!tpu.dma_semaphore, #tpu.memory_space<semaphore_mem>>)
      } else {
      }
      %mul3A_253 = arith.constant 64 : i32
      %mul3A_254 = arith.muli %add3A_234, %mul3A_253 : i32
      %add3A_255 = arith.addi %mul3A_254, %mul3A_2 : i32
      %dma_wait3A_256 = arith.constant 0 : i32
      %dma_wait3A_257 = arith.constant 0 : i32
      %dma_wait3A_258 = tpu.memref_slice %arg7[%dma_wait3A_256, %dma_wait3A_257] : memref<2x25120xf32, #tpu.memory_space<vmem>> -> memref<2x25088xf32, #tpu.memory_space<vmem>>
      %dma_wait3A_259 = arith.constant 0 : i32
      %dma_wait3A_260 = tpu.memref_slice %arg3[%add3A_255, %dma_wait3A_259] : memref<1664x100000xf32, #tpu.memory_space<hbm>> -> memref<2x25088xf32, #tpu.memory_space<hbm>>
      %dma_wait3A_261 = arith.constant 0 : i32
      %dma_wait3A_262 = arith.constant 0 : i32
      %dma_wait3A_263 = tpu.memref_slice %arg7[%dma_wait3A_261, %dma_wait3A_262] : memref<2x25120xf32, #tpu.memory_space<vmem>> -> memref<2x25088xf32, #tpu.memory_space<vmem>>
      %dma_wait3A_264 = arith.constant 0 : i32
      %dma_wait3A_265 = tpu.memref_slice %arg3[%add3A_255, %dma_wait3A_264] : memref<1664x100000xf32, #tpu.memory_space<hbm>> -> memref<2x25088xf32, #tpu.memory_space<hbm>>
      tpu.wait_dma2 semaphore(%arg11 : memref<!tpu.dma_semaphore, #tpu.memory_space<semaphore_mem>>) src(%dma_wait3A_265 : memref<2x25088xf32, #tpu.memory_space<hbm>>) dst(%dma_wait3A_263 : memref<2x25088xf32, #tpu.memory_space<vmem>>)
      %scan3A_266 = arith.constant 0 : i32
      %scan3A_267 = arith.constant 0 : i32
      %scan3A_268 = arith.constant 32 : i32
      %scan3A_269 = arith.addi %scan3A_267, %scan3A_268 : i32
      %scan3A_270 = arith.constant 1 : i32
      scf.for %scan3A_396 = %scan3A_267 to %scan3A_269 step %scan3A_270  : i32 {
        %mul3A_397 = arith.constant 128 : i32
        %mul3A_398 = arith.muli %scan3A_396, %mul3A_397 : i32
        %multiple_of3A = tpu.assume_multiple %mul3A_398, 16 : i32
        %add3A_399 = arith.constant 0 : i32
        %add3A_400 = arith.addi %multiple_of3A, %add3A_399 : i32
        %get3A_401 = arith.constant 1 : i32
        %get3A_402 = arith.index_cast %get3A_401 : i32 to index
        %get3A_403 = arith.index_cast %add3A_400 : i32 to index
        %get3A_404 = tpu.vector_load %arg6[%get3A_402, %get3A_403] {strides = array<i32>} : memref<2x4096xi32, #tpu.memory_space<vmem>>, vector<16xi32>,
        %lt3A_405 = arith.constant 25088 : i32
        %lt3A_406 = vector.broadcast %lt3A_405 : i32 to vector<16xi32>
        %lt3A_407 = arith.cmpi slt, %get3A_404, %lt3A_406 : vector<16xi32>
        %gather3A = tpu.vector_load_idx %arg7[%broadcast_in_dim3A_23, %get3A_404] masked %lt3A_407 : memref<2x25120xf32, #tpu.memory_space<vmem>>[vector<16xi32>, vector<16xi32>], vector<16xf32>, vector<16xi1>
        %jit3A = arith.constant 0.000000e+00 : f32
        %broadcast_in_dim3A_408 = vector.broadcast %jit3A : f32 to vector<16xf32>
        %select_n3A = arith.select %lt3A_407, %gather3A, %broadcast_in_dim3A_408 : vector<16xi1>, vector<16xf32>
        %swap3A_409 = arith.constant 0 : i32
        %swap3A_410 = arith.index_cast %swap3A_409 : i32 to index
        %swap3A_411 = arith.index_cast %add3A_400 : i32 to index
        %swap3A_412 = tpu.vector_load %arg10[%swap3A_410, %swap3A_411] {strides = array<i32>} : memref<2x4096xf32, #tpu.memory_space<vmem>>, vector<16xf32>,
        tpu.vector_store %arg10[%swap3A_410, %swap3A_411], %select_n3A {add = true, strides = array<i32>} : memref<2x4096xf32, #tpu.memory_space<vmem>>, vector<16xf32>,
        %gather3A_413 = tpu.vector_load_idx %arg7[%broadcast_in_dim3A_25, %get3A_404] masked %lt3A_407 : memref<2x25120xf32, #tpu.memory_space<vmem>>[vector<16xi32>, vector<16xi32>], vector<16xf32>, vector<16xi1>
        %jit3A_414 = arith.constant 0.000000e+00 : f32
        %broadcast_in_dim3A_415 = vector.broadcast %jit3A_414 : f32 to vector<16xf32>
        %select_n3A_416 = arith.select %lt3A_407, %gather3A_413, %broadcast_in_dim3A_415 : vector<16xi1>, vector<16xf32>
        %swap3A_417 = arith.constant 1 : i32
        %swap3A_418 = arith.index_cast %swap3A_417 : i32 to index
        %swap3A_419 = arith.index_cast %add3A_400 : i32 to index
        %swap3A_420 = tpu.vector_load %arg10[%swap3A_418, %swap3A_419] {strides = array<i32>} : memref<2x4096xf32, #tpu.memory_space<vmem>>, vector<16xf32>,
        tpu.vector_store %arg10[%swap3A_418, %swap3A_419], %select_n3A_416 {add = true, strides = array<i32>} : memref<2x4096xf32, #tpu.memory_space<vmem>>, vector<16xf32>,
        %add3A_421 = arith.constant 16 : i32
        %add3A_422 = arith.addi %multiple_of3A, %add3A_421 : i32
        %get3A_423 = arith.constant 1 : i32
        %get3A_424 = arith.index_cast %get3A_423 : i32 to index
        %get3A_425 = arith.index_cast %add3A_422 : i32 to index
        %get3A_426 = tpu.vector_load %arg6[%get3A_424, %get3A_425] {strides = array<i32>} : memref<2x4096xi32, #tpu.memory_space<vmem>>, vector<16xi32>,
        %lt3A_427 = arith.constant 25088 : i32
        %lt3A_428 = vector.broadcast %lt3A_427 : i32 to vector<16xi32>
        %lt3A_429 = arith.cmpi slt, %get3A_426, %lt3A_428 : vector<16xi32>
        %gather3A_430 = tpu.vector_load_idx %arg7[%broadcast_in_dim3A_23, %get3A_426] masked %lt3A_429 : memref<2x25120xf32, #tpu.memory_space<vmem>>[vector<16xi32>, vector<16xi32>], vector<16xf32>, vector<16xi1>
        %jit3A_431 = arith.constant 0.000000e+00 : f32
        %broadcast_in_dim3A_432 = vector.broadcast %jit3A_431 : f32 to vector<16xf32>
        %select_n3A_433 = arith.select %lt3A_429, %gather3A_430, %broadcast_in_dim3A_432 : vector<16xi1>, vector<16xf32>
        %swap3A_434 = arith.constant 0 : i32
        %swap3A_435 = arith.index_cast %swap3A_434 : i32 to index
        %swap3A_436 = arith.index_cast %add3A_422 : i32 to index
        %swap3A_437 = tpu.vector_load %arg10[%swap3A_435, %swap3A_436] {strides = array<i32>} : memref<2x4096xf32, #tpu.memory_space<vmem>>, vector<16xf32>,
        tpu.vector_store %arg10[%swap3A_435, %swap3A_436], %select_n3A_433 {add = true, strides = array<i32>} : memref<2x4096xf32, #tpu.memory_space<vmem>>, vector<16xf32>,
        %gather3A_438 = tpu.vector_load_idx %arg7[%broadcast_in_dim3A_25, %get3A_426] masked %lt3A_429 : memref<2x25120xf32, #tpu.memory_space<vmem>>[vector<16xi32>, vector<16xi32>], vector<16xf32>, vector<16xi1>
        %jit3A_439 = arith.constant 0.000000e+00 : f32
        %broadcast_in_dim3A_440 = vector.broadcast %jit3A_439 : f32 to vector<16xf32>
        %select_n3A_441 = arith.select %lt3A_429, %gather3A_438, %broadcast_in_dim3A_440 : vector<16xi1>, vector<16xf32>
        %swap3A_442 = arith.constant 1 : i32
        %swap3A_443 = arith.index_cast %swap3A_442 : i32 to index
        %swap3A_444 = arith.index_cast %add3A_422 : i32 to index
        %swap3A_445 = tpu.vector_load %arg10[%swap3A_443, %swap3A_444] {strides = array<i32>} : memref<2x4096xf32, #tpu.memory_space<vmem>>, vector<16xf32>,
        tpu.vector_store %arg10[%swap3A_443, %swap3A_444], %select_n3A_441 {add = true, strides = array<i32>} : memref<2x4096xf32, #tpu.memory_space<vmem>>, vector<16xf32>,
        %add3A_446 = arith.constant 32 : i32
        %add3A_447 = arith.addi %multiple_of3A, %add3A_446 : i32
        %get3A_448 = arith.constant 1 : i32
        %get3A_449 = arith.index_cast %get3A_448 : i32 to index
        %get3A_450 = arith.index_cast %add3A_447 : i32 to index
        %get3A_451 = tpu.vector_load %arg6[%get3A_449, %get3A_450] {strides = array<i32>} : memref<2x4096xi32, #tpu.memory_space<vmem>>, vector<16xi32>,
        %lt3A_452 = arith.constant 25088 : i32
        %lt3A_453 = vector.broadcast %lt3A_452 : i32 to vector<16xi32>
        %lt3A_454 = arith.cmpi slt, %get3A_451, %lt3A_453 : vector<16xi32>
        %gather3A_455 = tpu.vector_load_idx %arg7[%broadcast_in_dim3A_23, %get3A_451] masked %lt3A_454 : memref<2x25120xf32, #tpu.memory_space<vmem>>[vector<16xi32>, vector<16xi32>], vector<16xf32>, vector<16xi1>
        %jit3A_456 = arith.constant 0.000000e+00 : f32
        %broadcast_in_dim3A_457 = vector.broadcast %jit3A_456 : f32 to vector<16xf32>
        %select_n3A_458 = arith.select %lt3A_454, %gather3A_455, %broadcast_in_dim3A_457 : vector<16xi1>, vector<16xf32>
        %swap3A_459 = arith.constant 0 : i32
        %swap3A_460 = arith.index_cast %swap3A_459 : i32 to index
        %swap3A_461 = arith.index_cast %add3A_447 : i32 to index
        %swap3A_462 = tpu.vector_load %arg10[%swap3A_460, %swap3A_461] {strides = array<i32>} : memref<2x4096xf32, #tpu.memory_space<vmem>>, vector<16xf32>,
        tpu.vector_store %arg10[%swap3A_460, %swap3A_461], %select_n3A_458 {add = true, strides = array<i32>} : memref<2x4096xf32, #tpu.memory_space<vmem>>, vector<16xf32>,
        %gather3A_463 = tpu.vector_load_idx %arg7[%broadcast_in_dim3A_25, %get3A_451] masked %lt3A_454 : memref<2x25120xf32, #tpu.memory_space<vmem>>[vector<16xi32>, vector<16xi32>], vector<16xf32>, vector<16xi1>
        %jit3A_464 = arith.constant 0.000000e+00 : f32
        %broadcast_in_dim3A_465 = vector.broadcast %jit3A_464 : f32 to vector<16xf32>
        %select_n3A_466 = arith.select %lt3A_454, %gather3A_463, %broadcast_in_dim3A_465 : vector<16xi1>, vector<16xf32>
        %swap3A_467 = arith.constant 1 : i32
        %swap3A_468 = arith.index_cast %swap3A_467 : i32 to index
        %swap3A_469 = arith.index_cast %add3A_447 : i32 to index
        %swap3A_470 = tpu.vector_load %arg10[%swap3A_468, %swap3A_469] {strides = array<i32>} : memref<2x4096xf32, #tpu.memory_space<vmem>>, vector<16xf32>,
        tpu.vector_store %arg10[%swap3A_468, %swap3A_469], %select_n3A_466 {add = true, strides = array<i32>} : memref<2x4096xf32, #tpu.memory_space<vmem>>, vector<16xf32>,
        %add3A_471 = arith.constant 48 : i32
        %add3A_472 = arith.addi %multiple_of3A, %add3A_471 : i32
        %get3A_473 = arith.constant 1 : i32
        %get3A_474 = arith.index_cast %get3A_473 : i32 to index
        %get3A_475 = arith.index_cast %add3A_472 : i32 to index
        %get3A_476 = tpu.vector_load %arg6[%get3A_474, %get3A_475] {strides = array<i32>} : memref<2x4096xi32, #tpu.memory_space<vmem>>, vector<16xi32>,
        %lt3A_477 = arith.constant 25088 : i32
        %lt3A_478 = vector.broadcast %lt3A_477 : i32 to vector<16xi32>
        %lt3A_479 = arith.cmpi slt, %get3A_476, %lt3A_478 : vector<16xi32>
        %gather3A_480 = tpu.vector_load_idx %arg7[%broadcast_in_dim3A_23, %get3A_476] masked %lt3A_479 : memref<2x25120xf32, #tpu.memory_space<vmem>>[vector<16xi32>, vector<16xi32>], vector<16xf32>, vector<16xi1>
        %jit3A_481 = arith.constant 0.000000e+00 : f32
        %broadcast_in_dim3A_482 = vector.broadcast %jit3A_481 : f32 to vector<16xf32>
        %select_n3A_483 = arith.select %lt3A_479, %gather3A_480, %broadcast_in_dim3A_482 : vector<16xi1>, vector<16xf32>
        %swap3A_484 = arith.constant 0 : i32
        %swap3A_485 = arith.index_cast %swap3A_484 : i32 to index
        %swap3A_486 = arith.index_cast %add3A_472 : i32 to index
        %swap3A_487 = tpu.vector_load %arg10[%swap3A_485, %swap3A_486] {strides = array<i32>} : memref<2x4096xf32, #tpu.memory_space<vmem>>, vector<16xf32>,
        tpu.vector_store %arg10[%swap3A_485, %swap3A_486], %select_n3A_483 {add = true, strides = array<i32>} : memref<2x4096xf32, #tpu.memory_space<vmem>>, vector<16xf32>,
        %gather3A_488 = tpu.vector_load_idx %arg7[%broadcast_in_dim3A_25, %get3A_476] masked %lt3A_479 : memref<2x25120xf32, #tpu.memory_space<vmem>>[vector<16xi32>, vector<16xi32>], vector<16xf32>, vector<16xi1>
        %jit3A_489 = arith.constant 0.000000e+00 : f32
        %broadcast_in_dim3A_490 = vector.broadcast %jit3A_489 : f32 to vector<16xf32>
        %select_n3A_491 = arith.select %lt3A_479, %gather3A_488, %broadcast_in_dim3A_490 : vector<16xi1>, vector<16xf32>
        %swap3A_492 = arith.constant 1 : i32
        %swap3A_493 = arith.index_cast %swap3A_492 : i32 to index
        %swap3A_494 = arith.index_cast %add3A_472 : i32 to index
        %swap3A_495 = tpu.vector_load %arg10[%swap3A_493, %swap3A_494] {strides = array<i32>} : memref<2x4096xf32, #tpu.memory_space<vmem>>, vector<16xf32>,
        tpu.vector_store %arg10[%swap3A_493, %swap3A_494], %select_n3A_491 {add = true, strides = array<i32>} : memref<2x4096xf32, #tpu.memory_space<vmem>>, vector<16xf32>,
        %add3A_496 = arith.constant 64 : i32
        %add3A_497 = arith.addi %multiple_of3A, %add3A_496 : i32
        %get3A_498 = arith.constant 1 : i32
        %get3A_499 = arith.index_cast %get3A_498 : i32 to index
        %get3A_500 = arith.index_cast %add3A_497 : i32 to index
        %get3A_501 = tpu.vector_load %arg6[%get3A_499, %get3A_500] {strides = array<i32>} : memref<2x4096xi32, #tpu.memory_space<vmem>>, vector<16xi32>,
        %lt3A_502 = arith.constant 25088 : i32
        %lt3A_503 = vector.broadcast %lt3A_502 : i32 to vector<16xi32>
        %lt3A_504 = arith.cmpi slt, %get3A_501, %lt3A_503 : vector<16xi32>
        %gather3A_505 = tpu.vector_load_idx %arg7[%broadcast_in_dim3A_23, %get3A_501] masked %lt3A_504 : memref<2x25120xf32, #tpu.memory_space<vmem>>[vector<16xi32>, vector<16xi32>], vector<16xf32>, vector<16xi1>
        %jit3A_506 = arith.constant 0.000000e+00 : f32
        %broadcast_in_dim3A_507 = vector.broadcast %jit3A_506 : f32 to vector<16xf32>
        %select_n3A_508 = arith.select %lt3A_504, %gather3A_505, %broadcast_in_dim3A_507 : vector<16xi1>, vector<16xf32>
        %swap3A_509 = arith.constant 0 : i32
        %swap3A_510 = arith.index_cast %swap3A_509 : i32 to index
        %swap3A_511 = arith.index_cast %add3A_497 : i32 to index
        %swap3A_512 = tpu.vector_load %arg10[%swap3A_510, %swap3A_511] {strides = array<i32>} : memref<2x4096xf32, #tpu.memory_space<vmem>>, vector<16xf32>,
        tpu.vector_store %arg10[%swap3A_510, %swap3A_511], %select_n3A_508 {add = true, strides = array<i32>} : memref<2x4096xf32, #tpu.memory_space<vmem>>, vector<16xf32>,
        %gather3A_513 = tpu.vector_load_idx %arg7[%broadcast_in_dim3A_25, %get3A_501] masked %lt3A_504 : memref<2x25120xf32, #tpu.memory_space<vmem>>[vector<16xi32>, vector<16xi32>], vector<16xf32>, vector<16xi1>
        %jit3A_514 = arith.constant 0.000000e+00 : f32
        %broadcast_in_dim3A_515 = vector.broadcast %jit3A_514 : f32 to vector<16xf32>
        %select_n3A_516 = arith.select %lt3A_504, %gather3A_513, %broadcast_in_dim3A_515 : vector<16xi1>, vector<16xf32>
        %swap3A_517 = arith.constant 1 : i32
        %swap3A_518 = arith.index_cast %swap3A_517 : i32 to index
        %swap3A_519 = arith.index_cast %add3A_497 : i32 to index
        %swap3A_520 = tpu.vector_load %arg10[%swap3A_518, %swap3A_519] {strides = array<i32>} : memref<2x4096xf32, #tpu.memory_space<vmem>>, vector<16xf32>,
        tpu.vector_store %arg10[%swap3A_518, %swap3A_519], %select_n3A_516 {add = true, strides = array<i32>} : memref<2x4096xf32, #tpu.memory_space<vmem>>, vector<16xf32>,
        %add3A_521 = arith.constant 80 : i32
        %add3A_522 = arith.addi %multiple_of3A, %add3A_521 : i32
        %get3A_523 = arith.constant 1 : i32
        %get3A_524 = arith.index_cast %get3A_523 : i32 to index
        %get3A_525 = arith.index_cast %add3A_522 : i32 to index
        %get3A_526 = tpu.vector_load %arg6[%get3A_524, %get3A_525] {strides = array<i32>} : memref<2x4096xi32, #tpu.memory_space<vmem>>, vector<16xi32>,
        %lt3A_527 = arith.constant 25088 : i32
        %lt3A_528 = vector.broadcast %lt3A_527 : i32 to vector<16xi32>
        %lt3A_529 = arith.cmpi slt, %get3A_526, %lt3A_528 : vector<16xi32>
        %gather3A_530 = tpu.vector_load_idx %arg7[%broadcast_in_dim3A_23, %get3A_526] masked %lt3A_529 : memref<2x25120xf32, #tpu.memory_space<vmem>>[vector<16xi32>, vector<16xi32>], vector<16xf32>, vector<16xi1>
        %jit3A_531 = arith.constant 0.000000e+00 : f32
        %broadcast_in_dim3A_532 = vector.broadcast %jit3A_531 : f32 to vector<16xf32>
        %select_n3A_533 = arith.select %lt3A_529, %gather3A_530, %broadcast_in_dim3A_532 : vector<16xi1>, vector<16xf32>
        %swap3A_534 = arith.constant 0 : i32
        %swap3A_535 = arith.index_cast %swap3A_534 : i32 to index
        %swap3A_536 = arith.index_cast %add3A_522 : i32 to index
        %swap3A_537 = tpu.vector_load %arg10[%swap3A_535, %swap3A_536] {strides = array<i32>} : memref<2x4096xf32, #tpu.memory_space<vmem>>, vector<16xf32>,
        tpu.vector_store %arg10[%swap3A_535, %swap3A_536], %select_n3A_533 {add = true, strides = array<i32>} : memref<2x4096xf32, #tpu.memory_space<vmem>>, vector<16xf32>,
        %gather3A_538 = tpu.vector_load_idx %arg7[%broadcast_in_dim3A_25, %get3A_526] masked %lt3A_529 : memref<2x25120xf32, #tpu.memory_space<vmem>>[vector<16xi32>, vector<16xi32>], vector<16xf32>, vector<16xi1>
        %jit3A_539 = arith.constant 0.000000e+00 : f32
        %broadcast_in_dim3A_540 = vector.broadcast %jit3A_539 : f32 to vector<16xf32>
        %select_n3A_541 = arith.select %lt3A_529, %gather3A_538, %broadcast_in_dim3A_540 : vector<16xi1>, vector<16xf32>
        %swap3A_542 = arith.constant 1 : i32
        %swap3A_543 = arith.index_cast %swap3A_542 : i32 to index
        %swap3A_544 = arith.index_cast %add3A_522 : i32 to index
        %swap3A_545 = tpu.vector_load %arg10[%swap3A_543, %swap3A_544] {strides = array<i32>} : memref<2x4096xf32, #tpu.memory_space<vmem>>, vector<16xf32>,
        tpu.vector_store %arg10[%swap3A_543, %swap3A_544], %select_n3A_541 {add = true, strides = array<i32>} : memref<2x4096xf32, #tpu.memory_space<vmem>>, vector<16xf32>,
        %add3A_546 = arith.constant 96 : i32
        %add3A_547 = arith.addi %multiple_of3A, %add3A_546 : i32
        %get3A_548 = arith.constant 1 : i32
        %get3A_549 = arith.index_cast %get3A_548 : i32 to index
        %get3A_550 = arith.index_cast %add3A_547 : i32 to index
        %get3A_551 = tpu.vector_load %arg6[%get3A_549, %get3A_550] {strides = array<i32>} : memref<2x4096xi32, #tpu.memory_space<vmem>>, vector<16xi32>,
        %lt3A_552 = arith.constant 25088 : i32
        %lt3A_553 = vector.broadcast %lt3A_552 : i32 to vector<16xi32>
        %lt3A_554 = arith.cmpi slt, %get3A_551, %lt3A_553 : vector<16xi32>
        %gather3A_555 = tpu.vector_load_idx %arg7[%broadcast_in_dim3A_23, %get3A_551] masked %lt3A_554 : memref<2x25120xf32, #tpu.memory_space<vmem>>[vector<16xi32>, vector<16xi32>], vector<16xf32>, vector<16xi1>
        %jit3A_556 = arith.constant 0.000000e+00 : f32
        %broadcast_in_dim3A_557 = vector.broadcast %jit3A_556 : f32 to vector<16xf32>
        %select_n3A_558 = arith.select %lt3A_554, %gather3A_555, %broadcast_in_dim3A_557 : vector<16xi1>, vector<16xf32>
        %swap3A_559 = arith.constant 0 : i32
        %swap3A_560 = arith.index_cast %swap3A_559 : i32 to index
        %swap3A_561 = arith.index_cast %add3A_547 : i32 to index
        %swap3A_562 = tpu.vector_load %arg10[%swap3A_560, %swap3A_561] {strides = array<i32>} : memref<2x4096xf32, #tpu.memory_space<vmem>>, vector<16xf32>,
        tpu.vector_store %arg10[%swap3A_560, %swap3A_561], %select_n3A_558 {add = true, strides = array<i32>} : memref<2x4096xf32, #tpu.memory_space<vmem>>, vector<16xf32>,
        %gather3A_563 = tpu.vector_load_idx %arg7[%broadcast_in_dim3A_25, %get3A_551] masked %lt3A_554 : memref<2x25120xf32, #tpu.memory_space<vmem>>[vector<16xi32>, vector<16xi32>], vector<16xf32>, vector<16xi1>
        %jit3A_564 = arith.constant 0.000000e+00 : f32
        %broadcast_in_dim3A_565 = vector.broadcast %jit3A_564 : f32 to vector<16xf32>
        %select_n3A_566 = arith.select %lt3A_554, %gather3A_563, %broadcast_in_dim3A_565 : vector<16xi1>, vector<16xf32>
        %swap3A_567 = arith.constant 1 : i32
        %swap3A_568 = arith.index_cast %swap3A_567 : i32 to index
        %swap3A_569 = arith.index_cast %add3A_547 : i32 to index
        %swap3A_570 = tpu.vector_load %arg10[%swap3A_568, %swap3A_569] {strides = array<i32>} : memref<2x4096xf32, #tpu.memory_space<vmem>>, vector<16xf32>,
        tpu.vector_store %arg10[%swap3A_568, %swap3A_569], %select_n3A_566 {add = true, strides = array<i32>} : memref<2x4096xf32, #tpu.memory_space<vmem>>, vector<16xf32>,
        %add3A_571 = arith.constant 112 : i32
        %add3A_572 = arith.addi %multiple_of3A, %add3A_571 : i32
        %get3A_573 = arith.constant 1 : i32
        %get3A_574 = arith.index_cast %get3A_573 : i32 to index
        %get3A_575 = arith.index_cast %add3A_572 : i32 to index
        %get3A_576 = tpu.vector_load %arg6[%get3A_574, %get3A_575] {strides = array<i32>} : memref<2x4096xi32, #tpu.memory_space<vmem>>, vector<16xi32>,
        %lt3A_577 = arith.constant 25088 : i32
        %lt3A_578 = vector.broadcast %lt3A_577 : i32 to vector<16xi32>
        %lt3A_579 = arith.cmpi slt, %get3A_576, %lt3A_578 : vector<16xi32>
        %gather3A_580 = tpu.vector_load_idx %arg7[%broadcast_in_dim3A_23, %get3A_576] masked %lt3A_579 : memref<2x25120xf32, #tpu.memory_space<vmem>>[vector<16xi32>, vector<16xi32>], vector<16xf32>, vector<16xi1>
        %jit3A_581 = arith.constant 0.000000e+00 : f32
        %broadcast_in_dim3A_582 = vector.broadcast %jit3A_581 : f32 to vector<16xf32>
        %select_n3A_583 = arith.select %lt3A_579, %gather3A_580, %broadcast_in_dim3A_582 : vector<16xi1>, vector<16xf32>
        %swap3A_584 = arith.constant 0 : i32
        %swap3A_585 = arith.index_cast %swap3A_584 : i32 to index
        %swap3A_586 = arith.index_cast %add3A_572 : i32 to index
        %swap3A_587 = tpu.vector_load %arg10[%swap3A_585, %swap3A_586] {strides = array<i32>} : memref<2x4096xf32, #tpu.memory_space<vmem>>, vector<16xf32>,
        tpu.vector_store %arg10[%swap3A_585, %swap3A_586], %select_n3A_583 {add = true, strides = array<i32>} : memref<2x4096xf32, #tpu.memory_space<vmem>>, vector<16xf32>,
        %gather3A_588 = tpu.vector_load_idx %arg7[%broadcast_in_dim3A_25, %get3A_576] masked %lt3A_579 : memref<2x25120xf32, #tpu.memory_space<vmem>>[vector<16xi32>, vector<16xi32>], vector<16xf32>, vector<16xi1>
        %jit3A_589 = arith.constant 0.000000e+00 : f32
        %broadcast_in_dim3A_590 = vector.broadcast %jit3A_589 : f32 to vector<16xf32>
        %select_n3A_591 = arith.select %lt3A_579, %gather3A_588, %broadcast_in_dim3A_590 : vector<16xi1>, vector<16xf32>
        %swap3A_592 = arith.constant 1 : i32
        %swap3A_593 = arith.index_cast %swap3A_592 : i32 to index
        %swap3A_594 = arith.index_cast %add3A_572 : i32 to index
        %swap3A_595 = tpu.vector_load %arg10[%swap3A_593, %swap3A_594] {strides = array<i32>} : memref<2x4096xf32, #tpu.memory_space<vmem>>, vector<16xf32>,
        tpu.vector_store %arg10[%swap3A_593, %swap3A_594], %select_n3A_591 {add = true, strides = array<i32>} : memref<2x4096xf32, #tpu.memory_space<vmem>>, vector<16xf32>,
      }
      %scan3A_271 = arith.constant 32 : i32
      %mul3A_272 = arith.constant 64 : i32
      %mul3A_273 = arith.muli %add3A_234, %mul3A_272 : i32
      %add3A_274 = arith.addi %mul3A_273, %mul3A_2 : i32
      %dma_start3A_275 = arith.constant 0 : i32
      %dma_start3A_276 = arith.constant 0 : i32
      %dma_start3A_277 = tpu.memref_slice %arg7[%dma_start3A_275, %dma_start3A_276] : memref<2x25120xf32, #tpu.memory_space<vmem>> -> memref<2x24960xf32, #tpu.memory_space<vmem>>
      %dma_start3A_278 = arith.constant 50048 : i32
      %dma_start3A_279 = tpu.memref_slice %arg3[%add3A_274, %dma_start3A_278] : memref<1664x100000xf32, #tpu.memory_space<hbm>> -> memref<2x24960xf32, #tpu.memory_space<hbm>>
      %dma_start3A_280 = arith.constant 0 : i32
      %dma_start3A_281 = arith.constant 0 : i32
      %dma_start3A_282 = tpu.memref_slice %arg7[%dma_start3A_280, %dma_start3A_281] : memref<2x25120xf32, #tpu.memory_space<vmem>> -> memref<2x24960xf32, #tpu.memory_space<vmem>>
      %dma_start3A_283 = arith.constant 50048 : i32
      %dma_start3A_284 = tpu.memref_slice %arg3[%add3A_274, %dma_start3A_283] : memref<1664x100000xf32, #tpu.memory_space<hbm>> -> memref<2x24960xf32, #tpu.memory_space<hbm>>
      tpu.enqueue_dma source(%dma_start3A_284 : memref<2x24960xf32, #tpu.memory_space<hbm>>) target(%dma_start3A_282 : memref<2x24960xf32, #tpu.memory_space<vmem>>) target_semaphore(%arg11 : memref<!tpu.dma_semaphore, #tpu.memory_space<semaphore_mem>>)
      %dma_wait3A_285 = arith.constant 0 : i32
      %dma_wait3A_286 = arith.constant 0 : i32
      %dma_wait3A_287 = tpu.memref_slice %arg8[%dma_wait3A_285, %dma_wait3A_286] : memref<2x25120xf32, #tpu.memory_space<vmem>> -> memref<2x24960xf32, #tpu.memory_space<vmem>>
      %dma_wait3A_288 = arith.constant 25088 : i32
      %dma_wait3A_289 = tpu.memref_slice %arg3[%add3A_255, %dma_wait3A_288] : memref<1664x100000xf32, #tpu.memory_space<hbm>> -> memref<2x24960xf32, #tpu.memory_space<hbm>>
      %dma_wait3A_290 = arith.constant 0 : i32
      %dma_wait3A_291 = arith.constant 0 : i32
      %dma_wait3A_292 = tpu.memref_slice %arg8[%dma_wait3A_290, %dma_wait3A_291] : memref<2x25120xf32, #tpu.memory_space<vmem>> -> memref<2x24960xf32, #tpu.memory_space<vmem>>
      %dma_wait3A_293 = arith.constant 25088 : i32
      %dma_wait3A_294 = tpu.memref_slice %arg3[%add3A_255, %dma_wait3A_293] : memref<1664x100000xf32, #tpu.memory_space<hbm>> -> memref<2x24960xf32, #tpu.memory_space<hbm>>
      tpu.wait_dma2 semaphore(%arg12 : memref<!tpu.dma_semaphore, #tpu.memory_space<semaphore_mem>>) src(%dma_wait3A_294 : memref<2x24960xf32, #tpu.memory_space<hbm>>) dst(%dma_wait3A_292 : memref<2x24960xf32, #tpu.memory_space<vmem>>)
      %scan3A_295 = arith.constant 0 : i32
      %scan3A_296 = arith.constant 0 : i32
      %scan3A_297 = arith.constant 32 : i32
      %scan3A_298 = arith.addi %scan3A_296, %scan3A_297 : i32
      %scan3A_299 = arith.constant 1 : i32
      scf.for %scan3A_396 = %scan3A_296 to %scan3A_298 step %scan3A_299  : i32 {
        %mul3A_397 = arith.constant 128 : i32
        %mul3A_398 = arith.muli %scan3A_396, %mul3A_397 : i32
        %multiple_of3A = tpu.assume_multiple %mul3A_398, 16 : i32
        %add3A_399 = arith.constant 0 : i32
        %add3A_400 = arith.addi %multiple_of3A, %add3A_399 : i32
        %get3A_401 = arith.constant 1 : i32
        %get3A_402 = arith.index_cast %get3A_401 : i32 to index
        %get3A_403 = arith.index_cast %add3A_400 : i32 to index
        %get3A_404 = tpu.vector_load %arg6[%get3A_402, %get3A_403] {strides = array<i32>} : memref<2x4096xi32, #tpu.memory_space<vmem>>, vector<16xi32>,
        %sub3A = arith.constant 25088 : i32
        %sub3A_405 = vector.broadcast %sub3A : i32 to vector<16xi32>
        %sub3A_406 = arith.subi %get3A_404, %sub3A_405 : vector<16xi32>
        %bitcast3A = vector.bitcast %sub3A_406 : vector<16xi32> to vector<16xi32>
        %lt3A_407 = arith.constant 24960 : i32
        %lt3A_408 = vector.broadcast %lt3A_407 : i32 to vector<16xi32>
        %lt3A_409 = arith.cmpi ult, %bitcast3A, %lt3A_408 : vector<16xi32>
        %gather3A = tpu.vector_load_idx %arg8[%broadcast_in_dim3A_23, %sub3A_406] masked %lt3A_409 : memref<2x25120xf32, #tpu.memory_space<vmem>>[vector<16xi32>, vector<16xi32>], vector<16xf32>, vector<16xi1>
        %jit3A = arith.constant 0.000000e+00 : f32
        %broadcast_in_dim3A_410 = vector.broadcast %jit3A : f32 to vector<16xf32>
        %select_n3A = arith.select %lt3A_409, %gather3A, %broadcast_in_dim3A_410 : vector<16xi1>, vector<16xf32>
        %swap3A_411 = arith.constant 0 : i32
        %swap3A_412 = arith.index_cast %swap3A_411 : i32 to index
        %swap3A_413 = arith.index_cast %add3A_400 : i32 to index
        %swap3A_414 = tpu.vector_load %arg10[%swap3A_412, %swap3A_413] {strides = array<i32>} : memref<2x4096xf32, #tpu.memory_space<vmem>>, vector<16xf32>,
        tpu.vector_store %arg10[%swap3A_412, %swap3A_413], %select_n3A {add = true, strides = array<i32>} : memref<2x4096xf32, #tpu.memory_space<vmem>>, vector<16xf32>,
        %gather3A_415 = tpu.vector_load_idx %arg8[%broadcast_in_dim3A_25, %sub3A_406] masked %lt3A_409 : memref<2x25120xf32, #tpu.memory_space<vmem>>[vector<16xi32>, vector<16xi32>], vector<16xf32>, vector<16xi1>
        %jit3A_416 = arith.constant 0.000000e+00 : f32
        %broadcast_in_dim3A_417 = vector.broadcast %jit3A_416 : f32 to vector<16xf32>
        %select_n3A_418 = arith.select %lt3A_409, %gather3A_415, %broadcast_in_dim3A_417 : vector<16xi1>, vector<16xf32>
        %swap3A_419 = arith.constant 1 : i32
        %swap3A_420 = arith.index_cast %swap3A_419 : i32 to index
        %swap3A_421 = arith.index_cast %add3A_400 : i32 to index
        %swap3A_422 = tpu.vector_load %arg10[%swap3A_420, %swap3A_421] {strides = array<i32>} : memref<2x4096xf32, #tpu.memory_space<vmem>>, vector<16xf32>,
        tpu.vector_store %arg10[%swap3A_420, %swap3A_421], %select_n3A_418 {add = true, strides = array<i32>} : memref<2x4096xf32, #tpu.memory_space<vmem>>, vector<16xf32>,
        %add3A_423 = arith.constant 16 : i32
        %add3A_424 = arith.addi %multiple_of3A, %add3A_423 : i32
        %get3A_425 = arith.constant 1 : i32
        %get3A_426 = arith.index_cast %get3A_425 : i32 to index
        %get3A_427 = arith.index_cast %add3A_424 : i32 to index
        %get3A_428 = tpu.vector_load %arg6[%get3A_426, %get3A_427] {strides = array<i32>} : memref<2x4096xi32, #tpu.memory_space<vmem>>, vector<16xi32>,
        %sub3A_429 = arith.constant 25088 : i32
        %sub3A_430 = vector.broadcast %sub3A_429 : i32 to vector<16xi32>
        %sub3A_431 = arith.subi %get3A_428, %sub3A_430 : vector<16xi32>
        %bitcast3A_432 = vector.bitcast %sub3A_431 : vector<16xi32> to vector<16xi32>
        %lt3A_433 = arith.constant 24960 : i32
        %lt3A_434 = vector.broadcast %lt3A_433 : i32 to vector<16xi32>
        %lt3A_435 = arith.cmpi ult, %bitcast3A_432, %lt3A_434 : vector<16xi32>
        %gather3A_436 = tpu.vector_load_idx %arg8[%broadcast_in_dim3A_23, %sub3A_431] masked %lt3A_435 : memref<2x25120xf32, #tpu.memory_space<vmem>>[vector<16xi32>, vector<16xi32>], vector<16xf32>, vector<16xi1>
        %jit3A_437 = arith.constant 0.000000e+00 : f32
        %broadcast_in_dim3A_438 = vector.broadcast %jit3A_437 : f32 to vector<16xf32>
        %select_n3A_439 = arith.select %lt3A_435, %gather3A_436, %broadcast_in_dim3A_438 : vector<16xi1>, vector<16xf32>
        %swap3A_440 = arith.constant 0 : i32
        %swap3A_441 = arith.index_cast %swap3A_440 : i32 to index
        %swap3A_442 = arith.index_cast %add3A_424 : i32 to index
        %swap3A_443 = tpu.vector_load %arg10[%swap3A_441, %swap3A_442] {strides = array<i32>} : memref<2x4096xf32, #tpu.memory_space<vmem>>, vector<16xf32>,
        tpu.vector_store %arg10[%swap3A_441, %swap3A_442], %select_n3A_439 {add = true, strides = array<i32>} : memref<2x4096xf32, #tpu.memory_space<vmem>>, vector<16xf32>,
        %gather3A_444 = tpu.vector_load_idx %arg8[%broadcast_in_dim3A_25, %sub3A_431] masked %lt3A_435 : memref<2x25120xf32, #tpu.memory_space<vmem>>[vector<16xi32>, vector<16xi32>], vector<16xf32>, vector<16xi1>
        %jit3A_445 = arith.constant 0.000000e+00 : f32
        %broadcast_in_dim3A_446 = vector.broadcast %jit3A_445 : f32 to vector<16xf32>
        %select_n3A_447 = arith.select %lt3A_435, %gather3A_444, %broadcast_in_dim3A_446 : vector<16xi1>, vector<16xf32>
        %swap3A_448 = arith.constant 1 : i32
        %swap3A_449 = arith.index_cast %swap3A_448 : i32 to index
        %swap3A_450 = arith.index_cast %add3A_424 : i32 to index
        %swap3A_451 = tpu.vector_load %arg10[%swap3A_449, %swap3A_450] {strides = array<i32>} : memref<2x4096xf32, #tpu.memory_space<vmem>>, vector<16xf32>,
        tpu.vector_store %arg10[%swap3A_449, %swap3A_450], %select_n3A_447 {add = true, strides = array<i32>} : memref<2x4096xf32, #tpu.memory_space<vmem>>, vector<16xf32>,
        %add3A_452 = arith.constant 32 : i32
        %add3A_453 = arith.addi %multiple_of3A, %add3A_452 : i32
        %get3A_454 = arith.constant 1 : i32
        %get3A_455 = arith.index_cast %get3A_454 : i32 to index
        %get3A_456 = arith.index_cast %add3A_453 : i32 to index
        %get3A_457 = tpu.vector_load %arg6[%get3A_455, %get3A_456] {strides = array<i32>} : memref<2x4096xi32, #tpu.memory_space<vmem>>, vector<16xi32>,
        %sub3A_458 = arith.constant 25088 : i32
        %sub3A_459 = vector.broadcast %sub3A_458 : i32 to vector<16xi32>
        %sub3A_460 = arith.subi %get3A_457, %sub3A_459 : vector<16xi32>
        %bitcast3A_461 = vector.bitcast %sub3A_460 : vector<16xi32> to vector<16xi32>
        %lt3A_462 = arith.constant 24960 : i32
        %lt3A_463 = vector.broadcast %lt3A_462 : i32 to vector<16xi32>
        %lt3A_464 = arith.cmpi ult, %bitcast3A_461, %lt3A_463 : vector<16xi32>
        %gather3A_465 = tpu.vector_load_idx %arg8[%broadcast_in_dim3A_23, %sub3A_460] masked %lt3A_464 : memref<2x25120xf32, #tpu.memory_space<vmem>>[vector<16xi32>, vector<16xi32>], vector<16xf32>, vector<16xi1>
        %jit3A_466 = arith.constant 0.000000e+00 : f32
        %broadcast_in_dim3A_467 = vector.broadcast %jit3A_466 : f32 to vector<16xf32>
        %select_n3A_468 = arith.select %lt3A_464, %gather3A_465, %broadcast_in_dim3A_467 : vector<16xi1>, vector<16xf32>
        %swap3A_469 = arith.constant 0 : i32
        %swap3A_470 = arith.index_cast %swap3A_469 : i32 to index
        %swap3A_471 = arith.index_cast %add3A_453 : i32 to index
        %swap3A_472 = tpu.vector_load %arg10[%swap3A_470, %swap3A_471] {strides = array<i32>} : memref<2x4096xf32, #tpu.memory_space<vmem>>, vector<16xf32>,
        tpu.vector_store %arg10[%swap3A_470, %swap3A_471], %select_n3A_468 {add = true, strides = array<i32>} : memref<2x4096xf32, #tpu.memory_space<vmem>>, vector<16xf32>,
        %gather3A_473 = tpu.vector_load_idx %arg8[%broadcast_in_dim3A_25, %sub3A_460] masked %lt3A_464 : memref<2x25120xf32, #tpu.memory_space<vmem>>[vector<16xi32>, vector<16xi32>], vector<16xf32>, vector<16xi1>
        %jit3A_474 = arith.constant 0.000000e+00 : f32
        %broadcast_in_dim3A_475 = vector.broadcast %jit3A_474 : f32 to vector<16xf32>
        %select_n3A_476 = arith.select %lt3A_464, %gather3A_473, %broadcast_in_dim3A_475 : vector<16xi1>, vector<16xf32>
        %swap3A_477 = arith.constant 1 : i32
        %swap3A_478 = arith.index_cast %swap3A_477 : i32 to index
        %swap3A_479 = arith.index_cast %add3A_453 : i32 to index
        %swap3A_480 = tpu.vector_load %arg10[%swap3A_478, %swap3A_479] {strides = array<i32>} : memref<2x4096xf32, #tpu.memory_space<vmem>>, vector<16xf32>,
        tpu.vector_store %arg10[%swap3A_478, %swap3A_479], %select_n3A_476 {add = true, strides = array<i32>} : memref<2x4096xf32, #tpu.memory_space<vmem>>, vector<16xf32>,
        %add3A_481 = arith.constant 48 : i32
        %add3A_482 = arith.addi %multiple_of3A, %add3A_481 : i32
        %get3A_483 = arith.constant 1 : i32
        %get3A_484 = arith.index_cast %get3A_483 : i32 to index
        %get3A_485 = arith.index_cast %add3A_482 : i32 to index
        %get3A_486 = tpu.vector_load %arg6[%get3A_484, %get3A_485] {strides = array<i32>} : memref<2x4096xi32, #tpu.memory_space<vmem>>, vector<16xi32>,
        %sub3A_487 = arith.constant 25088 : i32
        %sub3A_488 = vector.broadcast %sub3A_487 : i32 to vector<16xi32>
        %sub3A_489 = arith.subi %get3A_486, %sub3A_488 : vector<16xi32>
        %bitcast3A_490 = vector.bitcast %sub3A_489 : vector<16xi32> to vector<16xi32>
        %lt3A_491 = arith.constant 24960 : i32
        %lt3A_492 = vector.broadcast %lt3A_491 : i32 to vector<16xi32>
        %lt3A_493 = arith.cmpi ult, %bitcast3A_490, %lt3A_492 : vector<16xi32>
        %gather3A_494 = tpu.vector_load_idx %arg8[%broadcast_in_dim3A_23, %sub3A_489] masked %lt3A_493 : memref<2x25120xf32, #tpu.memory_space<vmem>>[vector<16xi32>, vector<16xi32>], vector<16xf32>, vector<16xi1>
        %jit3A_495 = arith.constant 0.000000e+00 : f32
        %broadcast_in_dim3A_496 = vector.broadcast %jit3A_495 : f32 to vector<16xf32>
        %select_n3A_497 = arith.select %lt3A_493, %gather3A_494, %broadcast_in_dim3A_496 : vector<16xi1>, vector<16xf32>
        %swap3A_498 = arith.constant 0 : i32
        %swap3A_499 = arith.index_cast %swap3A_498 : i32 to index
        %swap3A_500 = arith.index_cast %add3A_482 : i32 to index
        %swap3A_501 = tpu.vector_load %arg10[%swap3A_499, %swap3A_500] {strides = array<i32>} : memref<2x4096xf32, #tpu.memory_space<vmem>>, vector<16xf32>,
        tpu.vector_store %arg10[%swap3A_499, %swap3A_500], %select_n3A_497 {add = true, strides = array<i32>} : memref<2x4096xf32, #tpu.memory_space<vmem>>, vector<16xf32>,
        %gather3A_502 = tpu.vector_load_idx %arg8[%broadcast_in_dim3A_25, %sub3A_489] masked %lt3A_493 : memref<2x25120xf32, #tpu.memory_space<vmem>>[vector<16xi32>, vector<16xi32>], vector<16xf32>, vector<16xi1>
        %jit3A_503 = arith.constant 0.000000e+00 : f32
        %broadcast_in_dim3A_504 = vector.broadcast %jit3A_503 : f32 to vector<16xf32>
        %select_n3A_505 = arith.select %lt3A_493, %gather3A_502, %broadcast_in_dim3A_504 : vector<16xi1>, vector<16xf32>
        %swap3A_506 = arith.constant 1 : i32
        %swap3A_507 = arith.index_cast %swap3A_506 : i32 to index
        %swap3A_508 = arith.index_cast %add3A_482 : i32 to index
        %swap3A_509 = tpu.vector_load %arg10[%swap3A_507, %swap3A_508] {strides = array<i32>} : memref<2x4096xf32, #tpu.memory_space<vmem>>, vector<16xf32>,
        tpu.vector_store %arg10[%swap3A_507, %swap3A_508], %select_n3A_505 {add = true, strides = array<i32>} : memref<2x4096xf32, #tpu.memory_space<vmem>>, vector<16xf32>,
        %add3A_510 = arith.constant 64 : i32
        %add3A_511 = arith.addi %multiple_of3A, %add3A_510 : i32
        %get3A_512 = arith.constant 1 : i32
        %get3A_513 = arith.index_cast %get3A_512 : i32 to index
        %get3A_514 = arith.index_cast %add3A_511 : i32 to index
        %get3A_515 = tpu.vector_load %arg6[%get3A_513, %get3A_514] {strides = array<i32>} : memref<2x4096xi32, #tpu.memory_space<vmem>>, vector<16xi32>,
        %sub3A_516 = arith.constant 25088 : i32
        %sub3A_517 = vector.broadcast %sub3A_516 : i32 to vector<16xi32>
        %sub3A_518 = arith.subi %get3A_515, %sub3A_517 : vector<16xi32>
        %bitcast3A_519 = vector.bitcast %sub3A_518 : vector<16xi32> to vector<16xi32>
        %lt3A_520 = arith.constant 24960 : i32
        %lt3A_521 = vector.broadcast %lt3A_520 : i32 to vector<16xi32>
        %lt3A_522 = arith.cmpi ult, %bitcast3A_519, %lt3A_521 : vector<16xi32>
        %gather3A_523 = tpu.vector_load_idx %arg8[%broadcast_in_dim3A_23, %sub3A_518] masked %lt3A_522 : memref<2x25120xf32, #tpu.memory_space<vmem>>[vector<16xi32>, vector<16xi32>], vector<16xf32>, vector<16xi1>
        %jit3A_524 = arith.constant 0.000000e+00 : f32
        %broadcast_in_dim3A_525 = vector.broadcast %jit3A_524 : f32 to vector<16xf32>
        %select_n3A_526 = arith.select %lt3A_522, %gather3A_523, %broadcast_in_dim3A_525 : vector<16xi1>, vector<16xf32>
        %swap3A_527 = arith.constant 0 : i32
        %swap3A_528 = arith.index_cast %swap3A_527 : i32 to index
        %swap3A_529 = arith.index_cast %add3A_511 : i32 to index
        %swap3A_530 = tpu.vector_load %arg10[%swap3A_528, %swap3A_529] {strides = array<i32>} : memref<2x4096xf32, #tpu.memory_space<vmem>>, vector<16xf32>,
        tpu.vector_store %arg10[%swap3A_528, %swap3A_529], %select_n3A_526 {add = true, strides = array<i32>} : memref<2x4096xf32, #tpu.memory_space<vmem>>, vector<16xf32>,
        %gather3A_531 = tpu.vector_load_idx %arg8[%broadcast_in_dim3A_25, %sub3A_518] masked %lt3A_522 : memref<2x25120xf32, #tpu.memory_space<vmem>>[vector<16xi32>, vector<16xi32>], vector<16xf32>, vector<16xi1>
        %jit3A_532 = arith.constant 0.000000e+00 : f32
        %broadcast_in_dim3A_533 = vector.broadcast %jit3A_532 : f32 to vector<16xf32>
        %select_n3A_534 = arith.select %lt3A_522, %gather3A_531, %broadcast_in_dim3A_533 : vector<16xi1>, vector<16xf32>
        %swap3A_535 = arith.constant 1 : i32
        %swap3A_536 = arith.index_cast %swap3A_535 : i32 to index
        %swap3A_537 = arith.index_cast %add3A_511 : i32 to index
        %swap3A_538 = tpu.vector_load %arg10[%swap3A_536, %swap3A_537] {strides = array<i32>} : memref<2x4096xf32, #tpu.memory_space<vmem>>, vector<16xf32>,
        tpu.vector_store %arg10[%swap3A_536, %swap3A_537], %select_n3A_534 {add = true, strides = array<i32>} : memref<2x4096xf32, #tpu.memory_space<vmem>>, vector<16xf32>,
        %add3A_539 = arith.constant 80 : i32
        %add3A_540 = arith.addi %multiple_of3A, %add3A_539 : i32
        %get3A_541 = arith.constant 1 : i32
        %get3A_542 = arith.index_cast %get3A_541 : i32 to index
        %get3A_543 = arith.index_cast %add3A_540 : i32 to index
        %get3A_544 = tpu.vector_load %arg6[%get3A_542, %get3A_543] {strides = array<i32>} : memref<2x4096xi32, #tpu.memory_space<vmem>>, vector<16xi32>,
        %sub3A_545 = arith.constant 25088 : i32
        %sub3A_546 = vector.broadcast %sub3A_545 : i32 to vector<16xi32>
        %sub3A_547 = arith.subi %get3A_544, %sub3A_546 : vector<16xi32>
        %bitcast3A_548 = vector.bitcast %sub3A_547 : vector<16xi32> to vector<16xi32>
        %lt3A_549 = arith.constant 24960 : i32
        %lt3A_550 = vector.broadcast %lt3A_549 : i32 to vector<16xi32>
        %lt3A_551 = arith.cmpi ult, %bitcast3A_548, %lt3A_550 : vector<16xi32>
        %gather3A_552 = tpu.vector_load_idx %arg8[%broadcast_in_dim3A_23, %sub3A_547] masked %lt3A_551 : memref<2x25120xf32, #tpu.memory_space<vmem>>[vector<16xi32>, vector<16xi32>], vector<16xf32>, vector<16xi1>
        %jit3A_553 = arith.constant 0.000000e+00 : f32
        %broadcast_in_dim3A_554 = vector.broadcast %jit3A_553 : f32 to vector<16xf32>
        %select_n3A_555 = arith.select %lt3A_551, %gather3A_552, %broadcast_in_dim3A_554 : vector<16xi1>, vector<16xf32>
        %swap3A_556 = arith.constant 0 : i32
        %swap3A_557 = arith.index_cast %swap3A_556 : i32 to index
        %swap3A_558 = arith.index_cast %add3A_540 : i32 to index
        %swap3A_559 = tpu.vector_load %arg10[%swap3A_557, %swap3A_558] {strides = array<i32>} : memref<2x4096xf32, #tpu.memory_space<vmem>>, vector<16xf32>,
        tpu.vector_store %arg10[%swap3A_557, %swap3A_558], %select_n3A_555 {add = true, strides = array<i32>} : memref<2x4096xf32, #tpu.memory_space<vmem>>, vector<16xf32>,
        %gather3A_560 = tpu.vector_load_idx %arg8[%broadcast_in_dim3A_25, %sub3A_547] masked %lt3A_551 : memref<2x25120xf32, #tpu.memory_space<vmem>>[vector<16xi32>, vector<16xi32>], vector<16xf32>, vector<16xi1>
        %jit3A_561 = arith.constant 0.000000e+00 : f32
        %broadcast_in_dim3A_562 = vector.broadcast %jit3A_561 : f32 to vector<16xf32>
        %select_n3A_563 = arith.select %lt3A_551, %gather3A_560, %broadcast_in_dim3A_562 : vector<16xi1>, vector<16xf32>
        %swap3A_564 = arith.constant 1 : i32
        %swap3A_565 = arith.index_cast %swap3A_564 : i32 to index
        %swap3A_566 = arith.index_cast %add3A_540 : i32 to index
        %swap3A_567 = tpu.vector_load %arg10[%swap3A_565, %swap3A_566] {strides = array<i32>} : memref<2x4096xf32, #tpu.memory_space<vmem>>, vector<16xf32>,
        tpu.vector_store %arg10[%swap3A_565, %swap3A_566], %select_n3A_563 {add = true, strides = array<i32>} : memref<2x4096xf32, #tpu.memory_space<vmem>>, vector<16xf32>,
        %add3A_568 = arith.constant 96 : i32
        %add3A_569 = arith.addi %multiple_of3A, %add3A_568 : i32
        %get3A_570 = arith.constant 1 : i32
        %get3A_571 = arith.index_cast %get3A_570 : i32 to index
        %get3A_572 = arith.index_cast %add3A_569 : i32 to index
        %get3A_573 = tpu.vector_load %arg6[%get3A_571, %get3A_572] {strides = array<i32>} : memref<2x4096xi32, #tpu.memory_space<vmem>>, vector<16xi32>,
        %sub3A_574 = arith.constant 25088 : i32
        %sub3A_575 = vector.broadcast %sub3A_574 : i32 to vector<16xi32>
        %sub3A_576 = arith.subi %get3A_573, %sub3A_575 : vector<16xi32>
        %bitcast3A_577 = vector.bitcast %sub3A_576 : vector<16xi32> to vector<16xi32>
        %lt3A_578 = arith.constant 24960 : i32
        %lt3A_579 = vector.broadcast %lt3A_578 : i32 to vector<16xi32>
        %lt3A_580 = arith.cmpi ult, %bitcast3A_577, %lt3A_579 : vector<16xi32>
        %gather3A_581 = tpu.vector_load_idx %arg8[%broadcast_in_dim3A_23, %sub3A_576] masked %lt3A_580 : memref<2x25120xf32, #tpu.memory_space<vmem>>[vector<16xi32>, vector<16xi32>], vector<16xf32>, vector<16xi1>
        %jit3A_582 = arith.constant 0.000000e+00 : f32
        %broadcast_in_dim3A_583 = vector.broadcast %jit3A_582 : f32 to vector<16xf32>
        %select_n3A_584 = arith.select %lt3A_580, %gather3A_581, %broadcast_in_dim3A_583 : vector<16xi1>, vector<16xf32>
        %swap3A_585 = arith.constant 0 : i32
        %swap3A_586 = arith.index_cast %swap3A_585 : i32 to index
        %swap3A_587 = arith.index_cast %add3A_569 : i32 to index
        %swap3A_588 = tpu.vector_load %arg10[%swap3A_586, %swap3A_587] {strides = array<i32>} : memref<2x4096xf32, #tpu.memory_space<vmem>>, vector<16xf32>,
        tpu.vector_store %arg10[%swap3A_586, %swap3A_587], %select_n3A_584 {add = true, strides = array<i32>} : memref<2x4096xf32, #tpu.memory_space<vmem>>, vector<16xf32>,
        %gather3A_589 = tpu.vector_load_idx %arg8[%broadcast_in_dim3A_25, %sub3A_576] masked %lt3A_580 : memref<2x25120xf32, #tpu.memory_space<vmem>>[vector<16xi32>, vector<16xi32>], vector<16xf32>, vector<16xi1>
        %jit3A_590 = arith.constant 0.000000e+00 : f32
        %broadcast_in_dim3A_591 = vector.broadcast %jit3A_590 : f32 to vector<16xf32>
        %select_n3A_592 = arith.select %lt3A_580, %gather3A_589, %broadcast_in_dim3A_591 : vector<16xi1>, vector<16xf32>
        %swap3A_593 = arith.constant 1 : i32
        %swap3A_594 = arith.index_cast %swap3A_593 : i32 to index
        %swap3A_595 = arith.index_cast %add3A_569 : i32 to index
        %swap3A_596 = tpu.vector_load %arg10[%swap3A_594, %swap3A_595] {strides = array<i32>} : memref<2x4096xf32, #tpu.memory_space<vmem>>, vector<16xf32>,
        tpu.vector_store %arg10[%swap3A_594, %swap3A_595], %select_n3A_592 {add = true, strides = array<i32>} : memref<2x4096xf32, #tpu.memory_space<vmem>>, vector<16xf32>,
        %add3A_597 = arith.constant 112 : i32
        %add3A_598 = arith.addi %multiple_of3A, %add3A_597 : i32
        %get3A_599 = arith.constant 1 : i32
        %get3A_600 = arith.index_cast %get3A_599 : i32 to index
        %get3A_601 = arith.index_cast %add3A_598 : i32 to index
        %get3A_602 = tpu.vector_load %arg6[%get3A_600, %get3A_601] {strides = array<i32>} : memref<2x4096xi32, #tpu.memory_space<vmem>>, vector<16xi32>,
        %sub3A_603 = arith.constant 25088 : i32
        %sub3A_604 = vector.broadcast %sub3A_603 : i32 to vector<16xi32>
        %sub3A_605 = arith.subi %get3A_602, %sub3A_604 : vector<16xi32>
        %bitcast3A_606 = vector.bitcast %sub3A_605 : vector<16xi32> to vector<16xi32>
        %lt3A_607 = arith.constant 24960 : i32
        %lt3A_608 = vector.broadcast %lt3A_607 : i32 to vector<16xi32>
        %lt3A_609 = arith.cmpi ult, %bitcast3A_606, %lt3A_608 : vector<16xi32>
        %gather3A_610 = tpu.vector_load_idx %arg8[%broadcast_in_dim3A_23, %sub3A_605] masked %lt3A_609 : memref<2x25120xf32, #tpu.memory_space<vmem>>[vector<16xi32>, vector<16xi32>], vector<16xf32>, vector<16xi1>
        %jit3A_611 = arith.constant 0.000000e+00 : f32
        %broadcast_in_dim3A_612 = vector.broadcast %jit3A_611 : f32 to vector<16xf32>
        %select_n3A_613 = arith.select %lt3A_609, %gather3A_610, %broadcast_in_dim3A_612 : vector<16xi1>, vector<16xf32>
        %swap3A_614 = arith.constant 0 : i32
        %swap3A_615 = arith.index_cast %swap3A_614 : i32 to index
        %swap3A_616 = arith.index_cast %add3A_598 : i32 to index
        %swap3A_617 = tpu.vector_load %arg10[%swap3A_615, %swap3A_616] {strides = array<i32>} : memref<2x4096xf32, #tpu.memory_space<vmem>>, vector<16xf32>,
        tpu.vector_store %arg10[%swap3A_615, %swap3A_616], %select_n3A_613 {add = true, strides = array<i32>} : memref<2x4096xf32, #tpu.memory_space<vmem>>, vector<16xf32>,
        %gather3A_618 = tpu.vector_load_idx %arg8[%broadcast_in_dim3A_25, %sub3A_605] masked %lt3A_609 : memref<2x25120xf32, #tpu.memory_space<vmem>>[vector<16xi32>, vector<16xi32>], vector<16xf32>, vector<16xi1>
        %jit3A_619 = arith.constant 0.000000e+00 : f32
        %broadcast_in_dim3A_620 = vector.broadcast %jit3A_619 : f32 to vector<16xf32>
        %select_n3A_621 = arith.select %lt3A_609, %gather3A_618, %broadcast_in_dim3A_620 : vector<16xi1>, vector<16xf32>
        %swap3A_622 = arith.constant 1 : i32
        %swap3A_623 = arith.index_cast %swap3A_622 : i32 to index
        %swap3A_624 = arith.index_cast %add3A_598 : i32 to index
        %swap3A_625 = tpu.vector_load %arg10[%swap3A_623, %swap3A_624] {strides = array<i32>} : memref<2x4096xf32, #tpu.memory_space<vmem>>, vector<16xf32>,
        tpu.vector_store %arg10[%swap3A_623, %swap3A_624], %select_n3A_621 {add = true, strides = array<i32>} : memref<2x4096xf32, #tpu.memory_space<vmem>>, vector<16xf32>,
      }
      %scan3A_300 = arith.constant 32 : i32
      %mul3A_301 = arith.constant 64 : i32
      %mul3A_302 = arith.muli %add3A_234, %mul3A_301 : i32
      %add3A_303 = arith.addi %mul3A_302, %mul3A_2 : i32
      %dma_start3A_304 = arith.constant 0 : i32
      %dma_start3A_305 = arith.constant 0 : i32
      %dma_start3A_306 = tpu.memref_slice %arg8[%dma_start3A_304, %dma_start3A_305] : memref<2x25120xf32, #tpu.memory_space<vmem>> -> memref<2x24960xf32, #tpu.memory_space<vmem>>
      %dma_start3A_307 = arith.constant 75008 : i32
      %dma_start3A_308 = tpu.memref_slice %arg3[%add3A_303, %dma_start3A_307] : memref<1664x100000xf32, #tpu.memory_space<hbm>> -> memref<2x24960xf32, #tpu.memory_space<hbm>>
      %dma_start3A_309 = arith.constant 0 : i32
      %dma_start3A_310 = arith.constant 0 : i32
      %dma_start3A_311 = tpu.memref_slice %arg8[%dma_start3A_309, %dma_start3A_310] : memref<2x25120xf32, #tpu.memory_space<vmem>> -> memref<2x24960xf32, #tpu.memory_space<vmem>>
      %dma_start3A_312 = arith.constant 75008 : i32
      %dma_start3A_313 = tpu.memref_slice %arg3[%add3A_303, %dma_start3A_312] : memref<1664x100000xf32, #tpu.memory_space<hbm>> -> memref<2x24960xf32, #tpu.memory_space<hbm>>
      tpu.enqueue_dma source(%dma_start3A_313 : memref<2x24960xf32, #tpu.memory_space<hbm>>) target(%dma_start3A_311 : memref<2x24960xf32, #tpu.memory_space<vmem>>) target_semaphore(%arg12 : memref<!tpu.dma_semaphore, #tpu.memory_space<semaphore_mem>>)
      %dma_start3A_314 = arith.constant 0 : i32
      %dma_start3A_315 = tpu.memref_slice %arg4[%add3A_303, %dma_start3A_314] : memref<1664x32xf32, #tpu.memory_space<hbm>> -> memref<2x32xf32, #tpu.memory_space<hbm>>
      %dma_start3A_316 = arith.constant 0 : i32
      %dma_start3A_317 = tpu.memref_slice %arg4[%add3A_303, %dma_start3A_316] : memref<1664x32xf32, #tpu.memory_space<hbm>> -> memref<2x32xf32, #tpu.memory_space<hbm>>
      tpu.enqueue_dma source(%dma_start3A_317 : memref<2x32xf32, #tpu.memory_space<hbm>>) target(%arg9 : memref<2x32xf32, #tpu.memory_space<vmem>>) target_semaphore(%arg13 : memref<!tpu.dma_semaphore, #tpu.memory_space<semaphore_mem>>)
      %dma_wait3A_318 = arith.constant 0 : i32
      %dma_wait3A_319 = arith.constant 0 : i32
      %dma_wait3A_320 = tpu.memref_slice %arg7[%dma_wait3A_318, %dma_wait3A_319] : memref<2x25120xf32, #tpu.memory_space<vmem>> -> memref<2x24960xf32, #tpu.memory_space<vmem>>
      %dma_wait3A_321 = arith.constant 50048 : i32
      %dma_wait3A_322 = tpu.memref_slice %arg3[%add3A_255, %dma_wait3A_321] : memref<1664x100000xf32, #tpu.memory_space<hbm>> -> memref<2x24960xf32, #tpu.memory_space<hbm>>
      %dma_wait3A_323 = arith.constant 0 : i32
      %dma_wait3A_324 = arith.constant 0 : i32
      %dma_wait3A_325 = tpu.memref_slice %arg7[%dma_wait3A_323, %dma_wait3A_324] : memref<2x25120xf32, #tpu.memory_space<vmem>> -> memref<2x24960xf32, #tpu.memory_space<vmem>>
      %dma_wait3A_326 = arith.constant 50048 : i32
      %dma_wait3A_327 = tpu.memref_slice %arg3[%add3A_255, %dma_wait3A_326] : memref<1664x100000xf32, #tpu.memory_space<hbm>> -> memref<2x24960xf32, #tpu.memory_space<hbm>>
      tpu.wait_dma2 semaphore(%arg11 : memref<!tpu.dma_semaphore, #tpu.memory_space<semaphore_mem>>) src(%dma_wait3A_327 : memref<2x24960xf32, #tpu.memory_space<hbm>>) dst(%dma_wait3A_325 : memref<2x24960xf32, #tpu.memory_space<vmem>>)
      %scan3A_328 = arith.constant 0 : i32
      %scan3A_329 = arith.constant 0 : i32
      %scan3A_330 = arith.constant 32 : i32
      %scan3A_331 = arith.addi %scan3A_329, %scan3A_330 : i32
      %scan3A_332 = arith.constant 1 : i32
      scf.for %scan3A_396 = %scan3A_329 to %scan3A_331 step %scan3A_332  : i32 {
        %mul3A_397 = arith.constant 128 : i32
        %mul3A_398 = arith.muli %scan3A_396, %mul3A_397 : i32
        %multiple_of3A = tpu.assume_multiple %mul3A_398, 16 : i32
        %add3A_399 = arith.constant 0 : i32
        %add3A_400 = arith.addi %multiple_of3A, %add3A_399 : i32
        %get3A_401 = arith.constant 1 : i32
        %get3A_402 = arith.index_cast %get3A_401 : i32 to index
        %get3A_403 = arith.index_cast %add3A_400 : i32 to index
        %get3A_404 = tpu.vector_load %arg6[%get3A_402, %get3A_403] {strides = array<i32>} : memref<2x4096xi32, #tpu.memory_space<vmem>>, vector<16xi32>,
        %sub3A = arith.constant 50048 : i32
        %sub3A_405 = vector.broadcast %sub3A : i32 to vector<16xi32>
        %sub3A_406 = arith.subi %get3A_404, %sub3A_405 : vector<16xi32>
        %bitcast3A = vector.bitcast %sub3A_406 : vector<16xi32> to vector<16xi32>
        %lt3A_407 = arith.constant 24960 : i32
        %lt3A_408 = vector.broadcast %lt3A_407 : i32 to vector<16xi32>
        %lt3A_409 = arith.cmpi ult, %bitcast3A, %lt3A_408 : vector<16xi32>
        %gather3A = tpu.vector_load_idx %arg7[%broadcast_in_dim3A_23, %sub3A_406] masked %lt3A_409 : memref<2x25120xf32, #tpu.memory_space<vmem>>[vector<16xi32>, vector<16xi32>], vector<16xf32>, vector<16xi1>
        %jit3A = arith.constant 0.000000e+00 : f32
        %broadcast_in_dim3A_410 = vector.broadcast %jit3A : f32 to vector<16xf32>
        %select_n3A = arith.select %lt3A_409, %gather3A, %broadcast_in_dim3A_410 : vector<16xi1>, vector<16xf32>
        %swap3A_411 = arith.constant 0 : i32
        %swap3A_412 = arith.index_cast %swap3A_411 : i32 to index
        %swap3A_413 = arith.index_cast %add3A_400 : i32 to index
        %swap3A_414 = tpu.vector_load %arg10[%swap3A_412, %swap3A_413] {strides = array<i32>} : memref<2x4096xf32, #tpu.memory_space<vmem>>, vector<16xf32>,
        tpu.vector_store %arg10[%swap3A_412, %swap3A_413], %select_n3A {add = true, strides = array<i32>} : memref<2x4096xf32, #tpu.memory_space<vmem>>, vector<16xf32>,
        %gather3A_415 = tpu.vector_load_idx %arg7[%broadcast_in_dim3A_25, %sub3A_406] masked %lt3A_409 : memref<2x25120xf32, #tpu.memory_space<vmem>>[vector<16xi32>, vector<16xi32>], vector<16xf32>, vector<16xi1>
        %jit3A_416 = arith.constant 0.000000e+00 : f32
        %broadcast_in_dim3A_417 = vector.broadcast %jit3A_416 : f32 to vector<16xf32>
        %select_n3A_418 = arith.select %lt3A_409, %gather3A_415, %broadcast_in_dim3A_417 : vector<16xi1>, vector<16xf32>
        %swap3A_419 = arith.constant 1 : i32
        %swap3A_420 = arith.index_cast %swap3A_419 : i32 to index
        %swap3A_421 = arith.index_cast %add3A_400 : i32 to index
        %swap3A_422 = tpu.vector_load %arg10[%swap3A_420, %swap3A_421] {strides = array<i32>} : memref<2x4096xf32, #tpu.memory_space<vmem>>, vector<16xf32>,
        tpu.vector_store %arg10[%swap3A_420, %swap3A_421], %select_n3A_418 {add = true, strides = array<i32>} : memref<2x4096xf32, #tpu.memory_space<vmem>>, vector<16xf32>,
        %add3A_423 = arith.constant 16 : i32
        %add3A_424 = arith.addi %multiple_of3A, %add3A_423 : i32
        %get3A_425 = arith.constant 1 : i32
        %get3A_426 = arith.index_cast %get3A_425 : i32 to index
        %get3A_427 = arith.index_cast %add3A_424 : i32 to index
        %get3A_428 = tpu.vector_load %arg6[%get3A_426, %get3A_427] {strides = array<i32>} : memref<2x4096xi32, #tpu.memory_space<vmem>>, vector<16xi32>,
        %sub3A_429 = arith.constant 50048 : i32
        %sub3A_430 = vector.broadcast %sub3A_429 : i32 to vector<16xi32>
        %sub3A_431 = arith.subi %get3A_428, %sub3A_430 : vector<16xi32>
        %bitcast3A_432 = vector.bitcast %sub3A_431 : vector<16xi32> to vector<16xi32>
        %lt3A_433 = arith.constant 24960 : i32
        %lt3A_434 = vector.broadcast %lt3A_433 : i32 to vector<16xi32>
        %lt3A_435 = arith.cmpi ult, %bitcast3A_432, %lt3A_434 : vector<16xi32>
        %gather3A_436 = tpu.vector_load_idx %arg7[%broadcast_in_dim3A_23, %sub3A_431] masked %lt3A_435 : memref<2x25120xf32, #tpu.memory_space<vmem>>[vector<16xi32>, vector<16xi32>], vector<16xf32>, vector<16xi1>
        %jit3A_437 = arith.constant 0.000000e+00 : f32
        %broadcast_in_dim3A_438 = vector.broadcast %jit3A_437 : f32 to vector<16xf32>
        %select_n3A_439 = arith.select %lt3A_435, %gather3A_436, %broadcast_in_dim3A_438 : vector<16xi1>, vector<16xf32>
        %swap3A_440 = arith.constant 0 : i32
        %swap3A_441 = arith.index_cast %swap3A_440 : i32 to index
        %swap3A_442 = arith.index_cast %add3A_424 : i32 to index
        %swap3A_443 = tpu.vector_load %arg10[%swap3A_441, %swap3A_442] {strides = array<i32>} : memref<2x4096xf32, #tpu.memory_space<vmem>>, vector<16xf32>,
        tpu.vector_store %arg10[%swap3A_441, %swap3A_442], %select_n3A_439 {add = true, strides = array<i32>} : memref<2x4096xf32, #tpu.memory_space<vmem>>, vector<16xf32>,
        %gather3A_444 = tpu.vector_load_idx %arg7[%broadcast_in_dim3A_25, %sub3A_431] masked %lt3A_435 : memref<2x25120xf32, #tpu.memory_space<vmem>>[vector<16xi32>, vector<16xi32>], vector<16xf32>, vector<16xi1>
        %jit3A_445 = arith.constant 0.000000e+00 : f32
        %broadcast_in_dim3A_446 = vector.broadcast %jit3A_445 : f32 to vector<16xf32>
        %select_n3A_447 = arith.select %lt3A_435, %gather3A_444, %broadcast_in_dim3A_446 : vector<16xi1>, vector<16xf32>
        %swap3A_448 = arith.constant 1 : i32
        %swap3A_449 = arith.index_cast %swap3A_448 : i32 to index
        %swap3A_450 = arith.index_cast %add3A_424 : i32 to index
        %swap3A_451 = tpu.vector_load %arg10[%swap3A_449, %swap3A_450] {strides = array<i32>} : memref<2x4096xf32, #tpu.memory_space<vmem>>, vector<16xf32>,
        tpu.vector_store %arg10[%swap3A_449, %swap3A_450], %select_n3A_447 {add = true, strides = array<i32>} : memref<2x4096xf32, #tpu.memory_space<vmem>>, vector<16xf32>,
        %add3A_452 = arith.constant 32 : i32
        %add3A_453 = arith.addi %multiple_of3A, %add3A_452 : i32
        %get3A_454 = arith.constant 1 : i32
        %get3A_455 = arith.index_cast %get3A_454 : i32 to index
        %get3A_456 = arith.index_cast %add3A_453 : i32 to index
        %get3A_457 = tpu.vector_load %arg6[%get3A_455, %get3A_456] {strides = array<i32>} : memref<2x4096xi32, #tpu.memory_space<vmem>>, vector<16xi32>,
        %sub3A_458 = arith.constant 50048 : i32
        %sub3A_459 = vector.broadcast %sub3A_458 : i32 to vector<16xi32>
        %sub3A_460 = arith.subi %get3A_457, %sub3A_459 : vector<16xi32>
        %bitcast3A_461 = vector.bitcast %sub3A_460 : vector<16xi32> to vector<16xi32>
        %lt3A_462 = arith.constant 24960 : i32
        %lt3A_463 = vector.broadcast %lt3A_462 : i32 to vector<16xi32>
        %lt3A_464 = arith.cmpi ult, %bitcast3A_461, %lt3A_463 : vector<16xi32>
        %gather3A_465 = tpu.vector_load_idx %arg7[%broadcast_in_dim3A_23, %sub3A_460] masked %lt3A_464 : memref<2x25120xf32, #tpu.memory_space<vmem>>[vector<16xi32>, vector<16xi32>], vector<16xf32>, vector<16xi1>
        %jit3A_466 = arith.constant 0.000000e+00 : f32
        %broadcast_in_dim3A_467 = vector.broadcast %jit3A_466 : f32 to vector<16xf32>
        %select_n3A_468 = arith.select %lt3A_464, %gather3A_465, %broadcast_in_dim3A_467 : vector<16xi1>, vector<16xf32>
        %swap3A_469 = arith.constant 0 : i32
        %swap3A_470 = arith.index_cast %swap3A_469 : i32 to index
        %swap3A_471 = arith.index_cast %add3A_453 : i32 to index
        %swap3A_472 = tpu.vector_load %arg10[%swap3A_470, %swap3A_471] {strides = array<i32>} : memref<2x4096xf32, #tpu.memory_space<vmem>>, vector<16xf32>,
        tpu.vector_store %arg10[%swap3A_470, %swap3A_471], %select_n3A_468 {add = true, strides = array<i32>} : memref<2x4096xf32, #tpu.memory_space<vmem>>, vector<16xf32>,
        %gather3A_473 = tpu.vector_load_idx %arg7[%broadcast_in_dim3A_25, %sub3A_460] masked %lt3A_464 : memref<2x25120xf32, #tpu.memory_space<vmem>>[vector<16xi32>, vector<16xi32>], vector<16xf32>, vector<16xi1>
        %jit3A_474 = arith.constant 0.000000e+00 : f32
        %broadcast_in_dim3A_475 = vector.broadcast %jit3A_474 : f32 to vector<16xf32>
        %select_n3A_476 = arith.select %lt3A_464, %gather3A_473, %broadcast_in_dim3A_475 : vector<16xi1>, vector<16xf32>
        %swap3A_477 = arith.constant 1 : i32
        %swap3A_478 = arith.index_cast %swap3A_477 : i32 to index
        %swap3A_479 = arith.index_cast %add3A_453 : i32 to index
        %swap3A_480 = tpu.vector_load %arg10[%swap3A_478, %swap3A_479] {strides = array<i32>} : memref<2x4096xf32, #tpu.memory_space<vmem>>, vector<16xf32>,
        tpu.vector_store %arg10[%swap3A_478, %swap3A_479], %select_n3A_476 {add = true, strides = array<i32>} : memref<2x4096xf32, #tpu.memory_space<vmem>>, vector<16xf32>,
        %add3A_481 = arith.constant 48 : i32
        %add3A_482 = arith.addi %multiple_of3A, %add3A_481 : i32
        %get3A_483 = arith.constant 1 : i32
        %get3A_484 = arith.index_cast %get3A_483 : i32 to index
        %get3A_485 = arith.index_cast %add3A_482 : i32 to index
        %get3A_486 = tpu.vector_load %arg6[%get3A_484, %get3A_485] {strides = array<i32>} : memref<2x4096xi32, #tpu.memory_space<vmem>>, vector<16xi32>,
        %sub3A_487 = arith.constant 50048 : i32
        %sub3A_488 = vector.broadcast %sub3A_487 : i32 to vector<16xi32>
        %sub3A_489 = arith.subi %get3A_486, %sub3A_488 : vector<16xi32>
        %bitcast3A_490 = vector.bitcast %sub3A_489 : vector<16xi32> to vector<16xi32>
        %lt3A_491 = arith.constant 24960 : i32
        %lt3A_492 = vector.broadcast %lt3A_491 : i32 to vector<16xi32>
        %lt3A_493 = arith.cmpi ult, %bitcast3A_490, %lt3A_492 : vector<16xi32>
        %gather3A_494 = tpu.vector_load_idx %arg7[%broadcast_in_dim3A_23, %sub3A_489] masked %lt3A_493 : memref<2x25120xf32, #tpu.memory_space<vmem>>[vector<16xi32>, vector<16xi32>], vector<16xf32>, vector<16xi1>
        %jit3A_495 = arith.constant 0.000000e+00 : f32
        %broadcast_in_dim3A_496 = vector.broadcast %jit3A_495 : f32 to vector<16xf32>
        %select_n3A_497 = arith.select %lt3A_493, %gather3A_494, %broadcast_in_dim3A_496 : vector<16xi1>, vector<16xf32>
        %swap3A_498 = arith.constant 0 : i32
        %swap3A_499 = arith.index_cast %swap3A_498 : i32 to index
        %swap3A_500 = arith.index_cast %add3A_482 : i32 to index
        %swap3A_501 = tpu.vector_load %arg10[%swap3A_499, %swap3A_500] {strides = array<i32>} : memref<2x4096xf32, #tpu.memory_space<vmem>>, vector<16xf32>,
        tpu.vector_store %arg10[%swap3A_499, %swap3A_500], %select_n3A_497 {add = true, strides = array<i32>} : memref<2x4096xf32, #tpu.memory_space<vmem>>, vector<16xf32>,
        %gather3A_502 = tpu.vector_load_idx %arg7[%broadcast_in_dim3A_25, %sub3A_489] masked %lt3A_493 : memref<2x25120xf32, #tpu.memory_space<vmem>>[vector<16xi32>, vector<16xi32>], vector<16xf32>, vector<16xi1>
        %jit3A_503 = arith.constant 0.000000e+00 : f32
        %broadcast_in_dim3A_504 = vector.broadcast %jit3A_503 : f32 to vector<16xf32>
        %select_n3A_505 = arith.select %lt3A_493, %gather3A_502, %broadcast_in_dim3A_504 : vector<16xi1>, vector<16xf32>
        %swap3A_506 = arith.constant 1 : i32
        %swap3A_507 = arith.index_cast %swap3A_506 : i32 to index
        %swap3A_508 = arith.index_cast %add3A_482 : i32 to index
        %swap3A_509 = tpu.vector_load %arg10[%swap3A_507, %swap3A_508] {strides = array<i32>} : memref<2x4096xf32, #tpu.memory_space<vmem>>, vector<16xf32>,
        tpu.vector_store %arg10[%swap3A_507, %swap3A_508], %select_n3A_505 {add = true, strides = array<i32>} : memref<2x4096xf32, #tpu.memory_space<vmem>>, vector<16xf32>,
        %add3A_510 = arith.constant 64 : i32
        %add3A_511 = arith.addi %multiple_of3A, %add3A_510 : i32
        %get3A_512 = arith.constant 1 : i32
        %get3A_513 = arith.index_cast %get3A_512 : i32 to index
        %get3A_514 = arith.index_cast %add3A_511 : i32 to index
        %get3A_515 = tpu.vector_load %arg6[%get3A_513, %get3A_514] {strides = array<i32>} : memref<2x4096xi32, #tpu.memory_space<vmem>>, vector<16xi32>,
        %sub3A_516 = arith.constant 50048 : i32
        %sub3A_517 = vector.broadcast %sub3A_516 : i32 to vector<16xi32>
        %sub3A_518 = arith.subi %get3A_515, %sub3A_517 : vector<16xi32>
        %bitcast3A_519 = vector.bitcast %sub3A_518 : vector<16xi32> to vector<16xi32>
        %lt3A_520 = arith.constant 24960 : i32
        %lt3A_521 = vector.broadcast %lt3A_520 : i32 to vector<16xi32>
        %lt3A_522 = arith.cmpi ult, %bitcast3A_519, %lt3A_521 : vector<16xi32>
        %gather3A_523 = tpu.vector_load_idx %arg7[%broadcast_in_dim3A_23, %sub3A_518] masked %lt3A_522 : memref<2x25120xf32, #tpu.memory_space<vmem>>[vector<16xi32>, vector<16xi32>], vector<16xf32>, vector<16xi1>
        %jit3A_524 = arith.constant 0.000000e+00 : f32
        %broadcast_in_dim3A_525 = vector.broadcast %jit3A_524 : f32 to vector<16xf32>
        %select_n3A_526 = arith.select %lt3A_522, %gather3A_523, %broadcast_in_dim3A_525 : vector<16xi1>, vector<16xf32>
        %swap3A_527 = arith.constant 0 : i32
        %swap3A_528 = arith.index_cast %swap3A_527 : i32 to index
        %swap3A_529 = arith.index_cast %add3A_511 : i32 to index
        %swap3A_530 = tpu.vector_load %arg10[%swap3A_528, %swap3A_529] {strides = array<i32>} : memref<2x4096xf32, #tpu.memory_space<vmem>>, vector<16xf32>,
        tpu.vector_store %arg10[%swap3A_528, %swap3A_529], %select_n3A_526 {add = true, strides = array<i32>} : memref<2x4096xf32, #tpu.memory_space<vmem>>, vector<16xf32>,
        %gather3A_531 = tpu.vector_load_idx %arg7[%broadcast_in_dim3A_25, %sub3A_518] masked %lt3A_522 : memref<2x25120xf32, #tpu.memory_space<vmem>>[vector<16xi32>, vector<16xi32>], vector<16xf32>, vector<16xi1>
        %jit3A_532 = arith.constant 0.000000e+00 : f32
        %broadcast_in_dim3A_533 = vector.broadcast %jit3A_532 : f32 to vector<16xf32>
        %select_n3A_534 = arith.select %lt3A_522, %gather3A_531, %broadcast_in_dim3A_533 : vector<16xi1>, vector<16xf32>
        %swap3A_535 = arith.constant 1 : i32
        %swap3A_536 = arith.index_cast %swap3A_535 : i32 to index
        %swap3A_537 = arith.index_cast %add3A_511 : i32 to index
        %swap3A_538 = tpu.vector_load %arg10[%swap3A_536, %swap3A_537] {strides = array<i32>} : memref<2x4096xf32, #tpu.memory_space<vmem>>, vector<16xf32>,
        tpu.vector_store %arg10[%swap3A_536, %swap3A_537], %select_n3A_534 {add = true, strides = array<i32>} : memref<2x4096xf32, #tpu.memory_space<vmem>>, vector<16xf32>,
        %add3A_539 = arith.constant 80 : i32
        %add3A_540 = arith.addi %multiple_of3A, %add3A_539 : i32
        %get3A_541 = arith.constant 1 : i32
        %get3A_542 = arith.index_cast %get3A_541 : i32 to index
        %get3A_543 = arith.index_cast %add3A_540 : i32 to index
        %get3A_544 = tpu.vector_load %arg6[%get3A_542, %get3A_543] {strides = array<i32>} : memref<2x4096xi32, #tpu.memory_space<vmem>>, vector<16xi32>,
        %sub3A_545 = arith.constant 50048 : i32
        %sub3A_546 = vector.broadcast %sub3A_545 : i32 to vector<16xi32>
        %sub3A_547 = arith.subi %get3A_544, %sub3A_546 : vector<16xi32>
        %bitcast3A_548 = vector.bitcast %sub3A_547 : vector<16xi32> to vector<16xi32>
        %lt3A_549 = arith.constant 24960 : i32
        %lt3A_550 = vector.broadcast %lt3A_549 : i32 to vector<16xi32>
        %lt3A_551 = arith.cmpi ult, %bitcast3A_548, %lt3A_550 : vector<16xi32>
        %gather3A_552 = tpu.vector_load_idx %arg7[%broadcast_in_dim3A_23, %sub3A_547] masked %lt3A_551 : memref<2x25120xf32, #tpu.memory_space<vmem>>[vector<16xi32>, vector<16xi32>], vector<16xf32>, vector<16xi1>
        %jit3A_553 = arith.constant 0.000000e+00 : f32
        %broadcast_in_dim3A_554 = vector.broadcast %jit3A_553 : f32 to vector<16xf32>
        %select_n3A_555 = arith.select %lt3A_551, %gather3A_552, %broadcast_in_dim3A_554 : vector<16xi1>, vector<16xf32>
        %swap3A_556 = arith.constant 0 : i32
        %swap3A_557 = arith.index_cast %swap3A_556 : i32 to index
        %swap3A_558 = arith.index_cast %add3A_540 : i32 to index
        %swap3A_559 = tpu.vector_load %arg10[%swap3A_557, %swap3A_558] {strides = array<i32>} : memref<2x4096xf32, #tpu.memory_space<vmem>>, vector<16xf32>,
        tpu.vector_store %arg10[%swap3A_557, %swap3A_558], %select_n3A_555 {add = true, strides = array<i32>} : memref<2x4096xf32, #tpu.memory_space<vmem>>, vector<16xf32>,
        %gather3A_560 = tpu.vector_load_idx %arg7[%broadcast_in_dim3A_25, %sub3A_547] masked %lt3A_551 : memref<2x25120xf32, #tpu.memory_space<vmem>>[vector<16xi32>, vector<16xi32>], vector<16xf32>, vector<16xi1>
        %jit3A_561 = arith.constant 0.000000e+00 : f32
        %broadcast_in_dim3A_562 = vector.broadcast %jit3A_561 : f32 to vector<16xf32>
        %select_n3A_563 = arith.select %lt3A_551, %gather3A_560, %broadcast_in_dim3A_562 : vector<16xi1>, vector<16xf32>
        %swap3A_564 = arith.constant 1 : i32
        %swap3A_565 = arith.index_cast %swap3A_564 : i32 to index
        %swap3A_566 = arith.index_cast %add3A_540 : i32 to index
        %swap3A_567 = tpu.vector_load %arg10[%swap3A_565, %swap3A_566] {strides = array<i32>} : memref<2x4096xf32, #tpu.memory_space<vmem>>, vector<16xf32>,
        tpu.vector_store %arg10[%swap3A_565, %swap3A_566], %select_n3A_563 {add = true, strides = array<i32>} : memref<2x4096xf32, #tpu.memory_space<vmem>>, vector<16xf32>,
        %add3A_568 = arith.constant 96 : i32
        %add3A_569 = arith.addi %multiple_of3A, %add3A_568 : i32
        %get3A_570 = arith.constant 1 : i32
        %get3A_571 = arith.index_cast %get3A_570 : i32 to index
        %get3A_572 = arith.index_cast %add3A_569 : i32 to index
        %get3A_573 = tpu.vector_load %arg6[%get3A_571, %get3A_572] {strides = array<i32>} : memref<2x4096xi32, #tpu.memory_space<vmem>>, vector<16xi32>,
        %sub3A_574 = arith.constant 50048 : i32
        %sub3A_575 = vector.broadcast %sub3A_574 : i32 to vector<16xi32>
        %sub3A_576 = arith.subi %get3A_573, %sub3A_575 : vector<16xi32>
        %bitcast3A_577 = vector.bitcast %sub3A_576 : vector<16xi32> to vector<16xi32>
        %lt3A_578 = arith.constant 24960 : i32
        %lt3A_579 = vector.broadcast %lt3A_578 : i32 to vector<16xi32>
        %lt3A_580 = arith.cmpi ult, %bitcast3A_577, %lt3A_579 : vector<16xi32>
        %gather3A_581 = tpu.vector_load_idx %arg7[%broadcast_in_dim3A_23, %sub3A_576] masked %lt3A_580 : memref<2x25120xf32, #tpu.memory_space<vmem>>[vector<16xi32>, vector<16xi32>], vector<16xf32>, vector<16xi1>
        %jit3A_582 = arith.constant 0.000000e+00 : f32
        %broadcast_in_dim3A_583 = vector.broadcast %jit3A_582 : f32 to vector<16xf32>
        %select_n3A_584 = arith.select %lt3A_580, %gather3A_581, %broadcast_in_dim3A_583 : vector<16xi1>, vector<16xf32>
        %swap3A_585 = arith.constant 0 : i32
        %swap3A_586 = arith.index_cast %swap3A_585 : i32 to index
        %swap3A_587 = arith.index_cast %add3A_569 : i32 to index
        %swap3A_588 = tpu.vector_load %arg10[%swap3A_586, %swap3A_587] {strides = array<i32>} : memref<2x4096xf32, #tpu.memory_space<vmem>>, vector<16xf32>,
        tpu.vector_store %arg10[%swap3A_586, %swap3A_587], %select_n3A_584 {add = true, strides = array<i32>} : memref<2x4096xf32, #tpu.memory_space<vmem>>, vector<16xf32>,
        %gather3A_589 = tpu.vector_load_idx %arg7[%broadcast_in_dim3A_25, %sub3A_576] masked %lt3A_580 : memref<2x25120xf32, #tpu.memory_space<vmem>>[vector<16xi32>, vector<16xi32>], vector<16xf32>, vector<16xi1>
        %jit3A_590 = arith.constant 0.000000e+00 : f32
        %broadcast_in_dim3A_591 = vector.broadcast %jit3A_590 : f32 to vector<16xf32>
        %select_n3A_592 = arith.select %lt3A_580, %gather3A_589, %broadcast_in_dim3A_591 : vector<16xi1>, vector<16xf32>
        %swap3A_593 = arith.constant 1 : i32
        %swap3A_594 = arith.index_cast %swap3A_593 : i32 to index
        %swap3A_595 = arith.index_cast %add3A_569 : i32 to index
        %swap3A_596 = tpu.vector_load %arg10[%swap3A_594, %swap3A_595] {strides = array<i32>} : memref<2x4096xf32, #tpu.memory_space<vmem>>, vector<16xf32>,
        tpu.vector_store %arg10[%swap3A_594, %swap3A_595], %select_n3A_592 {add = true, strides = array<i32>} : memref<2x4096xf32, #tpu.memory_space<vmem>>, vector<16xf32>,
        %add3A_597 = arith.constant 112 : i32
        %add3A_598 = arith.addi %multiple_of3A, %add3A_597 : i32
        %get3A_599 = arith.constant 1 : i32
        %get3A_600 = arith.index_cast %get3A_599 : i32 to index
        %get3A_601 = arith.index_cast %add3A_598 : i32 to index
        %get3A_602 = tpu.vector_load %arg6[%get3A_600, %get3A_601] {strides = array<i32>} : memref<2x4096xi32, #tpu.memory_space<vmem>>, vector<16xi32>,
        %sub3A_603 = arith.constant 50048 : i32
        %sub3A_604 = vector.broadcast %sub3A_603 : i32 to vector<16xi32>
        %sub3A_605 = arith.subi %get3A_602, %sub3A_604 : vector<16xi32>
        %bitcast3A_606 = vector.bitcast %sub3A_605 : vector<16xi32> to vector<16xi32>
        %lt3A_607 = arith.constant 24960 : i32
        %lt3A_608 = vector.broadcast %lt3A_607 : i32 to vector<16xi32>
        %lt3A_609 = arith.cmpi ult, %bitcast3A_606, %lt3A_608 : vector<16xi32>
        %gather3A_610 = tpu.vector_load_idx %arg7[%broadcast_in_dim3A_23, %sub3A_605] masked %lt3A_609 : memref<2x25120xf32, #tpu.memory_space<vmem>>[vector<16xi32>, vector<16xi32>], vector<16xf32>, vector<16xi1>
        %jit3A_611 = arith.constant 0.000000e+00 : f32
        %broadcast_in_dim3A_612 = vector.broadcast %jit3A_611 : f32 to vector<16xf32>
        %select_n3A_613 = arith.select %lt3A_609, %gather3A_610, %broadcast_in_dim3A_612 : vector<16xi1>, vector<16xf32>
        %swap3A_614 = arith.constant 0 : i32
        %swap3A_615 = arith.index_cast %swap3A_614 : i32 to index
        %swap3A_616 = arith.index_cast %add3A_598 : i32 to index
        %swap3A_617 = tpu.vector_load %arg10[%swap3A_615, %swap3A_616] {strides = array<i32>} : memref<2x4096xf32, #tpu.memory_space<vmem>>, vector<16xf32>,
        tpu.vector_store %arg10[%swap3A_615, %swap3A_616], %select_n3A_613 {add = true, strides = array<i32>} : memref<2x4096xf32, #tpu.memory_space<vmem>>, vector<16xf32>,
        %gather3A_618 = tpu.vector_load_idx %arg7[%broadcast_in_dim3A_25, %sub3A_605] masked %lt3A_609 : memref<2x25120xf32, #tpu.memory_space<vmem>>[vector<16xi32>, vector<16xi32>], vector<16xf32>, vector<16xi1>
        %jit3A_619 = arith.constant 0.000000e+00 : f32
        %broadcast_in_dim3A_620 = vector.broadcast %jit3A_619 : f32 to vector<16xf32>
        %select_n3A_621 = arith.select %lt3A_609, %gather3A_618, %broadcast_in_dim3A_620 : vector<16xi1>, vector<16xf32>
        %swap3A_622 = arith.constant 1 : i32
        %swap3A_623 = arith.index_cast %swap3A_622 : i32 to index
        %swap3A_624 = arith.index_cast %add3A_598 : i32 to index
        %swap3A_625 = tpu.vector_load %arg10[%swap3A_623, %swap3A_624] {strides = array<i32>} : memref<2x4096xf32, #tpu.memory_space<vmem>>, vector<16xf32>,
        tpu.vector_store %arg10[%swap3A_623, %swap3A_624], %select_n3A_621 {add = true, strides = array<i32>} : memref<2x4096xf32, #tpu.memory_space<vmem>>, vector<16xf32>,
      }
      %scan3A_333 = arith.constant 32 : i32
      %lt3A_334 = arith.constant 25 : i32
      %lt3A_335 = arith.cmpi slt, %add3A_234, %lt3A_334 : i32
      %convert_element_type3A_336 = arith.extui %lt3A_335 : i1 to i32
      %cond3A_337 = arith.constant 0 : i32
      %cond3A_338 = arith.cmpi ne, %convert_element_type3A_336, %cond3A_337 : i32
      scf.if %cond3A_338 {
        %add3A_396 = arith.constant 1 : i32
        %add3A_397 = arith.addi %add3A_234, %add3A_396 : i32
        %mul3A_398 = arith.constant 64 : i32
        %mul3A_399 = arith.muli %add3A_397, %mul3A_398 : i32
        %add3A_400 = arith.addi %mul3A_399, %mul3A_2 : i32
        %dma_start3A_401 = arith.constant 0 : i32
        %dma_start3A_402 = arith.constant 0 : i32
        %dma_start3A_403 = tpu.memref_slice %arg7[%dma_start3A_401, %dma_start3A_402] : memref<2x25120xf32, #tpu.memory_space<vmem>> -> memref<2x25088xf32, #tpu.memory_space<vmem>>
        %dma_start3A_404 = arith.constant 0 : i32
        %dma_start3A_405 = tpu.memref_slice %arg3[%add3A_400, %dma_start3A_404] : memref<1664x100000xf32, #tpu.memory_space<hbm>> -> memref<2x25088xf32, #tpu.memory_space<hbm>>
        %dma_start3A_406 = arith.constant 0 : i32
        %dma_start3A_407 = arith.constant 0 : i32
        %dma_start3A_408 = tpu.memref_slice %arg7[%dma_start3A_406, %dma_start3A_407] : memref<2x25120xf32, #tpu.memory_space<vmem>> -> memref<2x25088xf32, #tpu.memory_space<vmem>>
        %dma_start3A_409 = arith.constant 0 : i32
        %dma_start3A_410 = tpu.memref_slice %arg3[%add3A_400, %dma_start3A_409] : memref<1664x100000xf32, #tpu.memory_space<hbm>> -> memref<2x25088xf32, #tpu.memory_space<hbm>>
        tpu.enqueue_dma source(%dma_start3A_410 : memref<2x25088xf32, #tpu.memory_space<hbm>>) target(%dma_start3A_408 : memref<2x25088xf32, #tpu.memory_space<vmem>>) target_semaphore(%arg11 : memref<!tpu.dma_semaphore, #tpu.memory_space<semaphore_mem>>)
      } else {
      }
      %dma_wait3A_339 = arith.constant 0 : i32
      %dma_wait3A_340 = arith.constant 0 : i32
      %dma_wait3A_341 = tpu.memref_slice %arg8[%dma_wait3A_339, %dma_wait3A_340] : memref<2x25120xf32, #tpu.memory_space<vmem>> -> memref<2x24960xf32, #tpu.memory_space<vmem>>
      %dma_wait3A_342 = arith.constant 75008 : i32
      %dma_wait3A_343 = tpu.memref_slice %arg3[%add3A_255, %dma_wait3A_342] : memref<1664x100000xf32, #tpu.memory_space<hbm>> -> memref<2x24960xf32, #tpu.memory_space<hbm>>
      %dma_wait3A_344 = arith.constant 0 : i32
      %dma_wait3A_345 = arith.constant 0 : i32
      %dma_wait3A_346 = tpu.memref_slice %arg8[%dma_wait3A_344, %dma_wait3A_345] : memref<2x25120xf32, #tpu.memory_space<vmem>> -> memref<2x24960xf32, #tpu.memory_space<vmem>>
      %dma_wait3A_347 = arith.constant 75008 : i32
      %dma_wait3A_348 = tpu.memref_slice %arg3[%add3A_255, %dma_wait3A_347] : memref<1664x100000xf32, #tpu.memory_space<hbm>> -> memref<2x24960xf32, #tpu.memory_space<hbm>>
      tpu.wait_dma2 semaphore(%arg12 : memref<!tpu.dma_semaphore, #tpu.memory_space<semaphore_mem>>) src(%dma_wait3A_348 : memref<2x24960xf32, #tpu.memory_space<hbm>>) dst(%dma_wait3A_346 : memref<2x24960xf32, #tpu.memory_space<vmem>>)
      %dma_wait3A_349 = arith.constant 0 : i32
      %dma_wait3A_350 = tpu.memref_slice %arg4[%add3A_255, %dma_wait3A_349] : memref<1664x32xf32, #tpu.memory_space<hbm>> -> memref<2x32xf32, #tpu.memory_space<hbm>>
      %dma_wait3A_351 = arith.constant 0 : i32
      %dma_wait3A_352 = tpu.memref_slice %arg4[%add3A_255, %dma_wait3A_351] : memref<1664x32xf32, #tpu.memory_space<hbm>> -> memref<2x32xf32, #tpu.memory_space<hbm>>
      tpu.wait_dma2 semaphore(%arg13 : memref<!tpu.dma_semaphore, #tpu.memory_space<semaphore_mem>>) src(%dma_wait3A_352 : memref<2x32xf32, #tpu.memory_space<hbm>>) dst(%arg9 : memref<2x32xf32, #tpu.memory_space<vmem>>)
      %get3A_353 = arith.constant 0 : i32
      %get3A_354 = arith.index_cast %get3A_353 : i32 to index
      %get3A_355 = arith.constant 0 : index
      %get3A_356 = tpu.vector_load %arg9[%get3A_354, %get3A_355] {strides = array<i32>} : memref<2x32xf32, #tpu.memory_space<vmem>>, vector<16xf32>,
      %swap3A_357 = arith.constant 0 : i32
      %swap3A_358 = arith.index_cast %swap3A_357 : i32 to index
      %swap3A_359 = arith.constant 24960 : index
      %swap3A_360 = tpu.vector_load %arg8[%swap3A_358, %swap3A_359] {strides = array<i32>} : memref<2x25120xf32, #tpu.memory_space<vmem>>, vector<16xf32>,
      tpu.vector_store %arg8[%swap3A_358, %swap3A_359], %get3A_356 {strides = array<i32>} : memref<2x25120xf32, #tpu.memory_space<vmem>>, vector<16xf32>,
      %get3A_361 = arith.constant 0 : i32
      %get3A_362 = arith.index_cast %get3A_361 : i32 to index
      %get3A_363 = arith.constant 16 : index
      %get3A_364 = tpu.vector_load %arg9[%get3A_362, %get3A_363] {strides = array<i32>} : memref<2x32xf32, #tpu.memory_space<vmem>>, vector<16xf32>,
      %swap3A_365 = arith.constant 0 : i32
      %swap3A_366 = arith.index_cast %swap3A_365 : i32 to index
      %swap3A_367 = arith.constant 24976 : index
      %swap3A_368 = tpu.vector_load %arg8[%swap3A_366, %swap3A_367] {strides = array<i32>} : memref<2x25120xf32, #tpu.memory_space<vmem>>, vector<16xf32>,
      tpu.vector_store %arg8[%swap3A_366, %swap3A_367], %get3A_364 {strides = array<i32>} : memref<2x25120xf32, #tpu.memory_space<vmem>>, vector<16xf32>,
      %get3A_369 = arith.constant 1 : i32
      %get3A_370 = arith.index_cast %get3A_369 : i32 to index
      %get3A_371 = arith.constant 0 : index
      %get3A_372 = tpu.vector_load %arg9[%get3A_370, %get3A_371] {strides = array<i32>} : memref<2x32xf32, #tpu.memory_space<vmem>>, vector<16xf32>,
      %swap3A_373 = arith.constant 1 : i32
      %swap3A_374 = arith.index_cast %swap3A_373 : i32 to index
      %swap3A_375 = arith.constant 24960 : index
      %swap3A_376 = tpu.vector_load %arg8[%swap3A_374, %swap3A_375] {strides = array<i32>} : memref<2x25120xf32, #tpu.memory_space<vmem>>, vector<16xf32>,
      tpu.vector_store %arg8[%swap3A_374, %swap3A_375], %get3A_372 {strides = array<i32>} : memref<2x25120xf32, #tpu.memory_space<vmem>>, vector<16xf32>,
      %get3A_377 = arith.constant 1 : i32
      %get3A_378 = arith.index_cast %get3A_377 : i32 to index
      %get3A_379 = arith.constant 16 : index
      %get3A_380 = tpu.vector_load %arg9[%get3A_378, %get3A_379] {strides = array<i32>} : memref<2x32xf32, #tpu.memory_space<vmem>>, vector<16xf32>,
      %swap3A_381 = arith.constant 1 : i32
      %swap3A_382 = arith.index_cast %swap3A_381 : i32 to index
      %swap3A_383 = arith.constant 24976 : index
      %swap3A_384 = tpu.vector_load %arg8[%swap3A_382, %swap3A_383] {strides = array<i32>} : memref<2x25120xf32, #tpu.memory_space<vmem>>, vector<16xf32>,
      tpu.vector_store %arg8[%swap3A_382, %swap3A_383], %get3A_380 {strides = array<i32>} : memref<2x25120xf32, #tpu.memory_space<vmem>>, vector<16xf32>,
      %scan3A_385 = arith.constant 0 : i32
      %scan3A_386 = arith.constant 0 : i32
      %scan3A_387 = arith.constant 32 : i32
      %scan3A_388 = arith.addi %scan3A_386, %scan3A_387 : i32
      %scan3A_389 = arith.constant 1 : i32
      scf.for %scan3A_396 = %scan3A_386 to %scan3A_388 step %scan3A_389  : i32 {
        %mul3A_397 = arith.constant 128 : i32
        %mul3A_398 = arith.muli %scan3A_396, %mul3A_397 : i32
        %multiple_of3A = tpu.assume_multiple %mul3A_398, 16 : i32
        %add3A_399 = arith.constant 0 : i32
        %add3A_400 = arith.addi %multiple_of3A, %add3A_399 : i32
        %get3A_401 = arith.constant 1 : i32
        %get3A_402 = arith.index_cast %get3A_401 : i32 to index
        %get3A_403 = arith.index_cast %add3A_400 : i32 to index
        %get3A_404 = tpu.vector_load %arg6[%get3A_402, %get3A_403] {strides = array<i32>} : memref<2x4096xi32, #tpu.memory_space<vmem>>, vector<16xi32>,
        %sub3A = arith.constant 75008 : i32
        %sub3A_405 = vector.broadcast %sub3A : i32 to vector<16xi32>
        %sub3A_406 = arith.subi %get3A_404, %sub3A_405 : vector<16xi32>
        %bitcast3A = vector.bitcast %sub3A_406 : vector<16xi32> to vector<16xi32>
        %lt3A_407 = arith.constant 24992 : i32
        %lt3A_408 = vector.broadcast %lt3A_407 : i32 to vector<16xi32>
        %lt3A_409 = arith.cmpi ult, %bitcast3A, %lt3A_408 : vector<16xi32>
        %gather3A = tpu.vector_load_idx %arg8[%broadcast_in_dim3A_23, %sub3A_406] masked %lt3A_409 : memref<2x25120xf32, #tpu.memory_space<vmem>>[vector<16xi32>, vector<16xi32>], vector<16xf32>, vector<16xi1>
        %jit3A = arith.constant 0.000000e+00 : f32
        %broadcast_in_dim3A_410 = vector.broadcast %jit3A : f32 to vector<16xf32>
        %select_n3A = arith.select %lt3A_409, %gather3A, %broadcast_in_dim3A_410 : vector<16xi1>, vector<16xf32>
        %swap3A_411 = arith.constant 0 : i32
        %swap3A_412 = arith.index_cast %swap3A_411 : i32 to index
        %swap3A_413 = arith.index_cast %add3A_400 : i32 to index
        %swap3A_414 = tpu.vector_load %arg10[%swap3A_412, %swap3A_413] {strides = array<i32>} : memref<2x4096xf32, #tpu.memory_space<vmem>>, vector<16xf32>,
        tpu.vector_store %arg10[%swap3A_412, %swap3A_413], %select_n3A {add = true, strides = array<i32>} : memref<2x4096xf32, #tpu.memory_space<vmem>>, vector<16xf32>,
        %gather3A_415 = tpu.vector_load_idx %arg8[%broadcast_in_dim3A_25, %sub3A_406] masked %lt3A_409 : memref<2x25120xf32, #tpu.memory_space<vmem>>[vector<16xi32>, vector<16xi32>], vector<16xf32>, vector<16xi1>
        %jit3A_416 = arith.constant 0.000000e+00 : f32
        %broadcast_in_dim3A_417 = vector.broadcast %jit3A_416 : f32 to vector<16xf32>
        %select_n3A_418 = arith.select %lt3A_409, %gather3A_415, %broadcast_in_dim3A_417 : vector<16xi1>, vector<16xf32>
        %swap3A_419 = arith.constant 1 : i32
        %swap3A_420 = arith.index_cast %swap3A_419 : i32 to index
        %swap3A_421 = arith.index_cast %add3A_400 : i32 to index
        %swap3A_422 = tpu.vector_load %arg10[%swap3A_420, %swap3A_421] {strides = array<i32>} : memref<2x4096xf32, #tpu.memory_space<vmem>>, vector<16xf32>,
        tpu.vector_store %arg10[%swap3A_420, %swap3A_421], %select_n3A_418 {add = true, strides = array<i32>} : memref<2x4096xf32, #tpu.memory_space<vmem>>, vector<16xf32>,
        %add3A_423 = arith.constant 16 : i32
        %add3A_424 = arith.addi %multiple_of3A, %add3A_423 : i32
        %get3A_425 = arith.constant 1 : i32
        %get3A_426 = arith.index_cast %get3A_425 : i32 to index
        %get3A_427 = arith.index_cast %add3A_424 : i32 to index
        %get3A_428 = tpu.vector_load %arg6[%get3A_426, %get3A_427] {strides = array<i32>} : memref<2x4096xi32, #tpu.memory_space<vmem>>, vector<16xi32>,
        %sub3A_429 = arith.constant 75008 : i32
        %sub3A_430 = vector.broadcast %sub3A_429 : i32 to vector<16xi32>
        %sub3A_431 = arith.subi %get3A_428, %sub3A_430 : vector<16xi32>
        %bitcast3A_432 = vector.bitcast %sub3A_431 : vector<16xi32> to vector<16xi32>
        %lt3A_433 = arith.constant 24992 : i32
        %lt3A_434 = vector.broadcast %lt3A_433 : i32 to vector<16xi32>
        %lt3A_435 = arith.cmpi ult, %bitcast3A_432, %lt3A_434 : vector<16xi32>
        %gather3A_436 = tpu.vector_load_idx %arg8[%broadcast_in_dim3A_23, %sub3A_431] masked %lt3A_435 : memref<2x25120xf32, #tpu.memory_space<vmem>>[vector<16xi32>, vector<16xi32>], vector<16xf32>, vector<16xi1>
        %jit3A_437 = arith.constant 0.000000e+00 : f32
        %broadcast_in_dim3A_438 = vector.broadcast %jit3A_437 : f32 to vector<16xf32>
        %select_n3A_439 = arith.select %lt3A_435, %gather3A_436, %broadcast_in_dim3A_438 : vector<16xi1>, vector<16xf32>
        %swap3A_440 = arith.constant 0 : i32
        %swap3A_441 = arith.index_cast %swap3A_440 : i32 to index
        %swap3A_442 = arith.index_cast %add3A_424 : i32 to index
        %swap3A_443 = tpu.vector_load %arg10[%swap3A_441, %swap3A_442] {strides = array<i32>} : memref<2x4096xf32, #tpu.memory_space<vmem>>, vector<16xf32>,
        tpu.vector_store %arg10[%swap3A_441, %swap3A_442], %select_n3A_439 {add = true, strides = array<i32>} : memref<2x4096xf32, #tpu.memory_space<vmem>>, vector<16xf32>,
        %gather3A_444 = tpu.vector_load_idx %arg8[%broadcast_in_dim3A_25, %sub3A_431] masked %lt3A_435 : memref<2x25120xf32, #tpu.memory_space<vmem>>[vector<16xi32>, vector<16xi32>], vector<16xf32>, vector<16xi1>
        %jit3A_445 = arith.constant 0.000000e+00 : f32
        %broadcast_in_dim3A_446 = vector.broadcast %jit3A_445 : f32 to vector<16xf32>
        %select_n3A_447 = arith.select %lt3A_435, %gather3A_444, %broadcast_in_dim3A_446 : vector<16xi1>, vector<16xf32>
        %swap3A_448 = arith.constant 1 : i32
        %swap3A_449 = arith.index_cast %swap3A_448 : i32 to index
        %swap3A_450 = arith.index_cast %add3A_424 : i32 to index
        %swap3A_451 = tpu.vector_load %arg10[%swap3A_449, %swap3A_450] {strides = array<i32>} : memref<2x4096xf32, #tpu.memory_space<vmem>>, vector<16xf32>,
        tpu.vector_store %arg10[%swap3A_449, %swap3A_450], %select_n3A_447 {add = true, strides = array<i32>} : memref<2x4096xf32, #tpu.memory_space<vmem>>, vector<16xf32>,
        %add3A_452 = arith.constant 32 : i32
        %add3A_453 = arith.addi %multiple_of3A, %add3A_452 : i32
        %get3A_454 = arith.constant 1 : i32
        %get3A_455 = arith.index_cast %get3A_454 : i32 to index
        %get3A_456 = arith.index_cast %add3A_453 : i32 to index
        %get3A_457 = tpu.vector_load %arg6[%get3A_455, %get3A_456] {strides = array<i32>} : memref<2x4096xi32, #tpu.memory_space<vmem>>, vector<16xi32>,
        %sub3A_458 = arith.constant 75008 : i32
        %sub3A_459 = vector.broadcast %sub3A_458 : i32 to vector<16xi32>
        %sub3A_460 = arith.subi %get3A_457, %sub3A_459 : vector<16xi32>
        %bitcast3A_461 = vector.bitcast %sub3A_460 : vector<16xi32> to vector<16xi32>
        %lt3A_462 = arith.constant 24992 : i32
        %lt3A_463 = vector.broadcast %lt3A_462 : i32 to vector<16xi32>
        %lt3A_464 = arith.cmpi ult, %bitcast3A_461, %lt3A_463 : vector<16xi32>
        %gather3A_465 = tpu.vector_load_idx %arg8[%broadcast_in_dim3A_23, %sub3A_460] masked %lt3A_464 : memref<2x25120xf32, #tpu.memory_space<vmem>>[vector<16xi32>, vector<16xi32>], vector<16xf32>, vector<16xi1>
        %jit3A_466 = arith.constant 0.000000e+00 : f32
        %broadcast_in_dim3A_467 = vector.broadcast %jit3A_466 : f32 to vector<16xf32>
        %select_n3A_468 = arith.select %lt3A_464, %gather3A_465, %broadcast_in_dim3A_467 : vector<16xi1>, vector<16xf32>
        %swap3A_469 = arith.constant 0 : i32
        %swap3A_470 = arith.index_cast %swap3A_469 : i32 to index
        %swap3A_471 = arith.index_cast %add3A_453 : i32 to index
        %swap3A_472 = tpu.vector_load %arg10[%swap3A_470, %swap3A_471] {strides = array<i32>} : memref<2x4096xf32, #tpu.memory_space<vmem>>, vector<16xf32>,
        tpu.vector_store %arg10[%swap3A_470, %swap3A_471], %select_n3A_468 {add = true, strides = array<i32>} : memref<2x4096xf32, #tpu.memory_space<vmem>>, vector<16xf32>,
        %gather3A_473 = tpu.vector_load_idx %arg8[%broadcast_in_dim3A_25, %sub3A_460] masked %lt3A_464 : memref<2x25120xf32, #tpu.memory_space<vmem>>[vector<16xi32>, vector<16xi32>], vector<16xf32>, vector<16xi1>
        %jit3A_474 = arith.constant 0.000000e+00 : f32
        %broadcast_in_dim3A_475 = vector.broadcast %jit3A_474 : f32 to vector<16xf32>
        %select_n3A_476 = arith.select %lt3A_464, %gather3A_473, %broadcast_in_dim3A_475 : vector<16xi1>, vector<16xf32>
        %swap3A_477 = arith.constant 1 : i32
        %swap3A_478 = arith.index_cast %swap3A_477 : i32 to index
        %swap3A_479 = arith.index_cast %add3A_453 : i32 to index
        %swap3A_480 = tpu.vector_load %arg10[%swap3A_478, %swap3A_479] {strides = array<i32>} : memref<2x4096xf32, #tpu.memory_space<vmem>>, vector<16xf32>,
        tpu.vector_store %arg10[%swap3A_478, %swap3A_479], %select_n3A_476 {add = true, strides = array<i32>} : memref<2x4096xf32, #tpu.memory_space<vmem>>, vector<16xf32>,
        %add3A_481 = arith.constant 48 : i32
        %add3A_482 = arith.addi %multiple_of3A, %add3A_481 : i32
        %get3A_483 = arith.constant 1 : i32
        %get3A_484 = arith.index_cast %get3A_483 : i32 to index
        %get3A_485 = arith.index_cast %add3A_482 : i32 to index
        %get3A_486 = tpu.vector_load %arg6[%get3A_484, %get3A_485] {strides = array<i32>} : memref<2x4096xi32, #tpu.memory_space<vmem>>, vector<16xi32>,
        %sub3A_487 = arith.constant 75008 : i32
        %sub3A_488 = vector.broadcast %sub3A_487 : i32 to vector<16xi32>
        %sub3A_489 = arith.subi %get3A_486, %sub3A_488 : vector<16xi32>
        %bitcast3A_490 = vector.bitcast %sub3A_489 : vector<16xi32> to vector<16xi32>
        %lt3A_491 = arith.constant 24992 : i32
        %lt3A_492 = vector.broadcast %lt3A_491 : i32 to vector<16xi32>
        %lt3A_493 = arith.cmpi ult, %bitcast3A_490, %lt3A_492 : vector<16xi32>
        %gather3A_494 = tpu.vector_load_idx %arg8[%broadcast_in_dim3A_23, %sub3A_489] masked %lt3A_493 : memref<2x25120xf32, #tpu.memory_space<vmem>>[vector<16xi32>, vector<16xi32>], vector<16xf32>, vector<16xi1>
        %jit3A_495 = arith.constant 0.000000e+00 : f32
        %broadcast_in_dim3A_496 = vector.broadcast %jit3A_495 : f32 to vector<16xf32>
        %select_n3A_497 = arith.select %lt3A_493, %gather3A_494, %broadcast_in_dim3A_496 : vector<16xi1>, vector<16xf32>
        %swap3A_498 = arith.constant 0 : i32
        %swap3A_499 = arith.index_cast %swap3A_498 : i32 to index
        %swap3A_500 = arith.index_cast %add3A_482 : i32 to index
        %swap3A_501 = tpu.vector_load %arg10[%swap3A_499, %swap3A_500] {strides = array<i32>} : memref<2x4096xf32, #tpu.memory_space<vmem>>, vector<16xf32>,
        tpu.vector_store %arg10[%swap3A_499, %swap3A_500], %select_n3A_497 {add = true, strides = array<i32>} : memref<2x4096xf32, #tpu.memory_space<vmem>>, vector<16xf32>,
        %gather3A_502 = tpu.vector_load_idx %arg8[%broadcast_in_dim3A_25, %sub3A_489] masked %lt3A_493 : memref<2x25120xf32, #tpu.memory_space<vmem>>[vector<16xi32>, vector<16xi32>], vector<16xf32>, vector<16xi1>
        %jit3A_503 = arith.constant 0.000000e+00 : f32
        %broadcast_in_dim3A_504 = vector.broadcast %jit3A_503 : f32 to vector<16xf32>
        %select_n3A_505 = arith.select %lt3A_493, %gather3A_502, %broadcast_in_dim3A_504 : vector<16xi1>, vector<16xf32>
        %swap3A_506 = arith.constant 1 : i32
        %swap3A_507 = arith.index_cast %swap3A_506 : i32 to index
        %swap3A_508 = arith.index_cast %add3A_482 : i32 to index
        %swap3A_509 = tpu.vector_load %arg10[%swap3A_507, %swap3A_508] {strides = array<i32>} : memref<2x4096xf32, #tpu.memory_space<vmem>>, vector<16xf32>,
        tpu.vector_store %arg10[%swap3A_507, %swap3A_508], %select_n3A_505 {add = true, strides = array<i32>} : memref<2x4096xf32, #tpu.memory_space<vmem>>, vector<16xf32>,
        %add3A_510 = arith.constant 64 : i32
        %add3A_511 = arith.addi %multiple_of3A, %add3A_510 : i32
        %get3A_512 = arith.constant 1 : i32
        %get3A_513 = arith.index_cast %get3A_512 : i32 to index
        %get3A_514 = arith.index_cast %add3A_511 : i32 to index
        %get3A_515 = tpu.vector_load %arg6[%get3A_513, %get3A_514] {strides = array<i32>} : memref<2x4096xi32, #tpu.memory_space<vmem>>, vector<16xi32>,
        %sub3A_516 = arith.constant 75008 : i32
        %sub3A_517 = vector.broadcast %sub3A_516 : i32 to vector<16xi32>
        %sub3A_518 = arith.subi %get3A_515, %sub3A_517 : vector<16xi32>
        %bitcast3A_519 = vector.bitcast %sub3A_518 : vector<16xi32> to vector<16xi32>
        %lt3A_520 = arith.constant 24992 : i32
        %lt3A_521 = vector.broadcast %lt3A_520 : i32 to vector<16xi32>
        %lt3A_522 = arith.cmpi ult, %bitcast3A_519, %lt3A_521 : vector<16xi32>
        %gather3A_523 = tpu.vector_load_idx %arg8[%broadcast_in_dim3A_23, %sub3A_518] masked %lt3A_522 : memref<2x25120xf32, #tpu.memory_space<vmem>>[vector<16xi32>, vector<16xi32>], vector<16xf32>, vector<16xi1>
        %jit3A_524 = arith.constant 0.000000e+00 : f32
        %broadcast_in_dim3A_525 = vector.broadcast %jit3A_524 : f32 to vector<16xf32>
        %select_n3A_526 = arith.select %lt3A_522, %gather3A_523, %broadcast_in_dim3A_525 : vector<16xi1>, vector<16xf32>
        %swap3A_527 = arith.constant 0 : i32
        %swap3A_528 = arith.index_cast %swap3A_527 : i32 to index
        %swap3A_529 = arith.index_cast %add3A_511 : i32 to index
        %swap3A_530 = tpu.vector_load %arg10[%swap3A_528, %swap3A_529] {strides = array<i32>} : memref<2x4096xf32, #tpu.memory_space<vmem>>, vector<16xf32>,
        tpu.vector_store %arg10[%swap3A_528, %swap3A_529], %select_n3A_526 {add = true, strides = array<i32>} : memref<2x4096xf32, #tpu.memory_space<vmem>>, vector<16xf32>,
        %gather3A_531 = tpu.vector_load_idx %arg8[%broadcast_in_dim3A_25, %sub3A_518] masked %lt3A_522 : memref<2x25120xf32, #tpu.memory_space<vmem>>[vector<16xi32>, vector<16xi32>], vector<16xf32>, vector<16xi1>
        %jit3A_532 = arith.constant 0.000000e+00 : f32
        %broadcast_in_dim3A_533 = vector.broadcast %jit3A_532 : f32 to vector<16xf32>
        %select_n3A_534 = arith.select %lt3A_522, %gather3A_531, %broadcast_in_dim3A_533 : vector<16xi1>, vector<16xf32>
        %swap3A_535 = arith.constant 1 : i32
        %swap3A_536 = arith.index_cast %swap3A_535 : i32 to index
        %swap3A_537 = arith.index_cast %add3A_511 : i32 to index
        %swap3A_538 = tpu.vector_load %arg10[%swap3A_536, %swap3A_537] {strides = array<i32>} : memref<2x4096xf32, #tpu.memory_space<vmem>>, vector<16xf32>,
        tpu.vector_store %arg10[%swap3A_536, %swap3A_537], %select_n3A_534 {add = true, strides = array<i32>} : memref<2x4096xf32, #tpu.memory_space<vmem>>, vector<16xf32>,
        %add3A_539 = arith.constant 80 : i32
        %add3A_540 = arith.addi %multiple_of3A, %add3A_539 : i32
        %get3A_541 = arith.constant 1 : i32
        %get3A_542 = arith.index_cast %get3A_541 : i32 to index
        %get3A_543 = arith.index_cast %add3A_540 : i32 to index
        %get3A_544 = tpu.vector_load %arg6[%get3A_542, %get3A_543] {strides = array<i32>} : memref<2x4096xi32, #tpu.memory_space<vmem>>, vector<16xi32>,
        %sub3A_545 = arith.constant 75008 : i32
        %sub3A_546 = vector.broadcast %sub3A_545 : i32 to vector<16xi32>
        %sub3A_547 = arith.subi %get3A_544, %sub3A_546 : vector<16xi32>
        %bitcast3A_548 = vector.bitcast %sub3A_547 : vector<16xi32> to vector<16xi32>
        %lt3A_549 = arith.constant 24992 : i32
        %lt3A_550 = vector.broadcast %lt3A_549 : i32 to vector<16xi32>
        %lt3A_551 = arith.cmpi ult, %bitcast3A_548, %lt3A_550 : vector<16xi32>
        %gather3A_552 = tpu.vector_load_idx %arg8[%broadcast_in_dim3A_23, %sub3A_547] masked %lt3A_551 : memref<2x25120xf32, #tpu.memory_space<vmem>>[vector<16xi32>, vector<16xi32>], vector<16xf32>, vector<16xi1>
        %jit3A_553 = arith.constant 0.000000e+00 : f32
        %broadcast_in_dim3A_554 = vector.broadcast %jit3A_553 : f32 to vector<16xf32>
        %select_n3A_555 = arith.select %lt3A_551, %gather3A_552, %broadcast_in_dim3A_554 : vector<16xi1>, vector<16xf32>
        %swap3A_556 = arith.constant 0 : i32
        %swap3A_557 = arith.index_cast %swap3A_556 : i32 to index
        %swap3A_558 = arith.index_cast %add3A_540 : i32 to index
        %swap3A_559 = tpu.vector_load %arg10[%swap3A_557, %swap3A_558] {strides = array<i32>} : memref<2x4096xf32, #tpu.memory_space<vmem>>, vector<16xf32>,
        tpu.vector_store %arg10[%swap3A_557, %swap3A_558], %select_n3A_555 {add = true, strides = array<i32>} : memref<2x4096xf32, #tpu.memory_space<vmem>>, vector<16xf32>,
        %gather3A_560 = tpu.vector_load_idx %arg8[%broadcast_in_dim3A_25, %sub3A_547] masked %lt3A_551 : memref<2x25120xf32, #tpu.memory_space<vmem>>[vector<16xi32>, vector<16xi32>], vector<16xf32>, vector<16xi1>
        %jit3A_561 = arith.constant 0.000000e+00 : f32
        %broadcast_in_dim3A_562 = vector.broadcast %jit3A_561 : f32 to vector<16xf32>
        %select_n3A_563 = arith.select %lt3A_551, %gather3A_560, %broadcast_in_dim3A_562 : vector<16xi1>, vector<16xf32>
        %swap3A_564 = arith.constant 1 : i32
        %swap3A_565 = arith.index_cast %swap3A_564 : i32 to index
        %swap3A_566 = arith.index_cast %add3A_540 : i32 to index
        %swap3A_567 = tpu.vector_load %arg10[%swap3A_565, %swap3A_566] {strides = array<i32>} : memref<2x4096xf32, #tpu.memory_space<vmem>>, vector<16xf32>,
        tpu.vector_store %arg10[%swap3A_565, %swap3A_566], %select_n3A_563 {add = true, strides = array<i32>} : memref<2x4096xf32, #tpu.memory_space<vmem>>, vector<16xf32>,
        %add3A_568 = arith.constant 96 : i32
        %add3A_569 = arith.addi %multiple_of3A, %add3A_568 : i32
        %get3A_570 = arith.constant 1 : i32
        %get3A_571 = arith.index_cast %get3A_570 : i32 to index
        %get3A_572 = arith.index_cast %add3A_569 : i32 to index
        %get3A_573 = tpu.vector_load %arg6[%get3A_571, %get3A_572] {strides = array<i32>} : memref<2x4096xi32, #tpu.memory_space<vmem>>, vector<16xi32>,
        %sub3A_574 = arith.constant 75008 : i32
        %sub3A_575 = vector.broadcast %sub3A_574 : i32 to vector<16xi32>
        %sub3A_576 = arith.subi %get3A_573, %sub3A_575 : vector<16xi32>
        %bitcast3A_577 = vector.bitcast %sub3A_576 : vector<16xi32> to vector<16xi32>
        %lt3A_578 = arith.constant 24992 : i32
        %lt3A_579 = vector.broadcast %lt3A_578 : i32 to vector<16xi32>
        %lt3A_580 = arith.cmpi ult, %bitcast3A_577, %lt3A_579 : vector<16xi32>
        %gather3A_581 = tpu.vector_load_idx %arg8[%broadcast_in_dim3A_23, %sub3A_576] masked %lt3A_580 : memref<2x25120xf32, #tpu.memory_space<vmem>>[vector<16xi32>, vector<16xi32>], vector<16xf32>, vector<16xi1>
        %jit3A_582 = arith.constant 0.000000e+00 : f32
        %broadcast_in_dim3A_583 = vector.broadcast %jit3A_582 : f32 to vector<16xf32>
        %select_n3A_584 = arith.select %lt3A_580, %gather3A_581, %broadcast_in_dim3A_583 : vector<16xi1>, vector<16xf32>
        %swap3A_585 = arith.constant 0 : i32
        %swap3A_586 = arith.index_cast %swap3A_585 : i32 to index
        %swap3A_587 = arith.index_cast %add3A_569 : i32 to index
        %swap3A_588 = tpu.vector_load %arg10[%swap3A_586, %swap3A_587] {strides = array<i32>} : memref<2x4096xf32, #tpu.memory_space<vmem>>, vector<16xf32>,
        tpu.vector_store %arg10[%swap3A_586, %swap3A_587], %select_n3A_584 {add = true, strides = array<i32>} : memref<2x4096xf32, #tpu.memory_space<vmem>>, vector<16xf32>,
        %gather3A_589 = tpu.vector_load_idx %arg8[%broadcast_in_dim3A_25, %sub3A_576] masked %lt3A_580 : memref<2x25120xf32, #tpu.memory_space<vmem>>[vector<16xi32>, vector<16xi32>], vector<16xf32>, vector<16xi1>
        %jit3A_590 = arith.constant 0.000000e+00 : f32
        %broadcast_in_dim3A_591 = vector.broadcast %jit3A_590 : f32 to vector<16xf32>
        %select_n3A_592 = arith.select %lt3A_580, %gather3A_589, %broadcast_in_dim3A_591 : vector<16xi1>, vector<16xf32>
        %swap3A_593 = arith.constant 1 : i32
        %swap3A_594 = arith.index_cast %swap3A_593 : i32 to index
        %swap3A_595 = arith.index_cast %add3A_569 : i32 to index
        %swap3A_596 = tpu.vector_load %arg10[%swap3A_594, %swap3A_595] {strides = array<i32>} : memref<2x4096xf32, #tpu.memory_space<vmem>>, vector<16xf32>,
        tpu.vector_store %arg10[%swap3A_594, %swap3A_595], %select_n3A_592 {add = true, strides = array<i32>} : memref<2x4096xf32, #tpu.memory_space<vmem>>, vector<16xf32>,
        %add3A_597 = arith.constant 112 : i32
        %add3A_598 = arith.addi %multiple_of3A, %add3A_597 : i32
        %get3A_599 = arith.constant 1 : i32
        %get3A_600 = arith.index_cast %get3A_599 : i32 to index
        %get3A_601 = arith.index_cast %add3A_598 : i32 to index
        %get3A_602 = tpu.vector_load %arg6[%get3A_600, %get3A_601] {strides = array<i32>} : memref<2x4096xi32, #tpu.memory_space<vmem>>, vector<16xi32>,
        %sub3A_603 = arith.constant 75008 : i32
        %sub3A_604 = vector.broadcast %sub3A_603 : i32 to vector<16xi32>
        %sub3A_605 = arith.subi %get3A_602, %sub3A_604 : vector<16xi32>
        %bitcast3A_606 = vector.bitcast %sub3A_605 : vector<16xi32> to vector<16xi32>
        %lt3A_607 = arith.constant 24992 : i32
        %lt3A_608 = vector.broadcast %lt3A_607 : i32 to vector<16xi32>
        %lt3A_609 = arith.cmpi ult, %bitcast3A_606, %lt3A_608 : vector<16xi32>
        %gather3A_610 = tpu.vector_load_idx %arg8[%broadcast_in_dim3A_23, %sub3A_605] masked %lt3A_609 : memref<2x25120xf32, #tpu.memory_space<vmem>>[vector<16xi32>, vector<16xi32>], vector<16xf32>, vector<16xi1>
        %jit3A_611 = arith.constant 0.000000e+00 : f32
        %broadcast_in_dim3A_612 = vector.broadcast %jit3A_611 : f32 to vector<16xf32>
        %select_n3A_613 = arith.select %lt3A_609, %gather3A_610, %broadcast_in_dim3A_612 : vector<16xi1>, vector<16xf32>
        %swap3A_614 = arith.constant 0 : i32
        %swap3A_615 = arith.index_cast %swap3A_614 : i32 to index
        %swap3A_616 = arith.index_cast %add3A_598 : i32 to index
        %swap3A_617 = tpu.vector_load %arg10[%swap3A_615, %swap3A_616] {strides = array<i32>} : memref<2x4096xf32, #tpu.memory_space<vmem>>, vector<16xf32>,
        tpu.vector_store %arg10[%swap3A_615, %swap3A_616], %select_n3A_613 {add = true, strides = array<i32>} : memref<2x4096xf32, #tpu.memory_space<vmem>>, vector<16xf32>,
        %gather3A_618 = tpu.vector_load_idx %arg8[%broadcast_in_dim3A_25, %sub3A_605] masked %lt3A_609 : memref<2x25120xf32, #tpu.memory_space<vmem>>[vector<16xi32>, vector<16xi32>], vector<16xf32>, vector<16xi1>
        %jit3A_619 = arith.constant 0.000000e+00 : f32
        %broadcast_in_dim3A_620 = vector.broadcast %jit3A_619 : f32 to vector<16xf32>
        %select_n3A_621 = arith.select %lt3A_609, %gather3A_618, %broadcast_in_dim3A_620 : vector<16xi1>, vector<16xf32>
        %swap3A_622 = arith.constant 1 : i32
        %swap3A_623 = arith.index_cast %swap3A_622 : i32 to index
        %swap3A_624 = arith.index_cast %add3A_598 : i32 to index
        %swap3A_625 = tpu.vector_load %arg10[%swap3A_623, %swap3A_624] {strides = array<i32>} : memref<2x4096xf32, #tpu.memory_space<vmem>>, vector<16xf32>,
        tpu.vector_store %arg10[%swap3A_623, %swap3A_624], %select_n3A_621 {add = true, strides = array<i32>} : memref<2x4096xf32, #tpu.memory_space<vmem>>, vector<16xf32>,
      }
      %scan3A_390 = arith.constant 32 : i32
      %lt3A_391 = arith.constant 25 : i32
      %lt3A_392 = arith.cmpi slt, %add3A_234, %lt3A_391 : i32
      %convert_element_type3A_393 = arith.extui %lt3A_392 : i1 to i32
      %cond3A_394 = arith.constant 0 : i32
      %cond3A_395 = arith.cmpi ne, %convert_element_type3A_393, %cond3A_394 : i32
      scf.if %cond3A_395 {
        %add3A_396 = arith.constant 1 : i32
        %add3A_397 = arith.addi %add3A_234, %add3A_396 : i32
        %mul3A_398 = arith.constant 64 : i32
        %mul3A_399 = arith.muli %add3A_397, %mul3A_398 : i32
        %add3A_400 = arith.addi %mul3A_399, %mul3A_2 : i32
        %dma_start3A_401 = arith.constant 0 : i32
        %dma_start3A_402 = arith.constant 0 : i32
        %dma_start3A_403 = tpu.memref_slice %arg8[%dma_start3A_401, %dma_start3A_402] : memref<2x25120xf32, #tpu.memory_space<vmem>> -> memref<2x24960xf32, #tpu.memory_space<vmem>>
        %dma_start3A_404 = arith.constant 25088 : i32
        %dma_start3A_405 = tpu.memref_slice %arg3[%add3A_400, %dma_start3A_404] : memref<1664x100000xf32, #tpu.memory_space<hbm>> -> memref<2x24960xf32, #tpu.memory_space<hbm>>
        %dma_start3A_406 = arith.constant 0 : i32
        %dma_start3A_407 = arith.constant 0 : i32
        %dma_start3A_408 = tpu.memref_slice %arg8[%dma_start3A_406, %dma_start3A_407] : memref<2x25120xf32, #tpu.memory_space<vmem>> -> memref<2x24960xf32, #tpu.memory_space<vmem>>
        %dma_start3A_409 = arith.constant 25088 : i32
        %dma_start3A_410 = tpu.memref_slice %arg3[%add3A_400, %dma_start3A_409] : memref<1664x100000xf32, #tpu.memory_space<hbm>> -> memref<2x24960xf32, #tpu.memory_space<hbm>>
        tpu.enqueue_dma source(%dma_start3A_410 : memref<2x24960xf32, #tpu.memory_space<hbm>>) target(%dma_start3A_408 : memref<2x24960xf32, #tpu.memory_space<vmem>>) target_semaphore(%arg12 : memref<!tpu.dma_semaphore, #tpu.memory_space<semaphore_mem>>)
      } else {
      }
    }
    %scan3A_55 = arith.constant 13 : i32
    %add3A_56 = arith.constant 0 : i32
    %add3A_57 = arith.addi %mul3A_2, %add3A_56 : i32
    %run_scoped3A = arith.constant 0 : i32
    "tpu.region"() ({
      %run_scoped3A_61 = tpu.sem_alloc : memref<!tpu.dma_semaphore, #tpu.memory_space<semaphore_mem>>
      %dma_start3A_62 = arith.constant 0 : i32
      %dma_start3A_63 = tpu.memref_slice %arg10[%run_scoped3A, %dma_start3A_62] : memref<2x4096xf32, #tpu.memory_space<vmem>> -> memref<1x4096xf32, #tpu.memory_space<vmem>>
      %dma_start3A_64 = tpu.memref_squeeze %dma_start3A_63 : memref<1x4096xf32, #tpu.memory_space<vmem>> -> memref<4096xf32, #tpu.memory_space<vmem>>
      %dma_start3A_65 = arith.constant 0 : i32
      %dma_start3A_66 = tpu.memref_slice %arg5[%add3A_57, %dma_start3A_65] : memref<64x4096xf32, #tpu.memory_space<hbm>> -> memref<1x4096xf32, #tpu.memory_space<hbm>>
      %dma_start3A_67 = tpu.memref_squeeze %dma_start3A_66 : memref<1x4096xf32, #tpu.memory_space<hbm>> -> memref<4096xf32, #tpu.memory_space<hbm>>
      %dma_start3A_68 = arith.constant 0 : i32
      %dma_start3A_69 = tpu.memref_slice %arg5[%add3A_57, %dma_start3A_68] : memref<64x4096xf32, #tpu.memory_space<hbm>> -> memref<1x4096xf32, #tpu.memory_space<hbm>>
      %dma_start3A_70 = tpu.memref_squeeze %dma_start3A_69 : memref<1x4096xf32, #tpu.memory_space<hbm>> -> memref<4096xf32, #tpu.memory_space<hbm>>
      %dma_start3A_71 = arith.constant 0 : i32
      %dma_start3A_72 = tpu.memref_slice %arg10[%run_scoped3A, %dma_start3A_71] : memref<2x4096xf32, #tpu.memory_space<vmem>> -> memref<1x4096xf32, #tpu.memory_space<vmem>>
      %dma_start3A_73 = tpu.memref_squeeze %dma_start3A_72 : memref<1x4096xf32, #tpu.memory_space<vmem>> -> memref<4096xf32, #tpu.memory_space<vmem>>
      tpu.enqueue_dma source(%dma_start3A_73 : memref<4096xf32, #tpu.memory_space<vmem>>) target(%dma_start3A_70 : memref<4096xf32, #tpu.memory_space<hbm>>) target_semaphore(%run_scoped3A_61 : memref<!tpu.dma_semaphore, #tpu.memory_space<semaphore_mem>>)
      %dma_wait3A = arith.constant 0 : i32
      %dma_wait3A_74 = tpu.memref_slice %arg10[%run_scoped3A, %dma_wait3A] : memref<2x4096xf32, #tpu.memory_space<vmem>> -> memref<1x4096xf32, #tpu.memory_space<vmem>>
      %dma_wait3A_75 = tpu.memref_squeeze %dma_wait3A_74 : memref<1x4096xf32, #tpu.memory_space<vmem>> -> memref<4096xf32, #tpu.memory_space<vmem>>
      %dma_wait3A_76 = arith.constant 0 : i32
      %dma_wait3A_77 = tpu.memref_slice %arg5[%add3A_57, %dma_wait3A_76] : memref<64x4096xf32, #tpu.memory_space<hbm>> -> memref<1x4096xf32, #tpu.memory_space<hbm>>
      %dma_wait3A_78 = tpu.memref_squeeze %dma_wait3A_77 : memref<1x4096xf32, #tpu.memory_space<hbm>> -> memref<4096xf32, #tpu.memory_space<hbm>>
      %dma_wait3A_79 = arith.constant 0 : i32
      %dma_wait3A_80 = tpu.memref_slice %arg5[%add3A_57, %dma_wait3A_79] : memref<64x4096xf32, #tpu.memory_space<hbm>> -> memref<1x4096xf32, #tpu.memory_space<hbm>>
      %dma_wait3A_81 = tpu.memref_squeeze %dma_wait3A_80 : memref<1x4096xf32, #tpu.memory_space<hbm>> -> memref<4096xf32, #tpu.memory_space<hbm>>
      %dma_wait3A_82 = arith.constant 0 : i32
      %dma_wait3A_83 = tpu.memref_slice %arg10[%run_scoped3A, %dma_wait3A_82] : memref<2x4096xf32, #tpu.memory_space<vmem>> -> memref<1x4096xf32, #tpu.memory_space<vmem>>
      %dma_wait3A_84 = tpu.memref_squeeze %dma_wait3A_83 : memref<1x4096xf32, #tpu.memory_space<vmem>> -> memref<4096xf32, #tpu.memory_space<vmem>>
      tpu.wait_dma2 semaphore(%run_scoped3A_61 : memref<!tpu.dma_semaphore, #tpu.memory_space<semaphore_mem>>) src(%dma_wait3A_84 : memref<4096xf32, #tpu.memory_space<vmem>>) dst(%dma_wait3A_81 : memref<4096xf32, #tpu.memory_space<hbm>>)
      tpu.yield
    }) : () -> ()
    %add3A_58 = arith.constant 1 : i32
    %add3A_59 = arith.addi %mul3A_2, %add3A_58 : i32
    %run_scoped3A_60 = arith.constant 1 : i32
    "tpu.region"() ({
      %run_scoped3A_61 = tpu.sem_alloc : memref<!tpu.dma_semaphore, #tpu.memory_space<semaphore_mem>>
      %dma_start3A_62 = arith.constant 0 : i32
      %dma_start3A_63 = tpu.memref_slice %arg10[%run_scoped3A_60, %dma_start3A_62] : memref<2x4096xf32, #tpu.memory_space<vmem>> -> memref<1x4096xf32, #tpu.memory_space<vmem>>
      %dma_start3A_64 = tpu.memref_squeeze %dma_start3A_63 : memref<1x4096xf32, #tpu.memory_space<vmem>> -> memref<4096xf32, #tpu.memory_space<vmem>>
      %dma_start3A_65 = arith.constant 0 : i32
      %dma_start3A_66 = tpu.memref_slice %arg5[%add3A_59, %dma_start3A_65] : memref<64x4096xf32, #tpu.memory_space<hbm>> -> memref<1x4096xf32, #tpu.memory_space<hbm>>
      %dma_start3A_67 = tpu.memref_squeeze %dma_start3A_66 : memref<1x4096xf32, #tpu.memory_space<hbm>> -> memref<4096xf32, #tpu.memory_space<hbm>>
      %dma_start3A_68 = arith.constant 0 : i32
      %dma_start3A_69 = tpu.memref_slice %arg5[%add3A_59, %dma_start3A_68] : memref<64x4096xf32, #tpu.memory_space<hbm>> -> memref<1x4096xf32, #tpu.memory_space<hbm>>
      %dma_start3A_70 = tpu.memref_squeeze %dma_start3A_69 : memref<1x4096xf32, #tpu.memory_space<hbm>> -> memref<4096xf32, #tpu.memory_space<hbm>>
      %dma_start3A_71 = arith.constant 0 : i32
      %dma_start3A_72 = tpu.memref_slice %arg10[%run_scoped3A_60, %dma_start3A_71] : memref<2x4096xf32, #tpu.memory_space<vmem>> -> memref<1x4096xf32, #tpu.memory_space<vmem>>
      %dma_start3A_73 = tpu.memref_squeeze %dma_start3A_72 : memref<1x4096xf32, #tpu.memory_space<vmem>> -> memref<4096xf32, #tpu.memory_space<vmem>>
      tpu.enqueue_dma source(%dma_start3A_73 : memref<4096xf32, #tpu.memory_space<vmem>>) target(%dma_start3A_70 : memref<4096xf32, #tpu.memory_space<hbm>>) target_semaphore(%run_scoped3A_61 : memref<!tpu.dma_semaphore, #tpu.memory_space<semaphore_mem>>)
      %dma_wait3A = arith.constant 0 : i32
      %dma_wait3A_74 = tpu.memref_slice %arg10[%run_scoped3A_60, %dma_wait3A] : memref<2x4096xf32, #tpu.memory_space<vmem>> -> memref<1x4096xf32, #tpu.memory_space<vmem>>
      %dma_wait3A_75 = tpu.memref_squeeze %dma_wait3A_74 : memref<1x4096xf32, #tpu.memory_space<vmem>> -> memref<4096xf32, #tpu.memory_space<vmem>>
      %dma_wait3A_76 = arith.constant 0 : i32
      %dma_wait3A_77 = tpu.memref_slice %arg5[%add3A_59, %dma_wait3A_76] : memref<64x4096xf32, #tpu.memory_space<hbm>> -> memref<1x4096xf32, #tpu.memory_space<hbm>>
      %dma_wait3A_78 = tpu.memref_squeeze %dma_wait3A_77 : memref<1x4096xf32, #tpu.memory_space<hbm>> -> memref<4096xf32, #tpu.memory_space<hbm>>
      %dma_wait3A_79 = arith.constant 0 : i32
      %dma_wait3A_80 = tpu.memref_slice %arg5[%add3A_59, %dma_wait3A_79] : memref<64x4096xf32, #tpu.memory_space<hbm>> -> memref<1x4096xf32, #tpu.memory_space<hbm>>
      %dma_wait3A_81 = tpu.memref_squeeze %dma_wait3A_80 : memref<1x4096xf32, #tpu.memory_space<hbm>> -> memref<4096xf32, #tpu.memory_space<hbm>>
      %dma_wait3A_82 = arith.constant 0 : i32
      %dma_wait3A_83 = tpu.memref_slice %arg10[%run_scoped3A_60, %dma_wait3A_82] : memref<2x4096xf32, #tpu.memory_space<vmem>> -> memref<1x4096xf32, #tpu.memory_space<vmem>>
      %dma_wait3A_84 = tpu.memref_squeeze %dma_wait3A_83 : memref<1x4096xf32, #tpu.memory_space<vmem>> -> memref<4096xf32, #tpu.memory_space<vmem>>
      tpu.wait_dma2 semaphore(%run_scoped3A_61 : memref<!tpu.dma_semaphore, #tpu.memory_space<semaphore_mem>>) src(%dma_wait3A_84 : memref<4096xf32, #tpu.memory_space<vmem>>) dst(%dma_wait3A_81 : memref<4096xf32, #tpu.memory_space<hbm>>)
      tpu.yield
    }) : () -> ()
    return
  }
}

</mosaic_0001>

<sc_bundles>
// kernel: kernel.3.cloned.1.call-start
scs
__scs_entry_jumppad:
0x0: {  	(pc) =	sbr.rel $0x88, $3  }
0x1: {  	(tag) =	ssettag $0x0;
	lr =	simm.s32 $0x1  }
0x2: {  	[smem:$0x3F9F] =	sst lr;
	_ =	strace $0xD0000000  }
0x3: {  	_ = 	snop  }
0x4: {  	_ = 	snop  }
0x5: {  	_ = 	snop  }
0x6: {  	_ = 	snop  }
0x7: {  	_ = 	snop  }
__scs_overlays_trampoline_lowered:
0x8: {  	[smem:$0x3FAE] =	sst s0  }
0x9: {  	[smem:$0x3FAF] =	sst s1  }
0xa: {  	[smem:$0x3FB0] =	sst s2  }
0xb: {  	[smem:$0x3FB1] =	sst s3  }
0xc: {  	[smem:$0x3FB2] =	sst s4  }
0xd: {  	[smem:$0x3FB3] =	sst s5  }
0xe: {  	[smem:$0x3FB4] =	sst s6  }
0xf: {  	[smem:$0x3FB5] =	sst s7  }
0x10: {  	[smem:$0x3FB6] =	sst s8  }
0x11: {  	[smem:$0x3FB7] =	sst s9;
	s0 =	simm.s32 @!p0 $0x0  }
0x12: {  	s1 =	sld [smem:$0x3F9D];
	s0 =	simm.s32 @p0 $0x1  }
0x13: {  	[smem:$0x3FB8] =	sst s0;
	s0 =	simm.s32 @!p1 $0x0  }
0x14: {  	s2 =	sld [smem:$0x3F9C];
	s0 =	simm.s32 @p1 $0x1  }
0x15: {  	[smem:$0x3FB9] =	sst s0;
	s0 =	simm.s32 @!p2 $0x0  }
0x16: {  	s3 =	sld [smem:$0x3FDB];
	s0 =	simm.s32 @p2 $0x1  }
0x17: {  	s4 =	simm.s32 $0x1BF5;
	[smem:$0x3FBB] =	sst s0  }
0x18: {  	s0 =	sld [smem:$0x3F9E];
	_ =	swait.ge [sflag:s4], $0x0  }
0x19: {  	s7 =	sld [smem:$0x3F9F]  }
0x1a: {  	s8 =	sadd.s32 $0xFFFFE003, lr  }
0x1b: {  	s9 =	sadd.s32 $0xFFFFFEF7, lr;
	s5 =	simm.s32 $0xFFFFFFFF;
	p2 =	slt.u32 s8, $0xFFFFF086  }
0x1c: {  	p1 =	slt.u32 s9, $0xF7A;
	s5 =	simm.s32 @!p2 $0x0  }
0x1d: {  	s5 =	simm.s32 @p1 $0x1;
	p0 =	seq.s32 s7, s2  }
0x1e: {  	s7 =	smul.u32 @!p0 $0xF7A, s2;
	p2 =	seq.s32 @!p0 s5, $0x0  }
0x1f: {  	s9 =	smul.u32 $0xF7A, s1;
	s8 =	simm.s32 @!p0 $0x1BF5;
	p2 =	por !p2, p0  }
0x20: {  	[sflag:s8] =	ssyncset.s32 @!p0 $0xFFFFF086;
	s6 =	sadd.s32 @!p0 s3, s7;
	s7 =	simm.s32 @!p0 $0x108  }
0x21: {  	s3 =	sadd.s32 s3, s9;
	s6 =	sadd.s32 @!p0 $0x88, s6;
	s7 =	simm.s32 @p2 $0x1082  }
0x22: {  	[simem:s7], [sflag:s8] =	dma.local @!p0 [hbm:s6], $0xF7A  }
0x23: {  	s9 =	sor.u32 $0xD0000000, s2;
	s6 =	simm.s32 $0x108;
	_ =	swait.ge @!p0 [sflag:s8], $0x0  }
0x24: {  	s3 =	sadd.s32 $0x88, s3;
	s6 =	simm.s32 @!p1 $0x1082;
	[sflag:s4] =	ssyncset.s32 $0xFFFFF086  }
0x25: {  	[simem:s6], [sflag:s4] =	dma.local [hbm:s3], $0xF7A  }
0x26: {  	[smem:$0x3F9F] =	sst s1;
	(tag) =	ssettag s2;
	_ =	strace s9  }
0x27: {  	s1 =	sld [smem:$0x3FAF]  }
0x28: {  	s2 =	sld [smem:$0x3FB0]  }
0x29: {  	s4 =	sld [smem:$0x3FB2]  }
0x2a: {  	p0 =	seq.s32 s5, $0x0;
	s5 =	sld [smem:$0x3FB3]  }
0x2b: {  	s6 =	sld [smem:$0x3FB4]  }
0x2c: {  	s7 =	sld [smem:$0x3FB5]  }
0x2d: {  	s3 =	simm.s32 $0x108;
	s8 =	sld [smem:$0x3FB6]  }
0x2e: {  	s3 =	simm.s32 @!p0 $0x1082;
	s9 =	sld [smem:$0x3FB7]  }
0x2f: {  	lr =	sadd.s32 s0, s3;
	s0 =	sld [smem:$0x3FAE]  }
0x30: {  	s3 =	sld [smem:$0x3FB1]  }
0x31: {  	[smem:$0x3FBA] =	sst s10  }
0x32: {  	s10 =	sld [smem:$0x3FB8];
	_ =	sdelay $0x3  }
0x33: {  	p0 =	seq.s32 s10, $0x1;
	s10 =	sld [smem:$0x3FBA];
	_ =	sdelay $0x3  }
0x34: {  	[smem:$0x3FBA] =	sst s10  }
0x35: {  	s10 =	sld [smem:$0x3FB9];
	_ =	sdelay $0x3  }
0x36: {  	p1 =	seq.s32 s10, $0x1;
	s10 =	sld [smem:$0x3FBA];
	_ =	sdelay $0x3  }
0x37: {  	[smem:$0x3FBA] =	sst s10  }
0x38: {  	s10 =	sld [smem:$0x3FBB]  }
0x39: {  	_ = 	snop;
	(pc) =	sbr.ind lr, $3  }
0x3a: {  	_ = 	snop  }
0x3b: {  	_ = 	snop  }
0x3c: {  	p2 =	seq.s32 s10, $0x1;
	s10 =	sld [smem:$0x3FBA]  }
0x3d: {  	_ =	shalt  }
0x3e: {  	_ =	shalt  }
0x3f: {  	_ =	shalt  }
0x40: {  	_ =	shalt  }
0x41: {  	_ =	shalt  }
0x42: {  	_ =	shalt  }
0x43: {  	_ =	shalt  }
0x44: {  	_ =	shalt  }
0x45: {  	_ =	shalt  }
0x46: {  	_ =	shalt  }
0x47: {  	_ =	shalt  }
0x48: {  	_ =	shalt  }
0x49: {  	_ =	shalt  }
0x4a: {  	_ =	shalt  }
0x4b: {  	_ =	shalt  }
0x4c: {  	_ =	shalt  }
0x4d: {  	_ =	shalt  }
0x4e: {  	_ =	shalt  }
0x4f: {  	_ =	shalt  }
0x50: {  	_ =	shalt  }
0x51: {  	_ =	shalt  }
0x52: {  	_ =	shalt  }
0x53: {  	_ =	shalt  }
0x54: {  	_ =	shalt  }
0x55: {  	_ =	shalt  }
0x56: {  	_ =	shalt  }
0x57: {  	_ =	shalt  }
0x58: {  	_ =	shalt  }
0x59: {  	_ =	shalt  }
0x5a: {  	_ =	shalt  }
0x5b: {  	_ =	shalt  }
0x5c: {  	_ =	shalt  }
0x5d: {  	_ =	shalt  }
0x5e: {  	_ =	shalt  }
0x5f: {  	_ =	shalt  }
0x60: {  	_ =	shalt  }
0x61: {  	_ =	shalt  }
0x62: {  	_ =	shalt  }
0x63: {  	_ =	shalt  }
0x64: {  	_ =	shalt  }
0x65: {  	_ =	shalt  }
0x66: {  	_ =	shalt  }
0x67: {  	_ =	shalt  }
0x68: {  	_ =	shalt  }
0x69: {  	_ =	shalt  }
0x6a: {  	_ =	shalt  }
0x6b: {  	_ =	shalt  }
0x6c: {  	_ =	shalt  }
0x6d: {  	_ =	shalt  }
0x6e: {  	_ =	shalt  }
0x6f: {  	_ =	shalt  }
0x70: {  	_ =	shalt  }
0x71: {  	_ =	shalt  }
0x72: {  	_ =	shalt  }
0x73: {  	_ =	shalt  }
0x74: {  	_ =	shalt  }
0x75: {  	_ =	shalt  }
0x76: {  	_ =	shalt  }
0x77: {  	_ =	shalt  }
0x78: {  	_ =	shalt  }
0x79: {  	_ =	shalt  }
0x7a: {  	_ =	shalt  }
0x7b: {  	_ =	shalt  }
0x7c: {  	_ =	shalt  }
0x7d: {  	_ =	shalt  }
0x7e: {  	_ =	shalt  }
0x7f: {  	_ =	shalt  }
0x80: {  	_ =	shalt  }
0x81: {  	_ =	shalt  }
0x82: {  	_ =	shalt  }
0x83: {  	_ =	shalt  }
0x84: {  	_ =	shalt  }
0x85: {  	_ =	shalt  }
0x86: {  	_ =	shalt  }
0x87: {  	_ =	shalt  }
.Lfunc_end0:
.L_simem_size_0:
called_computation_lowered:
.L_overlay_start_0:
0x88: {  	s2 =	sld [smem:$0x3FD9]  }
0x89: {  	s3 =	sld [smem:$0x3FFE];
	_ =	sdelay $0x1  }
0x8a: {  	s1 =	srdreg.scid  }
0x8b: {  	s0 =	sand.u32 $0x1, s1  }
0x8c: {  	s17 =	sshll.u32 s0, $0xA;
	s2 =	sadd.s32 s3, s2  }
0x8d: {  	s2 =	sadd.s32 s2, s17  }
0x8e: {  	[smem:$0x3FC6] =	sst s2  }
0x8f: {  	_ = 	snop  }
0x90: {  	s2 =	sld [smem:$0x3FC9]  }
0x91: {  	s18 =	sld [smem:$0x3FC8]  }
0x92: {  	s4 =	sld [smem:$0x3FD0];
	(tm) =	ssettm $0x1  }
0x93: {  	s5 =	sld [smem:$0x3FFB];
	_ =	sdelay $0x3  }
0x94: {  	_ =	strace s5  }
0x95: {  	s5 =	sld [smem:$0x3FFC];
	_ =	sdelay $0x3  }
0x96: {  	_ =	strace s5  }
0x97: {  	s5 =	sld [smem:$0x3FFD];
	_ =	sdelay $0x3  }
0x98: {  	_ =	strace s5  }
0x99: {  	_ =	strace $0x8FFFFFFF  }
0x9a: {  	s19 =	sld [smem:$0x3FDB];
	_ =	sdelay $0x1  }
0x9b: {  	s6 =	simm.s32 $_scs_section_size  }
0x9c: {  	s7 =	simm.s32 $_size__tile_overlayer_lowered;
	s8 =	simm.s32 $_tile_overlayer_lowered  }
0x9d: {  	s22 =	simm.s32 $0x1BFF;
	s21 =	sshll.u32 s8, $0x1;
	s5 =	sadd.s32 s6, s19  }
0x9e: {  	s9 =	simm.s32 $0x0;
	s20 =	sshll.u32 s7, $0x1;
	s7 =	sadd.s32 s21, s5  }
0x9f: {  	[timem:s9], [sflag:s22] =	dma.local [hbm:s7], s20  }
0xa0: {  	_ =	swait.ge [sflag:s22], s20  }
0xa1: {  	s6 =	ssub.s32 $0x0, s20;
	[sflag:s22] =	ssyncset.done $0x0  }
0xa2: {  	[sflag:s22] =	ssyncadd.s32 s6;
	_ =	sdelay $0x1  }
0xa3: {  	s23 =	simm.s32 $0x1B8B  }
0xa4: {  	_ =	swait.ge [sflag:s23], $0x1  }
0xa5: {  	[sflag:s23] =	ssyncset.done $0x0  }
0xa6: {  	s25 =	simm.s32 $0x1B8E;
	s24 =	sld [smem:$0x3FFE];
	[sflag:s23] =	ssyncadd.s32 $0xFFFFFFFF  }
0xa7: {  	s26 =	simm.s32 $execute0_lowered;
	[smem:$0x3FD2] =	sst s25  }
0xa8: {  	s7 =	sshll.u32 s26, $0x1;
	_ =	strace $0x80000046;
	[dreg:$0x1] =	wrdreg $0xFFFFFFFF  }
0xa9: {  	s28 =	simm.s32 $_size_execute0_lowered;
	s5 =	sadd.s32 s5, s7;
	[dreg:$0x0] =	wrdreg $0x0  }
0xaa: {  	s7 =	sshll.u32 s28, $0x1;
	[dreg:$0x2] =	wrdreg s5  }
0xab: {  	[dreg:$0x3] =	wrdreg s7  }
0xac: {  	[dreg:$0x4] =	wrdreg $0xC0  }
0xad: {  	_ =	task [dreg:s9], $0x5FFFF  }
0xae: {  	[dreg:$0x1] =	wrdreg $0xFFFFFFFF  }
0xaf: {  	[dreg:$0x0] =	wrdreg $0x60  }
0xb0: {  	[dreg:$0x2] =	wrdreg s2  }
0xb1: {  	[dreg:$0x3] =	wrdreg s18  }
0xb2: {  	[dreg:$0x4] =	wrdreg s24  }
0xb3: {  	[dreg:$0x5] =	wrdreg s4  }
0xb4: {  	[dreg:$0x6] =	wrdreg $0x9  }
0xb5: {  	_ =	task.clear_ibuf [dreg:s9], $0x7FFFF;
	_ =	strace $0x90000046  }
0xb6: {  	s29 =	simm.s32 $0x9;
	_ =	strace $0x80000048  }
0xb7: {  	_ =	swait.ge [sflag:s29], $0x1  }
0xb8: {  	[sflag:s29] =	ssyncadd.s32 $0xFFFFFFFF  }
0xb9: {  	_ =	strace $0x90000048  }
0xba: {  	_ =	sfence  }
0xbb: {  	s30 =	sld [smem:$0x0];
	_ =	sdelay $0x2  }
0xbc: {  	s31 =	sshll.u32 s1, $0xD;
	s1 =	sshrl.u32 s1, $0x2  }
0xbd: {  	s3 =	sand.u32 $0x4000, s31;
	s1 =	sadd.s32 s1, s30  }
0xbe: {  	s0 =	sor.u32 s3, s0;
	s1 =	sshll.u32 s1, $0x11  }
0xbf: {  	s0 =	sor.u32 s1, s0  }
0xc0: {  	s0 =	sadd.s32 $0x8F2B, s0  }
0xc1: {  	[sflag:s0] =	ssyncadd.remote.s32 $0x1  }
0xc2: {  	_ =	sfence.sel $0xFFFF  }
0xc3: {  	[dreg:$0x0] =	wrdreg $0xFFFFFFFF;
	(pc) =	sbr.abs _section_cstart, $3  }
0xc4: {  	[dreg:$0x1] =	wrdreg $0xFFFFFFFF  }
0xc5: {  	_ =	task.clear_ibuf [dreg:s9], $0x2FFFF;
	_ =	strace $0x9FFFFFFF  }
0xc6: {  	(tm) =	ssettm $0x7FFFFFFF  }
0xc7: {  	_ =	shalt  }
tec
execute0_lowered:
.L_overlay_start_1:
0x0: {  	(tag) =	ssettag $0x1  }
0x1: {  	s1 =	rddreg [dreg:$0x0]  }
0x2: {  	s2 =	rddreg [dreg:$0x1]  }
0x3: {  	s0 =	rddreg [dreg:$0x2]  }
0x4: {  	s3 =	rddreg [dreg:$0x3]  }
0x5: {  	s4 =	simm.s32 $0x0;
	s5 =	srdreg.scid;
	s11 =	stileid.u32  }
0x6: {  	s17 =	simm.s32 $0x100;
	s18 =	simm.s32 $0x400;
	s19 =	simm.s32 $0x2000  }
0x7: {  	s20 =	simm.s32 $0xE500;
	s21 =	simm.s32 $0x4;
	s22 =	simm.s32 $0x1  }
0x8: {  	s23 =	simm.s32 $0x2;
	s24 =	simm.s32 $0x1AA00;
	s25 =	simm.s32 $0x3  }
0x9: {  	[smem:$0x7FF] =	sst s4;
	s5 =	sand.u32 $0x1, s5;
	s6 =	sshll.u32 s11, $0x9  }
0xa: {  	s8 =	sshrl.u32 s11, $0x1;
	s7 =	sshll.u32 s5, $0x8;
	s6 =	sand.u32 $0x200, s6  }
0xb: {  	s9 =	smul.u32 $0xC3800, s8;
	_ =	strace $0x80000047;
	s10 =	ssub.s32 $0x2, s5  }
0xc: {  	s8 =	sshll.u32 s8, $0xF;
	s5 =	sor.u32 s7, s6;
	s6 =	sadd.s32 $0x400, s0  }
0xd: {  	s28 =	sshrl.u32 s10, $0x1;
	s7 =	sshll.u32 s11, $0x2;
	s11 =	sshll.u32 s11, $0xE  }
0xe: {  	s9 =	sor.u32 s9, s5;
	s0 =	ssub.s32 s10, s28;
	s31 =	sand.u32 $0x38000, s11  }
0xf: {  	s11 =	sor.u32 $0x92800, s5;
	s8 =	sor.u32 s8, s5;
	s12 =	sor.u32 $0x31000, s5  }
0x10: {  	s13 =	sor.u32 $0x80, s7;
	s29 =	sadd.s32 $0x31000, s9;
	s9 =	sshrl.u32 s9, $0x3  }
0x11: {  	s8 =	sshrl.u32 s8, $0x3;
	s0 =	smax.u32 s0, $0x1;
	s9 =	sadd.s32 s2, s9  }
0x12: {  	s10 =	sshrl.u32 s29, $0x3;
	[dreg:$0x5] =	wrdreg s9;
	s9 =	sor.u32 s5, s31  }
0x13: {  	s14 =	sadd.s32 s3, s8;
	[dreg:$0x7] =	wrdreg s0;
	s9 =	sshrl.u32 s9, $0x3  }
0x14: {  	s30 =	sadd.s32 s2, s10;
	s10 =	sor.u32 $0x61C00, s5;
	s9 =	sadd.s32 s9, s3  }
0x15: {  	v0 =	vimm.f32 $0.0e+00;
	[dreg:$0x6] =	wrdreg s30;
	s3 =	simm.s32 $0x0;
	s15 =	sadd.s32 $0x10, s9  }
.LBB2_1:
0x16: {  	[dreg:$0x8] =	wrdreg s3  }
0x17: {  	s0 =	sadd.s32 $0x0, s1;
	s3 =	simm.s32 $0x80;
	s8 =	simm.s32 $0x0  }
0x18: {  	[tilespmem:s4], [sflag:$0x4] =	stream.linear.gather [hbm4b:s0+s4], $0x80, $0x38;
	[tilespmem:$0x1CB00] =	vst v63  }
.LBB2_2:
0x19: {  	p0 =	sne.s32 s3, $0xF80  }
.Ltmp0:
0x1a: {  	_ = 	snop;
	(pc) =	sbr.rel @p0 .LBB2_2-.Ltmp0, $4  }
0x1b: {  	_ = 	snop  }
0x1c: {  	s9 =	sadd.s32 s3, s1;
	s8 =	sadd.s32 $0x100, s8  }
0x1d: {  	s0 =	simm.s32 $0x0;
	s3 =	sadd.s32 $0x80, s3  }
0x1e: {  	[tilespmem:s8], [sflag:$0x4] =	stream.linear.gather [hbm4b:s9+s0], $0x80, $0x38;
	[tilespmem:$0x1CB00] =	vst v63  }
0x1f: {  	s3 =	sand.u32 $0x70, s0;
	s8 =	sand.u32 $0x1F00, s0  }
0x20: {  	s3 =	sor.u32 s3, s8  }
0x21: {  	s8 =	sadd.s32 $0x1AB00, s3;
	[tilespmem:s3+$0x1AB00] =	vst v0  }
0x22: {  	s3 =	simm.s32 $0x10;
	[tilespmem:s8+$0x80] =	vst v0  }
.LBB2_4:
0x23: {  	p0 =	sne.s32 s3, $0xFF0  }
.Ltmp1:
0x24: {  	s8 =	sand.u32 $0x70, s3;
	s0 =	sadd.s32 $0x20, s0;
	(pc) =	sbr.rel @p0 .LBB2_4-.Ltmp1, $4  }
0x25: {  	s3 =	sadd.s32 $0x10, s3;
	s9 =	sand.u32 $0x1F00, s0  }
0x26: {  	s8 =	sor.u32 s8, s9  }
0x27: {  	s9 =	sadd.s32 $0x1AB00, s8;
	[tilespmem:s8+$0x1AB00] =	vst v0  }
0x28: {  	[tilespmem:s9+$0x80] =	vst v0  }
0x29: {  	s0 =	rddreg [dreg:$0x5]  }
0x2a: {  	[tilespmem:s19], [sflag:$0x1] =	stream.strided.gather [hbm4b:s0+s17], $0xC400, s18, s17, $0x38;
	[tilespmem:$0x1CB00] =	vst v63  }
0x2b: {  	s31 =	rddreg [dreg:$0x6];
	s29 =	simm.s32 $0x0  }
0x2c: {  	[tilespmem:s20], [sflag:$0x2] =	stream.strided.gather [hbm4b:s31+s17], $0xC300, s18, s17, $0x38;
	[tilespmem:$0x1CB00] =	vst v63  }
.LBB2_6:
0x2d: {  	s0 =	sshll.u32 s29, $0x1;
	s30 =	sshllo.u32 s29, $0x1;
	s3 =	sshll.u32 s29, $0xA  }
0x2e: {  	_ =	swait.ge [sflag:s21], $0x1000;
	s3 =	sand.u32 $0x3000, s3;
	s8 =	sshll.u32 s30, $0x4  }
0x2f: {  	s9 =	simm.s32 $0x80;
	s8 =	sand.u32 $0x70, s8;
	s3 =	sadd.s32 s1, s3  }
0x30: {  	s16 =	simm.s32 $0x180;
	[sflag:s21] =	ssyncset.done $0x0;
	s3 =	sadd.s32 s8, s3  }
0x31: {  	[sflag:s21] =	ssyncadd.s32 $0xFFFFF000;
	s8 =	simm.s32 $0x80;
	s26 =	sadd.s32 $0x0, s3  }
.LBB2_7:
0x32: {  	[tilespmem:s8], [sflag:$0x4] =	stream.linear.gather [hbm4b:s26+s4], $0x80, $0x38;
	[tilespmem:$0x1CB00] =	vst v63  }
0x33: {  	s26 =	smov.u32 s9;
	s8 =	smov.u32 s16;
	p0 =	sne.s32 s9, $0xF80  }
.Ltmp2:
0x34: {  	s9 =	sadd.s32 $0x80, s9;
	(pc) =	sbr.rel @p0 .LBB2_7-.Ltmp2, $2  }
0x35: {  	_ =	sdelay $0x2  }
0x36: {  	s16 =	sadd.s32 $0x100, s16;
	s26 =	sadd.s32 s26, s3  }
0x37: {  	[tilespmem:s8], [sflag:$0x4] =	stream.linear.gather [hbm4b:s26+s4], $0x80, $0x38;
	[tilespmem:$0x1CB00] =	vst v63  }
0x38: {  	_ =	swait.ge [sflag:s22], $0xC400  }
0x39: {  	[sflag:s22] =	ssyncset.done $0x0  }
0x3a: {  	s3 =	simm.s32 $0x0;
	[sflag:s22] =	ssyncadd.s32 $0xFFFF3C00  }
0x3b: {  	v1 =	vld [tilespmem:s3+$0x0];
	_ =	sdelay $0x4  }
0x3c: {  	v2 =	vshll.u32 v1, $0x1  }
0x3d: {  	vm0 =	vlt.s32 v1, $0x6200;
	v1 =	vand.u32 $0x7F, v1;
	v2 =	vand.u32 $0xFFFFFF00, v2  }
0x3e: {  	v1 =	vor.u32 v1, v2;
	_ =	sdelay $0x4  }
0x3f: {  	v2 =	vld.idx.msk [tilespmem:v1+s19+$0x0], vm0;
	_ =	sdelay $0x1  }
0x40: {  	v3 =	vld [tilespmem:s3+$0x10];
	v1 =	vor.u32 $0x80, v1;
	_ =	sdelay $0x2  }
0x41: {  	v2 =	vnsel vm0, $0x0, v2  }
0x42: {  	[tilespmem:s3+$0x1AB00] =	vst.add.f32.msk $0xffff, v2  }
0x43: {  	v2 =	vshll.u32 v3, $0x1;
	v1 =	vld.idx.msk [tilespmem:v1+s19+$0x0], vm0  }
0x44: {  	vm1 =	vlt.s32 v3, $0x6200;
	v3 =	vand.u32 $0x7F, v3;
	v2 =	vand.u32 $0xFFFFFF00, v2  }
0x45: {  	v2 =	vor.u32 v3, v2;
	_ =	sdelay $0x2  }
0x46: {  	v1 =	vnsel vm0, $0x0, v1  }
0x47: {  	[tilespmem:s3+$0x1AB80] =	vst.add.f32.msk $0xffff, v1  }
0x48: {  	v1 =	vld.idx.msk [tilespmem:v2+s19+$0x0], vm1;
	_ =	sdelay $0x1  }
0x49: {  	v3 =	vld [tilespmem:s3+$0x20];
	v2 =	vor.u32 $0x80, v2;
	_ =	sdelay $0x2  }
0x4a: {  	v1 =	vnsel vm1, $0x0, v1  }
0x4b: {  	[tilespmem:s3+$0x1AB10] =	vst.add.f32.msk $0xffff, v1  }
0x4c: {  	v1 =	vld.idx.msk [tilespmem:v2+s19+$0x0], vm1;
	v2 =	vshll.u32 v3, $0x1  }
0x4d: {  	vm0 =	vlt.s32 v3, $0x6200;
	v3 =	vand.u32 $0x7F, v3;
	v2 =	vand.u32 $0xFFFFFF00, v2  }
0x4e: {  	v2 =	vor.u32 v3, v2;
	_ =	sdelay $0x2  }
0x4f: {  	v1 =	vnsel vm1, $0x0, v1  }
0x50: {  	[tilespmem:s3+$0x1AB90] =	vst.add.f32.msk $0xffff, v1  }
0x51: {  	v1 =	vld.idx.msk [tilespmem:v2+s19+$0x0], vm0;
	_ =	sdelay $0x1  }
0x52: {  	v3 =	vld [tilespmem:s3+$0x30];
	v2 =	vor.u32 $0x80, v2;
	_ =	sdelay $0x2  }
0x53: {  	v1 =	vnsel vm0, $0x0, v1  }
0x54: {  	[tilespmem:s3+$0x1AB20] =	vst.add.f32.msk $0xffff, v1  }
0x55: {  	v1 =	vld.idx.msk [tilespmem:v2+s19+$0x0], vm0;
	v2 =	vshll.u32 v3, $0x1  }
0x56: {  	vm1 =	vlt.s32 v3, $0x6200;
	v3 =	vand.u32 $0x7F, v3;
	v2 =	vand.u32 $0xFFFFFF00, v2  }
0x57: {  	v2 =	vor.u32 v3, v2;
	_ =	sdelay $0x2  }
0x58: {  	v1 =	vnsel vm0, $0x0, v1  }
0x59: {  	[tilespmem:s3+$0x1ABA0] =	vst.add.f32.msk $0xffff, v1  }
0x5a: {  	v1 =	vld.idx.msk [tilespmem:v2+s19+$0x0], vm1;
	_ =	sdelay $0x1  }
0x5b: {  	v3 =	vld [tilespmem:s3+$0x40];
	v2 =	vor.u32 $0x80, v2;
	_ =	sdelay $0x2  }
0x5c: {  	v1 =	vnsel vm1, $0x0, v1  }
0x5d: {  	[tilespmem:s3+$0x1AB30] =	vst.add.f32.msk $0xffff, v1  }
0x5e: {  	v1 =	vld.idx.msk [tilespmem:v2+s19+$0x0], vm1;
	v2 =	vshll.u32 v3, $0x1  }
0x5f: {  	vm0 =	vlt.s32 v3, $0x6200;
	v3 =	vand.u32 $0x7F, v3;
	v2 =	vand.u32 $0xFFFFFF00, v2  }
0x60: {  	v2 =	vor.u32 v3, v2;
	_ =	sdelay $0x2  }
0x61: {  	v1 =	vnsel vm1, $0x0, v1  }
0x62: {  	[tilespmem:s3+$0x1ABB0] =	vst.add.f32.msk $0xffff, v1  }
0x63: {  	v1 =	vld.idx.msk [tilespmem:v2+s19+$0x0], vm0;
	_ =	sdelay $0x1  }
0x64: {  	v3 =	vld [tilespmem:s3+$0x50];
	v2 =	vor.u32 $0x80, v2;
	_ =	sdelay $0x2  }
0x65: {  	v1 =	vnsel vm0, $0x0, v1  }
0x66: {  	[tilespmem:s3+$0x1AB40] =	vst.add.f32.msk $0xffff, v1  }
0x67: {  	v1 =	vld.idx.msk [tilespmem:v2+s19+$0x0], vm0;
	v2 =	vshll.u32 v3, $0x1  }
0x68: {  	vm1 =	vlt.s32 v3, $0x6200;
	v3 =	vand.u32 $0x7F, v3;
	v2 =	vand.u32 $0xFFFFFF00, v2  }
0x69: {  	v2 =	vor.u32 v3, v2;
	_ =	sdelay $0x2  }
0x6a: {  	v1 =	vnsel vm0, $0x0, v1  }
0x6b: {  	[tilespmem:s3+$0x1ABC0] =	vst.add.f32.msk $0xffff, v1  }
0x6c: {  	v1 =	vld.idx.msk [tilespmem:v2+s19+$0x0], vm1;
	_ =	sdelay $0x1  }
0x6d: {  	v3 =	vld [tilespmem:s3+$0x60];
	v2 =	vor.u32 $0x80, v2;
	_ =	sdelay $0x2  }
0x6e: {  	v1 =	vnsel vm1, $0x0, v1  }
0x6f: {  	[tilespmem:s3+$0x1AB50] =	vst.add.f32.msk $0xffff, v1  }
0x70: {  	v1 =	vld.idx.msk [tilespmem:v2+s19+$0x0], vm1;
	v2 =	vshll.u32 v3, $0x1  }
0x71: {  	vm2 =	vlt.s32 v3, $0x6200;
	v3 =	vand.u32 $0x7F, v3;
	v2 =	vand.u32 $0xFFFFFF00, v2  }
0x72: {  	v2 =	vor.u32 v3, v2;
	_ =	sdelay $0x2  }
0x73: {  	v1 =	vnsel vm1, $0x0, v1  }
0x74: {  	[tilespmem:s3+$0x1ABD0] =	vst.add.f32.msk $0xffff, v1  }
0x75: {  	v1 =	vld.idx.msk [tilespmem:v2+s19+$0x0], vm2;
	_ =	sdelay $0x1  }
0x76: {  	v3 =	vld [tilespmem:s3+$0x70];
	v2 =	vor.u32 $0x80, v2;
	_ =	sdelay $0x2  }
0x77: {  	v1 =	vnsel vm2, $0x0, v1  }
0x78: {  	[tilespmem:s3+$0x1AB60] =	vst.add.f32.msk $0xffff, v1  }
0x79: {  	v1 =	vld.idx.msk [tilespmem:v2+s19+$0x0], vm2;
	v2 =	vshll.u32 v3, $0x1  }
0x7a: {  	vm0 =	vlt.s32 v3, $0x6200;
	v3 =	vand.u32 $0x7F, v3;
	v2 =	vand.u32 $0xFFFFFF00, v2  }
0x7b: {  	v2 =	vor.u32 v3, v2;
	_ =	sdelay $0x2  }
0x7c: {  	v1 =	vnsel vm2, $0x0, v1  }
0x7d: {  	[tilespmem:s3+$0x1ABE0] =	vst.add.f32.msk $0xffff, v1  }
0x7e: {  	v1 =	vld.idx.msk [tilespmem:v2+s19+$0x0], vm0;
	_ =	sdelay $0x1  }
0x7f: {  	s9 =	simm.s32 $0x100;
	s8 =	simm.s32 $0x800;
	v2 =	vor.u32 $0x80, v2  }
.LBB2_9:
0x80: {  	p0 =	sne.s32 s8, $0x7C00;
	v3 =	vld [tilespmem:s9+$0x0];
	_ =	sdelay $0x1  }
0x81: {  	v1 =	vnsel vm0, $0x0, v1  }
0x82: {  	[tilespmem:s3+$0x1AB70] =	vst.add.f32.msk $0xffff, v1  }
0x83: {  	v1 =	vld.idx.msk [tilespmem:v2+s19+$0x0], vm0  }
0x84: {  	v2 =	vshll.u32 v3, $0x1  }
0x85: {  	vm1 =	vlt.s32 v3, $0x6200;
	v3 =	vand.u32 $0x7F, v3;
	v2 =	vand.u32 $0xFFFFFF00, v2  }
0x86: {  	v2 =	vor.u32 v3, v2;
	_ =	sdelay $0x2  }
0x87: {  	v1 =	vnsel vm0, $0x0, v1  }
0x88: {  	[tilespmem:s3+$0x1ABF0] =	vst.add.f32.msk $0xffff, v1;
	s3 =	smov.u32 s9  }
0x89: {  	v1 =	vld.idx.msk [tilespmem:v2+s19+$0x0], vm1;
	_ =	sdelay $0x2  }
0x8a: {  	v2 =	vor.u32 $0x80, v2  }
0x8b: {  	v3 =	vld [tilespmem:s3+$0x10];
	_ =	sdelay $0x1  }
0x8c: {  	v1 =	vnsel vm1, $0x0, v1  }
0x8d: {  	[tilespmem:s3+$0x1AB00] =	vst.add.f32.msk $0xffff, v1  }
0x8e: {  	v1 =	vld.idx.msk [tilespmem:v2+s19+$0x0], vm1  }
0x8f: {  	v2 =	vshll.u32 v3, $0x1  }
0x90: {  	vm0 =	vlt.s32 v3, $0x6200;
	v3 =	vand.u32 $0x7F, v3;
	v2 =	vand.u32 $0xFFFFFF00, v2  }
0x91: {  	v2 =	vor.u32 v3, v2;
	_ =	sdelay $0x2  }
0x92: {  	v1 =	vnsel vm1, $0x0, v1  }
0x93: {  	[tilespmem:s3+$0x1AB80] =	vst.add.f32.msk $0xffff, v1  }
0x94: {  	v1 =	vld.idx.msk [tilespmem:v2+s19+$0x0], vm0;
	_ =	sdelay $0x2  }
0x95: {  	v2 =	vor.u32 $0x80, v2  }
0x96: {  	v3 =	vld [tilespmem:s3+$0x20];
	_ =	sdelay $0x1  }
0x97: {  	v1 =	vnsel vm0, $0x0, v1  }
0x98: {  	[tilespmem:s3+$0x1AB10] =	vst.add.f32.msk $0xffff, v1  }
0x99: {  	v1 =	vld.idx.msk [tilespmem:v2+s19+$0x0], vm0  }
0x9a: {  	v2 =	vshll.u32 v3, $0x1  }
0x9b: {  	vm1 =	vlt.s32 v3, $0x6200;
	v3 =	vand.u32 $0x7F, v3;
	v2 =	vand.u32 $0xFFFFFF00, v2  }
0x9c: {  	v2 =	vor.u32 v3, v2;
	_ =	sdelay $0x2  }
0x9d: {  	v1 =	vnsel vm0, $0x0, v1  }
0x9e: {  	[tilespmem:s3+$0x1AB90] =	vst.add.f32.msk $0xffff, v1  }
0x9f: {  	v1 =	vld.idx.msk [tilespmem:v2+s19+$0x0], vm1;
	_ =	sdelay $0x2  }
0xa0: {  	v2 =	vor.u32 $0x80, v2  }
0xa1: {  	v3 =	vld [tilespmem:s3+$0x30];
	_ =	sdelay $0x1  }
0xa2: {  	v1 =	vnsel vm1, $0x0, v1  }
0xa3: {  	[tilespmem:s3+$0x1AB20] =	vst.add.f32.msk $0xffff, v1  }
0xa4: {  	v1 =	vld.idx.msk [tilespmem:v2+s19+$0x0], vm1  }
0xa5: {  	v2 =	vshll.u32 v3, $0x1  }
0xa6: {  	vm0 =	vlt.s32 v3, $0x6200;
	v3 =	vand.u32 $0x7F, v3;
	v2 =	vand.u32 $0xFFFFFF00, v2  }
0xa7: {  	v2 =	vor.u32 v3, v2;
	_ =	sdelay $0x2  }
0xa8: {  	v1 =	vnsel vm1, $0x0, v1  }
0xa9: {  	[tilespmem:s3+$0x1ABA0] =	vst.add.f32.msk $0xffff, v1  }
0xaa: {  	v1 =	vld.idx.msk [tilespmem:v2+s19+$0x0], vm0;
	_ =	sdelay $0x2  }
0xab: {  	v2 =	vor.u32 $0x80, v2  }
0xac: {  	v3 =	vld [tilespmem:s3+$0x40];
	_ =	sdelay $0x1  }
0xad: {  	v1 =	vnsel vm0, $0x0, v1  }
0xae: {  	[tilespmem:s3+$0x1AB30] =	vst.add.f32.msk $0xffff, v1  }
0xaf: {  	v1 =	vld.idx.msk [tilespmem:v2+s19+$0x0], vm0  }
0xb0: {  	v2 =	vshll.u32 v3, $0x1  }
0xb1: {  	vm1 =	vlt.s32 v3, $0x6200;
	v3 =	vand.u32 $0x7F, v3;
	v2 =	vand.u32 $0xFFFFFF00, v2  }
0xb2: {  	v2 =	vor.u32 v3, v2;
	_ =	sdelay $0x2  }
0xb3: {  	v1 =	vnsel vm0, $0x0, v1  }
0xb4: {  	[tilespmem:s3+$0x1ABB0] =	vst.add.f32.msk $0xffff, v1  }
0xb5: {  	v1 =	vld.idx.msk [tilespmem:v2+s19+$0x0], vm1;
	_ =	sdelay $0x2  }
0xb6: {  	v2 =	vor.u32 $0x80, v2  }
0xb7: {  	v3 =	vld [tilespmem:s3+$0x50];
	_ =	sdelay $0x1  }
0xb8: {  	v1 =	vnsel vm1, $0x0, v1  }
0xb9: {  	[tilespmem:s3+$0x1AB40] =	vst.add.f32.msk $0xffff, v1  }
0xba: {  	v1 =	vld.idx.msk [tilespmem:v2+s19+$0x0], vm1  }
0xbb: {  	v2 =	vshll.u32 v3, $0x1  }
0xbc: {  	vm0 =	vlt.s32 v3, $0x6200;
	v3 =	vand.u32 $0x7F, v3;
	v2 =	vand.u32 $0xFFFFFF00, v2  }
0xbd: {  	v2 =	vor.u32 v3, v2;
	_ =	sdelay $0x2  }
0xbe: {  	v1 =	vnsel vm1, $0x0, v1  }
0xbf: {  	[tilespmem:s3+$0x1ABC0] =	vst.add.f32.msk $0xffff, v1  }
0xc0: {  	v1 =	vld.idx.msk [tilespmem:v2+s19+$0x0], vm0;
	_ =	sdelay $0x2  }
0xc1: {  	v2 =	vor.u32 $0x80, v2  }
0xc2: {  	v3 =	vld [tilespmem:s3+$0x60];
	_ =	sdelay $0x1  }
0xc3: {  	v1 =	vnsel vm0, $0x0, v1  }
0xc4: {  	[tilespmem:s3+$0x1AB50] =	vst.add.f32.msk $0xffff, v1  }
0xc5: {  	v1 =	vld.idx.msk [tilespmem:v2+s19+$0x0], vm0  }
0xc6: {  	v2 =	vshll.u32 v3, $0x1  }
0xc7: {  	vm1 =	vlt.s32 v3, $0x6200;
	v3 =	vand.u32 $0x7F, v3;
	v2 =	vand.u32 $0xFFFFFF00, v2  }
0xc8: {  	v2 =	vor.u32 v3, v2;
	_ =	sdelay $0x2  }
0xc9: {  	v1 =	vnsel vm0, $0x0, v1  }
0xca: {  	[tilespmem:s3+$0x1ABD0] =	vst.add.f32.msk $0xffff, v1  }
0xcb: {  	v1 =	vld.idx.msk [tilespmem:v2+s19+$0x0], vm1;
	_ =	sdelay $0x2  }
0xcc: {  	v2 =	vor.u32 $0x80, v2  }
0xcd: {  	v3 =	vld [tilespmem:s3+$0x70];
	_ =	sdelay $0x1  }
0xce: {  	v1 =	vnsel vm1, $0x0, v1  }
0xcf: {  	[tilespmem:s3+$0x1AB60] =	vst.add.f32.msk $0xffff, v1  }
0xd0: {  	v1 =	vld.idx.msk [tilespmem:v2+s19+$0x0], vm1  }
0xd1: {  	v2 =	vshll.u32 v3, $0x1  }
0xd2: {  	vm0 =	vlt.s32 v3, $0x6200;
	v3 =	vand.u32 $0x7F, v3;
	v2 =	vand.u32 $0xFFFFFF00, v2  }
0xd3: {  	v2 =	vor.u32 v3, v2;
	_ =	sdelay $0x2  }
0xd4: {  	v1 =	vnsel vm1, $0x0, v1  }
.Ltmp3:
0xd5: {  	[tilespmem:s3+$0x1ABE0] =	vst.add.f32.msk $0xffff, v1;
	(pc) =	sbr.rel @p0 .LBB2_9-.Ltmp3, $2  }
0xd6: {  	v1 =	vld.idx.msk [tilespmem:v2+s19+$0x0], vm0;
	_ =	sdelay $0x2  }
0xd7: {  	s9 =	sshra.s32 s8, $0x2;
	s8 =	sadd.s32 $0x400, s8;
	v2 =	vor.u32 $0x80, v2  }
0xd8: {  	v3 =	vld [tilespmem:s9+$0x0];
	_ =	sdelay $0x2  }
0xd9: {  	v1 =	vnsel vm0, $0x0, v1  }
0xda: {  	[tilespmem:s3+$0x1AB70] =	vst.add.f32.msk $0xffff, v1  }
0xdb: {  	v1 =	vld.idx.msk [tilespmem:v2+s19+$0x0], vm0;
	v2 =	vshll.u32 v3, $0x1  }
0xdc: {  	vm1 =	vlt.s32 v3, $0x6200;
	v3 =	vand.u32 $0x7F, v3;
	v2 =	vand.u32 $0xFFFFFF00, v2  }
0xdd: {  	v2 =	vor.u32 v3, v2;
	_ =	sdelay $0x2  }
0xde: {  	v1 =	vnsel vm0, $0x0, v1  }
0xdf: {  	[tilespmem:s3+$0x1ABF0] =	vst.add.f32.msk $0xffff, v1  }
0xe0: {  	v1 =	vld.idx.msk [tilespmem:v2+s19+$0x0], vm1;
	_ =	sdelay $0x1  }
0xe1: {  	v3 =	vld [tilespmem:s9+$0x10];
	v2 =	vor.u32 $0x80, v2;
	_ =	sdelay $0x2  }
0xe2: {  	v1 =	vnsel vm1, $0x0, v1  }
0xe3: {  	[tilespmem:s9+$0x1AB00] =	vst.add.f32.msk $0xffff, v1  }
0xe4: {  	v1 =	vld.idx.msk [tilespmem:v2+s19+$0x0], vm1;
	v2 =	vshll.u32 v3, $0x1  }
0xe5: {  	vm0 =	vlt.s32 v3, $0x6200;
	v3 =	vand.u32 $0x7F, v3;
	v2 =	vand.u32 $0xFFFFFF00, v2  }
0xe6: {  	v2 =	vor.u32 v3, v2;
	_ =	sdelay $0x2  }
0xe7: {  	v1 =	vnsel vm1, $0x0, v1  }
0xe8: {  	[tilespmem:s9+$0x1AB80] =	vst.add.f32.msk $0xffff, v1  }
0xe9: {  	v1 =	vld.idx.msk [tilespmem:v2+s19+$0x0], vm0;
	_ =	sdelay $0x1  }
0xea: {  	v3 =	vld [tilespmem:s9+$0x20];
	v2 =	vor.u32 $0x80, v2;
	_ =	sdelay $0x2  }
0xeb: {  	v1 =	vnsel vm0, $0x0, v1  }
0xec: {  	[tilespmem:s9+$0x1AB10] =	vst.add.f32.msk $0xffff, v1  }
0xed: {  	v1 =	vld.idx.msk [tilespmem:v2+s19+$0x0], vm0;
	v2 =	vshll.u32 v3, $0x1  }
0xee: {  	vm1 =	vlt.s32 v3, $0x6200;
	v3 =	vand.u32 $0x7F, v3;
	v2 =	vand.u32 $0xFFFFFF00, v2  }
0xef: {  	v2 =	vor.u32 v3, v2;
	_ =	sdelay $0x2  }
0xf0: {  	v1 =	vnsel vm0, $0x0, v1  }
0xf1: {  	[tilespmem:s9+$0x1AB90] =	vst.add.f32.msk $0xffff, v1  }
0xf2: {  	v1 =	vld.idx.msk [tilespmem:v2+s19+$0x0], vm1;
	_ =	sdelay $0x1  }
0xf3: {  	v3 =	vld [tilespmem:s9+$0x30];
	v2 =	vor.u32 $0x80, v2;
	_ =	sdelay $0x2  }
0xf4: {  	v1 =	vnsel vm1, $0x0, v1  }
0xf5: {  	[tilespmem:s9+$0x1AB20] =	vst.add.f32.msk $0xffff, v1  }
0xf6: {  	v1 =	vld.idx.msk [tilespmem:v2+s19+$0x0], vm1;
	v2 =	vshll.u32 v3, $0x1  }
0xf7: {  	vm0 =	vlt.s32 v3, $0x6200;
	v3 =	vand.u32 $0x7F, v3;
	v2 =	vand.u32 $0xFFFFFF00, v2  }
0xf8: {  	v2 =	vor.u32 v3, v2;
	_ =	sdelay $0x2  }
0xf9: {  	v1 =	vnsel vm1, $0x0, v1  }
0xfa: {  	[tilespmem:s9+$0x1ABA0] =	vst.add.f32.msk $0xffff, v1  }
0xfb: {  	v1 =	vld.idx.msk [tilespmem:v2+s19+$0x0], vm0;
	_ =	sdelay $0x1  }
0xfc: {  	v3 =	vld [tilespmem:s9+$0x40];
	v2 =	vor.u32 $0x80, v2;
	_ =	sdelay $0x2  }
0xfd: {  	v1 =	vnsel vm0, $0x0, v1  }
0xfe: {  	[tilespmem:s9+$0x1AB30] =	vst.add.f32.msk $0xffff, v1  }
0xff: {  	v1 =	vld.idx.msk [tilespmem:v2+s19+$0x0], vm0;
	v2 =	vshll.u32 v3, $0x1  }
0x100: {  	vm1 =	vlt.s32 v3, $0x6200;
	v3 =	vand.u32 $0x7F, v3;
	v2 =	vand.u32 $0xFFFFFF00, v2  }
0x101: {  	v2 =	vor.u32 v3, v2;
	_ =	sdelay $0x2  }
0x102: {  	v1 =	vnsel vm0, $0x0, v1  }
0x103: {  	[tilespmem:s9+$0x1ABB0] =	vst.add.f32.msk $0xffff, v1  }
0x104: {  	v1 =	vld.idx.msk [tilespmem:v2+s19+$0x0], vm1;
	_ =	sdelay $0x1  }
0x105: {  	v3 =	vld [tilespmem:s9+$0x50];
	v2 =	vor.u32 $0x80, v2;
	_ =	sdelay $0x2  }
0x106: {  	v1 =	vnsel vm1, $0x0, v1  }
0x107: {  	[tilespmem:s9+$0x1AB40] =	vst.add.f32.msk $0xffff, v1  }
0x108: {  	v1 =	vld.idx.msk [tilespmem:v2+s19+$0x0], vm1;
	v2 =	vshll.u32 v3, $0x1  }
0x109: {  	vm0 =	vlt.s32 v3, $0x6200;
	v3 =	vand.u32 $0x7F, v3;
	v2 =	vand.u32 $0xFFFFFF00, v2  }
0x10a: {  	v2 =	vor.u32 v3, v2;
	_ =	sdelay $0x2  }
0x10b: {  	v1 =	vnsel vm1, $0x0, v1  }
0x10c: {  	[tilespmem:s9+$0x1ABC0] =	vst.add.f32.msk $0xffff, v1  }
0x10d: {  	v1 =	vld.idx.msk [tilespmem:v2+s19+$0x0], vm0;
	_ =	sdelay $0x1  }
0x10e: {  	v3 =	vld [tilespmem:s9+$0x60];
	v2 =	vor.u32 $0x80, v2;
	_ =	sdelay $0x2  }
0x10f: {  	v1 =	vnsel vm0, $0x0, v1  }
0x110: {  	[tilespmem:s9+$0x1AB50] =	vst.add.f32.msk $0xffff, v1  }
0x111: {  	v1 =	vld.idx.msk [tilespmem:v2+s19+$0x0], vm0;
	v2 =	vshll.u32 v3, $0x1  }
0x112: {  	vm1 =	vlt.s32 v3, $0x6200;
	v3 =	vand.u32 $0x7F, v3;
	v2 =	vand.u32 $0xFFFFFF00, v2  }
0x113: {  	v2 =	vor.u32 v3, v2;
	_ =	sdelay $0x2  }
0x114: {  	v1 =	vnsel vm0, $0x0, v1  }
0x115: {  	[tilespmem:s9+$0x1ABD0] =	vst.add.f32.msk $0xffff, v1  }
0x116: {  	v1 =	vld.idx.msk [tilespmem:v2+s19+$0x0], vm1;
	_ =	sdelay $0x1  }
0x117: {  	v3 =	vld [tilespmem:s9+$0x70];
	v2 =	vor.u32 $0x80, v2;
	_ =	sdelay $0x2  }
0x118: {  	v1 =	vnsel vm1, $0x0, v1  }
0x119: {  	[tilespmem:s9+$0x1AB60] =	vst.add.f32.msk $0xffff, v1  }
0x11a: {  	v1 =	vld.idx.msk [tilespmem:v2+s19+$0x0], vm1;
	v2 =	vshll.u32 v3, $0x1  }
0x11b: {  	vm0 =	vlt.s32 v3, $0x6200;
	v3 =	vand.u32 $0x7F, v3;
	v2 =	vand.u32 $0xFFFFFF00, v2  }
0x11c: {  	v2 =	vor.u32 v3, v2;
	_ =	sdelay $0x2  }
0x11d: {  	v1 =	vnsel vm1, $0x0, v1  }
0x11e: {  	[tilespmem:s9+$0x1ABE0] =	vst.add.f32.msk $0xffff, v1  }
0x11f: {  	v1 =	vld.idx.msk [tilespmem:v2+s19+$0x0], vm0;
	_ =	sdelay $0x1  }
0x120: {  	v2 =	vor.u32 $0x80, v2;
	_ =	sdelay $0x2  }
0x121: {  	v1 =	vnsel vm0, $0x0, v1  }
0x122: {  	s31 =	sshll.u32 s29, $0x7;
	[tilespmem:s9+$0x1AB70] =	vst.add.f32.msk $0xffff, v1  }
0x123: {  	s26 =	sor.u32 s7, s31;
	v1 =	vld.idx.msk [tilespmem:v2+s19+$0x0], vm0  }
0x124: {  	s3 =	sshrl.u32 s26, $0x3  }
0x125: {  	s8 =	smul.u32 $0xC3800, s3;
	_ =	sdelay $0x1  }
0x126: {  	s16 =	sadd.s32 s10, s8  }
0x127: {  	s16 =	sshrl.u32 s16, $0x3;
	v1 =	vnsel vm0, $0x0, v1  }
0x128: {  	s28 =	sadd.s32 s2, s16;
	[tilespmem:s9+$0x1ABF0] =	vst.add.f32.msk $0xffff, v1  }
0x129: {  	[tilespmem:s19], [sflag:$0x1] =	stream.strided.gather [hbm4b:s28+s17], $0xC300, s18, s17, $0x38;
	[tilespmem:$0x1CB00] =	vst v63  }
0x12a: {  	_ =	swait.ge [sflag:s23], $0xC300  }
0x12b: {  	[sflag:s23] =	ssyncset.done $0x0  }
0x12c: {  	s9 =	simm.s32 $0x0;
	[sflag:s23] =	ssyncadd.s32 $0xFFFF3D00  }
0x12d: {  	v1 =	vld [tilespmem:s9+$0x0];
	_ =	sdelay $0x4  }
0x12e: {  	v2 =	vadd.s32 $0xFFFF9E00, v1  }
0x12f: {  	v3 =	vshll.u32 v2, $0x1  }
0x130: {  	v1 =	vand.u32 $0x7F, v1;
	vm0 =	vlt.u32 v2, $0x6180;
	v2 =	vand.u32 $0xFFFFFF00, v3  }
0x131: {  	v1 =	vor.u32 v1, v2;
	_ =	sdelay $0x4  }
0x132: {  	v2 =	vld.idx.msk [tilespmem:v1+s20+$0x0], vm0  }
0x133: {  	v3 =	vld [tilespmem:s9+$0x10]  }
0x134: {  	v1 =	vor.u32 $0x80, v1;
	_ =	sdelay $0x2  }
0x135: {  	v2 =	vnsel vm0, $0x0, v2  }
0x136: {  	[tilespmem:s9+$0x1AB00] =	vst.add.f32.msk $0xffff, v2;
	v2 =	vadd.s32 $0xFFFF9E00, v3  }
0x137: {  	v1 =	vld.idx.msk [tilespmem:v1+s20+$0x0], vm0;
	v4 =	vshll.u32 v2, $0x1  }
0x138: {  	vm1 =	vlt.u32 v2, $0x6180;
	v2 =	vand.u32 $0x7F, v3;
	v3 =	vand.u32 $0xFFFFFF00, v4  }
0x139: {  	v2 =	vor.u32 v2, v3;
	_ =	sdelay $0x2  }
0x13a: {  	v1 =	vnsel vm0, $0x0, v1  }
0x13b: {  	[tilespmem:s9+$0x1AB80] =	vst.add.f32.msk $0xffff, v1  }
0x13c: {  	v1 =	vld.idx.msk [tilespmem:v2+s20+$0x0], vm1  }
0x13d: {  	v3 =	vld [tilespmem:s9+$0x20]  }
0x13e: {  	v2 =	vor.u32 $0x80, v2;
	_ =	sdelay $0x2  }
0x13f: {  	v1 =	vnsel vm1, $0x0, v1  }
0x140: {  	[tilespmem:s9+$0x1AB10] =	vst.add.f32.msk $0xffff, v1;
	v1 =	vadd.s32 $0xFFFF9E00, v3  }
0x141: {  	v2 =	vld.idx.msk [tilespmem:v2+s20+$0x0], vm1;
	v58 =	vshll.u32 v1, $0x1  }
0x142: {  	vm0 =	vlt.u32 v1, $0x6180;
	v1 =	vand.u32 $0x7F, v3;
	v3 =	vand.u32 $0xFFFFFF00, v58  }
0x143: {  	v1 =	vor.u32 v1, v3;
	_ =	sdelay $0x2  }
0x144: {  	v2 =	vnsel vm1, $0x0, v2  }
0x145: {  	[tilespmem:s9+$0x1AB90] =	vst.add.f32.msk $0xffff, v2  }
0x146: {  	v2 =	vld.idx.msk [tilespmem:v1+s20+$0x0], vm0  }
0x147: {  	v3 =	vld [tilespmem:s9+$0x30]  }
0x148: {  	v1 =	vor.u32 $0x80, v1;
	_ =	sdelay $0x2  }
0x149: {  	v2 =	vnsel vm0, $0x0, v2  }
0x14a: {  	[tilespmem:s9+$0x1AB20] =	vst.add.f32.msk $0xffff, v2;
	v2 =	vadd.s32 $0xFFFF9E00, v3  }
0x14b: {  	v1 =	vld.idx.msk [tilespmem:v1+s20+$0x0], vm0;
	v59 =	vshll.u32 v2, $0x1  }
0x14c: {  	vm1 =	vlt.u32 v2, $0x6180;
	v2 =	vand.u32 $0x7F, v3;
	v3 =	vand.u32 $0xFFFFFF00, v59  }
0x14d: {  	v2 =	vor.u32 v2, v3;
	_ =	sdelay $0x2  }
0x14e: {  	v1 =	vnsel vm0, $0x0, v1  }
0x14f: {  	[tilespmem:s9+$0x1ABA0] =	vst.add.f32.msk $0xffff, v1  }
0x150: {  	v1 =	vld.idx.msk [tilespmem:v2+s20+$0x0], vm1  }
0x151: {  	v3 =	vld [tilespmem:s9+$0x40]  }
0x152: {  	v2 =	vor.u32 $0x80, v2;
	_ =	sdelay $0x2  }
0x153: {  	v1 =	vnsel vm1, $0x0, v1  }
0x154: {  	[tilespmem:s9+$0x1AB30] =	vst.add.f32.msk $0xffff, v1;
	v1 =	vadd.s32 $0xFFFF9E00, v3  }
0x155: {  	v2 =	vld.idx.msk [tilespmem:v2+s20+$0x0], vm1;
	v60 =	vshll.u32 v1, $0x1  }
0x156: {  	vm0 =	vlt.u32 v1, $0x6180;
	v1 =	vand.u32 $0x7F, v3;
	v3 =	vand.u32 $0xFFFFFF00, v60  }
0x157: {  	v1 =	vor.u32 v1, v3;
	_ =	sdelay $0x2  }
0x158: {  	v2 =	vnsel vm1, $0x0, v2  }
0x159: {  	[tilespmem:s9+$0x1ABB0] =	vst.add.f32.msk $0xffff, v2  }
0x15a: {  	v2 =	vld.idx.msk [tilespmem:v1+s20+$0x0], vm0  }
0x15b: {  	v3 =	vld [tilespmem:s9+$0x50]  }
0x15c: {  	v1 =	vor.u32 $0x80, v1;
	_ =	sdelay $0x2  }
0x15d: {  	v2 =	vnsel vm0, $0x0, v2  }
0x15e: {  	[tilespmem:s9+$0x1AB40] =	vst.add.f32.msk $0xffff, v2;
	v2 =	vadd.s32 $0xFFFF9E00, v3  }
0x15f: {  	v1 =	vld.idx.msk [tilespmem:v1+s20+$0x0], vm0;
	v61 =	vshll.u32 v2, $0x1  }
0x160: {  	vm1 =	vlt.u32 v2, $0x6180;
	v2 =	vand.u32 $0x7F, v3;
	v3 =	vand.u32 $0xFFFFFF00, v61  }
0x161: {  	v2 =	vor.u32 v2, v3;
	_ =	sdelay $0x2  }
0x162: {  	v1 =	vnsel vm0, $0x0, v1  }
0x163: {  	[tilespmem:s9+$0x1ABC0] =	vst.add.f32.msk $0xffff, v1  }
0x164: {  	v1 =	vld.idx.msk [tilespmem:v2+s20+$0x0], vm1  }
0x165: {  	v3 =	vld [tilespmem:s9+$0x60]  }
0x166: {  	v2 =	vor.u32 $0x80, v2;
	_ =	sdelay $0x2  }
0x167: {  	v1 =	vnsel vm1, $0x0, v1  }
0x168: {  	[tilespmem:s9+$0x1AB50] =	vst.add.f32.msk $0xffff, v1;
	v1 =	vadd.s32 $0xFFFF9E00, v3  }
0x169: {  	v2 =	vld.idx.msk [tilespmem:v2+s20+$0x0], vm1;
	v62 =	vshll.u32 v1, $0x1  }
0x16a: {  	vm2 =	vlt.u32 v1, $0x6180;
	v1 =	vand.u32 $0x7F, v3;
	v3 =	vand.u32 $0xFFFFFF00, v62  }
0x16b: {  	v1 =	vor.u32 v1, v3;
	_ =	sdelay $0x2  }
0x16c: {  	v2 =	vnsel vm1, $0x0, v2  }
0x16d: {  	[tilespmem:s9+$0x1ABD0] =	vst.add.f32.msk $0xffff, v2  }
0x16e: {  	v2 =	vld.idx.msk [tilespmem:v1+s20+$0x0], vm2  }
0x16f: {  	v3 =	vld [tilespmem:s9+$0x70]  }
0x170: {  	v1 =	vor.u32 $0x80, v1;
	_ =	sdelay $0x2  }
0x171: {  	v2 =	vnsel vm2, $0x0, v2  }
0x172: {  	[tilespmem:s9+$0x1AB60] =	vst.add.f32.msk $0xffff, v2;
	v2 =	vadd.s32 $0xFFFF9E00, v3  }
0x173: {  	v63 =	vld.idx.msk [tilespmem:v1+s20+$0x0], vm2;
	v1 =	vshll.u32 v2, $0x1  }
0x174: {  	vm0 =	vlt.u32 v2, $0x6180;
	v2 =	vand.u32 $0x7F, v3;
	v1 =	vand.u32 $0xFFFFFF00, v1  }
0x175: {  	v1 =	vor.u32 v2, v1;
	_ =	sdelay $0x2  }
0x176: {  	v2 =	vnsel vm2, $0x0, v63  }
0x177: {  	[tilespmem:s9+$0x1ABE0] =	vst.add.f32.msk $0xffff, v2  }
0x178: {  	v2 =	vld.idx.msk [tilespmem:v1+s20+$0x0], vm0  }
0x179: {  	s26 =	simm.s32 $0x100;
	s16 =	simm.s32 $0x800  }
.LBB2_11:
0x17a: {  	p0 =	sne.s32 s16, $0x7C00;
	v3 =	vld [tilespmem:s26+$0x0];
	v1 =	vor.u32 $0x80, v1;
	_ =	sdelay $0x2  }
0x17b: {  	v2 =	vnsel vm0, $0x0, v2  }
0x17c: {  	[tilespmem:s9+$0x1AB70] =	vst.add.f32.msk $0xffff, v2  }
0x17d: {  	v2 =	vadd.s32 $0xFFFF9E00, v3;
	v1 =	vld.idx.msk [tilespmem:v1+s20+$0x0], vm0  }
0x17e: {  	v4 =	vshll.u32 v2, $0x1  }
0x17f: {  	vm1 =	vlt.u32 v2, $0x6180;
	v2 =	vand.u32 $0x7F, v3;
	v3 =	vand.u32 $0xFFFFFF00, v4  }
0x180: {  	v2 =	vor.u32 v2, v3;
	_ =	sdelay $0x2  }
0x181: {  	v1 =	vnsel vm0, $0x0, v1  }
0x182: {  	[tilespmem:s9+$0x1ABF0] =	vst.add.f32.msk $0xffff, v1;
	s9 =	smov.u32 s26  }
0x183: {  	v1 =	vld.idx.msk [tilespmem:v2+s20+$0x0], vm1;
	_ =	sdelay $0x2  }
0x184: {  	v2 =	vor.u32 $0x80, v2;
	v3 =	vld [tilespmem:s9+$0x10];
	_ =	sdelay $0x2  }
0x185: {  	v1 =	vnsel vm1, $0x0, v1  }
0x186: {  	[tilespmem:s9+$0x1AB00] =	vst.add.f32.msk $0xffff, v1  }
0x187: {  	v1 =	vld.idx.msk [tilespmem:v2+s20+$0x0], vm1;
	v2 =	vadd.s32 $0xFFFF9E00, v3  }
0x188: {  	v4 =	vshll.u32 v2, $0x1  }
0x189: {  	vm0 =	vlt.u32 v2, $0x6180;
	v2 =	vand.u32 $0x7F, v3;
	v3 =	vand.u32 $0xFFFFFF00, v4  }
0x18a: {  	v2 =	vor.u32 v2, v3;
	_ =	sdelay $0x2  }
0x18b: {  	v1 =	vnsel vm1, $0x0, v1  }
0x18c: {  	[tilespmem:s9+$0x1AB80] =	vst.add.f32.msk $0xffff, v1  }
0x18d: {  	v1 =	vld.idx.msk [tilespmem:v2+s20+$0x0], vm0;
	_ =	sdelay $0x2  }
0x18e: {  	v2 =	vor.u32 $0x80, v2;
	v3 =	vld [tilespmem:s9+$0x20];
	_ =	sdelay $0x2  }
0x18f: {  	v1 =	vnsel vm0, $0x0, v1  }
0x190: {  	[tilespmem:s9+$0x1AB10] =	vst.add.f32.msk $0xffff, v1  }
0x191: {  	v1 =	vld.idx.msk [tilespmem:v2+s20+$0x0], vm0;
	v2 =	vadd.s32 $0xFFFF9E00, v3  }
0x192: {  	v4 =	vshll.u32 v2, $0x1  }
0x193: {  	vm1 =	vlt.u32 v2, $0x6180;
	v2 =	vand.u32 $0x7F, v3;
	v3 =	vand.u32 $0xFFFFFF00, v4  }
0x194: {  	v2 =	vor.u32 v2, v3;
	_ =	sdelay $0x2  }
0x195: {  	v1 =	vnsel vm0, $0x0, v1  }
0x196: {  	[tilespmem:s9+$0x1AB90] =	vst.add.f32.msk $0xffff, v1  }
0x197: {  	v1 =	vld.idx.msk [tilespmem:v2+s20+$0x0], vm1;
	_ =	sdelay $0x2  }
0x198: {  	v2 =	vor.u32 $0x80, v2;
	v3 =	vld [tilespmem:s9+$0x30];
	_ =	sdelay $0x2  }
0x199: {  	v1 =	vnsel vm1, $0x0, v1  }
0x19a: {  	[tilespmem:s9+$0x1AB20] =	vst.add.f32.msk $0xffff, v1  }
0x19b: {  	v1 =	vld.idx.msk [tilespmem:v2+s20+$0x0], vm1;
	v2 =	vadd.s32 $0xFFFF9E00, v3  }
0x19c: {  	v4 =	vshll.u32 v2, $0x1  }
0x19d: {  	vm0 =	vlt.u32 v2, $0x6180;
	v2 =	vand.u32 $0x7F, v3;
	v3 =	vand.u32 $0xFFFFFF00, v4  }
0x19e: {  	v2 =	vor.u32 v2, v3;
	_ =	sdelay $0x2  }
0x19f: {  	v1 =	vnsel vm1, $0x0, v1  }
0x1a0: {  	[tilespmem:s9+$0x1ABA0] =	vst.add.f32.msk $0xffff, v1  }
0x1a1: {  	v1 =	vld.idx.msk [tilespmem:v2+s20+$0x0], vm0;
	_ =	sdelay $0x2  }
0x1a2: {  	v2 =	vor.u32 $0x80, v2;
	v3 =	vld [tilespmem:s9+$0x40];
	_ =	sdelay $0x2  }
0x1a3: {  	v1 =	vnsel vm0, $0x0, v1  }
0x1a4: {  	[tilespmem:s9+$0x1AB30] =	vst.add.f32.msk $0xffff, v1  }
0x1a5: {  	v1 =	vld.idx.msk [tilespmem:v2+s20+$0x0], vm0;
	v2 =	vadd.s32 $0xFFFF9E00, v3  }
0x1a6: {  	v4 =	vshll.u32 v2, $0x1  }
0x1a7: {  	vm1 =	vlt.u32 v2, $0x6180;
	v2 =	vand.u32 $0x7F, v3;
	v3 =	vand.u32 $0xFFFFFF00, v4  }
0x1a8: {  	v2 =	vor.u32 v2, v3;
	_ =	sdelay $0x2  }
0x1a9: {  	v1 =	vnsel vm0, $0x0, v1  }
0x1aa: {  	[tilespmem:s9+$0x1ABB0] =	vst.add.f32.msk $0xffff, v1  }
0x1ab: {  	v1 =	vld.idx.msk [tilespmem:v2+s20+$0x0], vm1;
	_ =	sdelay $0x2  }
0x1ac: {  	v2 =	vor.u32 $0x80, v2;
	v3 =	vld [tilespmem:s9+$0x50];
	_ =	sdelay $0x2  }
0x1ad: {  	v1 =	vnsel vm1, $0x0, v1  }
0x1ae: {  	[tilespmem:s9+$0x1AB40] =	vst.add.f32.msk $0xffff, v1  }
0x1af: {  	v1 =	vld.idx.msk [tilespmem:v2+s20+$0x0], vm1;
	v2 =	vadd.s32 $0xFFFF9E00, v3  }
0x1b0: {  	v4 =	vshll.u32 v2, $0x1  }
0x1b1: {  	vm0 =	vlt.u32 v2, $0x6180;
	v2 =	vand.u32 $0x7F, v3;
	v3 =	vand.u32 $0xFFFFFF00, v4  }
0x1b2: {  	v2 =	vor.u32 v2, v3;
	_ =	sdelay $0x2  }
0x1b3: {  	v1 =	vnsel vm1, $0x0, v1  }
0x1b4: {  	[tilespmem:s9+$0x1ABC0] =	vst.add.f32.msk $0xffff, v1  }
0x1b5: {  	v1 =	vld.idx.msk [tilespmem:v2+s20+$0x0], vm0;
	_ =	sdelay $0x2  }
0x1b6: {  	v2 =	vor.u32 $0x80, v2;
	v3 =	vld [tilespmem:s9+$0x60];
	_ =	sdelay $0x2  }
0x1b7: {  	v1 =	vnsel vm0, $0x0, v1  }
0x1b8: {  	[tilespmem:s9+$0x1AB50] =	vst.add.f32.msk $0xffff, v1  }
0x1b9: {  	v1 =	vld.idx.msk [tilespmem:v2+s20+$0x0], vm0;
	v2 =	vadd.s32 $0xFFFF9E00, v3  }
0x1ba: {  	v4 =	vshll.u32 v2, $0x1  }
0x1bb: {  	vm1 =	vlt.u32 v2, $0x6180;
	v2 =	vand.u32 $0x7F, v3;
	v3 =	vand.u32 $0xFFFFFF00, v4  }
0x1bc: {  	v2 =	vor.u32 v2, v3;
	_ =	sdelay $0x2  }
0x1bd: {  	v1 =	vnsel vm0, $0x0, v1  }
0x1be: {  	[tilespmem:s9+$0x1ABD0] =	vst.add.f32.msk $0xffff, v1  }
0x1bf: {  	v1 =	vld.idx.msk [tilespmem:v2+s20+$0x0], vm1;
	_ =	sdelay $0x2  }
0x1c0: {  	v2 =	vor.u32 $0x80, v2;
	v3 =	vld [tilespmem:s9+$0x70];
	_ =	sdelay $0x2  }
0x1c1: {  	v1 =	vnsel vm1, $0x0, v1  }
0x1c2: {  	[tilespmem:s9+$0x1AB60] =	vst.add.f32.msk $0xffff, v1  }
0x1c3: {  	v2 =	vld.idx.msk [tilespmem:v2+s20+$0x0], vm1;
	v1 =	vadd.s32 $0xFFFF9E00, v3  }
0x1c4: {  	v4 =	vshll.u32 v1, $0x1  }
0x1c5: {  	vm0 =	vlt.u32 v1, $0x6180;
	v1 =	vand.u32 $0x7F, v3;
	v3 =	vand.u32 $0xFFFFFF00, v4  }
0x1c6: {  	v1 =	vor.u32 v1, v3;
	_ =	sdelay $0x2  }
.Ltmp4:
0x1c7: {  	v2 =	vnsel vm1, $0x0, v2;
	(pc) =	sbr.rel @p0 .LBB2_11-.Ltmp4, $3  }
0x1c8: {  	[tilespmem:s9+$0x1ABE0] =	vst.add.f32.msk $0xffff, v2  }
0x1c9: {  	v2 =	vld.idx.msk [tilespmem:v1+s20+$0x0], vm0;
	_ =	sdelay $0x1  }
0x1ca: {  	s26 =	sshra.s32 s16, $0x2;
	s16 =	sadd.s32 $0x400, s16  }
0x1cb: {  	v3 =	vld [tilespmem:s26+$0x0]  }
0x1cc: {  	v1 =	vor.u32 $0x80, v1;
	_ =	sdelay $0x2  }
0x1cd: {  	v2 =	vnsel vm0, $0x0, v2  }
0x1ce: {  	[tilespmem:s9+$0x1AB70] =	vst.add.f32.msk $0xffff, v2;
	v2 =	vadd.s32 $0xFFFF9E00, v3  }
0x1cf: {  	v1 =	vld.idx.msk [tilespmem:v1+s20+$0x0], vm0;
	v4 =	vshll.u32 v2, $0x1  }
0x1d0: {  	vm1 =	vlt.u32 v2, $0x6180;
	v2 =	vand.u32 $0x7F, v3;
	v3 =	vand.u32 $0xFFFFFF00, v4  }
0x1d1: {  	v2 =	vor.u32 v2, v3;
	_ =	sdelay $0x2  }
0x1d2: {  	v1 =	vnsel vm0, $0x0, v1  }
0x1d3: {  	[tilespmem:s9+$0x1ABF0] =	vst.add.f32.msk $0xffff, v1  }
0x1d4: {  	v1 =	vld.idx.msk [tilespmem:v2+s20+$0x0], vm1  }
0x1d5: {  	v3 =	vld [tilespmem:s26+$0x10]  }
0x1d6: {  	v2 =	vor.u32 $0x80, v2;
	_ =	sdelay $0x2  }
0x1d7: {  	v1 =	vnsel vm1, $0x0, v1  }
0x1d8: {  	[tilespmem:s26+$0x1AB00] =	vst.add.f32.msk $0xffff, v1;
	v1 =	vadd.s32 $0xFFFF9E00, v3  }
0x1d9: {  	v2 =	vld.idx.msk [tilespmem:v2+s20+$0x0], vm1;
	v50 =	vshll.u32 v1, $0x1  }
0x1da: {  	vm0 =	vlt.u32 v1, $0x6180;
	v1 =	vand.u32 $0x7F, v3;
	v3 =	vand.u32 $0xFFFFFF00, v50  }
0x1db: {  	v1 =	vor.u32 v1, v3;
	_ =	sdelay $0x2  }
0x1dc: {  	v2 =	vnsel vm1, $0x0, v2  }
0x1dd: {  	[tilespmem:s26+$0x1AB80] =	vst.add.f32.msk $0xffff, v2  }
0x1de: {  	v2 =	vld.idx.msk [tilespmem:v1+s20+$0x0], vm0  }
0x1df: {  	v3 =	vld [tilespmem:s26+$0x20]  }
0x1e0: {  	v1 =	vor.u32 $0x80, v1;
	_ =	sdelay $0x2  }
0x1e1: {  	v2 =	vnsel vm0, $0x0, v2  }
0x1e2: {  	[tilespmem:s26+$0x1AB10] =	vst.add.f32.msk $0xffff, v2;
	v2 =	vadd.s32 $0xFFFF9E00, v3  }
0x1e3: {  	v1 =	vld.idx.msk [tilespmem:v1+s20+$0x0], vm0;
	v51 =	vshll.u32 v2, $0x1  }
0x1e4: {  	vm1 =	vlt.u32 v2, $0x6180;
	v2 =	vand.u32 $0x7F, v3;
	v3 =	vand.u32 $0xFFFFFF00, v51  }
0x1e5: {  	v2 =	vor.u32 v2, v3;
	_ =	sdelay $0x2  }
0x1e6: {  	v1 =	vnsel vm0, $0x0, v1  }
0x1e7: {  	[tilespmem:s26+$0x1AB90] =	vst.add.f32.msk $0xffff, v1  }
0x1e8: {  	v1 =	vld.idx.msk [tilespmem:v2+s20+$0x0], vm1  }
0x1e9: {  	v3 =	vld [tilespmem:s26+$0x30]  }
0x1ea: {  	v2 =	vor.u32 $0x80, v2;
	_ =	sdelay $0x2  }
0x1eb: {  	v1 =	vnsel vm1, $0x0, v1  }
0x1ec: {  	[tilespmem:s26+$0x1AB20] =	vst.add.f32.msk $0xffff, v1;
	v1 =	vadd.s32 $0xFFFF9E00, v3  }
0x1ed: {  	v2 =	vld.idx.msk [tilespmem:v2+s20+$0x0], vm1;
	v52 =	vshll.u32 v1, $0x1  }
0x1ee: {  	vm0 =	vlt.u32 v1, $0x6180;
	v1 =	vand.u32 $0x7F, v3;
	v3 =	vand.u32 $0xFFFFFF00, v52  }
0x1ef: {  	v1 =	vor.u32 v1, v3;
	_ =	sdelay $0x2  }
0x1f0: {  	v2 =	vnsel vm1, $0x0, v2  }
0x1f1: {  	[tilespmem:s26+$0x1ABA0] =	vst.add.f32.msk $0xffff, v2  }
0x1f2: {  	v2 =	vld.idx.msk [tilespmem:v1+s20+$0x0], vm0  }
0x1f3: {  	v3 =	vld [tilespmem:s26+$0x40]  }
0x1f4: {  	v1 =	vor.u32 $0x80, v1;
	_ =	sdelay $0x2  }
0x1f5: {  	v2 =	vnsel vm0, $0x0, v2  }
0x1f6: {  	[tilespmem:s26+$0x1AB30] =	vst.add.f32.msk $0xffff, v2;
	v2 =	vadd.s32 $0xFFFF9E00, v3  }
0x1f7: {  	v1 =	vld.idx.msk [tilespmem:v1+s20+$0x0], vm0;
	v53 =	vshll.u32 v2, $0x1  }
0x1f8: {  	vm1 =	vlt.u32 v2, $0x6180;
	v2 =	vand.u32 $0x7F, v3;
	v3 =	vand.u32 $0xFFFFFF00, v53  }
0x1f9: {  	v2 =	vor.u32 v2, v3;
	_ =	sdelay $0x2  }
0x1fa: {  	v1 =	vnsel vm0, $0x0, v1  }
0x1fb: {  	[tilespmem:s26+$0x1ABB0] =	vst.add.f32.msk $0xffff, v1  }
0x1fc: {  	v1 =	vld.idx.msk [tilespmem:v2+s20+$0x0], vm1  }
0x1fd: {  	v3 =	vld [tilespmem:s26+$0x50]  }
0x1fe: {  	v2 =	vor.u32 $0x80, v2;
	_ =	sdelay $0x2  }
0x1ff: {  	v1 =	vnsel vm1, $0x0, v1  }
0x200: {  	[tilespmem:s26+$0x1AB40] =	vst.add.f32.msk $0xffff, v1;
	v1 =	vadd.s32 $0xFFFF9E00, v3  }
0x201: {  	v2 =	vld.idx.msk [tilespmem:v2+s20+$0x0], vm1;
	v54 =	vshll.u32 v1, $0x1  }
0x202: {  	vm0 =	vlt.u32 v1, $0x6180;
	v1 =	vand.u32 $0x7F, v3;
	v3 =	vand.u32 $0xFFFFFF00, v54  }
0x203: {  	v1 =	vor.u32 v1, v3;
	_ =	sdelay $0x2  }
0x204: {  	v2 =	vnsel vm1, $0x0, v2  }
0x205: {  	[tilespmem:s26+$0x1ABC0] =	vst.add.f32.msk $0xffff, v2  }
0x206: {  	v2 =	vld.idx.msk [tilespmem:v1+s20+$0x0], vm0  }
0x207: {  	v3 =	vld [tilespmem:s26+$0x60]  }
0x208: {  	v1 =	vor.u32 $0x80, v1;
	_ =	sdelay $0x2  }
0x209: {  	v2 =	vnsel vm0, $0x0, v2  }
0x20a: {  	[tilespmem:s26+$0x1AB50] =	vst.add.f32.msk $0xffff, v2;
	v2 =	vadd.s32 $0xFFFF9E00, v3  }
0x20b: {  	v1 =	vld.idx.msk [tilespmem:v1+s20+$0x0], vm0;
	v55 =	vshll.u32 v2, $0x1  }
0x20c: {  	vm1 =	vlt.u32 v2, $0x6180;
	v2 =	vand.u32 $0x7F, v3;
	v3 =	vand.u32 $0xFFFFFF00, v55  }
0x20d: {  	v2 =	vor.u32 v2, v3;
	_ =	sdelay $0x2  }
0x20e: {  	v1 =	vnsel vm0, $0x0, v1  }
0x20f: {  	[tilespmem:s26+$0x1ABD0] =	vst.add.f32.msk $0xffff, v1  }
0x210: {  	v1 =	vld.idx.msk [tilespmem:v2+s20+$0x0], vm1  }
0x211: {  	v3 =	vld [tilespmem:s26+$0x70]  }
0x212: {  	v2 =	vor.u32 $0x80, v2;
	_ =	sdelay $0x2  }
0x213: {  	v1 =	vnsel vm1, $0x0, v1  }
0x214: {  	[tilespmem:s26+$0x1AB60] =	vst.add.f32.msk $0xffff, v1;
	v1 =	vadd.s32 $0xFFFF9E00, v3  }
0x215: {  	v2 =	vld.idx.msk [tilespmem:v2+s20+$0x0], vm1;
	v56 =	vshll.u32 v1, $0x1  }
0x216: {  	vm0 =	vlt.u32 v1, $0x6180;
	v1 =	vand.u32 $0x7F, v3;
	v3 =	vand.u32 $0xFFFFFF00, v56  }
0x217: {  	v1 =	vor.u32 v1, v3;
	_ =	sdelay $0x2  }
0x218: {  	v2 =	vnsel vm1, $0x0, v2  }
0x219: {  	[tilespmem:s26+$0x1ABE0] =	vst.add.f32.msk $0xffff, v2  }
0x21a: {  	v2 =	vld.idx.msk [tilespmem:v1+s20+$0x0], vm0;
	_ =	sdelay $0x1  }
0x21b: {  	v1 =	vor.u32 $0x80, v1;
	_ =	sdelay $0x2  }
0x21c: {  	v2 =	vnsel vm0, $0x0, v2  }
0x21d: {  	[tilespmem:s26+$0x1AB70] =	vst.add.f32.msk $0xffff, v2  }
0x21e: {  	v1 =	vld.idx.msk [tilespmem:v1+s20+$0x0], vm0;
	_ =	sdelay $0x3  }
0x21f: {  	s8 =	sadd.s32 s11, s8;
	s3 =	sshll.u32 s3, $0xA  }
0x220: {  	s8 =	sshrl.u32 s8, $0x3;
	s3 =	sor.u32 s5, s3;
	v1 =	vnsel vm0, $0x0, v1  }
0x221: {  	s8 =	sadd.s32 s2, s8;
	s3 =	sshrl.u32 s3, $0x3;
	[tilespmem:s26+$0x1ABF0] =	vst.add.f32.msk $0xffff, v1  }
0x222: {  	[tilespmem:s20], [sflag:$0x2] =	stream.strided.gather [hbm4b:s8+s17], $0xC300, s18, s17, $0x38;
	[tilespmem:$0x1CB00] =	vst v63  }
0x223: {  	s28 =	simm.s32 $0x0;
	s3 =	sadd.s32 s6, s3  }
0x224: {  	[tilespmem:s24], [sflag:$0x3] =	stream.linear.gather [hbm4b:s3+s28], $0x100, $0x38;
	[tilespmem:$0x1CB00] =	vst v63  }
0x225: {  	_ =	swait.ge [sflag:s22], $0xC300  }
0x226: {  	[sflag:s22] =	ssyncset.done $0x0  }
0x227: {  	s3 =	simm.s32 $0x0;
	[sflag:s22] =	ssyncadd.s32 $0xFFFF3D00  }
0x228: {  	v1 =	vld [tilespmem:s3+$0x0];
	_ =	sdelay $0x4  }
0x229: {  	v2 =	vadd.s32 $0xFFFF3C80, v1  }
0x22a: {  	v3 =	vshll.u32 v2, $0x1  }
0x22b: {  	v1 =	vand.u32 $0x7F, v1;
	vm0 =	vlt.u32 v2, $0x6180;
	v2 =	vand.u32 $0xFFFFFF00, v3  }
0x22c: {  	v1 =	vor.u32 v1, v2;
	_ =	sdelay $0x4  }
0x22d: {  	v2 =	vld.idx.msk [tilespmem:v1+s19+$0x0], vm0  }
0x22e: {  	v3 =	vld [tilespmem:s3+$0x10]  }
0x22f: {  	v1 =	vor.u32 $0x80, v1;
	_ =	sdelay $0x2  }
0x230: {  	v2 =	vnsel vm0, $0x0, v2  }
0x231: {  	[tilespmem:s3+$0x1AB00] =	vst.add.f32.msk $0xffff, v2;
	v2 =	vadd.s32 $0xFFFF3C80, v3  }
0x232: {  	v1 =	vld.idx.msk [tilespmem:v1+s19+$0x0], vm0;
	v57 =	vshll.u32 v2, $0x1  }
0x233: {  	vm1 =	vlt.u32 v2, $0x6180;
	v2 =	vand.u32 $0x7F, v3;
	v3 =	vand.u32 $0xFFFFFF00, v57  }
0x234: {  	v2 =	vor.u32 v2, v3;
	_ =	sdelay $0x2  }
0x235: {  	v1 =	vnsel vm0, $0x0, v1  }
0x236: {  	[tilespmem:s3+$0x1AB80] =	vst.add.f32.msk $0xffff, v1  }
0x237: {  	v1 =	vld.idx.msk [tilespmem:v2+s19+$0x0], vm1  }
0x238: {  	v3 =	vld [tilespmem:s3+$0x20]  }
0x239: {  	v2 =	vor.u32 $0x80, v2;
	_ =	sdelay $0x2  }
0x23a: {  	v1 =	vnsel vm1, $0x0, v1  }
0x23b: {  	[tilespmem:s3+$0x1AB10] =	vst.add.f32.msk $0xffff, v1;
	v1 =	vadd.s32 $0xFFFF3C80, v3  }
0x23c: {  	v2 =	vld.idx.msk [tilespmem:v2+s19+$0x0], vm1;
	v58 =	vshll.u32 v1, $0x1  }
0x23d: {  	vm0 =	vlt.u32 v1, $0x6180;
	v1 =	vand.u32 $0x7F, v3;
	v3 =	vand.u32 $0xFFFFFF00, v58  }
0x23e: {  	v1 =	vor.u32 v1, v3;
	_ =	sdelay $0x2  }
0x23f: {  	v2 =	vnsel vm1, $0x0, v2  }
0x240: {  	[tilespmem:s3+$0x1AB90] =	vst.add.f32.msk $0xffff, v2  }
0x241: {  	v2 =	vld.idx.msk [tilespmem:v1+s19+$0x0], vm0  }
0x242: {  	v3 =	vld [tilespmem:s3+$0x30]  }
0x243: {  	v1 =	vor.u32 $0x80, v1;
	_ =	sdelay $0x2  }
0x244: {  	v2 =	vnsel vm0, $0x0, v2  }
0x245: {  	[tilespmem:s3+$0x1AB20] =	vst.add.f32.msk $0xffff, v2;
	v2 =	vadd.s32 $0xFFFF3C80, v3  }
0x246: {  	v1 =	vld.idx.msk [tilespmem:v1+s19+$0x0], vm0;
	v59 =	vshll.u32 v2, $0x1  }
0x247: {  	vm1 =	vlt.u32 v2, $0x6180;
	v2 =	vand.u32 $0x7F, v3;
	v3 =	vand.u32 $0xFFFFFF00, v59  }
0x248: {  	v2 =	vor.u32 v2, v3;
	_ =	sdelay $0x2  }
0x249: {  	v1 =	vnsel vm0, $0x0, v1  }
0x24a: {  	[tilespmem:s3+$0x1ABA0] =	vst.add.f32.msk $0xffff, v1  }
0x24b: {  	v1 =	vld.idx.msk [tilespmem:v2+s19+$0x0], vm1  }
0x24c: {  	v3 =	vld [tilespmem:s3+$0x40]  }
0x24d: {  	v2 =	vor.u32 $0x80, v2;
	_ =	sdelay $0x2  }
0x24e: {  	v1 =	vnsel vm1, $0x0, v1  }
0x24f: {  	[tilespmem:s3+$0x1AB30] =	vst.add.f32.msk $0xffff, v1;
	v1 =	vadd.s32 $0xFFFF3C80, v3  }
0x250: {  	v2 =	vld.idx.msk [tilespmem:v2+s19+$0x0], vm1;
	v60 =	vshll.u32 v1, $0x1  }
0x251: {  	vm0 =	vlt.u32 v1, $0x6180;
	v1 =	vand.u32 $0x7F, v3;
	v3 =	vand.u32 $0xFFFFFF00, v60  }
0x252: {  	v1 =	vor.u32 v1, v3;
	_ =	sdelay $0x2  }
0x253: {  	v2 =	vnsel vm1, $0x0, v2  }
0x254: {  	[tilespmem:s3+$0x1ABB0] =	vst.add.f32.msk $0xffff, v2  }
0x255: {  	v2 =	vld.idx.msk [tilespmem:v1+s19+$0x0], vm0  }
0x256: {  	v3 =	vld [tilespmem:s3+$0x50]  }
0x257: {  	v1 =	vor.u32 $0x80, v1;
	_ =	sdelay $0x2  }
0x258: {  	v2 =	vnsel vm0, $0x0, v2  }
0x259: {  	[tilespmem:s3+$0x1AB40] =	vst.add.f32.msk $0xffff, v2;
	v2 =	vadd.s32 $0xFFFF3C80, v3  }
0x25a: {  	v1 =	vld.idx.msk [tilespmem:v1+s19+$0x0], vm0;
	v61 =	vshll.u32 v2, $0x1  }
0x25b: {  	vm1 =	vlt.u32 v2, $0x6180;
	v2 =	vand.u32 $0x7F, v3;
	v3 =	vand.u32 $0xFFFFFF00, v61  }
0x25c: {  	v2 =	vor.u32 v2, v3;
	_ =	sdelay $0x2  }
0x25d: {  	v1 =	vnsel vm0, $0x0, v1  }
0x25e: {  	[tilespmem:s3+$0x1ABC0] =	vst.add.f32.msk $0xffff, v1  }
0x25f: {  	v1 =	vld.idx.msk [tilespmem:v2+s19+$0x0], vm1  }
0x260: {  	v3 =	vld [tilespmem:s3+$0x60]  }
0x261: {  	v2 =	vor.u32 $0x80, v2;
	_ =	sdelay $0x2  }
0x262: {  	v1 =	vnsel vm1, $0x0, v1  }
0x263: {  	[tilespmem:s3+$0x1AB50] =	vst.add.f32.msk $0xffff, v1;
	v1 =	vadd.s32 $0xFFFF3C80, v3  }
0x264: {  	v2 =	vld.idx.msk [tilespmem:v2+s19+$0x0], vm1;
	v62 =	vshll.u32 v1, $0x1  }
0x265: {  	vm2 =	vlt.u32 v1, $0x6180;
	v1 =	vand.u32 $0x7F, v3;
	v3 =	vand.u32 $0xFFFFFF00, v62  }
0x266: {  	v1 =	vor.u32 v1, v3;
	_ =	sdelay $0x2  }
0x267: {  	v2 =	vnsel vm1, $0x0, v2  }
0x268: {  	[tilespmem:s3+$0x1ABD0] =	vst.add.f32.msk $0xffff, v2  }
0x269: {  	v2 =	vld.idx.msk [tilespmem:v1+s19+$0x0], vm2  }
0x26a: {  	v3 =	vld [tilespmem:s3+$0x70]  }
0x26b: {  	v1 =	vor.u32 $0x80, v1;
	_ =	sdelay $0x2  }
0x26c: {  	v2 =	vnsel vm2, $0x0, v2  }
0x26d: {  	[tilespmem:s3+$0x1AB60] =	vst.add.f32.msk $0xffff, v2;
	v2 =	vadd.s32 $0xFFFF3C80, v3  }
0x26e: {  	v63 =	vld.idx.msk [tilespmem:v1+s19+$0x0], vm2;
	v1 =	vshll.u32 v2, $0x1  }
0x26f: {  	vm0 =	vlt.u32 v2, $0x6180;
	v2 =	vand.u32 $0x7F, v3;
	v1 =	vand.u32 $0xFFFFFF00, v1  }
0x270: {  	v1 =	vor.u32 v2, v1;
	_ =	sdelay $0x2  }
0x271: {  	v2 =	vnsel vm2, $0x0, v63  }
0x272: {  	[tilespmem:s3+$0x1ABE0] =	vst.add.f32.msk $0xffff, v2  }
0x273: {  	v2 =	vld.idx.msk [tilespmem:v1+s19+$0x0], vm0  }
0x274: {  	s9 =	simm.s32 $0x100;
	s8 =	simm.s32 $0x800  }
.LBB2_13:
0x275: {  	p0 =	sne.s32 s8, $0x7C00;
	v3 =	vld [tilespmem:s9+$0x0];
	v1 =	vor.u32 $0x80, v1;
	_ =	sdelay $0x2  }
0x276: {  	v2 =	vnsel vm0, $0x0, v2  }
0x277: {  	[tilespmem:s3+$0x1AB70] =	vst.add.f32.msk $0xffff, v2  }
0x278: {  	v2 =	vadd.s32 $0xFFFF3C80, v3;
	v1 =	vld.idx.msk [tilespmem:v1+s19+$0x0], vm0  }
0x279: {  	v4 =	vshll.u32 v2, $0x1  }
0x27a: {  	vm1 =	vlt.u32 v2, $0x6180;
	v2 =	vand.u32 $0x7F, v3;
	v3 =	vand.u32 $0xFFFFFF00, v4  }
0x27b: {  	v2 =	vor.u32 v2, v3;
	_ =	sdelay $0x2  }
0x27c: {  	v1 =	vnsel vm0, $0x0, v1  }
0x27d: {  	[tilespmem:s3+$0x1ABF0] =	vst.add.f32.msk $0xffff, v1;
	s3 =	smov.u32 s9  }
0x27e: {  	v1 =	vld.idx.msk [tilespmem:v2+s19+$0x0], vm1;
	_ =	sdelay $0x2  }
0x27f: {  	v2 =	vor.u32 $0x80, v2;
	v3 =	vld [tilespmem:s3+$0x10];
	_ =	sdelay $0x2  }
0x280: {  	v1 =	vnsel vm1, $0x0, v1  }
0x281: {  	[tilespmem:s3+$0x1AB00] =	vst.add.f32.msk $0xffff, v1  }
0x282: {  	v1 =	vld.idx.msk [tilespmem:v2+s19+$0x0], vm1;
	v2 =	vadd.s32 $0xFFFF3C80, v3  }
0x283: {  	v4 =	vshll.u32 v2, $0x1  }
0x284: {  	vm0 =	vlt.u32 v2, $0x6180;
	v2 =	vand.u32 $0x7F, v3;
	v3 =	vand.u32 $0xFFFFFF00, v4  }
0x285: {  	v2 =	vor.u32 v2, v3;
	_ =	sdelay $0x2  }
0x286: {  	v1 =	vnsel vm1, $0x0, v1  }
0x287: {  	[tilespmem:s3+$0x1AB80] =	vst.add.f32.msk $0xffff, v1  }
0x288: {  	v1 =	vld.idx.msk [tilespmem:v2+s19+$0x0], vm0;
	_ =	sdelay $0x2  }
0x289: {  	v2 =	vor.u32 $0x80, v2;
	v3 =	vld [tilespmem:s3+$0x20];
	_ =	sdelay $0x2  }
0x28a: {  	v1 =	vnsel vm0, $0x0, v1  }
0x28b: {  	[tilespmem:s3+$0x1AB10] =	vst.add.f32.msk $0xffff, v1  }
0x28c: {  	v1 =	vld.idx.msk [tilespmem:v2+s19+$0x0], vm0;
	v2 =	vadd.s32 $0xFFFF3C80, v3  }
0x28d: {  	v4 =	vshll.u32 v2, $0x1  }
0x28e: {  	vm1 =	vlt.u32 v2, $0x6180;
	v2 =	vand.u32 $0x7F, v3;
	v3 =	vand.u32 $0xFFFFFF00, v4  }
0x28f: {  	v2 =	vor.u32 v2, v3;
	_ =	sdelay $0x2  }
0x290: {  	v1 =	vnsel vm0, $0x0, v1  }
0x291: {  	[tilespmem:s3+$0x1AB90] =	vst.add.f32.msk $0xffff, v1  }
0x292: {  	v1 =	vld.idx.msk [tilespmem:v2+s19+$0x0], vm1;
	_ =	sdelay $0x2  }
0x293: {  	v2 =	vor.u32 $0x80, v2;
	v3 =	vld [tilespmem:s3+$0x30];
	_ =	sdelay $0x2  }
0x294: {  	v1 =	vnsel vm1, $0x0, v1  }
0x295: {  	[tilespmem:s3+$0x1AB20] =	vst.add.f32.msk $0xffff, v1  }
0x296: {  	v1 =	vld.idx.msk [tilespmem:v2+s19+$0x0], vm1;
	v2 =	vadd.s32 $0xFFFF3C80, v3  }
0x297: {  	v4 =	vshll.u32 v2, $0x1  }
0x298: {  	vm0 =	vlt.u32 v2, $0x6180;
	v2 =	vand.u32 $0x7F, v3;
	v3 =	vand.u32 $0xFFFFFF00, v4  }
0x299: {  	v2 =	vor.u32 v2, v3;
	_ =	sdelay $0x2  }
0x29a: {  	v1 =	vnsel vm1, $0x0, v1  }
0x29b: {  	[tilespmem:s3+$0x1ABA0] =	vst.add.f32.msk $0xffff, v1  }
0x29c: {  	v1 =	vld.idx.msk [tilespmem:v2+s19+$0x0], vm0;
	_ =	sdelay $0x2  }
0x29d: {  	v2 =	vor.u32 $0x80, v2;
	v3 =	vld [tilespmem:s3+$0x40];
	_ =	sdelay $0x2  }
0x29e: {  	v1 =	vnsel vm0, $0x0, v1  }
0x29f: {  	[tilespmem:s3+$0x1AB30] =	vst.add.f32.msk $0xffff, v1  }
0x2a0: {  	v1 =	vld.idx.msk [tilespmem:v2+s19+$0x0], vm0;
	v2 =	vadd.s32 $0xFFFF3C80, v3  }
0x2a1: {  	v4 =	vshll.u32 v2, $0x1  }
0x2a2: {  	vm1 =	vlt.u32 v2, $0x6180;
	v2 =	vand.u32 $0x7F, v3;
	v3 =	vand.u32 $0xFFFFFF00, v4  }
0x2a3: {  	v2 =	vor.u32 v2, v3;
	_ =	sdelay $0x2  }
0x2a4: {  	v1 =	vnsel vm0, $0x0, v1  }
0x2a5: {  	[tilespmem:s3+$0x1ABB0] =	vst.add.f32.msk $0xffff, v1  }
0x2a6: {  	v1 =	vld.idx.msk [tilespmem:v2+s19+$0x0], vm1;
	_ =	sdelay $0x2  }
0x2a7: {  	v2 =	vor.u32 $0x80, v2;
	v3 =	vld [tilespmem:s3+$0x50];
	_ =	sdelay $0x2  }
0x2a8: {  	v1 =	vnsel vm1, $0x0, v1  }
0x2a9: {  	[tilespmem:s3+$0x1AB40] =	vst.add.f32.msk $0xffff, v1  }
0x2aa: {  	v1 =	vld.idx.msk [tilespmem:v2+s19+$0x0], vm1;
	v2 =	vadd.s32 $0xFFFF3C80, v3  }
0x2ab: {  	v4 =	vshll.u32 v2, $0x1  }
0x2ac: {  	vm0 =	vlt.u32 v2, $0x6180;
	v2 =	vand.u32 $0x7F, v3;
	v3 =	vand.u32 $0xFFFFFF00, v4  }
0x2ad: {  	v2 =	vor.u32 v2, v3;
	_ =	sdelay $0x2  }
0x2ae: {  	v1 =	vnsel vm1, $0x0, v1  }
0x2af: {  	[tilespmem:s3+$0x1ABC0] =	vst.add.f32.msk $0xffff, v1  }
0x2b0: {  	v1 =	vld.idx.msk [tilespmem:v2+s19+$0x0], vm0;
	_ =	sdelay $0x2  }
0x2b1: {  	v2 =	vor.u32 $0x80, v2;
	v3 =	vld [tilespmem:s3+$0x60];
	_ =	sdelay $0x2  }
0x2b2: {  	v1 =	vnsel vm0, $0x0, v1  }
0x2b3: {  	[tilespmem:s3+$0x1AB50] =	vst.add.f32.msk $0xffff, v1  }
0x2b4: {  	v1 =	vld.idx.msk [tilespmem:v2+s19+$0x0], vm0;
	v2 =	vadd.s32 $0xFFFF3C80, v3  }
0x2b5: {  	v4 =	vshll.u32 v2, $0x1  }
0x2b6: {  	vm1 =	vlt.u32 v2, $0x6180;
	v2 =	vand.u32 $0x7F, v3;
	v3 =	vand.u32 $0xFFFFFF00, v4  }
0x2b7: {  	v2 =	vor.u32 v2, v3;
	_ =	sdelay $0x2  }
0x2b8: {  	v1 =	vnsel vm0, $0x0, v1  }
0x2b9: {  	[tilespmem:s3+$0x1ABD0] =	vst.add.f32.msk $0xffff, v1  }
0x2ba: {  	v1 =	vld.idx.msk [tilespmem:v2+s19+$0x0], vm1;
	_ =	sdelay $0x2  }
0x2bb: {  	v2 =	vor.u32 $0x80, v2;
	v3 =	vld [tilespmem:s3+$0x70];
	_ =	sdelay $0x2  }
0x2bc: {  	v1 =	vnsel vm1, $0x0, v1  }
0x2bd: {  	[tilespmem:s3+$0x1AB60] =	vst.add.f32.msk $0xffff, v1  }
0x2be: {  	v2 =	vld.idx.msk [tilespmem:v2+s19+$0x0], vm1;
	v1 =	vadd.s32 $0xFFFF3C80, v3  }
0x2bf: {  	v4 =	vshll.u32 v1, $0x1  }
0x2c0: {  	vm0 =	vlt.u32 v1, $0x6180;
	v1 =	vand.u32 $0x7F, v3;
	v3 =	vand.u32 $0xFFFFFF00, v4  }
0x2c1: {  	v1 =	vor.u32 v1, v3;
	_ =	sdelay $0x2  }
.Ltmp5:
0x2c2: {  	v2 =	vnsel vm1, $0x0, v2;
	(pc) =	sbr.rel @p0 .LBB2_13-.Ltmp5, $3  }
0x2c3: {  	[tilespmem:s3+$0x1ABE0] =	vst.add.f32.msk $0xffff, v2  }
0x2c4: {  	v2 =	vld.idx.msk [tilespmem:v1+s19+$0x0], vm0;
	_ =	sdelay $0x1  }
0x2c5: {  	s9 =	sshra.s32 s8, $0x2;
	s8 =	sadd.s32 $0x400, s8  }
0x2c6: {  	v3 =	vld [tilespmem:s9+$0x0]  }
0x2c7: {  	v1 =	vor.u32 $0x80, v1;
	_ =	sdelay $0x2  }
0x2c8: {  	v2 =	vnsel vm0, $0x0, v2  }
0x2c9: {  	[tilespmem:s3+$0x1AB70] =	vst.add.f32.msk $0xffff, v2;
	v2 =	vadd.s32 $0xFFFF3C80, v3  }
0x2ca: {  	v1 =	vld.idx.msk [tilespmem:v1+s19+$0x0], vm0;
	v4 =	vshll.u32 v2, $0x1  }
0x2cb: {  	vm1 =	vlt.u32 v2, $0x6180;
	v2 =	vand.u32 $0x7F, v3;
	v3 =	vand.u32 $0xFFFFFF00, v4  }
0x2cc: {  	v2 =	vor.u32 v2, v3;
	_ =	sdelay $0x2  }
0x2cd: {  	v1 =	vnsel vm0, $0x0, v1  }
0x2ce: {  	[tilespmem:s3+$0x1ABF0] =	vst.add.f32.msk $0xffff, v1  }
0x2cf: {  	v1 =	vld.idx.msk [tilespmem:v2+s19+$0x0], vm1  }
0x2d0: {  	v3 =	vld [tilespmem:s9+$0x10]  }
0x2d1: {  	v2 =	vor.u32 $0x80, v2;
	_ =	sdelay $0x2  }
0x2d2: {  	v1 =	vnsel vm1, $0x0, v1  }
0x2d3: {  	[tilespmem:s9+$0x1AB00] =	vst.add.f32.msk $0xffff, v1;
	v1 =	vadd.s32 $0xFFFF3C80, v3  }
0x2d4: {  	v2 =	vld.idx.msk [tilespmem:v2+s19+$0x0], vm1;
	v49 =	vshll.u32 v1, $0x1  }
0x2d5: {  	vm0 =	vlt.u32 v1, $0x6180;
	v1 =	vand.u32 $0x7F, v3;
	v3 =	vand.u32 $0xFFFFFF00, v49  }
0x2d6: {  	v1 =	vor.u32 v1, v3;
	_ =	sdelay $0x2  }
0x2d7: {  	v2 =	vnsel vm1, $0x0, v2  }
0x2d8: {  	[tilespmem:s9+$0x1AB80] =	vst.add.f32.msk $0xffff, v2  }
0x2d9: {  	v2 =	vld.idx.msk [tilespmem:v1+s19+$0x0], vm0  }
0x2da: {  	v3 =	vld [tilespmem:s9+$0x20]  }
0x2db: {  	v1 =	vor.u32 $0x80, v1;
	_ =	sdelay $0x2  }
0x2dc: {  	v2 =	vnsel vm0, $0x0, v2  }
0x2dd: {  	[tilespmem:s9+$0x1AB10] =	vst.add.f32.msk $0xffff, v2;
	v2 =	vadd.s32 $0xFFFF3C80, v3  }
0x2de: {  	v1 =	vld.idx.msk [tilespmem:v1+s19+$0x0], vm0;
	v50 =	vshll.u32 v2, $0x1  }
0x2df: {  	vm1 =	vlt.u32 v2, $0x6180;
	v2 =	vand.u32 $0x7F, v3;
	v3 =	vand.u32 $0xFFFFFF00, v50  }
0x2e0: {  	v2 =	vor.u32 v2, v3;
	_ =	sdelay $0x2  }
0x2e1: {  	v1 =	vnsel vm0, $0x0, v1  }
0x2e2: {  	[tilespmem:s9+$0x1AB90] =	vst.add.f32.msk $0xffff, v1  }
0x2e3: {  	v1 =	vld.idx.msk [tilespmem:v2+s19+$0x0], vm1  }
0x2e4: {  	v3 =	vld [tilespmem:s9+$0x30]  }
0x2e5: {  	v2 =	vor.u32 $0x80, v2;
	_ =	sdelay $0x2  }
0x2e6: {  	v1 =	vnsel vm1, $0x0, v1  }
0x2e7: {  	[tilespmem:s9+$0x1AB20] =	vst.add.f32.msk $0xffff, v1;
	v1 =	vadd.s32 $0xFFFF3C80, v3  }
0x2e8: {  	v2 =	vld.idx.msk [tilespmem:v2+s19+$0x0], vm1;
	v51 =	vshll.u32 v1, $0x1  }
0x2e9: {  	vm0 =	vlt.u32 v1, $0x6180;
	v1 =	vand.u32 $0x7F, v3;
	v3 =	vand.u32 $0xFFFFFF00, v51  }
0x2ea: {  	v1 =	vor.u32 v1, v3;
	_ =	sdelay $0x2  }
0x2eb: {  	v2 =	vnsel vm1, $0x0, v2  }
0x2ec: {  	[tilespmem:s9+$0x1ABA0] =	vst.add.f32.msk $0xffff, v2  }
0x2ed: {  	v2 =	vld.idx.msk [tilespmem:v1+s19+$0x0], vm0  }
0x2ee: {  	v3 =	vld [tilespmem:s9+$0x40]  }
0x2ef: {  	v1 =	vor.u32 $0x80, v1;
	_ =	sdelay $0x2  }
0x2f0: {  	v2 =	vnsel vm0, $0x0, v2  }
0x2f1: {  	[tilespmem:s9+$0x1AB30] =	vst.add.f32.msk $0xffff, v2;
	v2 =	vadd.s32 $0xFFFF3C80, v3  }
0x2f2: {  	v1 =	vld.idx.msk [tilespmem:v1+s19+$0x0], vm0;
	v52 =	vshll.u32 v2, $0x1  }
0x2f3: {  	vm1 =	vlt.u32 v2, $0x6180;
	v2 =	vand.u32 $0x7F, v3;
	v3 =	vand.u32 $0xFFFFFF00, v52  }
0x2f4: {  	v2 =	vor.u32 v2, v3;
	_ =	sdelay $0x2  }
0x2f5: {  	v1 =	vnsel vm0, $0x0, v1  }
0x2f6: {  	[tilespmem:s9+$0x1ABB0] =	vst.add.f32.msk $0xffff, v1  }
0x2f7: {  	v1 =	vld.idx.msk [tilespmem:v2+s19+$0x0], vm1  }
0x2f8: {  	v3 =	vld [tilespmem:s9+$0x50]  }
0x2f9: {  	v2 =	vor.u32 $0x80, v2;
	_ =	sdelay $0x2  }
0x2fa: {  	v1 =	vnsel vm1, $0x0, v1  }
0x2fb: {  	[tilespmem:s9+$0x1AB40] =	vst.add.f32.msk $0xffff, v1;
	v1 =	vadd.s32 $0xFFFF3C80, v3  }
0x2fc: {  	v2 =	vld.idx.msk [tilespmem:v2+s19+$0x0], vm1;
	v53 =	vshll.u32 v1, $0x1  }
0x2fd: {  	vm0 =	vlt.u32 v1, $0x6180;
	v1 =	vand.u32 $0x7F, v3;
	v3 =	vand.u32 $0xFFFFFF00, v53  }
0x2fe: {  	v1 =	vor.u32 v1, v3;
	_ =	sdelay $0x2  }
0x2ff: {  	v2 =	vnsel vm1, $0x0, v2  }
0x300: {  	[tilespmem:s9+$0x1ABC0] =	vst.add.f32.msk $0xffff, v2  }
0x301: {  	v2 =	vld.idx.msk [tilespmem:v1+s19+$0x0], vm0  }
0x302: {  	v3 =	vld [tilespmem:s9+$0x60]  }
0x303: {  	v1 =	vor.u32 $0x80, v1;
	_ =	sdelay $0x2  }
0x304: {  	v2 =	vnsel vm0, $0x0, v2  }
0x305: {  	[tilespmem:s9+$0x1AB50] =	vst.add.f32.msk $0xffff, v2;
	v2 =	vadd.s32 $0xFFFF3C80, v3  }
0x306: {  	v1 =	vld.idx.msk [tilespmem:v1+s19+$0x0], vm0;
	v54 =	vshll.u32 v2, $0x1  }
0x307: {  	vm1 =	vlt.u32 v2, $0x6180;
	v2 =	vand.u32 $0x7F, v3;
	v3 =	vand.u32 $0xFFFFFF00, v54  }
0x308: {  	v2 =	vor.u32 v2, v3;
	_ =	sdelay $0x2  }
0x309: {  	v1 =	vnsel vm0, $0x0, v1  }
0x30a: {  	[tilespmem:s9+$0x1ABD0] =	vst.add.f32.msk $0xffff, v1  }
0x30b: {  	v1 =	vld.idx.msk [tilespmem:v2+s19+$0x0], vm1  }
0x30c: {  	v3 =	vld [tilespmem:s9+$0x70]  }
0x30d: {  	v2 =	vor.u32 $0x80, v2;
	_ =	sdelay $0x2  }
0x30e: {  	v1 =	vnsel vm1, $0x0, v1  }
0x30f: {  	[tilespmem:s9+$0x1AB60] =	vst.add.f32.msk $0xffff, v1;
	v1 =	vadd.s32 $0xFFFF3C80, v3  }
0x310: {  	v2 =	vld.idx.msk [tilespmem:v2+s19+$0x0], vm1;
	v55 =	vshll.u32 v1, $0x1  }
0x311: {  	vm0 =	vlt.u32 v1, $0x6180;
	v1 =	vand.u32 $0x7F, v3;
	v3 =	vand.u32 $0xFFFFFF00, v55  }
0x312: {  	v1 =	vor.u32 v1, v3;
	_ =	sdelay $0x2  }
0x313: {  	v2 =	vnsel vm1, $0x0, v2  }
0x314: {  	[tilespmem:s9+$0x1ABE0] =	vst.add.f32.msk $0xffff, v2  }
0x315: {  	v2 =	vld.idx.msk [tilespmem:v1+s19+$0x0], vm0;
	_ =	sdelay $0x1  }
0x316: {  	v1 =	vor.u32 $0x80, v1;
	_ =	sdelay $0x2  }
0x317: {  	v2 =	vnsel vm0, $0x0, v2  }
0x318: {  	s26 =	sshll.u32 s30, $0x6;
	[tilespmem:s9+$0x1AB70] =	vst.add.f32.msk $0xffff, v2  }
0x319: {  	s3 =	sor.u32 s7, s26;
	v1 =	vld.idx.msk [tilespmem:v1+s19+$0x0], vm0  }
0x31a: {  	s3 =	sshrl.u32 s3, $0x3  }
0x31b: {  	s8 =	smul.u32 $0xC3800, s3;
	_ =	sdelay $0x1  }
0x31c: {  	s16 =	sor.u32 s5, s8  }
0x31d: {  	s16 =	sshrl.u32 s16, $0x3;
	v1 =	vnsel vm0, $0x0, v1  }
0x31e: {  	s28 =	sadd.s32 s2, s16;
	[tilespmem:s9+$0x1ABF0] =	vst.add.f32.msk $0xffff, v1  }
0x31f: {  	[tilespmem:s19], [sflag:$0x1] =	stream.strided.gather [hbm4b:s28+s17], $0xC400, s18, s17, $0x38;
	[tilespmem:$0x1CB00] =	vst v63  }
0x320: {  	_ =	swait.ge [sflag:s23], $0xC300  }
0x321: {  	[sflag:s23] =	ssyncset.done $0x0  }
0x322: {  	[sflag:s23] =	ssyncadd.s32 $0xFFFF3D00  }
0x323: {  	_ =	swait.ge [sflag:s25], $0x100  }
0x324: {  	[sflag:s25] =	ssyncset.done $0x0  }
0x325: {  	[sflag:s25] =	ssyncadd.s32 $0xFFFFFF00  }
0x326: {  	v1 =	vld [tilespmem:$0x1AA00]  }
0x327: {  	v2 =	vld [tilespmem:$0x1AA10]  }
0x328: {  	v3 =	vld [tilespmem:$0x1AA80]  }
0x329: {  	v56 =	vld [tilespmem:$0x1AA90];
	_ =	sdelay $0x1  }
0x32a: {  	[tilespmem:$0x1A800] =	vst v1  }
0x32b: {  	[tilespmem:$0x1A810] =	vst v2  }
0x32c: {  	[tilespmem:$0x1A880] =	vst v3  }
0x32d: {  	s9 =	simm.s32 $0x0;
	[tilespmem:$0x1A890] =	vst v56  }
0x32e: {  	v1 =	vld [tilespmem:s9+$0x0];
	_ =	sdelay $0x4  }
0x32f: {  	v2 =	vadd.s32 $0xFFFEDB00, v1  }
0x330: {  	v3 =	vshll.u32 v2, $0x1  }
0x331: {  	v1 =	vand.u32 $0x7F, v1;
	vm0 =	vlt.u32 v2, $0x61A0;
	v2 =	vand.u32 $0xFFFFFF00, v3  }
0x332: {  	v1 =	vor.u32 v1, v2;
	_ =	sdelay $0x4  }
0x333: {  	v2 =	vld.idx.msk [tilespmem:v1+s20+$0x0], vm0  }
0x334: {  	v3 =	vld [tilespmem:s9+$0x10]  }
0x335: {  	v1 =	vor.u32 $0x80, v1;
	_ =	sdelay $0x2  }
0x336: {  	v2 =	vnsel vm0, $0x0, v2  }
0x337: {  	[tilespmem:s9+$0x1AB00] =	vst.add.f32.msk $0xffff, v2;
	v2 =	vadd.s32 $0xFFFEDB00, v3  }
0x338: {  	v1 =	vld.idx.msk [tilespmem:v1+s20+$0x0], vm0;
	v57 =	vshll.u32 v2, $0x1  }
0x339: {  	vm1 =	vlt.u32 v2, $0x61A0;
	v2 =	vand.u32 $0x7F, v3;
	v3 =	vand.u32 $0xFFFFFF00, v57  }
0x33a: {  	v2 =	vor.u32 v2, v3;
	_ =	sdelay $0x2  }
0x33b: {  	v1 =	vnsel vm0, $0x0, v1  }
0x33c: {  	[tilespmem:s9+$0x1AB80] =	vst.add.f32.msk $0xffff, v1  }
0x33d: {  	v1 =	vld.idx.msk [tilespmem:v2+s20+$0x0], vm1  }
0x33e: {  	v3 =	vld [tilespmem:s9+$0x20]  }
0x33f: {  	v2 =	vor.u32 $0x80, v2;
	_ =	sdelay $0x2  }
0x340: {  	v1 =	vnsel vm1, $0x0, v1  }
0x341: {  	[tilespmem:s9+$0x1AB10] =	vst.add.f32.msk $0xffff, v1;
	v1 =	vadd.s32 $0xFFFEDB00, v3  }
0x342: {  	v2 =	vld.idx.msk [tilespmem:v2+s20+$0x0], vm1;
	v58 =	vshll.u32 v1, $0x1  }
0x343: {  	vm0 =	vlt.u32 v1, $0x61A0;
	v1 =	vand.u32 $0x7F, v3;
	v3 =	vand.u32 $0xFFFFFF00, v58  }
0x344: {  	v1 =	vor.u32 v1, v3;
	_ =	sdelay $0x2  }
0x345: {  	v2 =	vnsel vm1, $0x0, v2  }
0x346: {  	[tilespmem:s9+$0x1AB90] =	vst.add.f32.msk $0xffff, v2  }
0x347: {  	v2 =	vld.idx.msk [tilespmem:v1+s20+$0x0], vm0  }
0x348: {  	v3 =	vld [tilespmem:s9+$0x30]  }
0x349: {  	v1 =	vor.u32 $0x80, v1;
	_ =	sdelay $0x2  }
0x34a: {  	v2 =	vnsel vm0, $0x0, v2  }
0x34b: {  	[tilespmem:s9+$0x1AB20] =	vst.add.f32.msk $0xffff, v2;
	v2 =	vadd.s32 $0xFFFEDB00, v3  }
0x34c: {  	v1 =	vld.idx.msk [tilespmem:v1+s20+$0x0], vm0;
	v59 =	vshll.u32 v2, $0x1  }
0x34d: {  	vm1 =	vlt.u32 v2, $0x61A0;
	v2 =	vand.u32 $0x7F, v3;
	v3 =	vand.u32 $0xFFFFFF00, v59  }
0x34e: {  	v2 =	vor.u32 v2, v3;
	_ =	sdelay $0x2  }
0x34f: {  	v1 =	vnsel vm0, $0x0, v1  }
0x350: {  	[tilespmem:s9+$0x1ABA0] =	vst.add.f32.msk $0xffff, v1  }
0x351: {  	v1 =	vld.idx.msk [tilespmem:v2+s20+$0x0], vm1  }
0x352: {  	v3 =	vld [tilespmem:s9+$0x40]  }
0x353: {  	v2 =	vor.u32 $0x80, v2;
	_ =	sdelay $0x2  }
0x354: {  	v1 =	vnsel vm1, $0x0, v1  }
0x355: {  	[tilespmem:s9+$0x1AB30] =	vst.add.f32.msk $0xffff, v1;
	v1 =	vadd.s32 $0xFFFEDB00, v3  }
0x356: {  	v2 =	vld.idx.msk [tilespmem:v2+s20+$0x0], vm1;
	v60 =	vshll.u32 v1, $0x1  }
0x357: {  	vm0 =	vlt.u32 v1, $0x61A0;
	v1 =	vand.u32 $0x7F, v3;
	v3 =	vand.u32 $0xFFFFFF00, v60  }
0x358: {  	v1 =	vor.u32 v1, v3;
	_ =	sdelay $0x2  }
0x359: {  	v2 =	vnsel vm1, $0x0, v2  }
0x35a: {  	[tilespmem:s9+$0x1ABB0] =	vst.add.f32.msk $0xffff, v2  }
0x35b: {  	v2 =	vld.idx.msk [tilespmem:v1+s20+$0x0], vm0  }
0x35c: {  	v3 =	vld [tilespmem:s9+$0x50]  }
0x35d: {  	v1 =	vor.u32 $0x80, v1;
	_ =	sdelay $0x2  }
0x35e: {  	v2 =	vnsel vm0, $0x0, v2  }
0x35f: {  	[tilespmem:s9+$0x1AB40] =	vst.add.f32.msk $0xffff, v2;
	v2 =	vadd.s32 $0xFFFEDB00, v3  }
0x360: {  	v1 =	vld.idx.msk [tilespmem:v1+s20+$0x0], vm0;
	v61 =	vshll.u32 v2, $0x1  }
0x361: {  	vm1 =	vlt.u32 v2, $0x61A0;
	v2 =	vand.u32 $0x7F, v3;
	v3 =	vand.u32 $0xFFFFFF00, v61  }
0x362: {  	v2 =	vor.u32 v2, v3;
	_ =	sdelay $0x2  }
0x363: {  	v1 =	vnsel vm0, $0x0, v1  }
0x364: {  	[tilespmem:s9+$0x1ABC0] =	vst.add.f32.msk $0xffff, v1  }
0x365: {  	v1 =	vld.idx.msk [tilespmem:v2+s20+$0x0], vm1  }
0x366: {  	v3 =	vld [tilespmem:s9+$0x60]  }
0x367: {  	v2 =	vor.u32 $0x80, v2;
	_ =	sdelay $0x2  }
0x368: {  	v1 =	vnsel vm1, $0x0, v1  }
0x369: {  	[tilespmem:s9+$0x1AB50] =	vst.add.f32.msk $0xffff, v1;
	v1 =	vadd.s32 $0xFFFEDB00, v3  }
0x36a: {  	v2 =	vld.idx.msk [tilespmem:v2+s20+$0x0], vm1;
	v62 =	vshll.u32 v1, $0x1  }
0x36b: {  	vm2 =	vlt.u32 v1, $0x61A0;
	v1 =	vand.u32 $0x7F, v3;
	v3 =	vand.u32 $0xFFFFFF00, v62  }
0x36c: {  	v1 =	vor.u32 v1, v3;
	_ =	sdelay $0x2  }
0x36d: {  	v2 =	vnsel vm1, $0x0, v2  }
0x36e: {  	[tilespmem:s9+$0x1ABD0] =	vst.add.f32.msk $0xffff, v2  }
0x36f: {  	v2 =	vld.idx.msk [tilespmem:v1+s20+$0x0], vm2  }
0x370: {  	v3 =	vld [tilespmem:s9+$0x70]  }
0x371: {  	v1 =	vor.u32 $0x80, v1;
	_ =	sdelay $0x2  }
0x372: {  	v2 =	vnsel vm2, $0x0, v2  }
0x373: {  	[tilespmem:s9+$0x1AB60] =	vst.add.f32.msk $0xffff, v2;
	v2 =	vadd.s32 $0xFFFEDB00, v3  }
0x374: {  	v63 =	vld.idx.msk [tilespmem:v1+s20+$0x0], vm2;
	v1 =	vshll.u32 v2, $0x1  }
0x375: {  	vm0 =	vlt.u32 v2, $0x61A0;
	v2 =	vand.u32 $0x7F, v3;
	v1 =	vand.u32 $0xFFFFFF00, v1  }
0x376: {  	v1 =	vor.u32 v2, v1;
	_ =	sdelay $0x2  }
0x377: {  	v2 =	vnsel vm2, $0x0, v63  }
0x378: {  	[tilespmem:s9+$0x1ABE0] =	vst.add.f32.msk $0xffff, v2  }
0x379: {  	v2 =	vld.idx.msk [tilespmem:v1+s20+$0x0], vm0  }
0x37a: {  	s26 =	simm.s32 $0x100;
	s16 =	simm.s32 $0x800  }
.LBB2_15:
0x37b: {  	p0 =	sne.s32 s16, $0x7C00;
	v3 =	vld [tilespmem:s26+$0x0];
	v1 =	vor.u32 $0x80, v1;
	_ =	sdelay $0x2  }
0x37c: {  	v2 =	vnsel vm0, $0x0, v2  }
0x37d: {  	[tilespmem:s9+$0x1AB70] =	vst.add.f32.msk $0xffff, v2  }
0x37e: {  	v2 =	vadd.s32 $0xFFFEDB00, v3;
	v1 =	vld.idx.msk [tilespmem:v1+s20+$0x0], vm0  }
0x37f: {  	v4 =	vshll.u32 v2, $0x1  }
0x380: {  	vm1 =	vlt.u32 v2, $0x61A0;
	v2 =	vand.u32 $0x7F, v3;
	v3 =	vand.u32 $0xFFFFFF00, v4  }
0x381: {  	v2 =	vor.u32 v2, v3;
	_ =	sdelay $0x2  }
0x382: {  	v1 =	vnsel vm0, $0x0, v1  }
0x383: {  	[tilespmem:s9+$0x1ABF0] =	vst.add.f32.msk $0xffff, v1;
	s9 =	smov.u32 s26  }
0x384: {  	v1 =	vld.idx.msk [tilespmem:v2+s20+$0x0], vm1;
	_ =	sdelay $0x2  }
0x385: {  	v2 =	vor.u32 $0x80, v2;
	v3 =	vld [tilespmem:s9+$0x10];
	_ =	sdelay $0x2  }
0x386: {  	v1 =	vnsel vm1, $0x0, v1  }
0x387: {  	[tilespmem:s9+$0x1AB00] =	vst.add.f32.msk $0xffff, v1  }
0x388: {  	v1 =	vld.idx.msk [tilespmem:v2+s20+$0x0], vm1;
	v2 =	vadd.s32 $0xFFFEDB00, v3  }
0x389: {  	v4 =	vshll.u32 v2, $0x1  }
0x38a: {  	vm0 =	vlt.u32 v2, $0x61A0;
	v2 =	vand.u32 $0x7F, v3;
	v3 =	vand.u32 $0xFFFFFF00, v4  }
0x38b: {  	v2 =	vor.u32 v2, v3;
	_ =	sdelay $0x2  }
0x38c: {  	v1 =	vnsel vm1, $0x0, v1  }
0x38d: {  	[tilespmem:s9+$0x1AB80] =	vst.add.f32.msk $0xffff, v1  }
0x38e: {  	v1 =	vld.idx.msk [tilespmem:v2+s20+$0x0], vm0;
	_ =	sdelay $0x2  }
0x38f: {  	v2 =	vor.u32 $0x80, v2;
	v3 =	vld [tilespmem:s9+$0x20];
	_ =	sdelay $0x2  }
0x390: {  	v1 =	vnsel vm0, $0x0, v1  }
0x391: {  	[tilespmem:s9+$0x1AB10] =	vst.add.f32.msk $0xffff, v1  }
0x392: {  	v1 =	vld.idx.msk [tilespmem:v2+s20+$0x0], vm0;
	v2 =	vadd.s32 $0xFFFEDB00, v3  }
0x393: {  	v4 =	vshll.u32 v2, $0x1  }
0x394: {  	vm1 =	vlt.u32 v2, $0x61A0;
	v2 =	vand.u32 $0x7F, v3;
	v3 =	vand.u32 $0xFFFFFF00, v4  }
0x395: {  	v2 =	vor.u32 v2, v3;
	_ =	sdelay $0x2  }
0x396: {  	v1 =	vnsel vm0, $0x0, v1  }
0x397: {  	[tilespmem:s9+$0x1AB90] =	vst.add.f32.msk $0xffff, v1  }
0x398: {  	v1 =	vld.idx.msk [tilespmem:v2+s20+$0x0], vm1;
	_ =	sdelay $0x2  }
0x399: {  	v2 =	vor.u32 $0x80, v2;
	v3 =	vld [tilespmem:s9+$0x30];
	_ =	sdelay $0x2  }
0x39a: {  	v1 =	vnsel vm1, $0x0, v1  }
0x39b: {  	[tilespmem:s9+$0x1AB20] =	vst.add.f32.msk $0xffff, v1  }
0x39c: {  	v1 =	vld.idx.msk [tilespmem:v2+s20+$0x0], vm1;
	v2 =	vadd.s32 $0xFFFEDB00, v3  }
0x39d: {  	v4 =	vshll.u32 v2, $0x1  }
0x39e: {  	vm0 =	vlt.u32 v2, $0x61A0;
	v2 =	vand.u32 $0x7F, v3;
	v3 =	vand.u32 $0xFFFFFF00, v4  }
0x39f: {  	v2 =	vor.u32 v2, v3;
	_ =	sdelay $0x2  }
0x3a0: {  	v1 =	vnsel vm1, $0x0, v1  }
0x3a1: {  	[tilespmem:s9+$0x1ABA0] =	vst.add.f32.msk $0xffff, v1  }
0x3a2: {  	v1 =	vld.idx.msk [tilespmem:v2+s20+$0x0], vm0;
	_ =	sdelay $0x2  }
0x3a3: {  	v2 =	vor.u32 $0x80, v2;
	v3 =	vld [tilespmem:s9+$0x40];
	_ =	sdelay $0x2  }
0x3a4: {  	v1 =	vnsel vm0, $0x0, v1  }
0x3a5: {  	[tilespmem:s9+$0x1AB30] =	vst.add.f32.msk $0xffff, v1  }
0x3a6: {  	v1 =	vld.idx.msk [tilespmem:v2+s20+$0x0], vm0;
	v2 =	vadd.s32 $0xFFFEDB00, v3  }
0x3a7: {  	v4 =	vshll.u32 v2, $0x1  }
0x3a8: {  	vm1 =	vlt.u32 v2, $0x61A0;
	v2 =	vand.u32 $0x7F, v3;
	v3 =	vand.u32 $0xFFFFFF00, v4  }
0x3a9: {  	v2 =	vor.u32 v2, v3;
	_ =	sdelay $0x2  }
0x3aa: {  	v1 =	vnsel vm0, $0x0, v1  }
0x3ab: {  	[tilespmem:s9+$0x1ABB0] =	vst.add.f32.msk $0xffff, v1  }
0x3ac: {  	v1 =	vld.idx.msk [tilespmem:v2+s20+$0x0], vm1;
	_ =	sdelay $0x2  }
0x3ad: {  	v2 =	vor.u32 $0x80, v2;
	v3 =	vld [tilespmem:s9+$0x50];
	_ =	sdelay $0x2  }
0x3ae: {  	v1 =	vnsel vm1, $0x0, v1  }
0x3af: {  	[tilespmem:s9+$0x1AB40] =	vst.add.f32.msk $0xffff, v1  }
0x3b0: {  	v1 =	vld.idx.msk [tilespmem:v2+s20+$0x0], vm1;
	v2 =	vadd.s32 $0xFFFEDB00, v3  }
0x3b1: {  	v4 =	vshll.u32 v2, $0x1  }
0x3b2: {  	vm0 =	vlt.u32 v2, $0x61A0;
	v2 =	vand.u32 $0x7F, v3;
	v3 =	vand.u32 $0xFFFFFF00, v4  }
0x3b3: {  	v2 =	vor.u32 v2, v3;
	_ =	sdelay $0x2  }
0x3b4: {  	v1 =	vnsel vm1, $0x0, v1  }
0x3b5: {  	[tilespmem:s9+$0x1ABC0] =	vst.add.f32.msk $0xffff, v1  }
0x3b6: {  	v1 =	vld.idx.msk [tilespmem:v2+s20+$0x0], vm0;
	_ =	sdelay $0x2  }
0x3b7: {  	v2 =	vor.u32 $0x80, v2;
	v3 =	vld [tilespmem:s9+$0x60];
	_ =	sdelay $0x2  }
0x3b8: {  	v1 =	vnsel vm0, $0x0, v1  }
0x3b9: {  	[tilespmem:s9+$0x1AB50] =	vst.add.f32.msk $0xffff, v1  }
0x3ba: {  	v1 =	vld.idx.msk [tilespmem:v2+s20+$0x0], vm0;
	v2 =	vadd.s32 $0xFFFEDB00, v3  }
0x3bb: {  	v4 =	vshll.u32 v2, $0x1  }
0x3bc: {  	vm1 =	vlt.u32 v2, $0x61A0;
	v2 =	vand.u32 $0x7F, v3;
	v3 =	vand.u32 $0xFFFFFF00, v4  }
0x3bd: {  	v2 =	vor.u32 v2, v3;
	_ =	sdelay $0x2  }
0x3be: {  	v1 =	vnsel vm0, $0x0, v1  }
0x3bf: {  	[tilespmem:s9+$0x1ABD0] =	vst.add.f32.msk $0xffff, v1  }
0x3c0: {  	v1 =	vld.idx.msk [tilespmem:v2+s20+$0x0], vm1;
	_ =	sdelay $0x2  }
0x3c1: {  	v2 =	vor.u32 $0x80, v2;
	v3 =	vld [tilespmem:s9+$0x70];
	_ =	sdelay $0x2  }
0x3c2: {  	v1 =	vnsel vm1, $0x0, v1  }
0x3c3: {  	[tilespmem:s9+$0x1AB60] =	vst.add.f32.msk $0xffff, v1  }
0x3c4: {  	v2 =	vld.idx.msk [tilespmem:v2+s20+$0x0], vm1;
	v1 =	vadd.s32 $0xFFFEDB00, v3  }
0x3c5: {  	v4 =	vshll.u32 v1, $0x1  }
0x3c6: {  	vm0 =	vlt.u32 v1, $0x61A0;
	v1 =	vand.u32 $0x7F, v3;
	v3 =	vand.u32 $0xFFFFFF00, v4  }
0x3c7: {  	v1 =	vor.u32 v1, v3;
	_ =	sdelay $0x2  }
.Ltmp6:
0x3c8: {  	v2 =	vnsel vm1, $0x0, v2;
	(pc) =	sbr.rel @p0 .LBB2_15-.Ltmp6, $3  }
0x3c9: {  	[tilespmem:s9+$0x1ABE0] =	vst.add.f32.msk $0xffff, v2  }
0x3ca: {  	v2 =	vld.idx.msk [tilespmem:v1+s20+$0x0], vm0;
	_ =	sdelay $0x1  }
0x3cb: {  	s26 =	sshra.s32 s16, $0x2;
	s16 =	sadd.s32 $0x400, s16  }
0x3cc: {  	v3 =	vld [tilespmem:s26+$0x0]  }
0x3cd: {  	v1 =	vor.u32 $0x80, v1;
	_ =	sdelay $0x2  }
0x3ce: {  	v2 =	vnsel vm0, $0x0, v2  }
0x3cf: {  	[tilespmem:s9+$0x1AB70] =	vst.add.f32.msk $0xffff, v2;
	v2 =	vadd.s32 $0xFFFEDB00, v3  }
0x3d0: {  	v1 =	vld.idx.msk [tilespmem:v1+s20+$0x0], vm0;
	v4 =	vshll.u32 v2, $0x1  }
0x3d1: {  	vm1 =	vlt.u32 v2, $0x61A0;
	v2 =	vand.u32 $0x7F, v3;
	v3 =	vand.u32 $0xFFFFFF00, v4  }
0x3d2: {  	v2 =	vor.u32 v2, v3;
	_ =	sdelay $0x2  }
0x3d3: {  	v1 =	vnsel vm0, $0x0, v1  }
0x3d4: {  	[tilespmem:s9+$0x1ABF0] =	vst.add.f32.msk $0xffff, v1  }
0x3d5: {  	v1 =	vld.idx.msk [tilespmem:v2+s20+$0x0], vm1  }
0x3d6: {  	v3 =	vld [tilespmem:s26+$0x10]  }
0x3d7: {  	v2 =	vor.u32 $0x80, v2;
	_ =	sdelay $0x2  }
0x3d8: {  	v1 =	vnsel vm1, $0x0, v1  }
0x3d9: {  	[tilespmem:s26+$0x1AB00] =	vst.add.f32.msk $0xffff, v1;
	v1 =	vadd.s32 $0xFFFEDB00, v3  }
0x3da: {  	v2 =	vld.idx.msk [tilespmem:v2+s20+$0x0], vm1;
	v57 =	vshll.u32 v1, $0x1  }
0x3db: {  	vm9 =	vlt.u32 v1, $0x61A0;
	v1 =	vand.u32 $0x7F, v3;
	v3 =	vand.u32 $0xFFFFFF00, v57  }
0x3dc: {  	v1 =	vor.u32 v1, v3;
	_ =	sdelay $0x2  }
0x3dd: {  	v2 =	vnsel vm1, $0x0, v2  }
0x3de: {  	[tilespmem:s26+$0x1AB80] =	vst.add.f32.msk $0xffff, v2  }
0x3df: {  	v2 =	vld.idx.msk [tilespmem:v1+s20+$0x0], vm9  }
0x3e0: {  	v3 =	vld [tilespmem:s26+$0x20]  }
0x3e1: {  	v1 =	vor.u32 $0x80, v1;
	_ =	sdelay $0x2  }
0x3e2: {  	v2 =	vnsel vm9, $0x0, v2  }
0x3e3: {  	[tilespmem:s26+$0x1AB10] =	vst.add.f32.msk $0xffff, v2;
	v2 =	vadd.s32 $0xFFFEDB00, v3  }
0x3e4: {  	v1 =	vld.idx.msk [tilespmem:v1+s20+$0x0], vm9;
	v58 =	vshll.u32 v2, $0x1  }
0x3e5: {  	vm10 =	vlt.u32 v2, $0x61A0;
	v2 =	vand.u32 $0x7F, v3;
	v3 =	vand.u32 $0xFFFFFF00, v58  }
0x3e6: {  	v2 =	vor.u32 v2, v3;
	_ =	sdelay $0x2  }
0x3e7: {  	v1 =	vnsel vm9, $0x0, v1  }
0x3e8: {  	[tilespmem:s26+$0x1AB90] =	vst.add.f32.msk $0xffff, v1  }
0x3e9: {  	v1 =	vld.idx.msk [tilespmem:v2+s20+$0x0], vm10  }
0x3ea: {  	v3 =	vld [tilespmem:s26+$0x30]  }
0x3eb: {  	v2 =	vor.u32 $0x80, v2;
	_ =	sdelay $0x2  }
0x3ec: {  	v1 =	vnsel vm10, $0x0, v1  }
0x3ed: {  	[tilespmem:s26+$0x1AB20] =	vst.add.f32.msk $0xffff, v1;
	v1 =	vadd.s32 $0xFFFEDB00, v3  }
0x3ee: {  	v2 =	vld.idx.msk [tilespmem:v2+s20+$0x0], vm10;
	v59 =	vshll.u32 v1, $0x1  }
0x3ef: {  	vm11 =	vlt.u32 v1, $0x61A0;
	v1 =	vand.u32 $0x7F, v3;
	v3 =	vand.u32 $0xFFFFFF00, v59  }
0x3f0: {  	v1 =	vor.u32 v1, v3;
	_ =	sdelay $0x2  }
0x3f1: {  	v2 =	vnsel vm10, $0x0, v2  }
0x3f2: {  	[tilespmem:s26+$0x1ABA0] =	vst.add.f32.msk $0xffff, v2  }
0x3f3: {  	v2 =	vld.idx.msk [tilespmem:v1+s20+$0x0], vm11  }
0x3f4: {  	v3 =	vld [tilespmem:s26+$0x40]  }
0x3f5: {  	v1 =	vor.u32 $0x80, v1;
	_ =	sdelay $0x2  }
0x3f6: {  	v2 =	vnsel vm11, $0x0, v2  }
0x3f7: {  	[tilespmem:s26+$0x1AB30] =	vst.add.f32.msk $0xffff, v2;
	v2 =	vadd.s32 $0xFFFEDB00, v3  }
0x3f8: {  	v1 =	vld.idx.msk [tilespmem:v1+s20+$0x0], vm11;
	v60 =	vshll.u32 v2, $0x1  }
0x3f9: {  	vm12 =	vlt.u32 v2, $0x61A0;
	v2 =	vand.u32 $0x7F, v3;
	v3 =	vand.u32 $0xFFFFFF00, v60  }
0x3fa: {  	v2 =	vor.u32 v2, v3;
	_ =	sdelay $0x2  }
0x3fb: {  	v1 =	vnsel vm11, $0x0, v1  }
0x3fc: {  	[tilespmem:s26+$0x1ABB0] =	vst.add.f32.msk $0xffff, v1  }
0x3fd: {  	v1 =	vld.idx.msk [tilespmem:v2+s20+$0x0], vm12  }
0x3fe: {  	v3 =	vld [tilespmem:s26+$0x50]  }
0x3ff: {  	v2 =	vor.u32 $0x80, v2;
	_ =	sdelay $0x2  }
0x400: {  	v1 =	vnsel vm12, $0x0, v1  }
0x401: {  	[tilespmem:s26+$0x1AB40] =	vst.add.f32.msk $0xffff, v1;
	v1 =	vadd.s32 $0xFFFEDB00, v3  }
0x402: {  	v2 =	vld.idx.msk [tilespmem:v2+s20+$0x0], vm12;
	v61 =	vshll.u32 v1, $0x1  }
0x403: {  	vm13 =	vlt.u32 v1, $0x61A0;
	v1 =	vand.u32 $0x7F, v3;
	v3 =	vand.u32 $0xFFFFFF00, v61  }
0x404: {  	v1 =	vor.u32 v1, v3;
	_ =	sdelay $0x2  }
0x405: {  	v2 =	vnsel vm12, $0x0, v2  }
0x406: {  	[tilespmem:s26+$0x1ABC0] =	vst.add.f32.msk $0xffff, v2  }
0x407: {  	v2 =	vld.idx.msk [tilespmem:v1+s20+$0x0], vm13  }
0x408: {  	v3 =	vld [tilespmem:s26+$0x60]  }
0x409: {  	v1 =	vor.u32 $0x80, v1;
	_ =	sdelay $0x2  }
0x40a: {  	v2 =	vnsel vm13, $0x0, v2  }
0x40b: {  	[tilespmem:s26+$0x1AB50] =	vst.add.f32.msk $0xffff, v2;
	v2 =	vadd.s32 $0xFFFEDB00, v3  }
0x40c: {  	v1 =	vld.idx.msk [tilespmem:v1+s20+$0x0], vm13;
	v62 =	vshll.u32 v2, $0x1  }
0x40d: {  	vm14 =	vlt.u32 v2, $0x61A0;
	v2 =	vand.u32 $0x7F, v3;
	v3 =	vand.u32 $0xFFFFFF00, v62  }
0x40e: {  	v2 =	vor.u32 v2, v3;
	_ =	sdelay $0x2  }
0x40f: {  	v1 =	vnsel vm13, $0x0, v1  }
0x410: {  	[tilespmem:s26+$0x1ABD0] =	vst.add.f32.msk $0xffff, v1  }
0x411: {  	v1 =	vld.idx.msk [tilespmem:v2+s20+$0x0], vm14  }
0x412: {  	v3 =	vld [tilespmem:s26+$0x70]  }
0x413: {  	v2 =	vor.u32 $0x80, v2;
	_ =	sdelay $0x2  }
0x414: {  	v1 =	vnsel vm14, $0x0, v1  }
0x415: {  	[tilespmem:s26+$0x1AB60] =	vst.add.f32.msk $0xffff, v1;
	v1 =	vadd.s32 $0xFFFEDB00, v3  }
0x416: {  	v2 =	vld.idx.msk [tilespmem:v2+s20+$0x0], vm14;
	v63 =	vshll.u32 v1, $0x1  }
0x417: {  	vm15 =	vlt.u32 v1, $0x61A0;
	v1 =	vand.u32 $0x7F, v3;
	v3 =	vand.u32 $0xFFFFFF00, v63  }
0x418: {  	v1 =	vor.u32 v1, v3;
	_ =	sdelay $0x2  }
0x419: {  	v2 =	vnsel vm14, $0x0, v2  }
0x41a: {  	[tilespmem:s26+$0x1ABE0] =	vst.add.f32.msk $0xffff, v2  }
0x41b: {  	v2 =	vld.idx.msk [tilespmem:v1+s20+$0x0], vm15;
	_ =	sdelay $0x1  }
0x41c: {  	v1 =	vor.u32 $0x80, v1;
	_ =	sdelay $0x2  }
0x41d: {  	v2 =	vnsel vm15, $0x0, v2  }
0x41e: {  	[tilespmem:s26+$0x1AB70] =	vst.add.f32.msk $0xffff, v2  }
0x41f: {  	v1 =	vld.idx.msk [tilespmem:v1+s20+$0x0], vm15;
	_ =	sdelay $0x3  }
0x420: {  	s28 =	sadd.s32 s12, s8  }
0x421: {  	p0 =	seq.s32 s29, $0xC;
	s9 =	sshrl.u32 s28, $0x3;
	v1 =	vnsel vm15, $0x0, v1  }
.Ltmp7:
0x422: {  	s9 =	sadd.s32 s2, s9;
	[tilespmem:s26+$0x1ABF0] =	vst.add.f32.msk $0xffff, v1;
	(pc) =	sbr.rel @p0 .LBB2_20-.Ltmp7, $4  }
0x423: {  	[tilespmem:s20], [sflag:$0x2] =	stream.strided.gather [hbm4b:s9+s17], $0xC300, s18, s17, $0x38;
	[tilespmem:$0x1CB00] =	vst v63  }
0x424: {  	_ =	swait.ge [sflag:s21], $0x1000  }
0x425: {  	[sflag:s21] =	ssyncset.done $0x0  }
0x426: {  	[sflag:s21] =	ssyncadd.s32 $0xFFFFF000  }
0x427: {  	s0 =	sadd.s32 $0x2, s0  }
0x428: {  	s9 =	sshll.u32 s0, $0x4  }
0x429: {  	s0 =	sshll.u32 s0, $0x9;
	s9 =	sand.u32 $0x60, s9  }
0x42a: {  	s0 =	sand.u32 $0x7000, s0;
	s9 =	sadd.s32 s1, s9  }
0x42b: {  	s16 =	simm.s32 $0x80;
	s0 =	sadd.s32 s0, s9  }
0x42c: {  	s26 =	simm.s32 $0x100;
	s9 =	simm.s32 $0x0;
	s28 =	sadd.s32 $0x0, s0  }
.LBB2_18:
0x42d: {  	[tilespmem:s9], [sflag:$0x4] =	stream.linear.gather [hbm4b:s28+s4], $0x80, $0x38;
	[tilespmem:$0x1CB00] =	vst v63  }
0x42e: {  	s28 =	smov.u32 s16;
	s9 =	smov.u32 s26;
	p0 =	sne.s32 s16, $0xF80  }
.Ltmp8:
0x42f: {  	s16 =	sadd.s32 $0x80, s16;
	(pc) =	sbr.rel @p0 .LBB2_18-.Ltmp8, $2  }
0x430: {  	_ =	sdelay $0x2  }
0x431: {  	s26 =	sadd.s32 $0x100, s26;
	s28 =	sadd.s32 s28, s0  }
0x432: {  	[tilespmem:s9], [sflag:$0x4] =	stream.linear.gather [hbm4b:s28+s4], $0x80, $0x38;
	[tilespmem:$0x1CB00] =	vst v63  }
.LBB2_20:
0x433: {  	_ =	swait.ge [sflag:s22], $0xC400  }
0x434: {  	[sflag:s22] =	ssyncset.done $0x0  }
0x435: {  	s0 =	simm.s32 $0x0;
	[sflag:s22] =	ssyncadd.s32 $0xFFFF3C00  }
0x436: {  	v1 =	vld [tilespmem:s0+$0x80];
	_ =	sdelay $0x4  }
0x437: {  	v2 =	vshll.u32 v1, $0x1  }
0x438: {  	vm0 =	vlt.s32 v1, $0x6200;
	v1 =	vand.u32 $0x7F, v1;
	v2 =	vand.u32 $0xFFFFFF00, v2  }
0x439: {  	v1 =	vor.u32 v1, v2;
	_ =	sdelay $0x4  }
0x43a: {  	v2 =	vld.idx.msk [tilespmem:v1+s19+$0x0], vm0;
	_ =	sdelay $0x1  }
0x43b: {  	v3 =	vld [tilespmem:s0+$0x90];
	v1 =	vor.u32 $0x80, v1;
	_ =	sdelay $0x2  }
0x43c: {  	v2 =	vnsel vm0, $0x0, v2  }
0x43d: {  	[tilespmem:s0+$0x1AB00] =	vst.add.f32.msk $0xffff, v2  }
0x43e: {  	v2 =	vshll.u32 v3, $0x1;
	v1 =	vld.idx.msk [tilespmem:v1+s19+$0x0], vm0  }
0x43f: {  	vm1 =	vlt.s32 v3, $0x6200;
	v3 =	vand.u32 $0x7F, v3;
	v2 =	vand.u32 $0xFFFFFF00, v2  }
0x440: {  	v2 =	vor.u32 v3, v2;
	_ =	sdelay $0x2  }
0x441: {  	v1 =	vnsel vm0, $0x0, v1  }
0x442: {  	[tilespmem:s0+$0x1AB80] =	vst.add.f32.msk $0xffff, v1  }
0x443: {  	v1 =	vld.idx.msk [tilespmem:v2+s19+$0x0], vm1;
	_ =	sdelay $0x1  }
0x444: {  	v3 =	vld [tilespmem:s0+$0xA0];
	v2 =	vor.u32 $0x80, v2;
	_ =	sdelay $0x2  }
0x445: {  	v1 =	vnsel vm1, $0x0, v1  }
0x446: {  	[tilespmem:s0+$0x1AB10] =	vst.add.f32.msk $0xffff, v1  }
0x447: {  	v1 =	vld.idx.msk [tilespmem:v2+s19+$0x0], vm1;
	v2 =	vshll.u32 v3, $0x1  }
0x448: {  	vm0 =	vlt.s32 v3, $0x6200;
	v3 =	vand.u32 $0x7F, v3;
	v2 =	vand.u32 $0xFFFFFF00, v2  }
0x449: {  	v2 =	vor.u32 v3, v2;
	_ =	sdelay $0x2  }
0x44a: {  	v1 =	vnsel vm1, $0x0, v1  }
0x44b: {  	[tilespmem:s0+$0x1AB90] =	vst.add.f32.msk $0xffff, v1  }
0x44c: {  	v1 =	vld.idx.msk [tilespmem:v2+s19+$0x0], vm0;
	_ =	sdelay $0x1  }
0x44d: {  	v3 =	vld [tilespmem:s0+$0xB0];
	v2 =	vor.u32 $0x80, v2;
	_ =	sdelay $0x2  }
0x44e: {  	v1 =	vnsel vm0, $0x0, v1  }
0x44f: {  	[tilespmem:s0+$0x1AB20] =	vst.add.f32.msk $0xffff, v1  }
0x450: {  	v1 =	vld.idx.msk [tilespmem:v2+s19+$0x0], vm0;
	v2 =	vshll.u32 v3, $0x1  }
0x451: {  	vm1 =	vlt.s32 v3, $0x6200;
	v3 =	vand.u32 $0x7F, v3;
	v2 =	vand.u32 $0xFFFFFF00, v2  }
0x452: {  	v2 =	vor.u32 v3, v2;
	_ =	sdelay $0x2  }
0x453: {  	v1 =	vnsel vm0, $0x0, v1  }
0x454: {  	[tilespmem:s0+$0x1ABA0] =	vst.add.f32.msk $0xffff, v1  }
0x455: {  	v1 =	vld.idx.msk [tilespmem:v2+s19+$0x0], vm1;
	_ =	sdelay $0x1  }
0x456: {  	v3 =	vld [tilespmem:s0+$0xC0];
	v2 =	vor.u32 $0x80, v2;
	_ =	sdelay $0x2  }
0x457: {  	v1 =	vnsel vm1, $0x0, v1  }
0x458: {  	[tilespmem:s0+$0x1AB30] =	vst.add.f32.msk $0xffff, v1  }
0x459: {  	v1 =	vld.idx.msk [tilespmem:v2+s19+$0x0], vm1;
	v2 =	vshll.u32 v3, $0x1  }
0x45a: {  	vm0 =	vlt.s32 v3, $0x6200;
	v3 =	vand.u32 $0x7F, v3;
	v2 =	vand.u32 $0xFFFFFF00, v2  }
0x45b: {  	v2 =	vor.u32 v3, v2;
	_ =	sdelay $0x2  }
0x45c: {  	v1 =	vnsel vm1, $0x0, v1  }
0x45d: {  	[tilespmem:s0+$0x1ABB0] =	vst.add.f32.msk $0xffff, v1  }
0x45e: {  	v1 =	vld.idx.msk [tilespmem:v2+s19+$0x0], vm0;
	_ =	sdelay $0x1  }
0x45f: {  	v3 =	vld [tilespmem:s0+$0xD0];
	v2 =	vor.u32 $0x80, v2;
	_ =	sdelay $0x2  }
0x460: {  	v1 =	vnsel vm0, $0x0, v1  }
0x461: {  	[tilespmem:s0+$0x1AB40] =	vst.add.f32.msk $0xffff, v1  }
0x462: {  	v1 =	vld.idx.msk [tilespmem:v2+s19+$0x0], vm0;
	v2 =	vshll.u32 v3, $0x1  }
0x463: {  	vm1 =	vlt.s32 v3, $0x6200;
	v3 =	vand.u32 $0x7F, v3;
	v2 =	vand.u32 $0xFFFFFF00, v2  }
0x464: {  	v2 =	vor.u32 v3, v2;
	_ =	sdelay $0x2  }
0x465: {  	v1 =	vnsel vm0, $0x0, v1  }
0x466: {  	[tilespmem:s0+$0x1ABC0] =	vst.add.f32.msk $0xffff, v1  }
0x467: {  	v1 =	vld.idx.msk [tilespmem:v2+s19+$0x0], vm1;
	_ =	sdelay $0x1  }
0x468: {  	v3 =	vld [tilespmem:s0+$0xE0];
	v2 =	vor.u32 $0x80, v2;
	_ =	sdelay $0x2  }
0x469: {  	v1 =	vnsel vm1, $0x0, v1  }
0x46a: {  	[tilespmem:s0+$0x1AB50] =	vst.add.f32.msk $0xffff, v1  }
0x46b: {  	v1 =	vld.idx.msk [tilespmem:v2+s19+$0x0], vm1;
	v2 =	vshll.u32 v3, $0x1  }
0x46c: {  	vm2 =	vlt.s32 v3, $0x6200;
	v3 =	vand.u32 $0x7F, v3;
	v2 =	vand.u32 $0xFFFFFF00, v2  }
0x46d: {  	v2 =	vor.u32 v3, v2;
	_ =	sdelay $0x2  }
0x46e: {  	v1 =	vnsel vm1, $0x0, v1  }
0x46f: {  	[tilespmem:s0+$0x1ABD0] =	vst.add.f32.msk $0xffff, v1  }
0x470: {  	v1 =	vld.idx.msk [tilespmem:v2+s19+$0x0], vm2;
	_ =	sdelay $0x1  }
0x471: {  	v3 =	vld [tilespmem:s0+$0xF0];
	v2 =	vor.u32 $0x80, v2;
	_ =	sdelay $0x2  }
0x472: {  	v1 =	vnsel vm2, $0x0, v1  }
0x473: {  	[tilespmem:s0+$0x1AB60] =	vst.add.f32.msk $0xffff, v1  }
0x474: {  	v1 =	vld.idx.msk [tilespmem:v2+s19+$0x0], vm2;
	v2 =	vshll.u32 v3, $0x1  }
0x475: {  	vm0 =	vlt.s32 v3, $0x6200;
	v3 =	vand.u32 $0x7F, v3;
	v2 =	vand.u32 $0xFFFFFF00, v2  }
0x476: {  	v2 =	vor.u32 v3, v2;
	_ =	sdelay $0x2  }
0x477: {  	v1 =	vnsel vm2, $0x0, v1  }
0x478: {  	[tilespmem:s0+$0x1ABE0] =	vst.add.f32.msk $0xffff, v1  }
0x479: {  	v1 =	vld.idx.msk [tilespmem:v2+s19+$0x0], vm0;
	_ =	sdelay $0x1  }
0x47a: {  	s16 =	simm.s32 $0x100;
	s9 =	simm.s32 $0x800;
	v2 =	vor.u32 $0x80, v2  }
.LBB2_21:
0x47b: {  	p0 =	sne.s32 s9, $0x7C00;
	v3 =	vld [tilespmem:s16+$0x80];
	_ =	sdelay $0x1  }
0x47c: {  	v1 =	vnsel vm0, $0x0, v1  }
0x47d: {  	[tilespmem:s0+$0x1AB70] =	vst.add.f32.msk $0xffff, v1  }
0x47e: {  	v1 =	vld.idx.msk [tilespmem:v2+s19+$0x0], vm0  }
0x47f: {  	v2 =	vshll.u32 v3, $0x1  }
0x480: {  	vm1 =	vlt.s32 v3, $0x6200;
	v3 =	vand.u32 $0x7F, v3;
	v2 =	vand.u32 $0xFFFFFF00, v2  }
0x481: {  	v2 =	vor.u32 v3, v2;
	_ =	sdelay $0x2  }
0x482: {  	v1 =	vnsel vm0, $0x0, v1  }
0x483: {  	[tilespmem:s0+$0x1ABF0] =	vst.add.f32.msk $0xffff, v1;
	s0 =	smov.u32 s16  }
0x484: {  	v1 =	vld.idx.msk [tilespmem:v2+s19+$0x0], vm1;
	_ =	sdelay $0x2  }
0x485: {  	v2 =	vor.u32 $0x80, v2  }
0x486: {  	v3 =	vld [tilespmem:s0+$0x90];
	_ =	sdelay $0x1  }
0x487: {  	v1 =	vnsel vm1, $0x0, v1  }
0x488: {  	[tilespmem:s0+$0x1AB00] =	vst.add.f32.msk $0xffff, v1  }
0x489: {  	v1 =	vld.idx.msk [tilespmem:v2+s19+$0x0], vm1  }
0x48a: {  	v2 =	vshll.u32 v3, $0x1  }
0x48b: {  	vm0 =	vlt.s32 v3, $0x6200;
	v3 =	vand.u32 $0x7F, v3;
	v2 =	vand.u32 $0xFFFFFF00, v2  }
0x48c: {  	v2 =	vor.u32 v3, v2;
	_ =	sdelay $0x2  }
0x48d: {  	v1 =	vnsel vm1, $0x0, v1  }
0x48e: {  	[tilespmem:s0+$0x1AB80] =	vst.add.f32.msk $0xffff, v1  }
0x48f: {  	v1 =	vld.idx.msk [tilespmem:v2+s19+$0x0], vm0;
	_ =	sdelay $0x2  }
0x490: {  	v2 =	vor.u32 $0x80, v2  }
0x491: {  	v3 =	vld [tilespmem:s0+$0xA0];
	_ =	sdelay $0x1  }
0x492: {  	v1 =	vnsel vm0, $0x0, v1  }
0x493: {  	[tilespmem:s0+$0x1AB10] =	vst.add.f32.msk $0xffff, v1  }
0x494: {  	v1 =	vld.idx.msk [tilespmem:v2+s19+$0x0], vm0  }
0x495: {  	v2 =	vshll.u32 v3, $0x1  }
0x496: {  	vm1 =	vlt.s32 v3, $0x6200;
	v3 =	vand.u32 $0x7F, v3;
	v2 =	vand.u32 $0xFFFFFF00, v2  }
0x497: {  	v2 =	vor.u32 v3, v2;
	_ =	sdelay $0x2  }
0x498: {  	v1 =	vnsel vm0, $0x0, v1  }
0x499: {  	[tilespmem:s0+$0x1AB90] =	vst.add.f32.msk $0xffff, v1  }
0x49a: {  	v1 =	vld.idx.msk [tilespmem:v2+s19+$0x0], vm1;
	_ =	sdelay $0x2  }
0x49b: {  	v2 =	vor.u32 $0x80, v2  }
0x49c: {  	v3 =	vld [tilespmem:s0+$0xB0];
	_ =	sdelay $0x1  }
0x49d: {  	v1 =	vnsel vm1, $0x0, v1  }
0x49e: {  	[tilespmem:s0+$0x1AB20] =	vst.add.f32.msk $0xffff, v1  }
0x49f: {  	v1 =	vld.idx.msk [tilespmem:v2+s19+$0x0], vm1  }
0x4a0: {  	v2 =	vshll.u32 v3, $0x1  }
0x4a1: {  	vm0 =	vlt.s32 v3, $0x6200;
	v3 =	vand.u32 $0x7F, v3;
	v2 =	vand.u32 $0xFFFFFF00, v2  }
0x4a2: {  	v2 =	vor.u32 v3, v2;
	_ =	sdelay $0x2  }
0x4a3: {  	v1 =	vnsel vm1, $0x0, v1  }
0x4a4: {  	[tilespmem:s0+$0x1ABA0] =	vst.add.f32.msk $0xffff, v1  }
0x4a5: {  	v1 =	vld.idx.msk [tilespmem:v2+s19+$0x0], vm0;
	_ =	sdelay $0x2  }
0x4a6: {  	v2 =	vor.u32 $0x80, v2  }
0x4a7: {  	v3 =	vld [tilespmem:s0+$0xC0];
	_ =	sdelay $0x1  }
0x4a8: {  	v1 =	vnsel vm0, $0x0, v1  }
0x4a9: {  	[tilespmem:s0+$0x1AB30] =	vst.add.f32.msk $0xffff, v1  }
0x4aa: {  	v1 =	vld.idx.msk [tilespmem:v2+s19+$0x0], vm0  }
0x4ab: {  	v2 =	vshll.u32 v3, $0x1  }
0x4ac: {  	vm1 =	vlt.s32 v3, $0x6200;
	v3 =	vand.u32 $0x7F, v3;
	v2 =	vand.u32 $0xFFFFFF00, v2  }
0x4ad: {  	v2 =	vor.u32 v3, v2;
	_ =	sdelay $0x2  }
0x4ae: {  	v1 =	vnsel vm0, $0x0, v1  }
0x4af: {  	[tilespmem:s0+$0x1ABB0] =	vst.add.f32.msk $0xffff, v1  }
0x4b0: {  	v1 =	vld.idx.msk [tilespmem:v2+s19+$0x0], vm1;
	_ =	sdelay $0x2  }
0x4b1: {  	v2 =	vor.u32 $0x80, v2  }
0x4b2: {  	v3 =	vld [tilespmem:s0+$0xD0];
	_ =	sdelay $0x1  }
0x4b3: {  	v1 =	vnsel vm1, $0x0, v1  }
0x4b4: {  	[tilespmem:s0+$0x1AB40] =	vst.add.f32.msk $0xffff, v1  }
0x4b5: {  	v1 =	vld.idx.msk [tilespmem:v2+s19+$0x0], vm1  }
0x4b6: {  	v2 =	vshll.u32 v3, $0x1  }
0x4b7: {  	vm0 =	vlt.s32 v3, $0x6200;
	v3 =	vand.u32 $0x7F, v3;
	v2 =	vand.u32 $0xFFFFFF00, v2  }
0x4b8: {  	v2 =	vor.u32 v3, v2;
	_ =	sdelay $0x2  }
0x4b9: {  	v1 =	vnsel vm1, $0x0, v1  }
0x4ba: {  	[tilespmem:s0+$0x1ABC0] =	vst.add.f32.msk $0xffff, v1  }
0x4bb: {  	v1 =	vld.idx.msk [tilespmem:v2+s19+$0x0], vm0;
	_ =	sdelay $0x2  }
0x4bc: {  	v2 =	vor.u32 $0x80, v2  }
0x4bd: {  	v3 =	vld [tilespmem:s0+$0xE0];
	_ =	sdelay $0x1  }
0x4be: {  	v1 =	vnsel vm0, $0x0, v1  }
0x4bf: {  	[tilespmem:s0+$0x1AB50] =	vst.add.f32.msk $0xffff, v1  }
0x4c0: {  	v1 =	vld.idx.msk [tilespmem:v2+s19+$0x0], vm0  }
0x4c1: {  	v2 =	vshll.u32 v3, $0x1  }
0x4c2: {  	vm1 =	vlt.s32 v3, $0x6200;
	v3 =	vand.u32 $0x7F, v3;
	v2 =	vand.u32 $0xFFFFFF00, v2  }
0x4c3: {  	v2 =	vor.u32 v3, v2;
	_ =	sdelay $0x2  }
0x4c4: {  	v1 =	vnsel vm0, $0x0, v1  }
0x4c5: {  	[tilespmem:s0+$0x1ABD0] =	vst.add.f32.msk $0xffff, v1  }
0x4c6: {  	v1 =	vld.idx.msk [tilespmem:v2+s19+$0x0], vm1;
	_ =	sdelay $0x2  }
0x4c7: {  	v2 =	vor.u32 $0x80, v2  }
0x4c8: {  	v3 =	vld [tilespmem:s0+$0xF0];
	_ =	sdelay $0x1  }
0x4c9: {  	v1 =	vnsel vm1, $0x0, v1  }
0x4ca: {  	[tilespmem:s0+$0x1AB60] =	vst.add.f32.msk $0xffff, v1  }
0x4cb: {  	v1 =	vld.idx.msk [tilespmem:v2+s19+$0x0], vm1  }
0x4cc: {  	v2 =	vshll.u32 v3, $0x1  }
0x4cd: {  	vm0 =	vlt.s32 v3, $0x6200;
	v3 =	vand.u32 $0x7F, v3;
	v2 =	vand.u32 $0xFFFFFF00, v2  }
0x4ce: {  	v2 =	vor.u32 v3, v2;
	_ =	sdelay $0x2  }
0x4cf: {  	v1 =	vnsel vm1, $0x0, v1  }
.Ltmp9:
0x4d0: {  	[tilespmem:s0+$0x1ABE0] =	vst.add.f32.msk $0xffff, v1;
	(pc) =	sbr.rel @p0 .LBB2_21-.Ltmp9, $2  }
0x4d1: {  	v1 =	vld.idx.msk [tilespmem:v2+s19+$0x0], vm0;
	_ =	sdelay $0x2  }
0x4d2: {  	s16 =	sshra.s32 s9, $0x2;
	s9 =	sadd.s32 $0x400, s9;
	v2 =	vor.u32 $0x80, v2  }
0x4d3: {  	v3 =	vld [tilespmem:s16+$0x80];
	_ =	sdelay $0x2  }
0x4d4: {  	v1 =	vnsel vm0, $0x0, v1  }
0x4d5: {  	[tilespmem:s0+$0x1AB70] =	vst.add.f32.msk $0xffff, v1  }
0x4d6: {  	v1 =	vld.idx.msk [tilespmem:v2+s19+$0x0], vm0;
	v2 =	vshll.u32 v3, $0x1  }
0x4d7: {  	vm1 =	vlt.s32 v3, $0x6200;
	v3 =	vand.u32 $0x7F, v3;
	v2 =	vand.u32 $0xFFFFFF00, v2  }
0x4d8: {  	v2 =	vor.u32 v3, v2;
	_ =	sdelay $0x2  }
0x4d9: {  	v1 =	vnsel vm0, $0x0, v1  }
0x4da: {  	[tilespmem:s0+$0x1ABF0] =	vst.add.f32.msk $0xffff, v1  }
0x4db: {  	v1 =	vld.idx.msk [tilespmem:v2+s19+$0x0], vm1;
	_ =	sdelay $0x1  }
0x4dc: {  	v3 =	vld [tilespmem:s16+$0x90];
	v2 =	vor.u32 $0x80, v2;
	_ =	sdelay $0x2  }
0x4dd: {  	v1 =	vnsel vm1, $0x0, v1  }
0x4de: {  	[tilespmem:s16+$0x1AB00] =	vst.add.f32.msk $0xffff, v1  }
0x4df: {  	v1 =	vld.idx.msk [tilespmem:v2+s19+$0x0], vm1;
	v2 =	vshll.u32 v3, $0x1  }
0x4e0: {  	vm0 =	vlt.s32 v3, $0x6200;
	v3 =	vand.u32 $0x7F, v3;
	v2 =	vand.u32 $0xFFFFFF00, v2  }
0x4e1: {  	v2 =	vor.u32 v3, v2;
	_ =	sdelay $0x2  }
0x4e2: {  	v1 =	vnsel vm1, $0x0, v1  }
0x4e3: {  	[tilespmem:s16+$0x1AB80] =	vst.add.f32.msk $0xffff, v1  }
0x4e4: {  	v1 =	vld.idx.msk [tilespmem:v2+s19+$0x0], vm0;
	_ =	sdelay $0x1  }
0x4e5: {  	v3 =	vld [tilespmem:s16+$0xA0];
	v2 =	vor.u32 $0x80, v2;
	_ =	sdelay $0x2  }
0x4e6: {  	v1 =	vnsel vm0, $0x0, v1  }
0x4e7: {  	[tilespmem:s16+$0x1AB10] =	vst.add.f32.msk $0xffff, v1  }
0x4e8: {  	v1 =	vld.idx.msk [tilespmem:v2+s19+$0x0], vm0;
	v2 =	vshll.u32 v3, $0x1  }
0x4e9: {  	vm1 =	vlt.s32 v3, $0x6200;
	v3 =	vand.u32 $0x7F, v3;
	v2 =	vand.u32 $0xFFFFFF00, v2  }
0x4ea: {  	v2 =	vor.u32 v3, v2;
	_ =	sdelay $0x2  }
0x4eb: {  	v1 =	vnsel vm0, $0x0, v1  }
0x4ec: {  	[tilespmem:s16+$0x1AB90] =	vst.add.f32.msk $0xffff, v1  }
0x4ed: {  	v1 =	vld.idx.msk [tilespmem:v2+s19+$0x0], vm1;
	_ =	sdelay $0x1  }
0x4ee: {  	v3 =	vld [tilespmem:s16+$0xB0];
	v2 =	vor.u32 $0x80, v2;
	_ =	sdelay $0x2  }
0x4ef: {  	v1 =	vnsel vm1, $0x0, v1  }
0x4f0: {  	[tilespmem:s16+$0x1AB20] =	vst.add.f32.msk $0xffff, v1  }
0x4f1: {  	v1 =	vld.idx.msk [tilespmem:v2+s19+$0x0], vm1;
	v2 =	vshll.u32 v3, $0x1  }
0x4f2: {  	vm0 =	vlt.s32 v3, $0x6200;
	v3 =	vand.u32 $0x7F, v3;
	v2 =	vand.u32 $0xFFFFFF00, v2  }
0x4f3: {  	v2 =	vor.u32 v3, v2;
	_ =	sdelay $0x2  }
0x4f4: {  	v1 =	vnsel vm1, $0x0, v1  }
0x4f5: {  	[tilespmem:s16+$0x1ABA0] =	vst.add.f32.msk $0xffff, v1  }
0x4f6: {  	v1 =	vld.idx.msk [tilespmem:v2+s19+$0x0], vm0;
	_ =	sdelay $0x1  }
0x4f7: {  	v3 =	vld [tilespmem:s16+$0xC0];
	v2 =	vor.u32 $0x80, v2;
	_ =	sdelay $0x2  }
0x4f8: {  	v1 =	vnsel vm0, $0x0, v1  }
0x4f9: {  	[tilespmem:s16+$0x1AB30] =	vst.add.f32.msk $0xffff, v1  }
0x4fa: {  	v1 =	vld.idx.msk [tilespmem:v2+s19+$0x0], vm0;
	v2 =	vshll.u32 v3, $0x1  }
0x4fb: {  	vm1 =	vlt.s32 v3, $0x6200;
	v3 =	vand.u32 $0x7F, v3;
	v2 =	vand.u32 $0xFFFFFF00, v2  }
0x4fc: {  	v2 =	vor.u32 v3, v2;
	_ =	sdelay $0x2  }
0x4fd: {  	v1 =	vnsel vm0, $0x0, v1  }
0x4fe: {  	[tilespmem:s16+$0x1ABB0] =	vst.add.f32.msk $0xffff, v1  }
0x4ff: {  	v1 =	vld.idx.msk [tilespmem:v2+s19+$0x0], vm1;
	_ =	sdelay $0x1  }
0x500: {  	v3 =	vld [tilespmem:s16+$0xD0];
	v2 =	vor.u32 $0x80, v2;
	_ =	sdelay $0x2  }
0x501: {  	v1 =	vnsel vm1, $0x0, v1  }
0x502: {  	[tilespmem:s16+$0x1AB40] =	vst.add.f32.msk $0xffff, v1  }
0x503: {  	v1 =	vld.idx.msk [tilespmem:v2+s19+$0x0], vm1;
	v2 =	vshll.u32 v3, $0x1  }
0x504: {  	vm0 =	vlt.s32 v3, $0x6200;
	v3 =	vand.u32 $0x7F, v3;
	v2 =	vand.u32 $0xFFFFFF00, v2  }
0x505: {  	v2 =	vor.u32 v3, v2;
	_ =	sdelay $0x2  }
0x506: {  	v1 =	vnsel vm1, $0x0, v1  }
0x507: {  	[tilespmem:s16+$0x1ABC0] =	vst.add.f32.msk $0xffff, v1  }
0x508: {  	v1 =	vld.idx.msk [tilespmem:v2+s19+$0x0], vm0;
	_ =	sdelay $0x1  }
0x509: {  	v3 =	vld [tilespmem:s16+$0xE0];
	v2 =	vor.u32 $0x80, v2;
	_ =	sdelay $0x2  }
0x50a: {  	v1 =	vnsel vm0, $0x0, v1  }
0x50b: {  	[tilespmem:s16+$0x1AB50] =	vst.add.f32.msk $0xffff, v1  }
0x50c: {  	v1 =	vld.idx.msk [tilespmem:v2+s19+$0x0], vm0;
	v2 =	vshll.u32 v3, $0x1  }
0x50d: {  	vm1 =	vlt.s32 v3, $0x6200;
	v3 =	vand.u32 $0x7F, v3;
	v2 =	vand.u32 $0xFFFFFF00, v2  }
0x50e: {  	v2 =	vor.u32 v3, v2;
	_ =	sdelay $0x2  }
0x50f: {  	v1 =	vnsel vm0, $0x0, v1  }
0x510: {  	[tilespmem:s16+$0x1ABD0] =	vst.add.f32.msk $0xffff, v1  }
0x511: {  	v1 =	vld.idx.msk [tilespmem:v2+s19+$0x0], vm1;
	_ =	sdelay $0x1  }
0x512: {  	v3 =	vld [tilespmem:s16+$0xF0];
	v2 =	vor.u32 $0x80, v2;
	_ =	sdelay $0x2  }
0x513: {  	v1 =	vnsel vm1, $0x0, v1  }
0x514: {  	[tilespmem:s16+$0x1AB60] =	vst.add.f32.msk $0xffff, v1  }
0x515: {  	v1 =	vld.idx.msk [tilespmem:v2+s19+$0x0], vm1;
	v2 =	vshll.u32 v3, $0x1  }
0x516: {  	vm0 =	vlt.s32 v3, $0x6200;
	v3 =	vand.u32 $0x7F, v3;
	v2 =	vand.u32 $0xFFFFFF00, v2  }
0x517: {  	v2 =	vor.u32 v3, v2;
	_ =	sdelay $0x2  }
0x518: {  	v1 =	vnsel vm1, $0x0, v1  }
0x519: {  	[tilespmem:s16+$0x1ABE0] =	vst.add.f32.msk $0xffff, v1  }
0x51a: {  	v1 =	vld.idx.msk [tilespmem:v2+s19+$0x0], vm0;
	_ =	sdelay $0x1  }
0x51b: {  	v2 =	vor.u32 $0x80, v2;
	_ =	sdelay $0x2  }
0x51c: {  	v1 =	vnsel vm0, $0x0, v1  }
0x51d: {  	[tilespmem:s16+$0x1AB70] =	vst.add.f32.msk $0xffff, v1  }
0x51e: {  	v1 =	vld.idx.msk [tilespmem:v2+s19+$0x0], vm0;
	_ =	sdelay $0x3  }
0x51f: {  	s28 =	sadd.s32 s10, s8  }
0x520: {  	s0 =	sshrl.u32 s28, $0x3;
	v1 =	vnsel vm0, $0x0, v1  }
0x521: {  	s0 =	sadd.s32 s2, s0;
	[tilespmem:s16+$0x1ABF0] =	vst.add.f32.msk $0xffff, v1  }
0x522: {  	[tilespmem:s19], [sflag:$0x1] =	stream.strided.gather [hbm4b:s0+s17], $0xC300, s18, s17, $0x38;
	[tilespmem:$0x1CB00] =	vst v63  }
0x523: {  	_ =	swait.ge [sflag:s23], $0xC300  }
0x524: {  	[sflag:s23] =	ssyncset.done $0x0  }
0x525: {  	s0 =	simm.s32 $0x0;
	[sflag:s23] =	ssyncadd.s32 $0xFFFF3D00  }
0x526: {  	v1 =	vld [tilespmem:s0+$0x80];
	_ =	sdelay $0x4  }
0x527: {  	v2 =	vadd.s32 $0xFFFF9E00, v1  }
0x528: {  	v3 =	vshll.u32 v2, $0x1  }
0x529: {  	v1 =	vand.u32 $0x7F, v1;
	vm0 =	vlt.u32 v2, $0x6180;
	v2 =	vand.u32 $0xFFFFFF00, v3  }
0x52a: {  	v1 =	vor.u32 v1, v2;
	_ =	sdelay $0x4  }
0x52b: {  	v2 =	vld.idx.msk [tilespmem:v1+s20+$0x0], vm0  }
0x52c: {  	v3 =	vld [tilespmem:s0+$0x90]  }
0x52d: {  	v1 =	vor.u32 $0x80, v1;
	_ =	sdelay $0x2  }
0x52e: {  	v2 =	vnsel vm0, $0x0, v2  }
0x52f: {  	[tilespmem:s0+$0x1AB00] =	vst.add.f32.msk $0xffff, v2;
	v2 =	vadd.s32 $0xFFFF9E00, v3  }
0x530: {  	v1 =	vld.idx.msk [tilespmem:v1+s20+$0x0], vm0;
	v4 =	vshll.u32 v2, $0x1  }
0x531: {  	vm1 =	vlt.u32 v2, $0x6180;
	v2 =	vand.u32 $0x7F, v3;
	v3 =	vand.u32 $0xFFFFFF00, v4  }
0x532: {  	v2 =	vor.u32 v2, v3;
	_ =	sdelay $0x2  }
0x533: {  	v1 =	vnsel vm0, $0x0, v1  }
0x534: {  	[tilespmem:s0+$0x1AB80] =	vst.add.f32.msk $0xffff, v1  }
0x535: {  	v1 =	vld.idx.msk [tilespmem:v2+s20+$0x0], vm1  }
0x536: {  	v3 =	vld [tilespmem:s0+$0xA0]  }
0x537: {  	v2 =	vor.u32 $0x80, v2;
	_ =	sdelay $0x2  }
0x538: {  	v1 =	vnsel vm1, $0x0, v1  }
0x539: {  	[tilespmem:s0+$0x1AB10] =	vst.add.f32.msk $0xffff, v1;
	v1 =	vadd.s32 $0xFFFF9E00, v3  }
0x53a: {  	v2 =	vld.idx.msk [tilespmem:v2+s20+$0x0], vm1;
	v58 =	vshll.u32 v1, $0x1  }
0x53b: {  	vm0 =	vlt.u32 v1, $0x6180;
	v1 =	vand.u32 $0x7F, v3;
	v3 =	vand.u32 $0xFFFFFF00, v58  }
0x53c: {  	v1 =	vor.u32 v1, v3;
	_ =	sdelay $0x2  }
0x53d: {  	v2 =	vnsel vm1, $0x0, v2  }
0x53e: {  	[tilespmem:s0+$0x1AB90] =	vst.add.f32.msk $0xffff, v2  }
0x53f: {  	v2 =	vld.idx.msk [tilespmem:v1+s20+$0x0], vm0  }
0x540: {  	v3 =	vld [tilespmem:s0+$0xB0]  }
0x541: {  	v1 =	vor.u32 $0x80, v1;
	_ =	sdelay $0x2  }
0x542: {  	v2 =	vnsel vm0, $0x0, v2  }
0x543: {  	[tilespmem:s0+$0x1AB20] =	vst.add.f32.msk $0xffff, v2;
	v2 =	vadd.s32 $0xFFFF9E00, v3  }
0x544: {  	v1 =	vld.idx.msk [tilespmem:v1+s20+$0x0], vm0;
	v59 =	vshll.u32 v2, $0x1  }
0x545: {  	vm1 =	vlt.u32 v2, $0x6180;
	v2 =	vand.u32 $0x7F, v3;
	v3 =	vand.u32 $0xFFFFFF00, v59  }
0x546: {  	v2 =	vor.u32 v2, v3;
	_ =	sdelay $0x2  }
0x547: {  	v1 =	vnsel vm0, $0x0, v1  }
0x548: {  	[tilespmem:s0+$0x1ABA0] =	vst.add.f32.msk $0xffff, v1  }
0x549: {  	v1 =	vld.idx.msk [tilespmem:v2+s20+$0x0], vm1  }
0x54a: {  	v3 =	vld [tilespmem:s0+$0xC0]  }
0x54b: {  	v2 =	vor.u32 $0x80, v2;
	_ =	sdelay $0x2  }
0x54c: {  	v1 =	vnsel vm1, $0x0, v1  }
0x54d: {  	[tilespmem:s0+$0x1AB30] =	vst.add.f32.msk $0xffff, v1;
	v1 =	vadd.s32 $0xFFFF9E00, v3  }
0x54e: {  	v2 =	vld.idx.msk [tilespmem:v2+s20+$0x0], vm1;
	v60 =	vshll.u32 v1, $0x1  }
0x54f: {  	vm0 =	vlt.u32 v1, $0x6180;
	v1 =	vand.u32 $0x7F, v3;
	v3 =	vand.u32 $0xFFFFFF00, v60  }
0x550: {  	v1 =	vor.u32 v1, v3;
	_ =	sdelay $0x2  }
0x551: {  	v2 =	vnsel vm1, $0x0, v2  }
0x552: {  	[tilespmem:s0+$0x1ABB0] =	vst.add.f32.msk $0xffff, v2  }
0x553: {  	v2 =	vld.idx.msk [tilespmem:v1+s20+$0x0], vm0  }
0x554: {  	v3 =	vld [tilespmem:s0+$0xD0]  }
0x555: {  	v1 =	vor.u32 $0x80, v1;
	_ =	sdelay $0x2  }
0x556: {  	v2 =	vnsel vm0, $0x0, v2  }
0x557: {  	[tilespmem:s0+$0x1AB40] =	vst.add.f32.msk $0xffff, v2;
	v2 =	vadd.s32 $0xFFFF9E00, v3  }
0x558: {  	v1 =	vld.idx.msk [tilespmem:v1+s20+$0x0], vm0;
	v61 =	vshll.u32 v2, $0x1  }
0x559: {  	vm1 =	vlt.u32 v2, $0x6180;
	v2 =	vand.u32 $0x7F, v3;
	v3 =	vand.u32 $0xFFFFFF00, v61  }
0x55a: {  	v2 =	vor.u32 v2, v3;
	_ =	sdelay $0x2  }
0x55b: {  	v1 =	vnsel vm0, $0x0, v1  }
0x55c: {  	[tilespmem:s0+$0x1ABC0] =	vst.add.f32.msk $0xffff, v1  }
0x55d: {  	v1 =	vld.idx.msk [tilespmem:v2+s20+$0x0], vm1  }
0x55e: {  	v3 =	vld [tilespmem:s0+$0xE0]  }
0x55f: {  	v2 =	vor.u32 $0x80, v2;
	_ =	sdelay $0x2  }
0x560: {  	v1 =	vnsel vm1, $0x0, v1  }
0x561: {  	[tilespmem:s0+$0x1AB50] =	vst.add.f32.msk $0xffff, v1;
	v1 =	vadd.s32 $0xFFFF9E00, v3  }
0x562: {  	v2 =	vld.idx.msk [tilespmem:v2+s20+$0x0], vm1;
	v62 =	vshll.u32 v1, $0x1  }
0x563: {  	vm2 =	vlt.u32 v1, $0x6180;
	v1 =	vand.u32 $0x7F, v3;
	v3 =	vand.u32 $0xFFFFFF00, v62  }
0x564: {  	v1 =	vor.u32 v1, v3;
	_ =	sdelay $0x2  }
0x565: {  	v2 =	vnsel vm1, $0x0, v2  }
0x566: {  	[tilespmem:s0+$0x1ABD0] =	vst.add.f32.msk $0xffff, v2  }
0x567: {  	v2 =	vld.idx.msk [tilespmem:v1+s20+$0x0], vm2  }
0x568: {  	v3 =	vld [tilespmem:s0+$0xF0]  }
0x569: {  	v1 =	vor.u32 $0x80, v1;
	_ =	sdelay $0x2  }
0x56a: {  	v2 =	vnsel vm2, $0x0, v2  }
0x56b: {  	[tilespmem:s0+$0x1AB60] =	vst.add.f32.msk $0xffff, v2;
	v2 =	vadd.s32 $0xFFFF9E00, v3  }
0x56c: {  	v63 =	vld.idx.msk [tilespmem:v1+s20+$0x0], vm2;
	v1 =	vshll.u32 v2, $0x1  }
0x56d: {  	vm0 =	vlt.u32 v2, $0x6180;
	v2 =	vand.u32 $0x7F, v3;
	v1 =	vand.u32 $0xFFFFFF00, v1  }
0x56e: {  	v1 =	vor.u32 v2, v1;
	_ =	sdelay $0x2  }
0x56f: {  	v2 =	vnsel vm2, $0x0, v63  }
0x570: {  	[tilespmem:s0+$0x1ABE0] =	vst.add.f32.msk $0xffff, v2  }
0x571: {  	v2 =	vld.idx.msk [tilespmem:v1+s20+$0x0], vm0  }
0x572: {  	s9 =	simm.s32 $0x800;
	s16 =	simm.s32 $0x100  }
.LBB2_23:
0x573: {  	p0 =	sne.s32 s9, $0x7C00;
	v3 =	vld [tilespmem:s16+$0x80];
	v1 =	vor.u32 $0x80, v1;
	_ =	sdelay $0x2  }
0x574: {  	v2 =	vnsel vm0, $0x0, v2  }
0x575: {  	[tilespmem:s0+$0x1AB70] =	vst.add.f32.msk $0xffff, v2  }
0x576: {  	v2 =	vadd.s32 $0xFFFF9E00, v3;
	v1 =	vld.idx.msk [tilespmem:v1+s20+$0x0], vm0  }
0x577: {  	v4 =	vshll.u32 v2, $0x1  }
0x578: {  	vm1 =	vlt.u32 v2, $0x6180;
	v2 =	vand.u32 $0x7F, v3;
	v3 =	vand.u32 $0xFFFFFF00, v4  }
0x579: {  	v2 =	vor.u32 v2, v3;
	_ =	sdelay $0x2  }
0x57a: {  	v1 =	vnsel vm0, $0x0, v1  }
0x57b: {  	[tilespmem:s0+$0x1ABF0] =	vst.add.f32.msk $0xffff, v1;
	s0 =	smov.u32 s16  }
0x57c: {  	v1 =	vld.idx.msk [tilespmem:v2+s20+$0x0], vm1;
	_ =	sdelay $0x2  }
0x57d: {  	v2 =	vor.u32 $0x80, v2;
	v3 =	vld [tilespmem:s0+$0x90];
	_ =	sdelay $0x2  }
0x57e: {  	v1 =	vnsel vm1, $0x0, v1  }
0x57f: {  	[tilespmem:s0+$0x1AB00] =	vst.add.f32.msk $0xffff, v1  }
0x580: {  	v1 =	vld.idx.msk [tilespmem:v2+s20+$0x0], vm1;
	v2 =	vadd.s32 $0xFFFF9E00, v3  }
0x581: {  	v4 =	vshll.u32 v2, $0x1  }
0x582: {  	vm0 =	vlt.u32 v2, $0x6180;
	v2 =	vand.u32 $0x7F, v3;
	v3 =	vand.u32 $0xFFFFFF00, v4  }
0x583: {  	v2 =	vor.u32 v2, v3;
	_ =	sdelay $0x2  }
0x584: {  	v1 =	vnsel vm1, $0x0, v1  }
0x585: {  	[tilespmem:s0+$0x1AB80] =	vst.add.f32.msk $0xffff, v1  }
0x586: {  	v1 =	vld.idx.msk [tilespmem:v2+s20+$0x0], vm0;
	_ =	sdelay $0x2  }
0x587: {  	v2 =	vor.u32 $0x80, v2;
	v3 =	vld [tilespmem:s0+$0xA0];
	_ =	sdelay $0x2  }
0x588: {  	v1 =	vnsel vm0, $0x0, v1  }
0x589: {  	[tilespmem:s0+$0x1AB10] =	vst.add.f32.msk $0xffff, v1  }
0x58a: {  	v1 =	vld.idx.msk [tilespmem:v2+s20+$0x0], vm0;
	v2 =	vadd.s32 $0xFFFF9E00, v3  }
0x58b: {  	v4 =	vshll.u32 v2, $0x1  }
0x58c: {  	vm1 =	vlt.u32 v2, $0x6180;
	v2 =	vand.u32 $0x7F, v3;
	v3 =	vand.u32 $0xFFFFFF00, v4  }
0x58d: {  	v2 =	vor.u32 v2, v3;
	_ =	sdelay $0x2  }
0x58e: {  	v1 =	vnsel vm0, $0x0, v1  }
0x58f: {  	[tilespmem:s0+$0x1AB90] =	vst.add.f32.msk $0xffff, v1  }
0x590: {  	v1 =	vld.idx.msk [tilespmem:v2+s20+$0x0], vm1;
	_ =	sdelay $0x2  }
0x591: {  	v2 =	vor.u32 $0x80, v2;
	v3 =	vld [tilespmem:s0+$0xB0];
	_ =	sdelay $0x2  }
0x592: {  	v1 =	vnsel vm1, $0x0, v1  }
0x593: {  	[tilespmem:s0+$0x1AB20] =	vst.add.f32.msk $0xffff, v1  }
0x594: {  	v1 =	vld.idx.msk [tilespmem:v2+s20+$0x0], vm1;
	v2 =	vadd.s32 $0xFFFF9E00, v3  }
0x595: {  	v4 =	vshll.u32 v2, $0x1  }
0x596: {  	vm0 =	vlt.u32 v2, $0x6180;
	v2 =	vand.u32 $0x7F, v3;
	v3 =	vand.u32 $0xFFFFFF00, v4  }
0x597: {  	v2 =	vor.u32 v2, v3;
	_ =	sdelay $0x2  }
0x598: {  	v1 =	vnsel vm1, $0x0, v1  }
0x599: {  	[tilespmem:s0+$0x1ABA0] =	vst.add.f32.msk $0xffff, v1  }
0x59a: {  	v1 =	vld.idx.msk [tilespmem:v2+s20+$0x0], vm0;
	_ =	sdelay $0x2  }
0x59b: {  	v2 =	vor.u32 $0x80, v2;
	v3 =	vld [tilespmem:s0+$0xC0];
	_ =	sdelay $0x2  }
0x59c: {  	v1 =	vnsel vm0, $0x0, v1  }
0x59d: {  	[tilespmem:s0+$0x1AB30] =	vst.add.f32.msk $0xffff, v1  }
0x59e: {  	v1 =	vld.idx.msk [tilespmem:v2+s20+$0x0], vm0;
	v2 =	vadd.s32 $0xFFFF9E00, v3  }
0x59f: {  	v4 =	vshll.u32 v2, $0x1  }
0x5a0: {  	vm1 =	vlt.u32 v2, $0x6180;
	v2 =	vand.u32 $0x7F, v3;
	v3 =	vand.u32 $0xFFFFFF00, v4  }
0x5a1: {  	v2 =	vor.u32 v2, v3;
	_ =	sdelay $0x2  }
0x5a2: {  	v1 =	vnsel vm0, $0x0, v1  }
0x5a3: {  	[tilespmem:s0+$0x1ABB0] =	vst.add.f32.msk $0xffff, v1  }
0x5a4: {  	v1 =	vld.idx.msk [tilespmem:v2+s20+$0x0], vm1;
	_ =	sdelay $0x2  }
0x5a5: {  	v2 =	vor.u32 $0x80, v2;
	v3 =	vld [tilespmem:s0+$0xD0];
	_ =	sdelay $0x2  }
0x5a6: {  	v1 =	vnsel vm1, $0x0, v1  }
0x5a7: {  	[tilespmem:s0+$0x1AB40] =	vst.add.f32.msk $0xffff, v1  }
0x5a8: {  	v1 =	vld.idx.msk [tilespmem:v2+s20+$0x0], vm1;
	v2 =	vadd.s32 $0xFFFF9E00, v3  }
0x5a9: {  	v4 =	vshll.u32 v2, $0x1  }
0x5aa: {  	vm0 =	vlt.u32 v2, $0x6180;
	v2 =	vand.u32 $0x7F, v3;
	v3 =	vand.u32 $0xFFFFFF00, v4  }
0x5ab: {  	v2 =	vor.u32 v2, v3;
	_ =	sdelay $0x2  }
0x5ac: {  	v1 =	vnsel vm1, $0x0, v1  }
0x5ad: {  	[tilespmem:s0+$0x1ABC0] =	vst.add.f32.msk $0xffff, v1  }
0x5ae: {  	v1 =	vld.idx.msk [tilespmem:v2+s20+$0x0], vm0;
	_ =	sdelay $0x2  }
0x5af: {  	v2 =	vor.u32 $0x80, v2;
	v3 =	vld [tilespmem:s0+$0xE0];
	_ =	sdelay $0x2  }
0x5b0: {  	v1 =	vnsel vm0, $0x0, v1  }
0x5b1: {  	[tilespmem:s0+$0x1AB50] =	vst.add.f32.msk $0xffff, v1  }
0x5b2: {  	v1 =	vld.idx.msk [tilespmem:v2+s20+$0x0], vm0;
	v2 =	vadd.s32 $0xFFFF9E00, v3  }
0x5b3: {  	v4 =	vshll.u32 v2, $0x1  }
0x5b4: {  	vm1 =	vlt.u32 v2, $0x6180;
	v2 =	vand.u32 $0x7F, v3;
	v3 =	vand.u32 $0xFFFFFF00, v4  }
0x5b5: {  	v2 =	vor.u32 v2, v3;
	_ =	sdelay $0x2  }
0x5b6: {  	v1 =	vnsel vm0, $0x0, v1  }
0x5b7: {  	[tilespmem:s0+$0x1ABD0] =	vst.add.f32.msk $0xffff, v1  }
0x5b8: {  	v1 =	vld.idx.msk [tilespmem:v2+s20+$0x0], vm1;
	_ =	sdelay $0x2  }
0x5b9: {  	v2 =	vor.u32 $0x80, v2;
	v3 =	vld [tilespmem:s0+$0xF0];
	_ =	sdelay $0x2  }
0x5ba: {  	v1 =	vnsel vm1, $0x0, v1  }
0x5bb: {  	[tilespmem:s0+$0x1AB60] =	vst.add.f32.msk $0xffff, v1  }
0x5bc: {  	v2 =	vld.idx.msk [tilespmem:v2+s20+$0x0], vm1;
	v1 =	vadd.s32 $0xFFFF9E00, v3  }
0x5bd: {  	v4 =	vshll.u32 v1, $0x1  }
0x5be: {  	vm0 =	vlt.u32 v1, $0x6180;
	v1 =	vand.u32 $0x7F, v3;
	v3 =	vand.u32 $0xFFFFFF00, v4  }
0x5bf: {  	v1 =	vor.u32 v1, v3;
	_ =	sdelay $0x2  }
.Ltmp10:
0x5c0: {  	v2 =	vnsel vm1, $0x0, v2;
	(pc) =	sbr.rel @p0 .LBB2_23-.Ltmp10, $3  }
0x5c1: {  	[tilespmem:s0+$0x1ABE0] =	vst.add.f32.msk $0xffff, v2  }
0x5c2: {  	v2 =	vld.idx.msk [tilespmem:v1+s20+$0x0], vm0;
	_ =	sdelay $0x1  }
0x5c3: {  	s16 =	sshra.s32 s9, $0x2;
	s9 =	sadd.s32 $0x400, s9  }
0x5c4: {  	v3 =	vld [tilespmem:s16+$0x80]  }
0x5c5: {  	v1 =	vor.u32 $0x80, v1;
	_ =	sdelay $0x2  }
0x5c6: {  	v2 =	vnsel vm0, $0x0, v2  }
0x5c7: {  	[tilespmem:s0+$0x1AB70] =	vst.add.f32.msk $0xffff, v2;
	v2 =	vadd.s32 $0xFFFF9E00, v3  }
0x5c8: {  	v1 =	vld.idx.msk [tilespmem:v1+s20+$0x0], vm0;
	v4 =	vshll.u32 v2, $0x1  }
0x5c9: {  	vm1 =	vlt.u32 v2, $0x6180;
	v2 =	vand.u32 $0x7F, v3;
	v3 =	vand.u32 $0xFFFFFF00, v4  }
0x5ca: {  	v2 =	vor.u32 v2, v3;
	_ =	sdelay $0x2  }
0x5cb: {  	v1 =	vnsel vm0, $0x0, v1  }
0x5cc: {  	[tilespmem:s0+$0x1ABF0] =	vst.add.f32.msk $0xffff, v1  }
0x5cd: {  	v1 =	vld.idx.msk [tilespmem:v2+s20+$0x0], vm1  }
0x5ce: {  	v3 =	vld [tilespmem:s16+$0x90]  }
0x5cf: {  	v2 =	vor.u32 $0x80, v2;
	_ =	sdelay $0x2  }
0x5d0: {  	v1 =	vnsel vm1, $0x0, v1  }
0x5d1: {  	[tilespmem:s16+$0x1AB00] =	vst.add.f32.msk $0xffff, v1;
	v1 =	vadd.s32 $0xFFFF9E00, v3  }
0x5d2: {  	v2 =	vld.idx.msk [tilespmem:v2+s20+$0x0], vm1;
	v50 =	vshll.u32 v1, $0x1  }
0x5d3: {  	vm0 =	vlt.u32 v1, $0x6180;
	v1 =	vand.u32 $0x7F, v3;
	v3 =	vand.u32 $0xFFFFFF00, v50  }
0x5d4: {  	v1 =	vor.u32 v1, v3;
	_ =	sdelay $0x2  }
0x5d5: {  	v2 =	vnsel vm1, $0x0, v2  }
0x5d6: {  	[tilespmem:s16+$0x1AB80] =	vst.add.f32.msk $0xffff, v2  }
0x5d7: {  	v2 =	vld.idx.msk [tilespmem:v1+s20+$0x0], vm0  }
0x5d8: {  	v3 =	vld [tilespmem:s16+$0xA0]  }
0x5d9: {  	v1 =	vor.u32 $0x80, v1;
	_ =	sdelay $0x2  }
0x5da: {  	v2 =	vnsel vm0, $0x0, v2  }
0x5db: {  	[tilespmem:s16+$0x1AB10] =	vst.add.f32.msk $0xffff, v2;
	v2 =	vadd.s32 $0xFFFF9E00, v3  }
0x5dc: {  	v1 =	vld.idx.msk [tilespmem:v1+s20+$0x0], vm0;
	v51 =	vshll.u32 v2, $0x1  }
0x5dd: {  	vm1 =	vlt.u32 v2, $0x6180;
	v2 =	vand.u32 $0x7F, v3;
	v3 =	vand.u32 $0xFFFFFF00, v51  }
0x5de: {  	v2 =	vor.u32 v2, v3;
	_ =	sdelay $0x2  }
0x5df: {  	v1 =	vnsel vm0, $0x0, v1  }
0x5e0: {  	[tilespmem:s16+$0x1AB90] =	vst.add.f32.msk $0xffff, v1  }
0x5e1: {  	v1 =	vld.idx.msk [tilespmem:v2+s20+$0x0], vm1  }
0x5e2: {  	v3 =	vld [tilespmem:s16+$0xB0]  }
0x5e3: {  	v2 =	vor.u32 $0x80, v2;
	_ =	sdelay $0x2  }
0x5e4: {  	v1 =	vnsel vm1, $0x0, v1  }
0x5e5: {  	[tilespmem:s16+$0x1AB20] =	vst.add.f32.msk $0xffff, v1;
	v1 =	vadd.s32 $0xFFFF9E00, v3  }
0x5e6: {  	v2 =	vld.idx.msk [tilespmem:v2+s20+$0x0], vm1;
	v52 =	vshll.u32 v1, $0x1  }
0x5e7: {  	vm0 =	vlt.u32 v1, $0x6180;
	v1 =	vand.u32 $0x7F, v3;
	v3 =	vand.u32 $0xFFFFFF00, v52  }
0x5e8: {  	v1 =	vor.u32 v1, v3;
	_ =	sdelay $0x2  }
0x5e9: {  	v2 =	vnsel vm1, $0x0, v2  }
0x5ea: {  	[tilespmem:s16+$0x1ABA0] =	vst.add.f32.msk $0xffff, v2  }
0x5eb: {  	v2 =	vld.idx.msk [tilespmem:v1+s20+$0x0], vm0  }
0x5ec: {  	v3 =	vld [tilespmem:s16+$0xC0]  }
0x5ed: {  	v1 =	vor.u32 $0x80, v1;
	_ =	sdelay $0x2  }
0x5ee: {  	v2 =	vnsel vm0, $0x0, v2  }
0x5ef: {  	[tilespmem:s16+$0x1AB30] =	vst.add.f32.msk $0xffff, v2;
	v2 =	vadd.s32 $0xFFFF9E00, v3  }
0x5f0: {  	v1 =	vld.idx.msk [tilespmem:v1+s20+$0x0], vm0;
	v53 =	vshll.u32 v2, $0x1  }
0x5f1: {  	vm1 =	vlt.u32 v2, $0x6180;
	v2 =	vand.u32 $0x7F, v3;
	v3 =	vand.u32 $0xFFFFFF00, v53  }
0x5f2: {  	v2 =	vor.u32 v2, v3;
	_ =	sdelay $0x2  }
0x5f3: {  	v1 =	vnsel vm0, $0x0, v1  }
0x5f4: {  	[tilespmem:s16+$0x1ABB0] =	vst.add.f32.msk $0xffff, v1  }
0x5f5: {  	v1 =	vld.idx.msk [tilespmem:v2+s20+$0x0], vm1  }
0x5f6: {  	v3 =	vld [tilespmem:s16+$0xD0]  }
0x5f7: {  	v2 =	vor.u32 $0x80, v2;
	_ =	sdelay $0x2  }
0x5f8: {  	v1 =	vnsel vm1, $0x0, v1  }
0x5f9: {  	[tilespmem:s16+$0x1AB40] =	vst.add.f32.msk $0xffff, v1;
	v1 =	vadd.s32 $0xFFFF9E00, v3  }
0x5fa: {  	v2 =	vld.idx.msk [tilespmem:v2+s20+$0x0], vm1;
	v54 =	vshll.u32 v1, $0x1  }
0x5fb: {  	vm0 =	vlt.u32 v1, $0x6180;
	v1 =	vand.u32 $0x7F, v3;
	v3 =	vand.u32 $0xFFFFFF00, v54  }
0x5fc: {  	v1 =	vor.u32 v1, v3;
	_ =	sdelay $0x2  }
0x5fd: {  	v2 =	vnsel vm1, $0x0, v2  }
0x5fe: {  	[tilespmem:s16+$0x1ABC0] =	vst.add.f32.msk $0xffff, v2  }
0x5ff: {  	v2 =	vld.idx.msk [tilespmem:v1+s20+$0x0], vm0  }
0x600: {  	v3 =	vld [tilespmem:s16+$0xE0]  }
0x601: {  	v1 =	vor.u32 $0x80, v1;
	_ =	sdelay $0x2  }
0x602: {  	v2 =	vnsel vm0, $0x0, v2  }
0x603: {  	[tilespmem:s16+$0x1AB50] =	vst.add.f32.msk $0xffff, v2;
	v2 =	vadd.s32 $0xFFFF9E00, v3  }
0x604: {  	v1 =	vld.idx.msk [tilespmem:v1+s20+$0x0], vm0;
	v55 =	vshll.u32 v2, $0x1  }
0x605: {  	vm1 =	vlt.u32 v2, $0x6180;
	v2 =	vand.u32 $0x7F, v3;
	v3 =	vand.u32 $0xFFFFFF00, v55  }
0x606: {  	v2 =	vor.u32 v2, v3;
	_ =	sdelay $0x2  }
0x607: {  	v1 =	vnsel vm0, $0x0, v1  }
0x608: {  	[tilespmem:s16+$0x1ABD0] =	vst.add.f32.msk $0xffff, v1  }
0x609: {  	v1 =	vld.idx.msk [tilespmem:v2+s20+$0x0], vm1  }
0x60a: {  	v3 =	vld [tilespmem:s16+$0xF0]  }
0x60b: {  	v2 =	vor.u32 $0x80, v2;
	_ =	sdelay $0x2  }
0x60c: {  	v1 =	vnsel vm1, $0x0, v1  }
0x60d: {  	[tilespmem:s16+$0x1AB60] =	vst.add.f32.msk $0xffff, v1;
	v1 =	vadd.s32 $0xFFFF9E00, v3  }
0x60e: {  	v2 =	vld.idx.msk [tilespmem:v2+s20+$0x0], vm1;
	v56 =	vshll.u32 v1, $0x1  }
0x60f: {  	vm0 =	vlt.u32 v1, $0x6180;
	v1 =	vand.u32 $0x7F, v3;
	v3 =	vand.u32 $0xFFFFFF00, v56  }
0x610: {  	v1 =	vor.u32 v1, v3;
	_ =	sdelay $0x2  }
0x611: {  	v2 =	vnsel vm1, $0x0, v2  }
0x612: {  	[tilespmem:s16+$0x1ABE0] =	vst.add.f32.msk $0xffff, v2  }
0x613: {  	v2 =	vld.idx.msk [tilespmem:v1+s20+$0x0], vm0;
	_ =	sdelay $0x1  }
0x614: {  	v1 =	vor.u32 $0x80, v1;
	_ =	sdelay $0x2  }
0x615: {  	v2 =	vnsel vm0, $0x0, v2  }
0x616: {  	[tilespmem:s16+$0x1AB70] =	vst.add.f32.msk $0xffff, v2  }
0x617: {  	v1 =	vld.idx.msk [tilespmem:v1+s20+$0x0], vm0;
	_ =	sdelay $0x3  }
0x618: {  	s9 =	sadd.s32 s11, s8  }
0x619: {  	s0 =	sshrl.u32 s9, $0x3;
	v1 =	vnsel vm0, $0x0, v1  }
0x61a: {  	s26 =	sshll.u32 s3, $0xA;
	s0 =	sadd.s32 s2, s0;
	[tilespmem:s16+$0x1ABF0] =	vst.add.f32.msk $0xffff, v1  }
0x61b: {  	[tilespmem:s20], [sflag:$0x2] =	stream.strided.gather [hbm4b:s0+s17], $0xC300, s18, s17, $0x38;
	[tilespmem:$0x1CB00] =	vst v63  }
0x61c: {  	s0 =	sor.u32 s5, s26  }
0x61d: {  	s0 =	sshrl.u32 s0, $0x3  }
0x61e: {  	s28 =	simm.s32 $0x0;
	s0 =	sadd.s32 s6, s0  }
0x61f: {  	[tilespmem:s24], [sflag:$0x3] =	stream.linear.gather [hbm4b:s0+s28], $0x100, $0x38;
	[tilespmem:$0x1CB00] =	vst v63  }
0x620: {  	_ =	swait.ge [sflag:s22], $0xC300  }
0x621: {  	[sflag:s22] =	ssyncset.done $0x0  }
0x622: {  	s0 =	simm.s32 $0x0;
	[sflag:s22] =	ssyncadd.s32 $0xFFFF3D00  }
0x623: {  	v1 =	vld [tilespmem:s0+$0x80];
	_ =	sdelay $0x4  }
0x624: {  	v2 =	vadd.s32 $0xFFFF3C80, v1  }
0x625: {  	v3 =	vshll.u32 v2, $0x1  }
0x626: {  	v1 =	vand.u32 $0x7F, v1;
	vm0 =	vlt.u32 v2, $0x6180;
	v2 =	vand.u32 $0xFFFFFF00, v3  }
0x627: {  	v1 =	vor.u32 v1, v2;
	_ =	sdelay $0x4  }
0x628: {  	v2 =	vld.idx.msk [tilespmem:v1+s19+$0x0], vm0  }
0x629: {  	v3 =	vld [tilespmem:s0+$0x90]  }
0x62a: {  	v1 =	vor.u32 $0x80, v1;
	_ =	sdelay $0x2  }
0x62b: {  	v2 =	vnsel vm0, $0x0, v2  }
0x62c: {  	[tilespmem:s0+$0x1AB00] =	vst.add.f32.msk $0xffff, v2;
	v2 =	vadd.s32 $0xFFFF3C80, v3  }
0x62d: {  	v1 =	vld.idx.msk [tilespmem:v1+s19+$0x0], vm0;
	v57 =	vshll.u32 v2, $0x1  }
0x62e: {  	vm1 =	vlt.u32 v2, $0x6180;
	v2 =	vand.u32 $0x7F, v3;
	v3 =	vand.u32 $0xFFFFFF00, v57  }
0x62f: {  	v2 =	vor.u32 v2, v3;
	_ =	sdelay $0x2  }
0x630: {  	v1 =	vnsel vm0, $0x0, v1  }
0x631: {  	[tilespmem:s0+$0x1AB80] =	vst.add.f32.msk $0xffff, v1  }
0x632: {  	v1 =	vld.idx.msk [tilespmem:v2+s19+$0x0], vm1  }
0x633: {  	v3 =	vld [tilespmem:s0+$0xA0]  }
0x634: {  	v2 =	vor.u32 $0x80, v2;
	_ =	sdelay $0x2  }
0x635: {  	v1 =	vnsel vm1, $0x0, v1  }
0x636: {  	[tilespmem:s0+$0x1AB10] =	vst.add.f32.msk $0xffff, v1;
	v1 =	vadd.s32 $0xFFFF3C80, v3  }
0x637: {  	v2 =	vld.idx.msk [tilespmem:v2+s19+$0x0], vm1;
	v58 =	vshll.u32 v1, $0x1  }
0x638: {  	vm0 =	vlt.u32 v1, $0x6180;
	v1 =	vand.u32 $0x7F, v3;
	v3 =	vand.u32 $0xFFFFFF00, v58  }
0x639: {  	v1 =	vor.u32 v1, v3;
	_ =	sdelay $0x2  }
0x63a: {  	v2 =	vnsel vm1, $0x0, v2  }
0x63b: {  	[tilespmem:s0+$0x1AB90] =	vst.add.f32.msk $0xffff, v2  }
0x63c: {  	v2 =	vld.idx.msk [tilespmem:v1+s19+$0x0], vm0  }
0x63d: {  	v3 =	vld [tilespmem:s0+$0xB0]  }
0x63e: {  	v1 =	vor.u32 $0x80, v1;
	_ =	sdelay $0x2  }
0x63f: {  	v2 =	vnsel vm0, $0x0, v2  }
0x640: {  	[tilespmem:s0+$0x1AB20] =	vst.add.f32.msk $0xffff, v2;
	v2 =	vadd.s32 $0xFFFF3C80, v3  }
0x641: {  	v1 =	vld.idx.msk [tilespmem:v1+s19+$0x0], vm0;
	v59 =	vshll.u32 v2, $0x1  }
0x642: {  	vm1 =	vlt.u32 v2, $0x6180;
	v2 =	vand.u32 $0x7F, v3;
	v3 =	vand.u32 $0xFFFFFF00, v59  }
0x643: {  	v2 =	vor.u32 v2, v3;
	_ =	sdelay $0x2  }
0x644: {  	v1 =	vnsel vm0, $0x0, v1  }
0x645: {  	[tilespmem:s0+$0x1ABA0] =	vst.add.f32.msk $0xffff, v1  }
0x646: {  	v1 =	vld.idx.msk [tilespmem:v2+s19+$0x0], vm1  }
0x647: {  	v3 =	vld [tilespmem:s0+$0xC0]  }
0x648: {  	v2 =	vor.u32 $0x80, v2;
	_ =	sdelay $0x2  }
0x649: {  	v1 =	vnsel vm1, $0x0, v1  }
0x64a: {  	[tilespmem:s0+$0x1AB30] =	vst.add.f32.msk $0xffff, v1;
	v1 =	vadd.s32 $0xFFFF3C80, v3  }
0x64b: {  	v2 =	vld.idx.msk [tilespmem:v2+s19+$0x0], vm1;
	v60 =	vshll.u32 v1, $0x1  }
0x64c: {  	vm0 =	vlt.u32 v1, $0x6180;
	v1 =	vand.u32 $0x7F, v3;
	v3 =	vand.u32 $0xFFFFFF00, v60  }
0x64d: {  	v1 =	vor.u32 v1, v3;
	_ =	sdelay $0x2  }
0x64e: {  	v2 =	vnsel vm1, $0x0, v2  }
0x64f: {  	[tilespmem:s0+$0x1ABB0] =	vst.add.f32.msk $0xffff, v2  }
0x650: {  	v2 =	vld.idx.msk [tilespmem:v1+s19+$0x0], vm0  }
0x651: {  	v3 =	vld [tilespmem:s0+$0xD0]  }
0x652: {  	v1 =	vor.u32 $0x80, v1;
	_ =	sdelay $0x2  }
0x653: {  	v2 =	vnsel vm0, $0x0, v2  }
0x654: {  	[tilespmem:s0+$0x1AB40] =	vst.add.f32.msk $0xffff, v2;
	v2 =	vadd.s32 $0xFFFF3C80, v3  }
0x655: {  	v1 =	vld.idx.msk [tilespmem:v1+s19+$0x0], vm0;
	v61 =	vshll.u32 v2, $0x1  }
0x656: {  	vm1 =	vlt.u32 v2, $0x6180;
	v2 =	vand.u32 $0x7F, v3;
	v3 =	vand.u32 $0xFFFFFF00, v61  }
0x657: {  	v2 =	vor.u32 v2, v3;
	_ =	sdelay $0x2  }
0x658: {  	v1 =	vnsel vm0, $0x0, v1  }
0x659: {  	[tilespmem:s0+$0x1ABC0] =	vst.add.f32.msk $0xffff, v1  }
0x65a: {  	v1 =	vld.idx.msk [tilespmem:v2+s19+$0x0], vm1  }
0x65b: {  	v3 =	vld [tilespmem:s0+$0xE0]  }
0x65c: {  	v2 =	vor.u32 $0x80, v2;
	_ =	sdelay $0x2  }
0x65d: {  	v1 =	vnsel vm1, $0x0, v1  }
0x65e: {  	[tilespmem:s0+$0x1AB50] =	vst.add.f32.msk $0xffff, v1;
	v1 =	vadd.s32 $0xFFFF3C80, v3  }
0x65f: {  	v2 =	vld.idx.msk [tilespmem:v2+s19+$0x0], vm1;
	v62 =	vshll.u32 v1, $0x1  }
0x660: {  	vm2 =	vlt.u32 v1, $0x6180;
	v1 =	vand.u32 $0x7F, v3;
	v3 =	vand.u32 $0xFFFFFF00, v62  }
0x661: {  	v1 =	vor.u32 v1, v3;
	_ =	sdelay $0x2  }
0x662: {  	v2 =	vnsel vm1, $0x0, v2  }
0x663: {  	[tilespmem:s0+$0x1ABD0] =	vst.add.f32.msk $0xffff, v2  }
0x664: {  	v2 =	vld.idx.msk [tilespmem:v1+s19+$0x0], vm2  }
0x665: {  	v3 =	vld [tilespmem:s0+$0xF0]  }
0x666: {  	v1 =	vor.u32 $0x80, v1;
	_ =	sdelay $0x2  }
0x667: {  	v2 =	vnsel vm2, $0x0, v2  }
0x668: {  	[tilespmem:s0+$0x1AB60] =	vst.add.f32.msk $0xffff, v2;
	v2 =	vadd.s32 $0xFFFF3C80, v3  }
0x669: {  	v63 =	vld.idx.msk [tilespmem:v1+s19+$0x0], vm2;
	v1 =	vshll.u32 v2, $0x1  }
0x66a: {  	vm0 =	vlt.u32 v2, $0x6180;
	v2 =	vand.u32 $0x7F, v3;
	v1 =	vand.u32 $0xFFFFFF00, v1  }
0x66b: {  	v1 =	vor.u32 v2, v1;
	_ =	sdelay $0x2  }
0x66c: {  	v2 =	vnsel vm2, $0x0, v63  }
0x66d: {  	[tilespmem:s0+$0x1ABE0] =	vst.add.f32.msk $0xffff, v2  }
0x66e: {  	v2 =	vld.idx.msk [tilespmem:v1+s19+$0x0], vm0  }
0x66f: {  	s8 =	simm.s32 $0x100;
	s3 =	simm.s32 $0x800  }
.LBB2_25:
0x670: {  	p0 =	sne.s32 s3, $0x7C00;
	v3 =	vld [tilespmem:s8+$0x80];
	v1 =	vor.u32 $0x80, v1;
	_ =	sdelay $0x2  }
0x671: {  	v2 =	vnsel vm0, $0x0, v2  }
0x672: {  	[tilespmem:s0+$0x1AB70] =	vst.add.f32.msk $0xffff, v2  }
0x673: {  	v2 =	vadd.s32 $0xFFFF3C80, v3;
	v1 =	vld.idx.msk [tilespmem:v1+s19+$0x0], vm0  }
0x674: {  	v4 =	vshll.u32 v2, $0x1  }
0x675: {  	vm1 =	vlt.u32 v2, $0x6180;
	v2 =	vand.u32 $0x7F, v3;
	v3 =	vand.u32 $0xFFFFFF00, v4  }
0x676: {  	v2 =	vor.u32 v2, v3;
	_ =	sdelay $0x2  }
0x677: {  	v1 =	vnsel vm0, $0x0, v1  }
0x678: {  	[tilespmem:s0+$0x1ABF0] =	vst.add.f32.msk $0xffff, v1;
	s0 =	smov.u32 s8  }
0x679: {  	v1 =	vld.idx.msk [tilespmem:v2+s19+$0x0], vm1;
	_ =	sdelay $0x2  }
0x67a: {  	v2 =	vor.u32 $0x80, v2;
	v3 =	vld [tilespmem:s0+$0x90];
	_ =	sdelay $0x2  }
0x67b: {  	v1 =	vnsel vm1, $0x0, v1  }
0x67c: {  	[tilespmem:s0+$0x1AB00] =	vst.add.f32.msk $0xffff, v1  }
0x67d: {  	v1 =	vld.idx.msk [tilespmem:v2+s19+$0x0], vm1;
	v2 =	vadd.s32 $0xFFFF3C80, v3  }
0x67e: {  	v4 =	vshll.u32 v2, $0x1  }
0x67f: {  	vm0 =	vlt.u32 v2, $0x6180;
	v2 =	vand.u32 $0x7F, v3;
	v3 =	vand.u32 $0xFFFFFF00, v4  }
0x680: {  	v2 =	vor.u32 v2, v3;
	_ =	sdelay $0x2  }
0x681: {  	v1 =	vnsel vm1, $0x0, v1  }
0x682: {  	[tilespmem:s0+$0x1AB80] =	vst.add.f32.msk $0xffff, v1  }
0x683: {  	v1 =	vld.idx.msk [tilespmem:v2+s19+$0x0], vm0;
	_ =	sdelay $0x2  }
0x684: {  	v2 =	vor.u32 $0x80, v2;
	v3 =	vld [tilespmem:s0+$0xA0];
	_ =	sdelay $0x2  }
0x685: {  	v1 =	vnsel vm0, $0x0, v1  }
0x686: {  	[tilespmem:s0+$0x1AB10] =	vst.add.f32.msk $0xffff, v1  }
0x687: {  	v1 =	vld.idx.msk [tilespmem:v2+s19+$0x0], vm0;
	v2 =	vadd.s32 $0xFFFF3C80, v3  }
0x688: {  	v4 =	vshll.u32 v2, $0x1  }
0x689: {  	vm1 =	vlt.u32 v2, $0x6180;
	v2 =	vand.u32 $0x7F, v3;
	v3 =	vand.u32 $0xFFFFFF00, v4  }
0x68a: {  	v2 =	vor.u32 v2, v3;
	_ =	sdelay $0x2  }
0x68b: {  	v1 =	vnsel vm0, $0x0, v1  }
0x68c: {  	[tilespmem:s0+$0x1AB90] =	vst.add.f32.msk $0xffff, v1  }
0x68d: {  	v1 =	vld.idx.msk [tilespmem:v2+s19+$0x0], vm1;
	_ =	sdelay $0x2  }
0x68e: {  	v2 =	vor.u32 $0x80, v2;
	v3 =	vld [tilespmem:s0+$0xB0];
	_ =	sdelay $0x2  }
0x68f: {  	v1 =	vnsel vm1, $0x0, v1  }
0x690: {  	[tilespmem:s0+$0x1AB20] =	vst.add.f32.msk $0xffff, v1  }
0x691: {  	v1 =	vld.idx.msk [tilespmem:v2+s19+$0x0], vm1;
	v2 =	vadd.s32 $0xFFFF3C80, v3  }
0x692: {  	v4 =	vshll.u32 v2, $0x1  }
0x693: {  	vm0 =	vlt.u32 v2, $0x6180;
	v2 =	vand.u32 $0x7F, v3;
	v3 =	vand.u32 $0xFFFFFF00, v4  }
0x694: {  	v2 =	vor.u32 v2, v3;
	_ =	sdelay $0x2  }
0x695: {  	v1 =	vnsel vm1, $0x0, v1  }
0x696: {  	[tilespmem:s0+$0x1ABA0] =	vst.add.f32.msk $0xffff, v1  }
0x697: {  	v1 =	vld.idx.msk [tilespmem:v2+s19+$0x0], vm0;
	_ =	sdelay $0x2  }
0x698: {  	v2 =	vor.u32 $0x80, v2;
	v3 =	vld [tilespmem:s0+$0xC0];
	_ =	sdelay $0x2  }
0x699: {  	v1 =	vnsel vm0, $0x0, v1  }
0x69a: {  	[tilespmem:s0+$0x1AB30] =	vst.add.f32.msk $0xffff, v1  }
0x69b: {  	v1 =	vld.idx.msk [tilespmem:v2+s19+$0x0], vm0;
	v2 =	vadd.s32 $0xFFFF3C80, v3  }
0x69c: {  	v4 =	vshll.u32 v2, $0x1  }
0x69d: {  	vm1 =	vlt.u32 v2, $0x6180;
	v2 =	vand.u32 $0x7F, v3;
	v3 =	vand.u32 $0xFFFFFF00, v4  }
0x69e: {  	v2 =	vor.u32 v2, v3;
	_ =	sdelay $0x2  }
0x69f: {  	v1 =	vnsel vm0, $0x0, v1  }
0x6a0: {  	[tilespmem:s0+$0x1ABB0] =	vst.add.f32.msk $0xffff, v1  }
0x6a1: {  	v1 =	vld.idx.msk [tilespmem:v2+s19+$0x0], vm1;
	_ =	sdelay $0x2  }
0x6a2: {  	v2 =	vor.u32 $0x80, v2;
	v3 =	vld [tilespmem:s0+$0xD0];
	_ =	sdelay $0x2  }
0x6a3: {  	v1 =	vnsel vm1, $0x0, v1  }
0x6a4: {  	[tilespmem:s0+$0x1AB40] =	vst.add.f32.msk $0xffff, v1  }
0x6a5: {  	v1 =	vld.idx.msk [tilespmem:v2+s19+$0x0], vm1;
	v2 =	vadd.s32 $0xFFFF3C80, v3  }
0x6a6: {  	v4 =	vshll.u32 v2, $0x1  }
0x6a7: {  	vm0 =	vlt.u32 v2, $0x6180;
	v2 =	vand.u32 $0x7F, v3;
	v3 =	vand.u32 $0xFFFFFF00, v4  }
0x6a8: {  	v2 =	vor.u32 v2, v3;
	_ =	sdelay $0x2  }
0x6a9: {  	v1 =	vnsel vm1, $0x0, v1  }
0x6aa: {  	[tilespmem:s0+$0x1ABC0] =	vst.add.f32.msk $0xffff, v1  }
0x6ab: {  	v1 =	vld.idx.msk [tilespmem:v2+s19+$0x0], vm0;
	_ =	sdelay $0x2  }
0x6ac: {  	v2 =	vor.u32 $0x80, v2;
	v3 =	vld [tilespmem:s0+$0xE0];
	_ =	sdelay $0x2  }
0x6ad: {  	v1 =	vnsel vm0, $0x0, v1  }
0x6ae: {  	[tilespmem:s0+$0x1AB50] =	vst.add.f32.msk $0xffff, v1  }
0x6af: {  	v1 =	vld.idx.msk [tilespmem:v2+s19+$0x0], vm0;
	v2 =	vadd.s32 $0xFFFF3C80, v3  }
0x6b0: {  	v4 =	vshll.u32 v2, $0x1  }
0x6b1: {  	vm1 =	vlt.u32 v2, $0x6180;
	v2 =	vand.u32 $0x7F, v3;
	v3 =	vand.u32 $0xFFFFFF00, v4  }
0x6b2: {  	v2 =	vor.u32 v2, v3;
	_ =	sdelay $0x2  }
0x6b3: {  	v1 =	vnsel vm0, $0x0, v1  }
0x6b4: {  	[tilespmem:s0+$0x1ABD0] =	vst.add.f32.msk $0xffff, v1  }
0x6b5: {  	v1 =	vld.idx.msk [tilespmem:v2+s19+$0x0], vm1;
	_ =	sdelay $0x2  }
0x6b6: {  	v2 =	vor.u32 $0x80, v2;
	v3 =	vld [tilespmem:s0+$0xF0];
	_ =	sdelay $0x2  }
0x6b7: {  	v1 =	vnsel vm1, $0x0, v1  }
0x6b8: {  	[tilespmem:s0+$0x1AB60] =	vst.add.f32.msk $0xffff, v1  }
0x6b9: {  	v2 =	vld.idx.msk [tilespmem:v2+s19+$0x0], vm1;
	v1 =	vadd.s32 $0xFFFF3C80, v3  }
0x6ba: {  	v4 =	vshll.u32 v1, $0x1  }
0x6bb: {  	vm0 =	vlt.u32 v1, $0x6180;
	v1 =	vand.u32 $0x7F, v3;
	v3 =	vand.u32 $0xFFFFFF00, v4  }
0x6bc: {  	v1 =	vor.u32 v1, v3;
	_ =	sdelay $0x2  }
.Ltmp11:
0x6bd: {  	v2 =	vnsel vm1, $0x0, v2;
	(pc) =	sbr.rel @p0 .LBB2_25-.Ltmp11, $3  }
0x6be: {  	[tilespmem:s0+$0x1ABE0] =	vst.add.f32.msk $0xffff, v2  }
0x6bf: {  	v2 =	vld.idx.msk [tilespmem:v1+s19+$0x0], vm0;
	_ =	sdelay $0x1  }
0x6c0: {  	s8 =	sshra.s32 s3, $0x2;
	s3 =	sadd.s32 $0x400, s3  }
0x6c1: {  	v3 =	vld [tilespmem:s8+$0x80]  }
0x6c2: {  	v1 =	vor.u32 $0x80, v1;
	_ =	sdelay $0x2  }
0x6c3: {  	v2 =	vnsel vm0, $0x0, v2  }
0x6c4: {  	[tilespmem:s0+$0x1AB70] =	vst.add.f32.msk $0xffff, v2;
	v2 =	vadd.s32 $0xFFFF3C80, v3  }
0x6c5: {  	v1 =	vld.idx.msk [tilespmem:v1+s19+$0x0], vm0;
	v4 =	vshll.u32 v2, $0x1  }
0x6c6: {  	vm1 =	vlt.u32 v2, $0x6180;
	v2 =	vand.u32 $0x7F, v3;
	v3 =	vand.u32 $0xFFFFFF00, v4  }
0x6c7: {  	v2 =	vor.u32 v2, v3;
	_ =	sdelay $0x2  }
0x6c8: {  	v1 =	vnsel vm0, $0x0, v1  }
0x6c9: {  	[tilespmem:s0+$0x1ABF0] =	vst.add.f32.msk $0xffff, v1  }
0x6ca: {  	v1 =	vld.idx.msk [tilespmem:v2+s19+$0x0], vm1  }
0x6cb: {  	v3 =	vld [tilespmem:s8+$0x90]  }
0x6cc: {  	v2 =	vor.u32 $0x80, v2;
	_ =	sdelay $0x2  }
0x6cd: {  	v1 =	vnsel vm1, $0x0, v1  }
0x6ce: {  	[tilespmem:s8+$0x1AB00] =	vst.add.f32.msk $0xffff, v1;
	v1 =	vadd.s32 $0xFFFF3C80, v3  }
0x6cf: {  	v2 =	vld.idx.msk [tilespmem:v2+s19+$0x0], vm1;
	v49 =	vshll.u32 v1, $0x1  }
0x6d0: {  	vm0 =	vlt.u32 v1, $0x6180;
	v1 =	vand.u32 $0x7F, v3;
	v3 =	vand.u32 $0xFFFFFF00, v49  }
0x6d1: {  	v1 =	vor.u32 v1, v3;
	_ =	sdelay $0x2  }
0x6d2: {  	v2 =	vnsel vm1, $0x0, v2  }
0x6d3: {  	[tilespmem:s8+$0x1AB80] =	vst.add.f32.msk $0xffff, v2  }
0x6d4: {  	v2 =	vld.idx.msk [tilespmem:v1+s19+$0x0], vm0  }
0x6d5: {  	v3 =	vld [tilespmem:s8+$0xA0]  }
0x6d6: {  	v1 =	vor.u32 $0x80, v1;
	_ =	sdelay $0x2  }
0x6d7: {  	v2 =	vnsel vm0, $0x0, v2  }
0x6d8: {  	[tilespmem:s8+$0x1AB10] =	vst.add.f32.msk $0xffff, v2;
	v2 =	vadd.s32 $0xFFFF3C80, v3  }
0x6d9: {  	v1 =	vld.idx.msk [tilespmem:v1+s19+$0x0], vm0;
	v50 =	vshll.u32 v2, $0x1  }
0x6da: {  	vm1 =	vlt.u32 v2, $0x6180;
	v2 =	vand.u32 $0x7F, v3;
	v3 =	vand.u32 $0xFFFFFF00, v50  }
0x6db: {  	v2 =	vor.u32 v2, v3;
	_ =	sdelay $0x2  }
0x6dc: {  	v1 =	vnsel vm0, $0x0, v1  }
0x6dd: {  	[tilespmem:s8+$0x1AB90] =	vst.add.f32.msk $0xffff, v1  }
0x6de: {  	v1 =	vld.idx.msk [tilespmem:v2+s19+$0x0], vm1  }
0x6df: {  	v3 =	vld [tilespmem:s8+$0xB0]  }
0x6e0: {  	v2 =	vor.u32 $0x80, v2;
	_ =	sdelay $0x2  }
0x6e1: {  	v1 =	vnsel vm1, $0x0, v1  }
0x6e2: {  	[tilespmem:s8+$0x1AB20] =	vst.add.f32.msk $0xffff, v1;
	v1 =	vadd.s32 $0xFFFF3C80, v3  }
0x6e3: {  	v2 =	vld.idx.msk [tilespmem:v2+s19+$0x0], vm1;
	v51 =	vshll.u32 v1, $0x1  }
0x6e4: {  	vm0 =	vlt.u32 v1, $0x6180;
	v1 =	vand.u32 $0x7F, v3;
	v3 =	vand.u32 $0xFFFFFF00, v51  }
0x6e5: {  	v1 =	vor.u32 v1, v3;
	_ =	sdelay $0x2  }
0x6e6: {  	v2 =	vnsel vm1, $0x0, v2  }
0x6e7: {  	[tilespmem:s8+$0x1ABA0] =	vst.add.f32.msk $0xffff, v2  }
0x6e8: {  	v2 =	vld.idx.msk [tilespmem:v1+s19+$0x0], vm0  }
0x6e9: {  	v3 =	vld [tilespmem:s8+$0xC0]  }
0x6ea: {  	v1 =	vor.u32 $0x80, v1;
	_ =	sdelay $0x2  }
0x6eb: {  	v2 =	vnsel vm0, $0x0, v2  }
0x6ec: {  	[tilespmem:s8+$0x1AB30] =	vst.add.f32.msk $0xffff, v2;
	v2 =	vadd.s32 $0xFFFF3C80, v3  }
0x6ed: {  	v1 =	vld.idx.msk [tilespmem:v1+s19+$0x0], vm0;
	v52 =	vshll.u32 v2, $0x1  }
0x6ee: {  	vm1 =	vlt.u32 v2, $0x6180;
	v2 =	vand.u32 $0x7F, v3;
	v3 =	vand.u32 $0xFFFFFF00, v52  }
0x6ef: {  	v2 =	vor.u32 v2, v3;
	_ =	sdelay $0x2  }
0x6f0: {  	v1 =	vnsel vm0, $0x0, v1  }
0x6f1: {  	[tilespmem:s8+$0x1ABB0] =	vst.add.f32.msk $0xffff, v1  }
0x6f2: {  	v1 =	vld.idx.msk [tilespmem:v2+s19+$0x0], vm1  }
0x6f3: {  	v3 =	vld [tilespmem:s8+$0xD0]  }
0x6f4: {  	v2 =	vor.u32 $0x80, v2;
	_ =	sdelay $0x2  }
0x6f5: {  	v1 =	vnsel vm1, $0x0, v1  }
0x6f6: {  	[tilespmem:s8+$0x1AB40] =	vst.add.f32.msk $0xffff, v1;
	v1 =	vadd.s32 $0xFFFF3C80, v3  }
0x6f7: {  	v2 =	vld.idx.msk [tilespmem:v2+s19+$0x0], vm1;
	v53 =	vshll.u32 v1, $0x1  }
0x6f8: {  	vm0 =	vlt.u32 v1, $0x6180;
	v1 =	vand.u32 $0x7F, v3;
	v3 =	vand.u32 $0xFFFFFF00, v53  }
0x6f9: {  	v1 =	vor.u32 v1, v3;
	_ =	sdelay $0x2  }
0x6fa: {  	v2 =	vnsel vm1, $0x0, v2  }
0x6fb: {  	[tilespmem:s8+$0x1ABC0] =	vst.add.f32.msk $0xffff, v2  }
0x6fc: {  	v2 =	vld.idx.msk [tilespmem:v1+s19+$0x0], vm0  }
0x6fd: {  	v3 =	vld [tilespmem:s8+$0xE0]  }
0x6fe: {  	v1 =	vor.u32 $0x80, v1;
	_ =	sdelay $0x2  }
0x6ff: {  	v2 =	vnsel vm0, $0x0, v2  }
0x700: {  	[tilespmem:s8+$0x1AB50] =	vst.add.f32.msk $0xffff, v2;
	v2 =	vadd.s32 $0xFFFF3C80, v3  }
0x701: {  	v1 =	vld.idx.msk [tilespmem:v1+s19+$0x0], vm0;
	v54 =	vshll.u32 v2, $0x1  }
0x702: {  	vm1 =	vlt.u32 v2, $0x6180;
	v2 =	vand.u32 $0x7F, v3;
	v3 =	vand.u32 $0xFFFFFF00, v54  }
0x703: {  	v2 =	vor.u32 v2, v3;
	_ =	sdelay $0x2  }
0x704: {  	v1 =	vnsel vm0, $0x0, v1  }
0x705: {  	[tilespmem:s8+$0x1ABD0] =	vst.add.f32.msk $0xffff, v1  }
0x706: {  	v1 =	vld.idx.msk [tilespmem:v2+s19+$0x0], vm1  }
0x707: {  	v3 =	vld [tilespmem:s8+$0xF0]  }
0x708: {  	v2 =	vor.u32 $0x80, v2;
	_ =	sdelay $0x2  }
0x709: {  	v1 =	vnsel vm1, $0x0, v1  }
0x70a: {  	[tilespmem:s8+$0x1AB60] =	vst.add.f32.msk $0xffff, v1;
	v1 =	vadd.s32 $0xFFFF3C80, v3  }
0x70b: {  	v2 =	vld.idx.msk [tilespmem:v2+s19+$0x0], vm1;
	v55 =	vshll.u32 v1, $0x1  }
0x70c: {  	vm0 =	vlt.u32 v1, $0x6180;
	v1 =	vand.u32 $0x7F, v3;
	v3 =	vand.u32 $0xFFFFFF00, v55  }
0x70d: {  	v1 =	vor.u32 v1, v3;
	_ =	sdelay $0x2  }
0x70e: {  	v2 =	vnsel vm1, $0x0, v2  }
0x70f: {  	[tilespmem:s8+$0x1ABE0] =	vst.add.f32.msk $0xffff, v2  }
0x710: {  	v2 =	vld.idx.msk [tilespmem:v1+s19+$0x0], vm0;
	_ =	sdelay $0x1  }
0x711: {  	v1 =	vor.u32 $0x80, v1;
	_ =	sdelay $0x2  }
0x712: {  	v2 =	vnsel vm0, $0x0, v2  }
0x713: {  	p0 =	sgt.u32 s30, $0x18;
	[tilespmem:s8+$0x1AB70] =	vst.add.f32.msk $0xffff, v2  }
0x714: {  	s0 =	sadd.s32 @!p0 s13, s31;
	v1 =	vld.idx.msk [tilespmem:v1+s19+$0x0], vm0  }
0x715: {  	s0 =	sshrl.u32 @!p0 s0, $0x3  }
0x716: {  	s0 =	smul.u32 @!p0 $0xC3800, s0;
	_ =	sdelay $0x1  }
0x717: {  	s3 =	sor.u32 @!p0 s5, s0  }
0x718: {  	s9 =	simm.s32 @!p0 $0x400;
	s3 =	sshrl.u32 @!p0 s3, $0x3;
	v1 =	vnsel vm0, $0x0, v1  }
0x719: {  	s16 =	simm.s32 @!p0 $0x2000;
	s3 =	sadd.s32 @!p0 s2, s3;
	[tilespmem:s8+$0x1ABF0] =	vst.add.f32.msk $0xffff, v1;
	s8 =	simm.s32 @!p0 $0x100  }
0x71a: {  	[tilespmem:s16], [sflag:$0x1] =	stream.strided.gather @!p0 [hbm4b:s3+s8], $0xC400, s9, s8, $0x38;
	[tilespmem:$0x1CB00] =	vst v63  }
0x71b: {  	_ =	swait.ge [sflag:s23], $0xC300  }
0x71c: {  	[sflag:s23] =	ssyncset.done $0x0  }
0x71d: {  	[sflag:s23] =	ssyncadd.s32 $0xFFFF3D00  }
0x71e: {  	_ =	swait.ge [sflag:s25], $0x100  }
0x71f: {  	[sflag:s25] =	ssyncset.done $0x0  }
0x720: {  	[sflag:s25] =	ssyncadd.s32 $0xFFFFFF00  }
0x721: {  	v1 =	vld [tilespmem:$0x1AA00]  }
0x722: {  	v2 =	vld [tilespmem:$0x1AA10]  }
0x723: {  	v3 =	vld [tilespmem:$0x1AA80]  }
0x724: {  	v56 =	vld [tilespmem:$0x1AA90];
	_ =	sdelay $0x1  }
0x725: {  	[tilespmem:$0x1A800] =	vst v1  }
0x726: {  	[tilespmem:$0x1A810] =	vst v2  }
0x727: {  	[tilespmem:$0x1A880] =	vst v3  }
0x728: {  	s3 =	simm.s32 $0x0;
	[tilespmem:$0x1A890] =	vst v56  }
0x729: {  	v1 =	vld [tilespmem:s3+$0x80];
	_ =	sdelay $0x4  }
0x72a: {  	v2 =	vadd.s32 $0xFFFEDB00, v1  }
0x72b: {  	v3 =	vshll.u32 v2, $0x1  }
0x72c: {  	v1 =	vand.u32 $0x7F, v1;
	vm0 =	vlt.u32 v2, $0x61A0;
	v2 =	vand.u32 $0xFFFFFF00, v3  }
0x72d: {  	v1 =	vor.u32 v1, v2;
	_ =	sdelay $0x4  }
0x72e: {  	v2 =	vld.idx.msk [tilespmem:v1+s20+$0x0], vm0  }
0x72f: {  	v3 =	vld [tilespmem:s3+$0x90]  }
0x730: {  	v1 =	vor.u32 $0x80, v1;
	_ =	sdelay $0x2  }
0x731: {  	v2 =	vnsel vm0, $0x0, v2  }
0x732: {  	[tilespmem:s3+$0x1AB00] =	vst.add.f32.msk $0xffff, v2;
	v2 =	vadd.s32 $0xFFFEDB00, v3  }
0x733: {  	v1 =	vld.idx.msk [tilespmem:v1+s20+$0x0], vm0;
	v57 =	vshll.u32 v2, $0x1  }
0x734: {  	vm1 =	vlt.u32 v2, $0x61A0;
	v2 =	vand.u32 $0x7F, v3;
	v3 =	vand.u32 $0xFFFFFF00, v57  }
0x735: {  	v2 =	vor.u32 v2, v3;
	_ =	sdelay $0x2  }
0x736: {  	v1 =	vnsel vm0, $0x0, v1  }
0x737: {  	[tilespmem:s3+$0x1AB80] =	vst.add.f32.msk $0xffff, v1  }
0x738: {  	v1 =	vld.idx.msk [tilespmem:v2+s20+$0x0], vm1  }
0x739: {  	v3 =	vld [tilespmem:s3+$0xA0]  }
0x73a: {  	v2 =	vor.u32 $0x80, v2;
	_ =	sdelay $0x2  }
0x73b: {  	v1 =	vnsel vm1, $0x0, v1  }
0x73c: {  	[tilespmem:s3+$0x1AB10] =	vst.add.f32.msk $0xffff, v1;
	v1 =	vadd.s32 $0xFFFEDB00, v3  }
0x73d: {  	v2 =	vld.idx.msk [tilespmem:v2+s20+$0x0], vm1;
	v58 =	vshll.u32 v1, $0x1  }
0x73e: {  	vm0 =	vlt.u32 v1, $0x61A0;
	v1 =	vand.u32 $0x7F, v3;
	v3 =	vand.u32 $0xFFFFFF00, v58  }
0x73f: {  	v1 =	vor.u32 v1, v3;
	_ =	sdelay $0x2  }
0x740: {  	v2 =	vnsel vm1, $0x0, v2  }
0x741: {  	[tilespmem:s3+$0x1AB90] =	vst.add.f32.msk $0xffff, v2  }
0x742: {  	v2 =	vld.idx.msk [tilespmem:v1+s20+$0x0], vm0  }
0x743: {  	v3 =	vld [tilespmem:s3+$0xB0]  }
0x744: {  	v1 =	vor.u32 $0x80, v1;
	_ =	sdelay $0x2  }
0x745: {  	v2 =	vnsel vm0, $0x0, v2  }
0x746: {  	[tilespmem:s3+$0x1AB20] =	vst.add.f32.msk $0xffff, v2;
	v2 =	vadd.s32 $0xFFFEDB00, v3  }
0x747: {  	v1 =	vld.idx.msk [tilespmem:v1+s20+$0x0], vm0;
	v59 =	vshll.u32 v2, $0x1  }
0x748: {  	vm1 =	vlt.u32 v2, $0x61A0;
	v2 =	vand.u32 $0x7F, v3;
	v3 =	vand.u32 $0xFFFFFF00, v59  }
0x749: {  	v2 =	vor.u32 v2, v3;
	_ =	sdelay $0x2  }
0x74a: {  	v1 =	vnsel vm0, $0x0, v1  }
0x74b: {  	[tilespmem:s3+$0x1ABA0] =	vst.add.f32.msk $0xffff, v1  }
0x74c: {  	v1 =	vld.idx.msk [tilespmem:v2+s20+$0x0], vm1  }
0x74d: {  	v3 =	vld [tilespmem:s3+$0xC0]  }
0x74e: {  	v2 =	vor.u32 $0x80, v2;
	_ =	sdelay $0x2  }
0x74f: {  	v1 =	vnsel vm1, $0x0, v1  }
0x750: {  	[tilespmem:s3+$0x1AB30] =	vst.add.f32.msk $0xffff, v1;
	v1 =	vadd.s32 $0xFFFEDB00, v3  }
0x751: {  	v2 =	vld.idx.msk [tilespmem:v2+s20+$0x0], vm1;
	v60 =	vshll.u32 v1, $0x1  }
0x752: {  	vm0 =	vlt.u32 v1, $0x61A0;
	v1 =	vand.u32 $0x7F, v3;
	v3 =	vand.u32 $0xFFFFFF00, v60  }
0x753: {  	v1 =	vor.u32 v1, v3;
	_ =	sdelay $0x2  }
0x754: {  	v2 =	vnsel vm1, $0x0, v2  }
0x755: {  	[tilespmem:s3+$0x1ABB0] =	vst.add.f32.msk $0xffff, v2  }
0x756: {  	v2 =	vld.idx.msk [tilespmem:v1+s20+$0x0], vm0  }
0x757: {  	v3 =	vld [tilespmem:s3+$0xD0]  }
0x758: {  	v1 =	vor.u32 $0x80, v1;
	_ =	sdelay $0x2  }
0x759: {  	v2 =	vnsel vm0, $0x0, v2  }
0x75a: {  	[tilespmem:s3+$0x1AB40] =	vst.add.f32.msk $0xffff, v2;
	v2 =	vadd.s32 $0xFFFEDB00, v3  }
0x75b: {  	v1 =	vld.idx.msk [tilespmem:v1+s20+$0x0], vm0;
	v61 =	vshll.u32 v2, $0x1  }
0x75c: {  	vm1 =	vlt.u32 v2, $0x61A0;
	v2 =	vand.u32 $0x7F, v3;
	v3 =	vand.u32 $0xFFFFFF00, v61  }
0x75d: {  	v2 =	vor.u32 v2, v3;
	_ =	sdelay $0x2  }
0x75e: {  	v1 =	vnsel vm0, $0x0, v1  }
0x75f: {  	[tilespmem:s3+$0x1ABC0] =	vst.add.f32.msk $0xffff, v1  }
0x760: {  	v1 =	vld.idx.msk [tilespmem:v2+s20+$0x0], vm1  }
0x761: {  	v3 =	vld [tilespmem:s3+$0xE0]  }
0x762: {  	v2 =	vor.u32 $0x80, v2;
	_ =	sdelay $0x2  }
0x763: {  	v1 =	vnsel vm1, $0x0, v1  }
0x764: {  	[tilespmem:s3+$0x1AB50] =	vst.add.f32.msk $0xffff, v1;
	v1 =	vadd.s32 $0xFFFEDB00, v3  }
0x765: {  	v2 =	vld.idx.msk [tilespmem:v2+s20+$0x0], vm1;
	v62 =	vshll.u32 v1, $0x1  }
0x766: {  	vm2 =	vlt.u32 v1, $0x61A0;
	v1 =	vand.u32 $0x7F, v3;
	v3 =	vand.u32 $0xFFFFFF00, v62  }
0x767: {  	v1 =	vor.u32 v1, v3;
	_ =	sdelay $0x2  }
0x768: {  	v2 =	vnsel vm1, $0x0, v2  }
0x769: {  	[tilespmem:s3+$0x1ABD0] =	vst.add.f32.msk $0xffff, v2  }
0x76a: {  	v2 =	vld.idx.msk [tilespmem:v1+s20+$0x0], vm2  }
0x76b: {  	v3 =	vld [tilespmem:s3+$0xF0]  }
0x76c: {  	v1 =	vor.u32 $0x80, v1;
	_ =	sdelay $0x2  }
0x76d: {  	v2 =	vnsel vm2, $0x0, v2  }
0x76e: {  	[tilespmem:s3+$0x1AB60] =	vst.add.f32.msk $0xffff, v2;
	v2 =	vadd.s32 $0xFFFEDB00, v3  }
0x76f: {  	v63 =	vld.idx.msk [tilespmem:v1+s20+$0x0], vm2;
	v1 =	vshll.u32 v2, $0x1  }
0x770: {  	vm0 =	vlt.u32 v2, $0x61A0;
	v2 =	vand.u32 $0x7F, v3;
	v1 =	vand.u32 $0xFFFFFF00, v1  }
0x771: {  	v1 =	vor.u32 v2, v1;
	_ =	sdelay $0x2  }
0x772: {  	v2 =	vnsel vm2, $0x0, v63  }
0x773: {  	[tilespmem:s3+$0x1ABE0] =	vst.add.f32.msk $0xffff, v2  }
0x774: {  	v2 =	vld.idx.msk [tilespmem:v1+s20+$0x0], vm0  }
0x775: {  	s9 =	simm.s32 $0x100;
	s8 =	simm.s32 $0x800  }
.LBB2_27:
0x776: {  	p1 =	sne.s32 s8, $0x7C00;
	v3 =	vld [tilespmem:s9+$0x80];
	v1 =	vor.u32 $0x80, v1;
	_ =	sdelay $0x2  }
0x777: {  	v2 =	vnsel vm0, $0x0, v2  }
0x778: {  	[tilespmem:s3+$0x1AB70] =	vst.add.f32.msk $0xffff, v2  }
0x779: {  	v2 =	vadd.s32 $0xFFFEDB00, v3;
	v1 =	vld.idx.msk [tilespmem:v1+s20+$0x0], vm0  }
0x77a: {  	v4 =	vshll.u32 v2, $0x1  }
0x77b: {  	vm1 =	vlt.u32 v2, $0x61A0;
	v2 =	vand.u32 $0x7F, v3;
	v3 =	vand.u32 $0xFFFFFF00, v4  }
0x77c: {  	v2 =	vor.u32 v2, v3;
	_ =	sdelay $0x2  }
0x77d: {  	v1 =	vnsel vm0, $0x0, v1  }
0x77e: {  	[tilespmem:s3+$0x1ABF0] =	vst.add.f32.msk $0xffff, v1;
	s3 =	smov.u32 s9  }
0x77f: {  	v1 =	vld.idx.msk [tilespmem:v2+s20+$0x0], vm1;
	_ =	sdelay $0x2  }
0x780: {  	v2 =	vor.u32 $0x80, v2;
	v3 =	vld [tilespmem:s3+$0x90];
	_ =	sdelay $0x2  }
0x781: {  	v1 =	vnsel vm1, $0x0, v1  }
0x782: {  	[tilespmem:s3+$0x1AB00] =	vst.add.f32.msk $0xffff, v1  }
0x783: {  	v1 =	vld.idx.msk [tilespmem:v2+s20+$0x0], vm1;
	v2 =	vadd.s32 $0xFFFEDB00, v3  }
0x784: {  	v4 =	vshll.u32 v2, $0x1  }
0x785: {  	vm0 =	vlt.u32 v2, $0x61A0;
	v2 =	vand.u32 $0x7F, v3;
	v3 =	vand.u32 $0xFFFFFF00, v4  }
0x786: {  	v2 =	vor.u32 v2, v3;
	_ =	sdelay $0x2  }
0x787: {  	v1 =	vnsel vm1, $0x0, v1  }
0x788: {  	[tilespmem:s3+$0x1AB80] =	vst.add.f32.msk $0xffff, v1  }
0x789: {  	v1 =	vld.idx.msk [tilespmem:v2+s20+$0x0], vm0;
	_ =	sdelay $0x2  }
0x78a: {  	v2 =	vor.u32 $0x80, v2;
	v3 =	vld [tilespmem:s3+$0xA0];
	_ =	sdelay $0x2  }
0x78b: {  	v1 =	vnsel vm0, $0x0, v1  }
0x78c: {  	[tilespmem:s3+$0x1AB10] =	vst.add.f32.msk $0xffff, v1  }
0x78d: {  	v1 =	vld.idx.msk [tilespmem:v2+s20+$0x0], vm0;
	v2 =	vadd.s32 $0xFFFEDB00, v3  }
0x78e: {  	v4 =	vshll.u32 v2, $0x1  }
0x78f: {  	vm1 =	vlt.u32 v2, $0x61A0;
	v2 =	vand.u32 $0x7F, v3;
	v3 =	vand.u32 $0xFFFFFF00, v4  }
0x790: {  	v2 =	vor.u32 v2, v3;
	_ =	sdelay $0x2  }
0x791: {  	v1 =	vnsel vm0, $0x0, v1  }
0x792: {  	[tilespmem:s3+$0x1AB90] =	vst.add.f32.msk $0xffff, v1  }
0x793: {  	v1 =	vld.idx.msk [tilespmem:v2+s20+$0x0], vm1;
	_ =	sdelay $0x2  }
0x794: {  	v2 =	vor.u32 $0x80, v2;
	v3 =	vld [tilespmem:s3+$0xB0];
	_ =	sdelay $0x2  }
0x795: {  	v1 =	vnsel vm1, $0x0, v1  }
0x796: {  	[tilespmem:s3+$0x1AB20] =	vst.add.f32.msk $0xffff, v1  }
0x797: {  	v1 =	vld.idx.msk [tilespmem:v2+s20+$0x0], vm1;
	v2 =	vadd.s32 $0xFFFEDB00, v3  }
0x798: {  	v4 =	vshll.u32 v2, $0x1  }
0x799: {  	vm0 =	vlt.u32 v2, $0x61A0;
	v2 =	vand.u32 $0x7F, v3;
	v3 =	vand.u32 $0xFFFFFF00, v4  }
0x79a: {  	v2 =	vor.u32 v2, v3;
	_ =	sdelay $0x2  }
0x79b: {  	v1 =	vnsel vm1, $0x0, v1  }
0x79c: {  	[tilespmem:s3+$0x1ABA0] =	vst.add.f32.msk $0xffff, v1  }
0x79d: {  	v1 =	vld.idx.msk [tilespmem:v2+s20+$0x0], vm0;
	_ =	sdelay $0x2  }
0x79e: {  	v2 =	vor.u32 $0x80, v2;
	v3 =	vld [tilespmem:s3+$0xC0];
	_ =	sdelay $0x2  }
0x79f: {  	v1 =	vnsel vm0, $0x0, v1  }
0x7a0: {  	[tilespmem:s3+$0x1AB30] =	vst.add.f32.msk $0xffff, v1  }
0x7a1: {  	v1 =	vld.idx.msk [tilespmem:v2+s20+$0x0], vm0;
	v2 =	vadd.s32 $0xFFFEDB00, v3  }
0x7a2: {  	v4 =	vshll.u32 v2, $0x1  }
0x7a3: {  	vm1 =	vlt.u32 v2, $0x61A0;
	v2 =	vand.u32 $0x7F, v3;
	v3 =	vand.u32 $0xFFFFFF00, v4  }
0x7a4: {  	v2 =	vor.u32 v2, v3;
	_ =	sdelay $0x2  }
0x7a5: {  	v1 =	vnsel vm0, $0x0, v1  }
0x7a6: {  	[tilespmem:s3+$0x1ABB0] =	vst.add.f32.msk $0xffff, v1  }
0x7a7: {  	v1 =	vld.idx.msk [tilespmem:v2+s20+$0x0], vm1;
	_ =	sdelay $0x2  }
0x7a8: {  	v2 =	vor.u32 $0x80, v2;
	v3 =	vld [tilespmem:s3+$0xD0];
	_ =	sdelay $0x2  }
0x7a9: {  	v1 =	vnsel vm1, $0x0, v1  }
0x7aa: {  	[tilespmem:s3+$0x1AB40] =	vst.add.f32.msk $0xffff, v1  }
0x7ab: {  	v1 =	vld.idx.msk [tilespmem:v2+s20+$0x0], vm1;
	v2 =	vadd.s32 $0xFFFEDB00, v3  }
0x7ac: {  	v4 =	vshll.u32 v2, $0x1  }
0x7ad: {  	vm0 =	vlt.u32 v2, $0x61A0;
	v2 =	vand.u32 $0x7F, v3;
	v3 =	vand.u32 $0xFFFFFF00, v4  }
0x7ae: {  	v2 =	vor.u32 v2, v3;
	_ =	sdelay $0x2  }
0x7af: {  	v1 =	vnsel vm1, $0x0, v1  }
0x7b0: {  	[tilespmem:s3+$0x1ABC0] =	vst.add.f32.msk $0xffff, v1  }
0x7b1: {  	v1 =	vld.idx.msk [tilespmem:v2+s20+$0x0], vm0;
	_ =	sdelay $0x2  }
0x7b2: {  	v2 =	vor.u32 $0x80, v2;
	v3 =	vld [tilespmem:s3+$0xE0];
	_ =	sdelay $0x2  }
0x7b3: {  	v1 =	vnsel vm0, $0x0, v1  }
0x7b4: {  	[tilespmem:s3+$0x1AB50] =	vst.add.f32.msk $0xffff, v1  }
0x7b5: {  	v1 =	vld.idx.msk [tilespmem:v2+s20+$0x0], vm0;
	v2 =	vadd.s32 $0xFFFEDB00, v3  }
0x7b6: {  	v4 =	vshll.u32 v2, $0x1  }
0x7b7: {  	vm1 =	vlt.u32 v2, $0x61A0;
	v2 =	vand.u32 $0x7F, v3;
	v3 =	vand.u32 $0xFFFFFF00, v4  }
0x7b8: {  	v2 =	vor.u32 v2, v3;
	_ =	sdelay $0x2  }
0x7b9: {  	v1 =	vnsel vm0, $0x0, v1  }
0x7ba: {  	[tilespmem:s3+$0x1ABD0] =	vst.add.f32.msk $0xffff, v1  }
0x7bb: {  	v1 =	vld.idx.msk [tilespmem:v2+s20+$0x0], vm1;
	_ =	sdelay $0x2  }
0x7bc: {  	v2 =	vor.u32 $0x80, v2;
	v3 =	vld [tilespmem:s3+$0xF0];
	_ =	sdelay $0x2  }
0x7bd: {  	v1 =	vnsel vm1, $0x0, v1  }
0x7be: {  	[tilespmem:s3+$0x1AB60] =	vst.add.f32.msk $0xffff, v1  }
0x7bf: {  	v2 =	vld.idx.msk [tilespmem:v2+s20+$0x0], vm1;
	v1 =	vadd.s32 $0xFFFEDB00, v3  }
0x7c0: {  	v4 =	vshll.u32 v1, $0x1  }
0x7c1: {  	vm0 =	vlt.u32 v1, $0x61A0;
	v1 =	vand.u32 $0x7F, v3;
	v3 =	vand.u32 $0xFFFFFF00, v4  }
0x7c2: {  	v1 =	vor.u32 v1, v3;
	_ =	sdelay $0x2  }
.Ltmp12:
0x7c3: {  	v2 =	vnsel vm1, $0x0, v2;
	(pc) =	sbr.rel @p1 .LBB2_27-.Ltmp12, $3  }
0x7c4: {  	[tilespmem:s3+$0x1ABE0] =	vst.add.f32.msk $0xffff, v2  }
0x7c5: {  	v2 =	vld.idx.msk [tilespmem:v1+s20+$0x0], vm0;
	_ =	sdelay $0x1  }
0x7c6: {  	s9 =	sshra.s32 s8, $0x2;
	s8 =	sadd.s32 $0x400, s8  }
0x7c7: {  	v3 =	vld [tilespmem:s9+$0x80]  }
0x7c8: {  	v1 =	vor.u32 $0x80, v1;
	_ =	sdelay $0x2  }
0x7c9: {  	v2 =	vnsel vm0, $0x0, v2  }
0x7ca: {  	[tilespmem:s3+$0x1AB70] =	vst.add.f32.msk $0xffff, v2;
	v2 =	vadd.s32 $0xFFFEDB00, v3  }
0x7cb: {  	v1 =	vld.idx.msk [tilespmem:v1+s20+$0x0], vm0;
	v4 =	vshll.u32 v2, $0x1  }
0x7cc: {  	vm1 =	vlt.u32 v2, $0x61A0;
	v2 =	vand.u32 $0x7F, v3;
	v3 =	vand.u32 $0xFFFFFF00, v4  }
0x7cd: {  	v2 =	vor.u32 v2, v3;
	_ =	sdelay $0x2  }
0x7ce: {  	v1 =	vnsel vm0, $0x0, v1  }
0x7cf: {  	[tilespmem:s3+$0x1ABF0] =	vst.add.f32.msk $0xffff, v1  }
0x7d0: {  	v1 =	vld.idx.msk [tilespmem:v2+s20+$0x0], vm1  }
0x7d1: {  	v3 =	vld [tilespmem:s9+$0x90]  }
0x7d2: {  	v2 =	vor.u32 $0x80, v2;
	_ =	sdelay $0x2  }
0x7d3: {  	v1 =	vnsel vm1, $0x0, v1  }
0x7d4: {  	[tilespmem:s9+$0x1AB00] =	vst.add.f32.msk $0xffff, v1;
	v1 =	vadd.s32 $0xFFFEDB00, v3  }
0x7d5: {  	v2 =	vld.idx.msk [tilespmem:v2+s20+$0x0], vm1;
	v57 =	vshll.u32 v1, $0x1  }
0x7d6: {  	vm9 =	vlt.u32 v1, $0x61A0;
	v1 =	vand.u32 $0x7F, v3;
	v3 =	vand.u32 $0xFFFFFF00, v57  }
0x7d7: {  	v1 =	vor.u32 v1, v3;
	_ =	sdelay $0x2  }
0x7d8: {  	v2 =	vnsel vm1, $0x0, v2  }
0x7d9: {  	[tilespmem:s9+$0x1AB80] =	vst.add.f32.msk $0xffff, v2  }
0x7da: {  	v2 =	vld.idx.msk [tilespmem:v1+s20+$0x0], vm9  }
0x7db: {  	v3 =	vld [tilespmem:s9+$0xA0]  }
0x7dc: {  	v1 =	vor.u32 $0x80, v1;
	_ =	sdelay $0x2  }
0x7dd: {  	v2 =	vnsel vm9, $0x0, v2  }
0x7de: {  	[tilespmem:s9+$0x1AB10] =	vst.add.f32.msk $0xffff, v2;
	v2 =	vadd.s32 $0xFFFEDB00, v3  }
0x7df: {  	v1 =	vld.idx.msk [tilespmem:v1+s20+$0x0], vm9;
	v58 =	vshll.u32 v2, $0x1  }
0x7e0: {  	vm10 =	vlt.u32 v2, $0x61A0;
	v2 =	vand.u32 $0x7F, v3;
	v3 =	vand.u32 $0xFFFFFF00, v58  }
0x7e1: {  	v2 =	vor.u32 v2, v3;
	_ =	sdelay $0x2  }
0x7e2: {  	v1 =	vnsel vm9, $0x0, v1  }
0x7e3: {  	[tilespmem:s9+$0x1AB90] =	vst.add.f32.msk $0xffff, v1  }
0x7e4: {  	v1 =	vld.idx.msk [tilespmem:v2+s20+$0x0], vm10  }
0x7e5: {  	v3 =	vld [tilespmem:s9+$0xB0]  }
0x7e6: {  	v2 =	vor.u32 $0x80, v2;
	_ =	sdelay $0x2  }
0x7e7: {  	v1 =	vnsel vm10, $0x0, v1  }
0x7e8: {  	[tilespmem:s9+$0x1AB20] =	vst.add.f32.msk $0xffff, v1;
	v1 =	vadd.s32 $0xFFFEDB00, v3  }
0x7e9: {  	v2 =	vld.idx.msk [tilespmem:v2+s20+$0x0], vm10;
	v59 =	vshll.u32 v1, $0x1  }
0x7ea: {  	vm11 =	vlt.u32 v1, $0x61A0;
	v1 =	vand.u32 $0x7F, v3;
	v3 =	vand.u32 $0xFFFFFF00, v59  }
0x7eb: {  	v1 =	vor.u32 v1, v3;
	_ =	sdelay $0x2  }
0x7ec: {  	v2 =	vnsel vm10, $0x0, v2  }
0x7ed: {  	[tilespmem:s9+$0x1ABA0] =	vst.add.f32.msk $0xffff, v2  }
0x7ee: {  	v2 =	vld.idx.msk [tilespmem:v1+s20+$0x0], vm11  }
0x7ef: {  	v3 =	vld [tilespmem:s9+$0xC0]  }
0x7f0: {  	v1 =	vor.u32 $0x80, v1;
	_ =	sdelay $0x2  }
0x7f1: {  	v2 =	vnsel vm11, $0x0, v2  }
0x7f2: {  	[tilespmem:s9+$0x1AB30] =	vst.add.f32.msk $0xffff, v2;
	v2 =	vadd.s32 $0xFFFEDB00, v3  }
0x7f3: {  	v1 =	vld.idx.msk [tilespmem:v1+s20+$0x0], vm11;
	v60 =	vshll.u32 v2, $0x1  }
0x7f4: {  	vm12 =	vlt.u32 v2, $0x61A0;
	v2 =	vand.u32 $0x7F, v3;
	v3 =	vand.u32 $0xFFFFFF00, v60  }
0x7f5: {  	v2 =	vor.u32 v2, v3;
	_ =	sdelay $0x2  }
0x7f6: {  	v1 =	vnsel vm11, $0x0, v1  }
0x7f7: {  	[tilespmem:s9+$0x1ABB0] =	vst.add.f32.msk $0xffff, v1  }
0x7f8: {  	v1 =	vld.idx.msk [tilespmem:v2+s20+$0x0], vm12  }
0x7f9: {  	v3 =	vld [tilespmem:s9+$0xD0]  }
0x7fa: {  	v2 =	vor.u32 $0x80, v2;
	_ =	sdelay $0x2  }
0x7fb: {  	v1 =	vnsel vm12, $0x0, v1  }
0x7fc: {  	[tilespmem:s9+$0x1AB40] =	vst.add.f32.msk $0xffff, v1;
	v1 =	vadd.s32 $0xFFFEDB00, v3  }
0x7fd: {  	v2 =	vld.idx.msk [tilespmem:v2+s20+$0x0], vm12;
	v61 =	vshll.u32 v1, $0x1  }
0x7fe: {  	vm13 =	vlt.u32 v1, $0x61A0;
	v1 =	vand.u32 $0x7F, v3;
	v3 =	vand.u32 $0xFFFFFF00, v61  }
0x7ff: {  	v1 =	vor.u32 v1, v3;
	_ =	sdelay $0x2  }
0x800: {  	v2 =	vnsel vm12, $0x0, v2  }
0x801: {  	[tilespmem:s9+$0x1ABC0] =	vst.add.f32.msk $0xffff, v2  }
0x802: {  	v2 =	vld.idx.msk [tilespmem:v1+s20+$0x0], vm13  }
0x803: {  	v3 =	vld [tilespmem:s9+$0xE0]  }
0x804: {  	v1 =	vor.u32 $0x80, v1;
	_ =	sdelay $0x2  }
0x805: {  	v2 =	vnsel vm13, $0x0, v2  }
0x806: {  	[tilespmem:s9+$0x1AB50] =	vst.add.f32.msk $0xffff, v2;
	v2 =	vadd.s32 $0xFFFEDB00, v3  }
0x807: {  	v1 =	vld.idx.msk [tilespmem:v1+s20+$0x0], vm13;
	v62 =	vshll.u32 v2, $0x1  }
0x808: {  	vm14 =	vlt.u32 v2, $0x61A0;
	v2 =	vand.u32 $0x7F, v3;
	v3 =	vand.u32 $0xFFFFFF00, v62  }
0x809: {  	v2 =	vor.u32 v2, v3;
	_ =	sdelay $0x2  }
0x80a: {  	v1 =	vnsel vm13, $0x0, v1  }
0x80b: {  	[tilespmem:s9+$0x1ABD0] =	vst.add.f32.msk $0xffff, v1  }
0x80c: {  	v1 =	vld.idx.msk [tilespmem:v2+s20+$0x0], vm14  }
0x80d: {  	v3 =	vld [tilespmem:s9+$0xF0]  }
0x80e: {  	v2 =	vor.u32 $0x80, v2;
	_ =	sdelay $0x2  }
0x80f: {  	v1 =	vnsel vm14, $0x0, v1  }
0x810: {  	[tilespmem:s9+$0x1AB60] =	vst.add.f32.msk $0xffff, v1;
	v1 =	vadd.s32 $0xFFFEDB00, v3  }
0x811: {  	v2 =	vld.idx.msk [tilespmem:v2+s20+$0x0], vm14;
	v63 =	vshll.u32 v1, $0x1  }
0x812: {  	vm15 =	vlt.u32 v1, $0x61A0;
	v1 =	vand.u32 $0x7F, v3;
	v3 =	vand.u32 $0xFFFFFF00, v63  }
0x813: {  	v1 =	vor.u32 v1, v3;
	_ =	sdelay $0x2  }
0x814: {  	v2 =	vnsel vm14, $0x0, v2  }
0x815: {  	[tilespmem:s9+$0x1ABE0] =	vst.add.f32.msk $0xffff, v2  }
0x816: {  	v2 =	vld.idx.msk [tilespmem:v1+s20+$0x0], vm15;
	_ =	sdelay $0x1  }
0x817: {  	v1 =	vor.u32 $0x80, v1;
	_ =	sdelay $0x2  }
0x818: {  	v2 =	vnsel vm15, $0x0, v2  }
0x819: {  	[tilespmem:s9+$0x1AB70] =	vst.add.f32.msk $0xffff, v2  }
0x81a: {  	v1 =	vld.idx.msk [tilespmem:v1+s20+$0x0], vm15;
	_ =	sdelay $0x3  }
0x81b: {  	s0 =	sadd.s32 @!p0 s12, s0  }
0x81c: {  	s8 =	simm.s32 @!p0 $0x400;
	s29 =	sadd.s32 $0x1, s29;
	s0 =	sshrl.u32 @!p0 s0, $0x3;
	v1 =	vnsel vm15, $0x0, v1  }
0x81d: {  	s0 =	sadd.s32 @!p0 s2, s0;
	s3 =	simm.s32 @!p0 $0x100;
	[tilespmem:s9+$0x1ABF0] =	vst.add.f32.msk $0xffff, v1;
	s9 =	simm.s32 @!p0 $0xE500  }
0x81e: {  	[tilespmem:s9], [sflag:$0x2] =	stream.strided.gather @!p0 [hbm4b:s0+s3], $0xC300, s8, s3, $0x38;
	[tilespmem:$0x1CB00] =	vst v63  }
0x81f: {  	p0 =	sne.s32 s29, $0xD  }
.Ltmp13:
0x820: {  	_ = 	snop;
	(pc) =	sbr.rel @p0 .LBB2_6-.Ltmp13, $1  }
0x821: {  	_ =	sdelay $0x3  }
0x822: {  	s0 =	simm.s32 $0x1AB00  }
0x823: {  	s3 =	simm.s32 $0x80;
	s9 =	sadd.s32 $0x0, s14;
	s8 =	simm.s32 $0x1AC00  }
.LBB2_30:
0x824: {  	[hbm4b:s9+s4] =	stream.linear.scatter [tilespmem:s0], [sflag:$0x5], $0x80, $0x38;
	[tilespmem:$0x1CB00] =	vst v63  }
0x825: {  	s9 =	smov.u32 s3;
	s0 =	smov.u32 s8;
	p0 =	sne.s32 s3, $0xF80  }
.Ltmp14:
0x826: {  	s3 =	sadd.s32 $0x80, s3;
	(pc) =	sbr.rel @p0 .LBB2_30-.Ltmp14, $2  }
0x827: {  	_ =	sdelay $0x2  }
0x828: {  	s8 =	sadd.s32 $0x100, s8;
	s9 =	sadd.s32 s9, s14  }
0x829: {  	[hbm4b:s9+s4] =	stream.linear.scatter [tilespmem:s0], [sflag:$0x5], $0x80, $0x38;
	[tilespmem:$0x1CB00] =	vst v63  }
0x82a: {  	s16 =	simm.s32 $0x5  }
0x82b: {  	_ =	swait.ge [sflag:s16], $0x1000  }
0x82c: {  	s0 =	simm.s32 $0x1AB80;
	s3 =	simm.s32 $0x80;
	[sflag:s16] =	ssyncset.done $0x0  }
0x82d: {  	s9 =	sadd.s32 $0x0, s15;
	s8 =	simm.s32 $0x1AC80;
	[sflag:s16] =	ssyncadd.s32 $0xFFFFF000  }
.LBB2_32:
0x82e: {  	[hbm4b:s9+s4] =	stream.linear.scatter [tilespmem:s0], [sflag:$0x5], $0x80, $0x38;
	[tilespmem:$0x1CB00] =	vst v63  }
0x82f: {  	s9 =	smov.u32 s3;
	s0 =	smov.u32 s8;
	p0 =	sne.s32 s3, $0xF80  }
.Ltmp15:
0x830: {  	s3 =	sadd.s32 $0x80, s3;
	(pc) =	sbr.rel @p0 .LBB2_32-.Ltmp15, $2  }
0x831: {  	_ =	sdelay $0x2  }
0x832: {  	s8 =	sadd.s32 $0x100, s8;
	s9 =	sadd.s32 s9, s15  }
0x833: {  	[hbm4b:s9+s4] =	stream.linear.scatter [tilespmem:s0], [sflag:$0x5], $0x80, $0x38;
	[tilespmem:$0x1CB00] =	vst v63  }
0x834: {  	_ =	swait.ge [sflag:s16], $0x1000  }
0x835: {  	s3 =	rddreg [dreg:$0x8]  }
0x836: {  	s31 =	rddreg [dreg:$0x7];
	s3 =	sadd.s32 $0x1, s3  }
0x837: {  	p0 =	sne.s32 s3, s31  }
.Ltmp16:
0x838: {  	_ = 	snop;
	(pc) =	sbr.rel @p0 .LBB2_1-.Ltmp16, $3  }
0x839: {  	_ =	sdelay $0x1  }
0x83a: {  	[sflag:s16] =	ssyncset.done $0x0  }
0x83b: {  	[sflag:s16] =	ssyncadd.s32 $0xFFFFF000  }
0x83c: {  	_ =	sfence.sel $0x180000  }
0x83d: {  	[bflag:$0x0] =	sbarrier.arrive $0xFFFF  }
0x83e: {  	_ =	strace $0x90000047  }
0x83f: {  	s0 =	stileid.u32;
	[bflag:$0x2] =	sbarrier.arrive $0xFFFF  }
0x840: {  	p0 =	sne.s32 s0, $0x0;
	s0 =	rddreg [dreg:$0x4]  }
0x841: {  	s0 =	sadd.s32 @!p0 $0x100000, s0  }
0x842: {  	[sflag:s0] =	ssyncadd.tile.s32 @!p0 $0x1;
	_ =	shalt  }
.Lfunc_end2:
_tile_overlayer_lowered:
.L_overlay_start_2:
0x843: {  	(tag) =	ssettag $0x2  }
0x844: {  	s0 =	rddreg [dreg:$0x0];
	s2 =	stileid.u32  }
0x845: {  	s1 =	rddreg [dreg:$0x1];
	p0 =	sne.s32 s2, $0x0  }
0x846: {  	s3 =	rddreg [dreg:$0x2];
	[bflag:$0x3] =	sbarrier.arrive $0xFFFF;
	s2 =	simm.s32 @!p0 $0x1C05  }
0x847: {  	[timem:s3], [sflag:s2] =	dma.local @!p0 [hbm:s0], s1  }
0x848: {  	s0 =	simm.s32 @!p0 $0x5  }
0x849: {  	_ =	swait.ge @!p0 [sflag:s0], s1  }
0x84a: {  	s1 =	ssub.s32 @!p0 $0x0, s1;
	[sflag:s0] =	ssyncset.done @!p0 $0x0  }
0x84b: {  	[sflag:s0] =	ssyncadd.s32 @!p0 s1  }
0x84c: {  	[bflag:$0x3] =	sbarrier.arrive $0xFFFF  }
0x84d: {  	_ =	shalt  }

</sc_bundles>
